<compile_context>
chip_gen: v7x
topology: tpu7x:2x2x1
jax: 0.10.2.dev20260603
libtpu: 0.0.44.dev20260713+nightly
codegen_flags: <defaults>
</compile_context>

<pallas_src>
import jax
import jax.numpy as jnp
from jax import lax
from jax.experimental import pallas as pl
from jax.experimental.pallas import tpu as pltpu
from jax.experimental.pallas import tpu_sc as plsc

N_NODES = 10000
D = 128
N_LAYERS = 3
NC, NS = 2, 16
NW = NC * NS
N_PAD = 10240
EK = 128
EPT = 10240
NCHUNK = EPT // EK
E_PAD = NW * EPT
RPT = N_PAD // NS
BLK = 1024
GRID = N_PAD // BLK


def _sc_deg_body(dst_hbm, degp_hbm, idst, ones_v, zeros_v, acc):
    c = lax.axis_index("c")
    s = lax.axis_index("s")
    wid = c * NS + s
    zeros16 = jnp.zeros((16,), jnp.float32)
    ones16 = jnp.ones((16,), jnp.float32)

    def fill_body(i, carry):
        zeros_v[pl.ds(i * 16, 16)] = zeros16
        return carry

    lax.fori_loop(0, RPT // 16, fill_body, 0)

    def ones_body(i, carry):
        ones_v[pl.ds(i * 16, 16)] = ones16
        return carry

    lax.fori_loop(0, EK // 16, ones_body, 0)
    pltpu.sync_copy(zeros_v, acc.at[pl.ds(s * RPT, RPT)])
    plsc.subcore_barrier()

    def chunk_body(j, carry):
        pltpu.sync_copy(dst_hbm.at[wid * NCHUNK + j], idst)
        pltpu.sync_copy(ones_v, acc.at[idst], add=True)
        return carry

    lax.fori_loop(0, NCHUNK, chunk_body, 0)
    plsc.subcore_barrier()
    pltpu.sync_copy(acc.at[pl.ds(s * RPT, RPT)],
                    degp_hbm.at[c, pl.ds(s * RPT, RPT)])


TOT_CHUNKS = E_PAD // EK
NCH0 = TOT_CHUNKS // NS
CPH = 16


def _sc_scatter_body(u_hbm, src_hbm, dst_hbm, s_hbm,
                     isrc, idst, rows0, rows1, acc, gs0, gs1):
    c = lax.axis_index("c")
    s = lax.axis_index("s")
    zeros16 = jnp.zeros((16,), jnp.float32)

    def zero_body(i, carry):
        for l in range(D // 16):
            rows0[i, pl.ds(l * 16, 16)] = zeros16
        return carry

    @pl.when(c == 0)
    def _():
        lax.fori_loop(0, EK, zero_body, 0)
        for z in range(RPT // EK):
            pltpu.sync_copy(rows0, acc.at[pl.ds(s * RPT + z * EK, EK)])
    plsc.subcore_barrier()

    nch = jnp.where(c == 0, NCH0, 0)
    base_chunk = s * NCH0

    def group_body(g, carry):
        gbase = base_chunk + g * CPH
        pltpu.sync_copy(src_hbm.at[pl.ds(gbase, CPH)], isrc)
        pltpu.sync_copy(dst_hbm.at[pl.ds(gbase, CPH)], idst)
        pltpu.async_copy(u_hbm.at[isrc.at[0]], rows0, gs0)

        def pair_body(jj, carry2):
            j0 = 2 * jj
            pltpu.async_copy(u_hbm.at[isrc.at[j0 + 1]], rows1, gs1)
            pltpu.make_async_copy(u_hbm.at[isrc.at[j0]], rows0, gs0).wait()
            pltpu.sync_copy(rows0, acc.at[idst.at[j0]], add=True)

            @pl.when(jj + 1 < CPH // 2)
            def _():
                pltpu.async_copy(u_hbm.at[isrc.at[j0 + 2]], rows0, gs0)

            pltpu.make_async_copy(u_hbm.at[isrc.at[j0 + 1]], rows1, gs1).wait()
            pltpu.sync_copy(rows1, acc.at[idst.at[j0 + 1]], add=True)
            return carry2

        lax.fori_loop(0, CPH // 2, pair_body, 0)
        return carry

    lax.fori_loop(0, nch // CPH, group_body, 0)
    plsc.subcore_barrier()

    @pl.when(c == 0)
    def _():
        pltpu.sync_copy(acc.at[pl.ds(s * RPT, RPT)],
                        s_hbm.at[pl.ds(s * RPT, RPT)])


_sc_calls_cache = []


def _get_sc_calls():
    if _sc_calls_cache:
        return _sc_calls_cache[0]
    mesh = plsc.VectorSubcoreMesh(core_axis_name="c", subcore_axis_name="s",
                                  num_cores=NC, num_subcores=NS)
    deg_call = pl.kernel(
        _sc_deg_body,
        out_type=jax.ShapeDtypeStruct((NC, N_PAD), jnp.float32),
        mesh=mesh,
        scratch_types=[
            pltpu.VMEM((EK,), jnp.int32),
            pltpu.VMEM((EK,), jnp.float32),
            pltpu.VMEM((RPT,), jnp.float32),
            pltpu.VMEM_SHARED((N_PAD,), jnp.float32),
        ],
    )
    scatter_call = pl.kernel(
        _sc_scatter_body,
        out_type=jax.ShapeDtypeStruct((N_PAD, D), jnp.float32),
        mesh=mesh,
        scratch_types=[
            pltpu.VMEM((CPH, EK), jnp.int32),
            pltpu.VMEM((CPH, EK), jnp.int32),
            pltpu.VMEM((EK, D), jnp.float32),
            pltpu.VMEM((EK, D), jnp.float32),
            pltpu.VMEM_SHARED((N_PAD, D), jnp.float32),
            pltpu.SemaphoreType.DMA,
            pltpu.SemaphoreType.DMA,
        ],
    )
    _sc_calls_cache.append((deg_call, scatter_call))
    return _sc_calls_cache[0]



def _dinv_from_degp(degp_blk):
    ones = jnp.ones((NC, D), jnp.float32)
    degb = lax.dot_general(degp_blk, ones, (((0,), (0,)), ((), ())),
                           preferred_element_type=jnp.float32)
    return lax.rsqrt(degb + 1.0)


def _tc_embed_body(x_ref, wa_ref, ba_ref, w1_ref, degp_ref, h0_ref, u1_ref):
    h0 = jnp.dot(x_ref[...], wa_ref[...],
                 preferred_element_type=jnp.float32) + ba_ref[...]
    dinv = _dinv_from_degp(degp_ref[...])
    h0_ref[...] = h0
    u1_ref[...] = dinv * jnp.dot(h0, w1_ref[...],
                                 preferred_element_type=jnp.float32)


def _tc_layer_common(s_ref, u_ref, hin_ref, degp_ref,
                     g_ref, be_ref, mu_ref, var_ref, b_ref):
    dinv = _dinv_from_degp(degp_ref[...])
    pre = dinv * (s_ref[...] + u_ref[...]) + b_ref[...]
    scale = g_ref[...] * lax.rsqrt(var_ref[...] + 1e-5)
    hbn = (pre - mu_ref[...]) * scale + be_ref[...]
    h = jnp.maximum(hbn, 0.0) + hin_ref[...]
    return h, dinv


def _tc_layer_body(s_ref, u_ref, hin_ref, degp_ref, g_ref, be_ref, mu_ref,
                   var_ref, b_ref, wn_ref, hout_ref, unext_ref):
    h, dinv = _tc_layer_common(s_ref, u_ref, hin_ref, degp_ref,
                               g_ref, be_ref, mu_ref, var_ref, b_ref)
    hout_ref[...] = h
    unext_ref[...] = dinv * jnp.dot(h, wn_ref[...],
                                    preferred_element_type=jnp.float32)


def _tc_final_body(s_ref, u_ref, hin_ref, degp_ref, g_ref, be_ref, mu_ref,
                   var_ref, b_ref, wo_ref, bo_ref, out_ref):
    h, _ = _tc_layer_common(s_ref, u_ref, hin_ref, degp_ref,
                            g_ref, be_ref, mu_ref, var_ref, b_ref)
    out_ref[...] = jnp.dot(h, wo_ref[...],
                           preferred_element_type=jnp.float32) + bo_ref[...]


_row_spec = pl.BlockSpec((BLK, D), lambda i: (i, 0))
_mat_spec = pl.BlockSpec((D, D), lambda i: (0, 0))
_vec_spec = pl.BlockSpec((1, D), lambda i: (0, 0))
_degp_spec = pl.BlockSpec((NC, BLK), lambda i: (0, i))

_embed_call = pl.pallas_call(
    _tc_embed_body,
    grid=(GRID,),
    in_specs=[_row_spec, _mat_spec, _vec_spec, _mat_spec, _degp_spec],
    out_specs=[_row_spec, _row_spec],
    out_shape=[jax.ShapeDtypeStruct((N_PAD, D), jnp.float32)] * 2,
)

_layer_call = pl.pallas_call(
    _tc_layer_body,
    grid=(GRID,),
    in_specs=[_row_spec, _row_spec, _row_spec, _degp_spec,
              _vec_spec, _vec_spec, _vec_spec, _vec_spec, _vec_spec,
              _mat_spec],
    out_specs=[_row_spec, _row_spec],
    out_shape=[jax.ShapeDtypeStruct((N_PAD, D), jnp.float32)] * 2,
)

_final_call = pl.pallas_call(
    _tc_final_body,
    grid=(GRID,),
    in_specs=[_row_spec, _row_spec, _row_spec, _degp_spec,
              _vec_spec, _vec_spec, _vec_spec, _vec_spec, _vec_spec,
              _mat_spec, _vec_spec],
    out_specs=_row_spec,
    out_shape=jax.ShapeDtypeStruct((N_PAD, D), jnp.float32),
)


def kernel(x, edge_index, Wa, ba, conv_W, conv_b, bn_gamma, bn_beta,
           bn_mean, bn_var, Wo, bo):
    n = x.shape[0]
    e = edge_index.shape[1]
    fill = jnp.full((E_PAD - e,), n, jnp.int32)
    srcp = jnp.concatenate([edge_index[0], fill]).reshape(TOT_CHUNKS, EK)
    dstp = jnp.concatenate([edge_index[1], fill]).reshape(TOT_CHUNKS, EK)
    xp = jnp.zeros((N_PAD, D), jnp.float32).at[:n].set(x)

    deg_call, scatter_call = _get_sc_calls()
    degp = deg_call(dstp)
    h, u = _embed_call(xp, Wa, ba.reshape(1, D), conv_W[0], degp)
    for i in range(N_LAYERS):
        S = scatter_call(u, srcp, dstp)
        bn = (bn_gamma[i].reshape(1, D), bn_beta[i].reshape(1, D),
              bn_mean[i].reshape(1, D), bn_var[i].reshape(1, D),
              conv_b[i].reshape(1, D))
        if i < N_LAYERS - 1:
            h, u = _layer_call(S, u, h, degp, *bn, conv_W[i + 1])
        else:
            out = _final_call(S, u, h, degp, *bn, Wo, bo.reshape(1, D))
    return out[:n]

# --- scband reference (transcript-rebuilt; emitter-appended) ---
"""Pipeline reference for scband-molecular-gnn-71734543777946 (READ-ONLY COPY).

The authoritative reference and input builder live on the scoring server;
editing this copy changes nothing except your own understanding.
"""

import jax, jax.numpy as jnp
import numpy as np

N_NODES = 10000
N_EDGES = 320000
ATOM_DIM = 128
HIDDEN = 128
NUM_LAYERS = 3


def setup_inputs(seed: int = 0) -> dict:
    key = jax.random.key(seed)
    ks = jax.random.split(key, 8)
    x = jax.random.normal(ks[0], (N_NODES, ATOM_DIM), dtype=jnp.float32)
    edge_index = jax.random.randint(ks[1], (2, N_EDGES), 0, N_NODES, dtype=jnp.int32)
    s = 1.0 / np.sqrt(HIDDEN)
    Wa = jax.random.uniform(ks[2], (ATOM_DIM, HIDDEN), minval=-s, maxval=s, dtype=jnp.float32)
    ba = jax.random.uniform(ks[3], (HIDDEN,), minval=-s, maxval=s, dtype=jnp.float32)
    conv_W = jax.random.uniform(ks[4], (NUM_LAYERS, HIDDEN, HIDDEN), minval=-s, maxval=s, dtype=jnp.float32)
    conv_b = jnp.zeros((NUM_LAYERS, HIDDEN), jnp.float32)
    bn_gamma = jnp.ones((NUM_LAYERS, HIDDEN), jnp.float32)
    bn_beta = jnp.zeros((NUM_LAYERS, HIDDEN), jnp.float32)
    bn_mean = jnp.zeros((NUM_LAYERS, HIDDEN), jnp.float32)
    bn_var = jnp.ones((NUM_LAYERS, HIDDEN), jnp.float32)
    Wo = jax.random.uniform(ks[5], (HIDDEN, HIDDEN), minval=-s, maxval=s, dtype=jnp.float32)
    bo = jax.random.uniform(ks[6], (HIDDEN,), minval=-s, maxval=s, dtype=jnp.float32)
    return {"x": x, "edge_index": edge_index, "Wa": Wa, "ba": ba, "conv_W": conv_W,
            "conv_b": conv_b, "bn_gamma": bn_gamma, "bn_beta": bn_beta,
            "bn_mean": bn_mean, "bn_var": bn_var, "Wo": Wo, "bo": bo}


def _gcn_layer(h, W, b, src, dst, n):
    # PyG GCNConv: out = D^{-1/2} (A + I) D^{-1/2} (h W) + b, self-loops already in src/dst
    hw = h @ W
    ones = jnp.ones((src.shape[0],), h.dtype)
    deg = jax.ops.segment_sum(ones, dst, num_segments=n)
    dinv = jnp.where(deg > 0, deg ** -0.5, 0.0)
    norm = dinv[src] * dinv[dst]
    agg = jax.ops.segment_sum(norm[:, None] * hw[src], dst, num_segments=n)
    return agg + b


def reference(x, edge_index, Wa, ba, conv_W, conv_b, bn_gamma, bn_beta, bn_mean, bn_var, Wo, bo):
    n = x.shape[0]
    loop = jnp.arange(n, dtype=edge_index.dtype)
    src = jnp.concatenate([edge_index[0], loop])
    dst = jnp.concatenate([edge_index[1], loop])
    h = x @ Wa + ba  # atom_embedding
    for i in range(NUM_LAYERS):
        h_in = h
        h = _gcn_layer(h, conv_W[i], conv_b[i], src, dst, n)
        # BatchNorm1d in eval mode (running stats), eps=1e-5
        h = (h - bn_mean[i]) / jnp.sqrt(bn_var[i] + 1e-5) * bn_gamma[i] + bn_beta[i]
        h = jax.nn.relu(h)
        # dropout is identity in eval mode
        h = h + h_in  # residual: shapes always match (hidden->hidden)
    return h @ Wo + bo

if __name__ == "__main__":
    import jax
    _d = setup_inputs()
    print(jax.jit(kernel)(*tuple(_d.values())))

</pallas_src>

<mosaic_0001>
#map = affine_map<(d0, d1) -> (0, 0)>
module attributes {stable_mosaic.version = 14 : i64} {
  func.func @_sc_deg_body(%arg0: i32, %arg1: i32, %arg2: memref<2560x128xi32, #tpu.memory_space<hbm>>, %arg3: memref<2x10240xf32, #tpu.memory_space<hbm>>, %arg4: memref<128xi32, #tpu.memory_space<vmem>>, %arg5: memref<128xf32, #tpu.memory_space<vmem>>, %arg6: memref<640xf32, #tpu.memory_space<vmem>>, %arg7: memref<10240xf32, #tpu.memory_space<vmem_shared>>) attributes {dimension_semantics = [#tpu.dimension_semantics<core_parallel>, #tpu.dimension_semantics<subcore_parallel>], iteration_bounds = array<i64: 2, 16>, scalar_prefetch = 0 : i64, scratch_operands = 4 : i64, tpu.core_type = #tpu.core_type<sc_vector_subcore>, window_params = [{transform_indices = #map}, {transform_indices = #map}]} {
    %mul3A = arith.constant 16 : i32
    %mul3A_0 = arith.muli %arg0, %mul3A : i32
    %add3A = arith.addi %mul3A_0, %arg1 : i32
    %broadcast_in_dim3A = arith.constant 0.000000e+00 : f32
    %broadcast_in_dim3A_1 = vector.broadcast %broadcast_in_dim3A : f32 to vector<16xf32>
    %broadcast_in_dim3A_2 = arith.constant 1.000000e+00 : f32
    %broadcast_in_dim3A_3 = vector.broadcast %broadcast_in_dim3A_2 : f32 to vector<16xf32>
    %scan3A = arith.constant 0 : i32
    %scan3A_4 = arith.constant 0 : i32
    %scan3A_5 = arith.constant 40 : i32
    %scan3A_6 = arith.addi %scan3A_4, %scan3A_5 : i32
    %scan3A_7 = arith.constant 1 : i32
    scf.for %scan3A_28 = %scan3A_4 to %scan3A_6 step %scan3A_7  : i32 {
      %mul3A_29 = arith.constant 16 : i32
      %mul3A_30 = arith.muli %scan3A_28, %mul3A_29 : i32
      %swap3A = arith.index_cast %mul3A_30 : i32 to index
      %swap3A_31 = tpu.vector_load %arg6[%swap3A] {strides = array<i32>} : memref<640xf32, #tpu.memory_space<vmem>>, vector<16xf32>,
      %swap3A_32 = vector.shape_cast %swap3A_31 : vector<16xf32> to vector<16xf32>
      %swap3A_33 = vector.shape_cast %broadcast_in_dim3A_1 : vector<16xf32> to vector<16xf32>
      tpu.vector_store %arg6[%swap3A], %swap3A_33 {strides = array<i32>} : memref<640xf32, #tpu.memory_space<vmem>>, vector<16xf32>,
    }
    %scan3A_8 = arith.constant 40 : i32
    %scan3A_9 = arith.constant 0 : i32
    %scan3A_10 = arith.constant 0 : i32
    %scan3A_11 = arith.constant 8 : i32
    %scan3A_12 = arith.addi %scan3A_10, %scan3A_11 : i32
    %scan3A_13 = arith.constant 1 : i32
    scf.for %scan3A_28 = %scan3A_10 to %scan3A_12 step %scan3A_13  : i32 {
      %mul3A_29 = arith.constant 16 : i32
      %mul3A_30 = arith.muli %scan3A_28, %mul3A_29 : i32
      %swap3A = arith.index_cast %mul3A_30 : i32 to index
      %swap3A_31 = tpu.vector_load %arg5[%swap3A] {strides = array<i32>} : memref<128xf32, #tpu.memory_space<vmem>>, vector<16xf32>,
      %swap3A_32 = vector.shape_cast %swap3A_31 : vector<16xf32> to vector<16xf32>
      %swap3A_33 = vector.shape_cast %broadcast_in_dim3A_3 : vector<16xf32> to vector<16xf32>
      tpu.vector_store %arg5[%swap3A], %swap3A_33 {strides = array<i32>} : memref<128xf32, #tpu.memory_space<vmem>>, vector<16xf32>,
    }
    %scan3A_14 = arith.constant 8 : i32
    %mul3A_15 = arith.constant 640 : i32
    %mul3A_16 = arith.muli %arg1, %mul3A_15 : i32
    "tpu.region"() ({
      %run_scoped3A = tpu.sem_alloc : memref<!tpu.dma_semaphore, #tpu.memory_space<semaphore_mem>>
      %dma_start3A = tpu.memref_slice %arg7[%mul3A_16] : memref<10240xf32, #tpu.memory_space<vmem_shared>> -> memref<640xf32, #tpu.memory_space<vmem_shared>>
      %dma_start3A_28 = tpu.memref_slice %arg7[%mul3A_16] : memref<10240xf32, #tpu.memory_space<vmem_shared>> -> memref<640xf32, #tpu.memory_space<vmem_shared>>
      tpu.enqueue_dma source(%arg6 : memref<640xf32, #tpu.memory_space<vmem>>) target(%dma_start3A_28 : memref<640xf32, #tpu.memory_space<vmem_shared>>) target_semaphore(%run_scoped3A : memref<!tpu.dma_semaphore, #tpu.memory_space<semaphore_mem>>)
      %dma_wait3A = tpu.memref_slice %arg7[%mul3A_16] : memref<10240xf32, #tpu.memory_space<vmem_shared>> -> memref<640xf32, #tpu.memory_space<vmem_shared>>
      %dma_wait3A_29 = tpu.memref_slice %arg7[%mul3A_16] : memref<10240xf32, #tpu.memory_space<vmem_shared>> -> memref<640xf32, #tpu.memory_space<vmem_shared>>
      tpu.wait_dma2 semaphore(%run_scoped3A : memref<!tpu.dma_semaphore, #tpu.memory_space<semaphore_mem>>) src(%arg6 : memref<640xf32, #tpu.memory_space<vmem>>) dst(%dma_wait3A_29 : memref<640xf32, #tpu.memory_space<vmem_shared>>)
      tpu.yield
    }) : () -> ()
    %barrier3A = arith.constant 0 : index
    tpu.barrier barrier_id(%barrier3A)
    %scan3A_17 = arith.constant 0 : i32
    %scan3A_18 = arith.constant 0 : i32
    %scan3A_19 = arith.constant 80 : i32
    %scan3A_20 = arith.addi %scan3A_18, %scan3A_19 : i32
    %scan3A_21 = arith.constant 1 : i32
    scf.for %scan3A_28 = %scan3A_18 to %scan3A_20 step %scan3A_21  : i32 {
      %mul3A_29 = arith.constant 80 : i32
      %mul3A_30 = arith.muli %add3A, %mul3A_29 : i32
      %add3A_31 = arith.addi %mul3A_30, %scan3A_28 : i32
      "tpu.region"() ({
        %run_scoped3A = tpu.sem_alloc : memref<!tpu.dma_semaphore, #tpu.memory_space<semaphore_mem>>
        %dma_start3A = arith.constant 0 : i32
        %dma_start3A_32 = tpu.memref_slice %arg2[%add3A_31, %dma_start3A] : memref<2560x128xi32, #tpu.memory_space<hbm>> -> memref<1x128xi32, #tpu.memory_space<hbm>>
        %dma_start3A_33 = tpu.memref_squeeze %dma_start3A_32 : memref<1x128xi32, #tpu.memory_space<hbm>> -> memref<128xi32, #tpu.memory_space<hbm>>
        %dma_start3A_34 = arith.constant 0 : i32
        %dma_start3A_35 = tpu.memref_slice %arg2[%add3A_31, %dma_start3A_34] : memref<2560x128xi32, #tpu.memory_space<hbm>> -> memref<1x128xi32, #tpu.memory_space<hbm>>
        %dma_start3A_36 = tpu.memref_squeeze %dma_start3A_35 : memref<1x128xi32, #tpu.memory_space<hbm>> -> memref<128xi32, #tpu.memory_space<hbm>>
        tpu.enqueue_dma source(%dma_start3A_36 : memref<128xi32, #tpu.memory_space<hbm>>) target(%arg4 : memref<128xi32, #tpu.memory_space<vmem>>) target_semaphore(%run_scoped3A : memref<!tpu.dma_semaphore, #tpu.memory_space<semaphore_mem>>)
        %dma_wait3A = arith.constant 0 : i32
        %dma_wait3A_37 = tpu.memref_slice %arg2[%add3A_31, %dma_wait3A] : memref<2560x128xi32, #tpu.memory_space<hbm>> -> memref<1x128xi32, #tpu.memory_space<hbm>>
        %dma_wait3A_38 = tpu.memref_squeeze %dma_wait3A_37 : memref<1x128xi32, #tpu.memory_space<hbm>> -> memref<128xi32, #tpu.memory_space<hbm>>
        %dma_wait3A_39 = arith.constant 0 : i32
        %dma_wait3A_40 = tpu.memref_slice %arg2[%add3A_31, %dma_wait3A_39] : memref<2560x128xi32, #tpu.memory_space<hbm>> -> memref<1x128xi32, #tpu.memory_space<hbm>>
        %dma_wait3A_41 = tpu.memref_squeeze %dma_wait3A_40 : memref<1x128xi32, #tpu.memory_space<hbm>> -> memref<128xi32, #tpu.memory_space<hbm>>
        tpu.wait_dma2 semaphore(%run_scoped3A : memref<!tpu.dma_semaphore, #tpu.memory_space<semaphore_mem>>) src(%dma_wait3A_41 : memref<128xi32, #tpu.memory_space<hbm>>) dst(%arg4 : memref<128xi32, #tpu.memory_space<vmem>>)
        tpu.yield
      }) : () -> ()
      "tpu.region"() ({
        %run_scoped3A = tpu.sem_alloc : memref<!tpu.dma_semaphore, #tpu.memory_space<semaphore_mem>>
        %dma_start3A = arith.constant 0 : i32
        %dma_start3A_32 = tpu.memref_slice %arg7[%dma_start3A] : memref<10240xf32, #tpu.memory_space<vmem_shared>> -> memref<10240xf32, #tpu.memory_space<vmem_shared>>
        tpu.enqueue_indirect_dma source(%arg5 : memref<128xf32, #tpu.memory_space<vmem>>) target(%dma_start3A_32 : memref<10240xf32, #tpu.memory_space<vmem_shared>>) offsets(%arg4 : memref<128xi32, #tpu.memory_space<vmem>>) semaphore(%run_scoped3A : memref<!tpu.dma_semaphore, #tpu.memory_space<semaphore_mem>>) {add = true}
        %dma_wait3A = arith.constant 0 : i32
        %dma_wait3A_33 = tpu.memref_slice %arg7[%dma_wait3A] : memref<10240xf32, #tpu.memory_space<vmem_shared>> -> memref<10240xf32, #tpu.memory_space<vmem_shared>>
        tpu.wait_indirect_dma semaphore(%run_scoped3A : memref<!tpu.dma_semaphore, #tpu.memory_space<semaphore_mem>>) src(%arg5 : memref<128xf32, #tpu.memory_space<vmem>>) dst(%dma_wait3A_33 : memref<10240xf32, #tpu.memory_space<vmem_shared>>)
        tpu.yield
      }) : () -> ()
    }
    %scan3A_22 = arith.constant 80 : i32
    %barrier3A_23 = arith.constant 0 : index
    tpu.barrier barrier_id(%barrier3A_23)
    %mul3A_24 = arith.constant 640 : i32
    %mul3A_25 = arith.muli %arg1, %mul3A_24 : i32
    %mul3A_26 = arith.constant 640 : i32
    %mul3A_27 = arith.muli %arg1, %mul3A_26 : i32
    "tpu.region"() ({
      %run_scoped3A = tpu.sem_alloc : memref<!tpu.dma_semaphore, #tpu.memory_space<semaphore_mem>>
      %dma_start3A = tpu.memref_slice %arg3[%arg0, %mul3A_27] : memref<2x10240xf32, #tpu.memory_space<hbm>> -> memref<1x640xf32, #tpu.memory_space<hbm>>
      %dma_start3A_28 = tpu.memref_squeeze %dma_start3A : memref<1x640xf32, #tpu.memory_space<hbm>> -> memref<640xf32, #tpu.memory_space<hbm>>
      %dma_start3A_29 = tpu.memref_slice %arg7[%mul3A_25] : memref<10240xf32, #tpu.memory_space<vmem_shared>> -> memref<640xf32, #tpu.memory_space<vmem_shared>>
      tpu.enqueue_dma source(%dma_start3A_29 : memref<640xf32, #tpu.memory_space<vmem_shared>>) target(%dma_start3A_28 : memref<640xf32, #tpu.memory_space<hbm>>) target_semaphore(%run_scoped3A : memref<!tpu.dma_semaphore, #tpu.memory_space<semaphore_mem>>)
      %dma_wait3A = tpu.memref_slice %arg3[%arg0, %mul3A_27] : memref<2x10240xf32, #tpu.memory_space<hbm>> -> memref<1x640xf32, #tpu.memory_space<hbm>>
      %dma_wait3A_30 = tpu.memref_squeeze %dma_wait3A : memref<1x640xf32, #tpu.memory_space<hbm>> -> memref<640xf32, #tpu.memory_space<hbm>>
      %dma_wait3A_31 = tpu.memref_slice %arg7[%mul3A_25] : memref<10240xf32, #tpu.memory_space<vmem_shared>> -> memref<640xf32, #tpu.memory_space<vmem_shared>>
      tpu.wait_dma2 semaphore(%run_scoped3A : memref<!tpu.dma_semaphore, #tpu.memory_space<semaphore_mem>>) src(%dma_wait3A_31 : memref<640xf32, #tpu.memory_space<vmem_shared>>) dst(%dma_wait3A_30 : memref<640xf32, #tpu.memory_space<hbm>>)
      tpu.yield
    }) : () -> ()
    return
  }
}

#map = affine_map<(d0, d1) -> (0, 0)>
module attributes {stable_mosaic.version = 14 : i64} {
  func.func @_sc_scatter_body(%arg0: i32, %arg1: i32, %arg2: memref<10240x128xf32, #tpu.memory_space<hbm>>, %arg3: memref<2560x128xi32, #tpu.memory_space<hbm>>, %arg4: memref<2560x128xi32, #tpu.memory_space<hbm>>, %arg5: memref<10240x128xf32, #tpu.memory_space<hbm>>, %arg6: memref<16x128xi32, #tpu.memory_space<vmem>>, %arg7: memref<16x128xi32, #tpu.memory_space<vmem>>, %arg8: memref<128x128xf32, #tpu.memory_space<vmem>>, %arg9: memref<128x128xf32, #tpu.memory_space<vmem>>, %arg10: memref<10240x128xf32, #tpu.memory_space<vmem_shared>>, %arg11: memref<!tpu.dma_semaphore, #tpu.memory_space<semaphore_mem>>, %arg12: memref<!tpu.dma_semaphore, #tpu.memory_space<semaphore_mem>>) attributes {dimension_semantics = [#tpu.dimension_semantics<core_parallel>, #tpu.dimension_semantics<subcore_parallel>], iteration_bounds = array<i64: 2, 16>, scalar_prefetch = 0 : i64, scratch_operands = 7 : i64, tpu.core_type = #tpu.core_type<sc_vector_subcore>, window_params = [{transform_indices = #map}, {transform_indices = #map}, {transform_indices = #map}, {transform_indices = #map}]} {
    %broadcast_in_dim3A = arith.constant 0.000000e+00 : f32
    %broadcast_in_dim3A_0 = vector.broadcast %broadcast_in_dim3A : f32 to vector<16xf32>
    %eq3A = arith.constant 0 : i32
    %eq3A_1 = arith.cmpi eq, %arg0, %eq3A : i32
    %convert_element_type3A = arith.extui %eq3A_1 : i1 to i32
    %cond3A = arith.constant 0 : i32
    %cond3A_2 = arith.cmpi ne, %convert_element_type3A, %cond3A : i32
    scf.if %cond3A_2 {
      %scan3A = arith.constant 0 : i32
      %scan3A_40 = arith.constant 0 : i32
      %scan3A_41 = arith.constant 128 : i32
      %scan3A_42 = arith.addi %scan3A_40, %scan3A_41 : i32
      %scan3A_43 = arith.constant 1 : i32
      scf.for %scan3A_64 = %scan3A_40 to %scan3A_42 step %scan3A_43  : i32 {
        %swap3A = arith.index_cast %scan3A_64 : i32 to index
        %swap3A_65 = arith.constant 0 : index
        %swap3A_66 = tpu.vector_load %arg8[%swap3A, %swap3A_65] {strides = array<i32>} : memref<128x128xf32, #tpu.memory_space<vmem>>, vector<1x16xf32>,
        %swap3A_67 = vector.shape_cast %swap3A_66 : vector<1x16xf32> to vector<16xf32>
        %swap3A_68 = vector.shape_cast %broadcast_in_dim3A_0 : vector<16xf32> to vector<1x16xf32>
        tpu.vector_store %arg8[%swap3A, %swap3A_65], %swap3A_68 {strides = array<i32>} : memref<128x128xf32, #tpu.memory_space<vmem>>, vector<1x16xf32>,
        %swap3A_69 = arith.index_cast %scan3A_64 : i32 to index
        %swap3A_70 = arith.constant 16 : index
        %swap3A_71 = tpu.vector_load %arg8[%swap3A_69, %swap3A_70] {strides = array<i32>} : memref<128x128xf32, #tpu.memory_space<vmem>>, vector<1x16xf32>,
        %swap3A_72 = vector.shape_cast %swap3A_71 : vector<1x16xf32> to vector<16xf32>
        %swap3A_73 = vector.shape_cast %broadcast_in_dim3A_0 : vector<16xf32> to vector<1x16xf32>
        tpu.vector_store %arg8[%swap3A_69, %swap3A_70], %swap3A_73 {strides = array<i32>} : memref<128x128xf32, #tpu.memory_space<vmem>>, vector<1x16xf32>,
        %swap3A_74 = arith.index_cast %scan3A_64 : i32 to index
        %swap3A_75 = arith.constant 32 : index
        %swap3A_76 = tpu.vector_load %arg8[%swap3A_74, %swap3A_75] {strides = array<i32>} : memref<128x128xf32, #tpu.memory_space<vmem>>, vector<1x16xf32>,
        %swap3A_77 = vector.shape_cast %swap3A_76 : vector<1x16xf32> to vector<16xf32>
        %swap3A_78 = vector.shape_cast %broadcast_in_dim3A_0 : vector<16xf32> to vector<1x16xf32>
        tpu.vector_store %arg8[%swap3A_74, %swap3A_75], %swap3A_78 {strides = array<i32>} : memref<128x128xf32, #tpu.memory_space<vmem>>, vector<1x16xf32>,
        %swap3A_79 = arith.index_cast %scan3A_64 : i32 to index
        %swap3A_80 = arith.constant 48 : index
        %swap3A_81 = tpu.vector_load %arg8[%swap3A_79, %swap3A_80] {strides = array<i32>} : memref<128x128xf32, #tpu.memory_space<vmem>>, vector<1x16xf32>,
        %swap3A_82 = vector.shape_cast %swap3A_81 : vector<1x16xf32> to vector<16xf32>
        %swap3A_83 = vector.shape_cast %broadcast_in_dim3A_0 : vector<16xf32> to vector<1x16xf32>
        tpu.vector_store %arg8[%swap3A_79, %swap3A_80], %swap3A_83 {strides = array<i32>} : memref<128x128xf32, #tpu.memory_space<vmem>>, vector<1x16xf32>,
        %swap3A_84 = arith.index_cast %scan3A_64 : i32 to index
        %swap3A_85 = arith.constant 64 : index
        %swap3A_86 = tpu.vector_load %arg8[%swap3A_84, %swap3A_85] {strides = array<i32>} : memref<128x128xf32, #tpu.memory_space<vmem>>, vector<1x16xf32>,
        %swap3A_87 = vector.shape_cast %swap3A_86 : vector<1x16xf32> to vector<16xf32>
        %swap3A_88 = vector.shape_cast %broadcast_in_dim3A_0 : vector<16xf32> to vector<1x16xf32>
        tpu.vector_store %arg8[%swap3A_84, %swap3A_85], %swap3A_88 {strides = array<i32>} : memref<128x128xf32, #tpu.memory_space<vmem>>, vector<1x16xf32>,
        %swap3A_89 = arith.index_cast %scan3A_64 : i32 to index
        %swap3A_90 = arith.constant 80 : index
        %swap3A_91 = tpu.vector_load %arg8[%swap3A_89, %swap3A_90] {strides = array<i32>} : memref<128x128xf32, #tpu.memory_space<vmem>>, vector<1x16xf32>,
        %swap3A_92 = vector.shape_cast %swap3A_91 : vector<1x16xf32> to vector<16xf32>
        %swap3A_93 = vector.shape_cast %broadcast_in_dim3A_0 : vector<16xf32> to vector<1x16xf32>
        tpu.vector_store %arg8[%swap3A_89, %swap3A_90], %swap3A_93 {strides = array<i32>} : memref<128x128xf32, #tpu.memory_space<vmem>>, vector<1x16xf32>,
        %swap3A_94 = arith.index_cast %scan3A_64 : i32 to index
        %swap3A_95 = arith.constant 96 : index
        %swap3A_96 = tpu.vector_load %arg8[%swap3A_94, %swap3A_95] {strides = array<i32>} : memref<128x128xf32, #tpu.memory_space<vmem>>, vector<1x16xf32>,
        %swap3A_97 = vector.shape_cast %swap3A_96 : vector<1x16xf32> to vector<16xf32>
        %swap3A_98 = vector.shape_cast %broadcast_in_dim3A_0 : vector<16xf32> to vector<1x16xf32>
        tpu.vector_store %arg8[%swap3A_94, %swap3A_95], %swap3A_98 {strides = array<i32>} : memref<128x128xf32, #tpu.memory_space<vmem>>, vector<1x16xf32>,
        %swap3A_99 = arith.index_cast %scan3A_64 : i32 to index
        %swap3A_100 = arith.constant 112 : index
        %swap3A_101 = tpu.vector_load %arg8[%swap3A_99, %swap3A_100] {strides = array<i32>} : memref<128x128xf32, #tpu.memory_space<vmem>>, vector<1x16xf32>,
        %swap3A_102 = vector.shape_cast %swap3A_101 : vector<1x16xf32> to vector<16xf32>
        %swap3A_103 = vector.shape_cast %broadcast_in_dim3A_0 : vector<16xf32> to vector<1x16xf32>
        tpu.vector_store %arg8[%swap3A_99, %swap3A_100], %swap3A_103 {strides = array<i32>} : memref<128x128xf32, #tpu.memory_space<vmem>>, vector<1x16xf32>,
      }
      %scan3A_44 = arith.constant 128 : i32
      %mul3A_45 = arith.constant 640 : i32
      %mul3A_46 = arith.muli %arg1, %mul3A_45 : i32
      %add3A = arith.constant 0 : i32
      %add3A_47 = arith.addi %mul3A_46, %add3A : i32
      "tpu.region"() ({
        %run_scoped3A = tpu.sem_alloc : memref<!tpu.dma_semaphore, #tpu.memory_space<semaphore_mem>>
        %dma_start3A = arith.constant 0 : i32
        %dma_start3A_64 = tpu.memref_slice %arg10[%add3A_47, %dma_start3A] : memref<10240x128xf32, #tpu.memory_space<vmem_shared>> -> memref<128x128xf32, #tpu.memory_space<vmem_shared>>
        %dma_start3A_65 = arith.constant 0 : i32
        %dma_start3A_66 = tpu.memref_slice %arg10[%add3A_47, %dma_start3A_65] : memref<10240x128xf32, #tpu.memory_space<vmem_shared>> -> memref<128x128xf32, #tpu.memory_space<vmem_shared>>
        tpu.enqueue_dma source(%arg8 : memref<128x128xf32, #tpu.memory_space<vmem>>) target(%dma_start3A_66 : memref<128x128xf32, #tpu.memory_space<vmem_shared>>) target_semaphore(%run_scoped3A : memref<!tpu.dma_semaphore, #tpu.memory_space<semaphore_mem>>)
        %dma_wait3A = arith.constant 0 : i32
        %dma_wait3A_67 = tpu.memref_slice %arg10[%add3A_47, %dma_wait3A] : memref<10240x128xf32, #tpu.memory_space<vmem_shared>> -> memref<128x128xf32, #tpu.memory_space<vmem_shared>>
        %dma_wait3A_68 = arith.constant 0 : i32
        %dma_wait3A_69 = tpu.memref_slice %arg10[%add3A_47, %dma_wait3A_68] : memref<10240x128xf32, #tpu.memory_space<vmem_shared>> -> memref<128x128xf32, #tpu.memory_space<vmem_shared>>
        tpu.wait_dma2 semaphore(%run_scoped3A : memref<!tpu.dma_semaphore, #tpu.memory_space<semaphore_mem>>) src(%arg8 : memref<128x128xf32, #tpu.memory_space<vmem>>) dst(%dma_wait3A_69 : memref<128x128xf32, #tpu.memory_space<vmem_shared>>)
        tpu.yield
      }) : () -> ()
      %mul3A_48 = arith.constant 640 : i32
      %mul3A_49 = arith.muli %arg1, %mul3A_48 : i32
      %add3A_50 = arith.constant 128 : i32
      %add3A_51 = arith.addi %mul3A_49, %add3A_50 : i32
      "tpu.region"() ({
        %run_scoped3A = tpu.sem_alloc : memref<!tpu.dma_semaphore, #tpu.memory_space<semaphore_mem>>
        %dma_start3A = arith.constant 0 : i32
        %dma_start3A_64 = tpu.memref_slice %arg10[%add3A_51, %dma_start3A] : memref<10240x128xf32, #tpu.memory_space<vmem_shared>> -> memref<128x128xf32, #tpu.memory_space<vmem_shared>>
        %dma_start3A_65 = arith.constant 0 : i32
        %dma_start3A_66 = tpu.memref_slice %arg10[%add3A_51, %dma_start3A_65] : memref<10240x128xf32, #tpu.memory_space<vmem_shared>> -> memref<128x128xf32, #tpu.memory_space<vmem_shared>>
        tpu.enqueue_dma source(%arg8 : memref<128x128xf32, #tpu.memory_space<vmem>>) target(%dma_start3A_66 : memref<128x128xf32, #tpu.memory_space<vmem_shared>>) target_semaphore(%run_scoped3A : memref<!tpu.dma_semaphore, #tpu.memory_space<semaphore_mem>>)
        %dma_wait3A = arith.constant 0 : i32
        %dma_wait3A_67 = tpu.memref_slice %arg10[%add3A_51, %dma_wait3A] : memref<10240x128xf32, #tpu.memory_space<vmem_shared>> -> memref<128x128xf32, #tpu.memory_space<vmem_shared>>
        %dma_wait3A_68 = arith.constant 0 : i32
        %dma_wait3A_69 = tpu.memref_slice %arg10[%add3A_51, %dma_wait3A_68] : memref<10240x128xf32, #tpu.memory_space<vmem_shared>> -> memref<128x128xf32, #tpu.memory_space<vmem_shared>>
        tpu.wait_dma2 semaphore(%run_scoped3A : memref<!tpu.dma_semaphore, #tpu.memory_space<semaphore_mem>>) src(%arg8 : memref<128x128xf32, #tpu.memory_space<vmem>>) dst(%dma_wait3A_69 : memref<128x128xf32, #tpu.memory_space<vmem_shared>>)
        tpu.yield
      }) : () -> ()
      %mul3A_52 = arith.constant 640 : i32
      %mul3A_53 = arith.muli %arg1, %mul3A_52 : i32
      %add3A_54 = arith.constant 256 : i32
      %add3A_55 = arith.addi %mul3A_53, %add3A_54 : i32
      "tpu.region"() ({
        %run_scoped3A = tpu.sem_alloc : memref<!tpu.dma_semaphore, #tpu.memory_space<semaphore_mem>>
        %dma_start3A = arith.constant 0 : i32
        %dma_start3A_64 = tpu.memref_slice %arg10[%add3A_55, %dma_start3A] : memref<10240x128xf32, #tpu.memory_space<vmem_shared>> -> memref<128x128xf32, #tpu.memory_space<vmem_shared>>
        %dma_start3A_65 = arith.constant 0 : i32
        %dma_start3A_66 = tpu.memref_slice %arg10[%add3A_55, %dma_start3A_65] : memref<10240x128xf32, #tpu.memory_space<vmem_shared>> -> memref<128x128xf32, #tpu.memory_space<vmem_shared>>
        tpu.enqueue_dma source(%arg8 : memref<128x128xf32, #tpu.memory_space<vmem>>) target(%dma_start3A_66 : memref<128x128xf32, #tpu.memory_space<vmem_shared>>) target_semaphore(%run_scoped3A : memref<!tpu.dma_semaphore, #tpu.memory_space<semaphore_mem>>)
        %dma_wait3A = arith.constant 0 : i32
        %dma_wait3A_67 = tpu.memref_slice %arg10[%add3A_55, %dma_wait3A] : memref<10240x128xf32, #tpu.memory_space<vmem_shared>> -> memref<128x128xf32, #tpu.memory_space<vmem_shared>>
        %dma_wait3A_68 = arith.constant 0 : i32
        %dma_wait3A_69 = tpu.memref_slice %arg10[%add3A_55, %dma_wait3A_68] : memref<10240x128xf32, #tpu.memory_space<vmem_shared>> -> memref<128x128xf32, #tpu.memory_space<vmem_shared>>
        tpu.wait_dma2 semaphore(%run_scoped3A : memref<!tpu.dma_semaphore, #tpu.memory_space<semaphore_mem>>) src(%arg8 : memref<128x128xf32, #tpu.memory_space<vmem>>) dst(%dma_wait3A_69 : memref<128x128xf32, #tpu.memory_space<vmem_shared>>)
        tpu.yield
      }) : () -> ()
      %mul3A_56 = arith.constant 640 : i32
      %mul3A_57 = arith.muli %arg1, %mul3A_56 : i32
      %add3A_58 = arith.constant 384 : i32
      %add3A_59 = arith.addi %mul3A_57, %add3A_58 : i32
      "tpu.region"() ({
        %run_scoped3A = tpu.sem_alloc : memref<!tpu.dma_semaphore, #tpu.memory_space<semaphore_mem>>
        %dma_start3A = arith.constant 0 : i32
        %dma_start3A_64 = tpu.memref_slice %arg10[%add3A_59, %dma_start3A] : memref<10240x128xf32, #tpu.memory_space<vmem_shared>> -> memref<128x128xf32, #tpu.memory_space<vmem_shared>>
        %dma_start3A_65 = arith.constant 0 : i32
        %dma_start3A_66 = tpu.memref_slice %arg10[%add3A_59, %dma_start3A_65] : memref<10240x128xf32, #tpu.memory_space<vmem_shared>> -> memref<128x128xf32, #tpu.memory_space<vmem_shared>>
        tpu.enqueue_dma source(%arg8 : memref<128x128xf32, #tpu.memory_space<vmem>>) target(%dma_start3A_66 : memref<128x128xf32, #tpu.memory_space<vmem_shared>>) target_semaphore(%run_scoped3A : memref<!tpu.dma_semaphore, #tpu.memory_space<semaphore_mem>>)
        %dma_wait3A = arith.constant 0 : i32
        %dma_wait3A_67 = tpu.memref_slice %arg10[%add3A_59, %dma_wait3A] : memref<10240x128xf32, #tpu.memory_space<vmem_shared>> -> memref<128x128xf32, #tpu.memory_space<vmem_shared>>
        %dma_wait3A_68 = arith.constant 0 : i32
        %dma_wait3A_69 = tpu.memref_slice %arg10[%add3A_59, %dma_wait3A_68] : memref<10240x128xf32, #tpu.memory_space<vmem_shared>> -> memref<128x128xf32, #tpu.memory_space<vmem_shared>>
        tpu.wait_dma2 semaphore(%run_scoped3A : memref<!tpu.dma_semaphore, #tpu.memory_space<semaphore_mem>>) src(%arg8 : memref<128x128xf32, #tpu.memory_space<vmem>>) dst(%dma_wait3A_69 : memref<128x128xf32, #tpu.memory_space<vmem_shared>>)
        tpu.yield
      }) : () -> ()
      %mul3A_60 = arith.constant 640 : i32
      %mul3A_61 = arith.muli %arg1, %mul3A_60 : i32
      %add3A_62 = arith.constant 512 : i32
      %add3A_63 = arith.addi %mul3A_61, %add3A_62 : i32
      "tpu.region"() ({
        %run_scoped3A = tpu.sem_alloc : memref<!tpu.dma_semaphore, #tpu.memory_space<semaphore_mem>>
        %dma_start3A = arith.constant 0 : i32
        %dma_start3A_64 = tpu.memref_slice %arg10[%add3A_63, %dma_start3A] : memref<10240x128xf32, #tpu.memory_space<vmem_shared>> -> memref<128x128xf32, #tpu.memory_space<vmem_shared>>
        %dma_start3A_65 = arith.constant 0 : i32
        %dma_start3A_66 = tpu.memref_slice %arg10[%add3A_63, %dma_start3A_65] : memref<10240x128xf32, #tpu.memory_space<vmem_shared>> -> memref<128x128xf32, #tpu.memory_space<vmem_shared>>
        tpu.enqueue_dma source(%arg8 : memref<128x128xf32, #tpu.memory_space<vmem>>) target(%dma_start3A_66 : memref<128x128xf32, #tpu.memory_space<vmem_shared>>) target_semaphore(%run_scoped3A : memref<!tpu.dma_semaphore, #tpu.memory_space<semaphore_mem>>)
        %dma_wait3A = arith.constant 0 : i32
        %dma_wait3A_67 = tpu.memref_slice %arg10[%add3A_63, %dma_wait3A] : memref<10240x128xf32, #tpu.memory_space<vmem_shared>> -> memref<128x128xf32, #tpu.memory_space<vmem_shared>>
        %dma_wait3A_68 = arith.constant 0 : i32
        %dma_wait3A_69 = tpu.memref_slice %arg10[%add3A_63, %dma_wait3A_68] : memref<10240x128xf32, #tpu.memory_space<vmem_shared>> -> memref<128x128xf32, #tpu.memory_space<vmem_shared>>
        tpu.wait_dma2 semaphore(%run_scoped3A : memref<!tpu.dma_semaphore, #tpu.memory_space<semaphore_mem>>) src(%arg8 : memref<128x128xf32, #tpu.memory_space<vmem>>) dst(%dma_wait3A_69 : memref<128x128xf32, #tpu.memory_space<vmem_shared>>)
        tpu.yield
      }) : () -> ()
    } else {
    }
    %barrier3A = arith.constant 0 : index
    tpu.barrier barrier_id(%barrier3A)
    %eq3A_3 = arith.constant 0 : i32
    %eq3A_4 = arith.cmpi eq, %arg0, %eq3A_3 : i32
    %jit3A = arith.constant 160 : i32
    %jit3A_5 = arith.constant 0 : i32
    %select_n3A = arith.select %eq3A_4, %jit3A, %jit3A_5 : i32
    %mul3A = arith.constant 160 : i32
    %mul3A_6 = arith.muli %arg1, %mul3A : i32
    %jit3A_7 = arith.constant 16 : i32
    %div3A = arith.divsi %select_n3A, %jit3A_7 : i32
    %sign3A = arith.constant 0 : i32
    %sign3A_8 = arith.cmpi sgt, %select_n3A, %sign3A : i32
    %sign3A_9 = arith.extui %sign3A_8 : i1 to i32
    %sign3A_10 = arith.constant 0 : i32
    %sign3A_11 = arith.cmpi slt, %select_n3A, %sign3A_10 : i32
    %sign3A_12 = arith.extui %sign3A_11 : i1 to i32
    %sign3A_13 = arith.subi %sign3A_9, %sign3A_12 : i32
    %sign3A_14 = arith.constant 0 : i32
    %sign3A_15 = arith.cmpi sgt, %jit3A_7, %sign3A_14 : i32
    %sign3A_16 = arith.extui %sign3A_15 : i1 to i32
    %sign3A_17 = arith.constant 0 : i32
    %sign3A_18 = arith.cmpi slt, %jit3A_7, %sign3A_17 : i32
    %sign3A_19 = arith.extui %sign3A_18 : i1 to i32
    %sign3A_20 = arith.subi %sign3A_16, %sign3A_19 : i32
    %ne3A = arith.cmpi ne, %sign3A_13, %sign3A_20 : i32
    %rem3A = arith.remsi %select_n3A, %jit3A_7 : i32
    %ne3A_21 = arith.constant 0 : i32
    %ne3A_22 = arith.cmpi ne, %rem3A, %ne3A_21 : i32
    %and3A = arith.andi %ne3A, %ne3A_22 : i1
    %sub3A = arith.constant 1 : i32
    %sub3A_23 = arith.subi %div3A, %sub3A : i32
    %select_n3A_24 = arith.select %and3A, %sub3A_23, %div3A : i32
    %while3A = arith.constant 0 : i32
    %while3A_25 = arith.constant 0 : i32
    %while3A_26 = arith.subi %select_n3A_24, %while3A_25 : i32
    %while3A_27 = arith.addi %while3A_25, %while3A_26 : i32
    %while3A_28 = arith.constant 1 : i32
    %while3A_29 = arith.divsi %while3A_26, %while3A_28 : i32
    %while3A_30 = arith.muli %while3A_29, %while3A_28 : i32
    %while3A_31 = arith.addi %while3A_25, %while3A_30 : i32
    %while3A_32 = arith.constant 1 : i32
    scf.for %while3A_40 = %while3A_25 to %while3A_31 step %while3A_32  : i32 {
      %mul3A_41 = arith.constant 16 : i32
      %mul3A_42 = arith.muli %while3A_40, %mul3A_41 : i32
      %add3A = arith.addi %mul3A_6, %mul3A_42 : i32
      "tpu.region"() ({
        %run_scoped3A = tpu.sem_alloc : memref<!tpu.dma_semaphore, #tpu.memory_space<semaphore_mem>>
        %dma_start3A_54 = arith.constant 0 : i32
        %dma_start3A_55 = tpu.memref_slice %arg3[%add3A, %dma_start3A_54] : memref<2560x128xi32, #tpu.memory_space<hbm>> -> memref<16x128xi32, #tpu.memory_space<hbm>>
        %dma_start3A_56 = arith.constant 0 : i32
        %dma_start3A_57 = tpu.memref_slice %arg3[%add3A, %dma_start3A_56] : memref<2560x128xi32, #tpu.memory_space<hbm>> -> memref<16x128xi32, #tpu.memory_space<hbm>>
        tpu.enqueue_dma source(%dma_start3A_57 : memref<16x128xi32, #tpu.memory_space<hbm>>) target(%arg6 : memref<16x128xi32, #tpu.memory_space<vmem>>) target_semaphore(%run_scoped3A : memref<!tpu.dma_semaphore, #tpu.memory_space<semaphore_mem>>)
        %dma_wait3A = arith.constant 0 : i32
        %dma_wait3A_58 = tpu.memref_slice %arg3[%add3A, %dma_wait3A] : memref<2560x128xi32, #tpu.memory_space<hbm>> -> memref<16x128xi32, #tpu.memory_space<hbm>>
        %dma_wait3A_59 = arith.constant 0 : i32
        %dma_wait3A_60 = tpu.memref_slice %arg3[%add3A, %dma_wait3A_59] : memref<2560x128xi32, #tpu.memory_space<hbm>> -> memref<16x128xi32, #tpu.memory_space<hbm>>
        tpu.wait_dma2 semaphore(%run_scoped3A : memref<!tpu.dma_semaphore, #tpu.memory_space<semaphore_mem>>) src(%dma_wait3A_60 : memref<16x128xi32, #tpu.memory_space<hbm>>) dst(%arg6 : memref<16x128xi32, #tpu.memory_space<vmem>>)
        tpu.yield
      }) : () -> ()
      "tpu.region"() ({
        %run_scoped3A = tpu.sem_alloc : memref<!tpu.dma_semaphore, #tpu.memory_space<semaphore_mem>>
        %dma_start3A_54 = arith.constant 0 : i32
        %dma_start3A_55 = tpu.memref_slice %arg4[%add3A, %dma_start3A_54] : memref<2560x128xi32, #tpu.memory_space<hbm>> -> memref<16x128xi32, #tpu.memory_space<hbm>>
        %dma_start3A_56 = arith.constant 0 : i32
        %dma_start3A_57 = tpu.memref_slice %arg4[%add3A, %dma_start3A_56] : memref<2560x128xi32, #tpu.memory_space<hbm>> -> memref<16x128xi32, #tpu.memory_space<hbm>>
        tpu.enqueue_dma source(%dma_start3A_57 : memref<16x128xi32, #tpu.memory_space<hbm>>) target(%arg7 : memref<16x128xi32, #tpu.memory_space<vmem>>) target_semaphore(%run_scoped3A : memref<!tpu.dma_semaphore, #tpu.memory_space<semaphore_mem>>)
        %dma_wait3A = arith.constant 0 : i32
        %dma_wait3A_58 = tpu.memref_slice %arg4[%add3A, %dma_wait3A] : memref<2560x128xi32, #tpu.memory_space<hbm>> -> memref<16x128xi32, #tpu.memory_space<hbm>>
        %dma_wait3A_59 = arith.constant 0 : i32
        %dma_wait3A_60 = tpu.memref_slice %arg4[%add3A, %dma_wait3A_59] : memref<2560x128xi32, #tpu.memory_space<hbm>> -> memref<16x128xi32, #tpu.memory_space<hbm>>
        tpu.wait_dma2 semaphore(%run_scoped3A : memref<!tpu.dma_semaphore, #tpu.memory_space<semaphore_mem>>) src(%dma_wait3A_60 : memref<16x128xi32, #tpu.memory_space<hbm>>) dst(%arg7 : memref<16x128xi32, #tpu.memory_space<vmem>>)
        tpu.yield
      }) : () -> ()
      %dma_start3A = arith.constant 0 : i32
      %dma_start3A_43 = arith.constant 0 : i32
      %dma_start3A_44 = tpu.memref_slice %arg6[%dma_start3A, %dma_start3A_43] : memref<16x128xi32, #tpu.memory_space<vmem>> -> memref<1x128xi32, #tpu.memory_space<vmem>>
      %dma_start3A_45 = tpu.memref_squeeze %dma_start3A_44 : memref<1x128xi32, #tpu.memory_space<vmem>> -> memref<128xi32, #tpu.memory_space<vmem>>
      %dma_start3A_46 = arith.constant 0 : i32
      %dma_start3A_47 = arith.constant 0 : i32
      %dma_start3A_48 = tpu.memref_slice %arg2[%dma_start3A_46, %dma_start3A_47] : memref<10240x128xf32, #tpu.memory_space<hbm>> -> memref<10240x128xf32, #tpu.memory_space<hbm>>
      tpu.enqueue_indirect_dma source(%dma_start3A_48 : memref<10240x128xf32, #tpu.memory_space<hbm>>) target(%arg8 : memref<128x128xf32, #tpu.memory_space<vmem>>) offsets(%dma_start3A_45 : memref<128xi32, #tpu.memory_space<vmem>>) semaphore(%arg11 : memref<!tpu.dma_semaphore, #tpu.memory_space<semaphore_mem>>)
      %scan3A = arith.constant 0 : i32
      %scan3A_49 = arith.constant 0 : i32
      %scan3A_50 = arith.constant 8 : i32
      %scan3A_51 = arith.addi %scan3A_49, %scan3A_50 : i32
      %scan3A_52 = arith.constant 1 : i32
      scf.for %scan3A_54 = %scan3A_49 to %scan3A_51 step %scan3A_52  : i32 {
        %mul3A_55 = arith.constant 2 : i32
        %mul3A_56 = arith.muli %mul3A_55, %scan3A_54 : i32
        %add3A_57 = arith.constant 1 : i32
        %add3A_58 = arith.addi %mul3A_56, %add3A_57 : i32
        %dma_start3A_59 = arith.constant 0 : i32
        %dma_start3A_60 = tpu.memref_slice %arg6[%add3A_58, %dma_start3A_59] : memref<16x128xi32, #tpu.memory_space<vmem>> -> memref<1x128xi32, #tpu.memory_space<vmem>>
        %dma_start3A_61 = tpu.memref_squeeze %dma_start3A_60 : memref<1x128xi32, #tpu.memory_space<vmem>> -> memref<128xi32, #tpu.memory_space<vmem>>
        %dma_start3A_62 = arith.constant 0 : i32
        %dma_start3A_63 = arith.constant 0 : i32
        %dma_start3A_64 = tpu.memref_slice %arg2[%dma_start3A_62, %dma_start3A_63] : memref<10240x128xf32, #tpu.memory_space<hbm>> -> memref<10240x128xf32, #tpu.memory_space<hbm>>
        tpu.enqueue_indirect_dma source(%dma_start3A_64 : memref<10240x128xf32, #tpu.memory_space<hbm>>) target(%arg9 : memref<128x128xf32, #tpu.memory_space<vmem>>) offsets(%dma_start3A_61 : memref<128xi32, #tpu.memory_space<vmem>>) semaphore(%arg12 : memref<!tpu.dma_semaphore, #tpu.memory_space<semaphore_mem>>)
        %dma_wait3A = arith.constant 0 : i32
        %dma_wait3A_65 = tpu.memref_slice %arg6[%mul3A_56, %dma_wait3A] : memref<16x128xi32, #tpu.memory_space<vmem>> -> memref<1x128xi32, #tpu.memory_space<vmem>>
        %dma_wait3A_66 = tpu.memref_squeeze %dma_wait3A_65 : memref<1x128xi32, #tpu.memory_space<vmem>> -> memref<128xi32, #tpu.memory_space<vmem>>
        %dma_wait3A_67 = arith.constant 0 : i32
        %dma_wait3A_68 = arith.constant 0 : i32
        %dma_wait3A_69 = tpu.memref_slice %arg2[%dma_wait3A_67, %dma_wait3A_68] : memref<10240x128xf32, #tpu.memory_space<hbm>> -> memref<10240x128xf32, #tpu.memory_space<hbm>>
        tpu.wait_indirect_dma semaphore(%arg11 : memref<!tpu.dma_semaphore, #tpu.memory_space<semaphore_mem>>) src(%dma_wait3A_69 : memref<10240x128xf32, #tpu.memory_space<hbm>>) dst(%arg8 : memref<128x128xf32, #tpu.memory_space<vmem>>)
        "tpu.region"() ({
          %run_scoped3A = tpu.sem_alloc : memref<!tpu.dma_semaphore, #tpu.memory_space<semaphore_mem>>
          %dma_start3A_86 = arith.constant 0 : i32
          %dma_start3A_87 = tpu.memref_slice %arg7[%mul3A_56, %dma_start3A_86] : memref<16x128xi32, #tpu.memory_space<vmem>> -> memref<1x128xi32, #tpu.memory_space<vmem>>
          %dma_start3A_88 = tpu.memref_squeeze %dma_start3A_87 : memref<1x128xi32, #tpu.memory_space<vmem>> -> memref<128xi32, #tpu.memory_space<vmem>>
          %dma_start3A_89 = arith.constant 0 : i32
          %dma_start3A_90 = arith.constant 0 : i32
          %dma_start3A_91 = tpu.memref_slice %arg10[%dma_start3A_89, %dma_start3A_90] : memref<10240x128xf32, #tpu.memory_space<vmem_shared>> -> memref<10240x128xf32, #tpu.memory_space<vmem_shared>>
          tpu.enqueue_indirect_dma source(%arg8 : memref<128x128xf32, #tpu.memory_space<vmem>>) target(%dma_start3A_91 : memref<10240x128xf32, #tpu.memory_space<vmem_shared>>) offsets(%dma_start3A_88 : memref<128xi32, #tpu.memory_space<vmem>>) semaphore(%run_scoped3A : memref<!tpu.dma_semaphore, #tpu.memory_space<semaphore_mem>>) {add = true}
          %dma_wait3A_92 = arith.constant 0 : i32
          %dma_wait3A_93 = tpu.memref_slice %arg7[%mul3A_56, %dma_wait3A_92] : memref<16x128xi32, #tpu.memory_space<vmem>> -> memref<1x128xi32, #tpu.memory_space<vmem>>
          %dma_wait3A_94 = tpu.memref_squeeze %dma_wait3A_93 : memref<1x128xi32, #tpu.memory_space<vmem>> -> memref<128xi32, #tpu.memory_space<vmem>>
          %dma_wait3A_95 = arith.constant 0 : i32
          %dma_wait3A_96 = arith.constant 0 : i32
          %dma_wait3A_97 = tpu.memref_slice %arg10[%dma_wait3A_95, %dma_wait3A_96] : memref<10240x128xf32, #tpu.memory_space<vmem_shared>> -> memref<10240x128xf32, #tpu.memory_space<vmem_shared>>
          tpu.wait_indirect_dma semaphore(%run_scoped3A : memref<!tpu.dma_semaphore, #tpu.memory_space<semaphore_mem>>) src(%arg8 : memref<128x128xf32, #tpu.memory_space<vmem>>) dst(%dma_wait3A_97 : memref<10240x128xf32, #tpu.memory_space<vmem_shared>>)
          tpu.yield
        }) : () -> ()
        %add3A_70 = arith.constant 1 : i32
        %add3A_71 = arith.addi %scan3A_54, %add3A_70 : i32
        %lt3A = arith.constant 8 : i32
        %lt3A_72 = arith.cmpi slt, %add3A_71, %lt3A : i32
        %convert_element_type3A_73 = arith.extui %lt3A_72 : i1 to i32
        %cond3A_74 = arith.constant 0 : i32
        %cond3A_75 = arith.cmpi ne, %convert_element_type3A_73, %cond3A_74 : i32
        scf.if %cond3A_75 {
          %add3A_86 = arith.constant 2 : i32
          %add3A_87 = arith.addi %mul3A_56, %add3A_86 : i32
          %dma_start3A_88 = arith.constant 0 : i32
          %dma_start3A_89 = tpu.memref_slice %arg6[%add3A_87, %dma_start3A_88] : memref<16x128xi32, #tpu.memory_space<vmem>> -> memref<1x128xi32, #tpu.memory_space<vmem>>
          %dma_start3A_90 = tpu.memref_squeeze %dma_start3A_89 : memref<1x128xi32, #tpu.memory_space<vmem>> -> memref<128xi32, #tpu.memory_space<vmem>>
          %dma_start3A_91 = arith.constant 0 : i32
          %dma_start3A_92 = arith.constant 0 : i32
          %dma_start3A_93 = tpu.memref_slice %arg2[%dma_start3A_91, %dma_start3A_92] : memref<10240x128xf32, #tpu.memory_space<hbm>> -> memref<10240x128xf32, #tpu.memory_space<hbm>>
          tpu.enqueue_indirect_dma source(%dma_start3A_93 : memref<10240x128xf32, #tpu.memory_space<hbm>>) target(%arg8 : memref<128x128xf32, #tpu.memory_space<vmem>>) offsets(%dma_start3A_90 : memref<128xi32, #tpu.memory_space<vmem>>) semaphore(%arg11 : memref<!tpu.dma_semaphore, #tpu.memory_space<semaphore_mem>>)
        } else {
        }
        %add3A_76 = arith.constant 1 : i32
        %add3A_77 = arith.addi %mul3A_56, %add3A_76 : i32
        %dma_wait3A_78 = arith.constant 0 : i32
        %dma_wait3A_79 = tpu.memref_slice %arg6[%add3A_77, %dma_wait3A_78] : memref<16x128xi32, #tpu.memory_space<vmem>> -> memref<1x128xi32, #tpu.memory_space<vmem>>
        %dma_wait3A_80 = tpu.memref_squeeze %dma_wait3A_79 : memref<1x128xi32, #tpu.memory_space<vmem>> -> memref<128xi32, #tpu.memory_space<vmem>>
        %dma_wait3A_81 = arith.constant 0 : i32
        %dma_wait3A_82 = arith.constant 0 : i32
        %dma_wait3A_83 = tpu.memref_slice %arg2[%dma_wait3A_81, %dma_wait3A_82] : memref<10240x128xf32, #tpu.memory_space<hbm>> -> memref<10240x128xf32, #tpu.memory_space<hbm>>
        tpu.wait_indirect_dma semaphore(%arg12 : memref<!tpu.dma_semaphore, #tpu.memory_space<semaphore_mem>>) src(%dma_wait3A_83 : memref<10240x128xf32, #tpu.memory_space<hbm>>) dst(%arg9 : memref<128x128xf32, #tpu.memory_space<vmem>>)
        %add3A_84 = arith.constant 1 : i32
        %add3A_85 = arith.addi %mul3A_56, %add3A_84 : i32
        "tpu.region"() ({
          %run_scoped3A = tpu.sem_alloc : memref<!tpu.dma_semaphore, #tpu.memory_space<semaphore_mem>>
          %dma_start3A_86 = arith.constant 0 : i32
          %dma_start3A_87 = tpu.memref_slice %arg7[%add3A_85, %dma_start3A_86] : memref<16x128xi32, #tpu.memory_space<vmem>> -> memref<1x128xi32, #tpu.memory_space<vmem>>
          %dma_start3A_88 = tpu.memref_squeeze %dma_start3A_87 : memref<1x128xi32, #tpu.memory_space<vmem>> -> memref<128xi32, #tpu.memory_space<vmem>>
          %dma_start3A_89 = arith.constant 0 : i32
          %dma_start3A_90 = arith.constant 0 : i32
          %dma_start3A_91 = tpu.memref_slice %arg10[%dma_start3A_89, %dma_start3A_90] : memref<10240x128xf32, #tpu.memory_space<vmem_shared>> -> memref<10240x128xf32, #tpu.memory_space<vmem_shared>>
          tpu.enqueue_indirect_dma source(%arg9 : memref<128x128xf32, #tpu.memory_space<vmem>>) target(%dma_start3A_91 : memref<10240x128xf32, #tpu.memory_space<vmem_shared>>) offsets(%dma_start3A_88 : memref<128xi32, #tpu.memory_space<vmem>>) semaphore(%run_scoped3A : memref<!tpu.dma_semaphore, #tpu.memory_space<semaphore_mem>>) {add = true}
          %dma_wait3A_92 = arith.constant 0 : i32
          %dma_wait3A_93 = tpu.memref_slice %arg7[%add3A_85, %dma_wait3A_92] : memref<16x128xi32, #tpu.memory_space<vmem>> -> memref<1x128xi32, #tpu.memory_space<vmem>>
          %dma_wait3A_94 = tpu.memref_squeeze %dma_wait3A_93 : memref<1x128xi32, #tpu.memory_space<vmem>> -> memref<128xi32, #tpu.memory_space<vmem>>
          %dma_wait3A_95 = arith.constant 0 : i32
          %dma_wait3A_96 = arith.constant 0 : i32
          %dma_wait3A_97 = tpu.memref_slice %arg10[%dma_wait3A_95, %dma_wait3A_96] : memref<10240x128xf32, #tpu.memory_space<vmem_shared>> -> memref<10240x128xf32, #tpu.memory_space<vmem_shared>>
          tpu.wait_indirect_dma semaphore(%run_scoped3A : memref<!tpu.dma_semaphore, #tpu.memory_space<semaphore_mem>>) src(%arg9 : memref<128x128xf32, #tpu.memory_space<vmem>>) dst(%dma_wait3A_97 : memref<10240x128xf32, #tpu.memory_space<vmem_shared>>)
          tpu.yield
        }) : () -> ()
      }
      %scan3A_53 = arith.constant 8 : i32
    }
    %while3A_33 = arith.constant 1 : i32
    scf.for %while3A_40 = %while3A_31 to %while3A_27 step %while3A_33  : i32 {
      %mul3A_41 = arith.constant 16 : i32
      %mul3A_42 = arith.muli %while3A_40, %mul3A_41 : i32
      %add3A = arith.addi %mul3A_6, %mul3A_42 : i32
      "tpu.region"() ({
        %run_scoped3A = tpu.sem_alloc : memref<!tpu.dma_semaphore, #tpu.memory_space<semaphore_mem>>
        %dma_start3A_54 = arith.constant 0 : i32
        %dma_start3A_55 = tpu.memref_slice %arg3[%add3A, %dma_start3A_54] : memref<2560x128xi32, #tpu.memory_space<hbm>> -> memref<16x128xi32, #tpu.memory_space<hbm>>
        %dma_start3A_56 = arith.constant 0 : i32
        %dma_start3A_57 = tpu.memref_slice %arg3[%add3A, %dma_start3A_56] : memref<2560x128xi32, #tpu.memory_space<hbm>> -> memref<16x128xi32, #tpu.memory_space<hbm>>
        tpu.enqueue_dma source(%dma_start3A_57 : memref<16x128xi32, #tpu.memory_space<hbm>>) target(%arg6 : memref<16x128xi32, #tpu.memory_space<vmem>>) target_semaphore(%run_scoped3A : memref<!tpu.dma_semaphore, #tpu.memory_space<semaphore_mem>>)
        %dma_wait3A = arith.constant 0 : i32
        %dma_wait3A_58 = tpu.memref_slice %arg3[%add3A, %dma_wait3A] : memref<2560x128xi32, #tpu.memory_space<hbm>> -> memref<16x128xi32, #tpu.memory_space<hbm>>
        %dma_wait3A_59 = arith.constant 0 : i32
        %dma_wait3A_60 = tpu.memref_slice %arg3[%add3A, %dma_wait3A_59] : memref<2560x128xi32, #tpu.memory_space<hbm>> -> memref<16x128xi32, #tpu.memory_space<hbm>>
        tpu.wait_dma2 semaphore(%run_scoped3A : memref<!tpu.dma_semaphore, #tpu.memory_space<semaphore_mem>>) src(%dma_wait3A_60 : memref<16x128xi32, #tpu.memory_space<hbm>>) dst(%arg6 : memref<16x128xi32, #tpu.memory_space<vmem>>)
        tpu.yield
      }) : () -> ()
      "tpu.region"() ({
        %run_scoped3A = tpu.sem_alloc : memref<!tpu.dma_semaphore, #tpu.memory_space<semaphore_mem>>
        %dma_start3A_54 = arith.constant 0 : i32
        %dma_start3A_55 = tpu.memref_slice %arg4[%add3A, %dma_start3A_54] : memref<2560x128xi32, #tpu.memory_space<hbm>> -> memref<16x128xi32, #tpu.memory_space<hbm>>
        %dma_start3A_56 = arith.constant 0 : i32
        %dma_start3A_57 = tpu.memref_slice %arg4[%add3A, %dma_start3A_56] : memref<2560x128xi32, #tpu.memory_space<hbm>> -> memref<16x128xi32, #tpu.memory_space<hbm>>
        tpu.enqueue_dma source(%dma_start3A_57 : memref<16x128xi32, #tpu.memory_space<hbm>>) target(%arg7 : memref<16x128xi32, #tpu.memory_space<vmem>>) target_semaphore(%run_scoped3A : memref<!tpu.dma_semaphore, #tpu.memory_space<semaphore_mem>>)
        %dma_wait3A = arith.constant 0 : i32
        %dma_wait3A_58 = tpu.memref_slice %arg4[%add3A, %dma_wait3A] : memref<2560x128xi32, #tpu.memory_space<hbm>> -> memref<16x128xi32, #tpu.memory_space<hbm>>
        %dma_wait3A_59 = arith.constant 0 : i32
        %dma_wait3A_60 = tpu.memref_slice %arg4[%add3A, %dma_wait3A_59] : memref<2560x128xi32, #tpu.memory_space<hbm>> -> memref<16x128xi32, #tpu.memory_space<hbm>>
        tpu.wait_dma2 semaphore(%run_scoped3A : memref<!tpu.dma_semaphore, #tpu.memory_space<semaphore_mem>>) src(%dma_wait3A_60 : memref<16x128xi32, #tpu.memory_space<hbm>>) dst(%arg7 : memref<16x128xi32, #tpu.memory_space<vmem>>)
        tpu.yield
      }) : () -> ()
      %dma_start3A = arith.constant 0 : i32
      %dma_start3A_43 = arith.constant 0 : i32
      %dma_start3A_44 = tpu.memref_slice %arg6[%dma_start3A, %dma_start3A_43] : memref<16x128xi32, #tpu.memory_space<vmem>> -> memref<1x128xi32, #tpu.memory_space<vmem>>
      %dma_start3A_45 = tpu.memref_squeeze %dma_start3A_44 : memref<1x128xi32, #tpu.memory_space<vmem>> -> memref<128xi32, #tpu.memory_space<vmem>>
      %dma_start3A_46 = arith.constant 0 : i32
      %dma_start3A_47 = arith.constant 0 : i32
      %dma_start3A_48 = tpu.memref_slice %arg2[%dma_start3A_46, %dma_start3A_47] : memref<10240x128xf32, #tpu.memory_space<hbm>> -> memref<10240x128xf32, #tpu.memory_space<hbm>>
      tpu.enqueue_indirect_dma source(%dma_start3A_48 : memref<10240x128xf32, #tpu.memory_space<hbm>>) target(%arg8 : memref<128x128xf32, #tpu.memory_space<vmem>>) offsets(%dma_start3A_45 : memref<128xi32, #tpu.memory_space<vmem>>) semaphore(%arg11 : memref<!tpu.dma_semaphore, #tpu.memory_space<semaphore_mem>>)
      %scan3A = arith.constant 0 : i32
      %scan3A_49 = arith.constant 0 : i32
      %scan3A_50 = arith.constant 8 : i32
      %scan3A_51 = arith.addi %scan3A_49, %scan3A_50 : i32
      %scan3A_52 = arith.constant 1 : i32
      scf.for %scan3A_54 = %scan3A_49 to %scan3A_51 step %scan3A_52  : i32 {
        %mul3A_55 = arith.constant 2 : i32
        %mul3A_56 = arith.muli %mul3A_55, %scan3A_54 : i32
        %add3A_57 = arith.constant 1 : i32
        %add3A_58 = arith.addi %mul3A_56, %add3A_57 : i32
        %dma_start3A_59 = arith.constant 0 : i32
        %dma_start3A_60 = tpu.memref_slice %arg6[%add3A_58, %dma_start3A_59] : memref<16x128xi32, #tpu.memory_space<vmem>> -> memref<1x128xi32, #tpu.memory_space<vmem>>
        %dma_start3A_61 = tpu.memref_squeeze %dma_start3A_60 : memref<1x128xi32, #tpu.memory_space<vmem>> -> memref<128xi32, #tpu.memory_space<vmem>>
        %dma_start3A_62 = arith.constant 0 : i32
        %dma_start3A_63 = arith.constant 0 : i32
        %dma_start3A_64 = tpu.memref_slice %arg2[%dma_start3A_62, %dma_start3A_63] : memref<10240x128xf32, #tpu.memory_space<hbm>> -> memref<10240x128xf32, #tpu.memory_space<hbm>>
        tpu.enqueue_indirect_dma source(%dma_start3A_64 : memref<10240x128xf32, #tpu.memory_space<hbm>>) target(%arg9 : memref<128x128xf32, #tpu.memory_space<vmem>>) offsets(%dma_start3A_61 : memref<128xi32, #tpu.memory_space<vmem>>) semaphore(%arg12 : memref<!tpu.dma_semaphore, #tpu.memory_space<semaphore_mem>>)
        %dma_wait3A = arith.constant 0 : i32
        %dma_wait3A_65 = tpu.memref_slice %arg6[%mul3A_56, %dma_wait3A] : memref<16x128xi32, #tpu.memory_space<vmem>> -> memref<1x128xi32, #tpu.memory_space<vmem>>
        %dma_wait3A_66 = tpu.memref_squeeze %dma_wait3A_65 : memref<1x128xi32, #tpu.memory_space<vmem>> -> memref<128xi32, #tpu.memory_space<vmem>>
        %dma_wait3A_67 = arith.constant 0 : i32
        %dma_wait3A_68 = arith.constant 0 : i32
        %dma_wait3A_69 = tpu.memref_slice %arg2[%dma_wait3A_67, %dma_wait3A_68] : memref<10240x128xf32, #tpu.memory_space<hbm>> -> memref<10240x128xf32, #tpu.memory_space<hbm>>
        tpu.wait_indirect_dma semaphore(%arg11 : memref<!tpu.dma_semaphore, #tpu.memory_space<semaphore_mem>>) src(%dma_wait3A_69 : memref<10240x128xf32, #tpu.memory_space<hbm>>) dst(%arg8 : memref<128x128xf32, #tpu.memory_space<vmem>>)
        "tpu.region"() ({
          %run_scoped3A = tpu.sem_alloc : memref<!tpu.dma_semaphore, #tpu.memory_space<semaphore_mem>>
          %dma_start3A_86 = arith.constant 0 : i32
          %dma_start3A_87 = tpu.memref_slice %arg7[%mul3A_56, %dma_start3A_86] : memref<16x128xi32, #tpu.memory_space<vmem>> -> memref<1x128xi32, #tpu.memory_space<vmem>>
          %dma_start3A_88 = tpu.memref_squeeze %dma_start3A_87 : memref<1x128xi32, #tpu.memory_space<vmem>> -> memref<128xi32, #tpu.memory_space<vmem>>
          %dma_start3A_89 = arith.constant 0 : i32
          %dma_start3A_90 = arith.constant 0 : i32
          %dma_start3A_91 = tpu.memref_slice %arg10[%dma_start3A_89, %dma_start3A_90] : memref<10240x128xf32, #tpu.memory_space<vmem_shared>> -> memref<10240x128xf32, #tpu.memory_space<vmem_shared>>
          tpu.enqueue_indirect_dma source(%arg8 : memref<128x128xf32, #tpu.memory_space<vmem>>) target(%dma_start3A_91 : memref<10240x128xf32, #tpu.memory_space<vmem_shared>>) offsets(%dma_start3A_88 : memref<128xi32, #tpu.memory_space<vmem>>) semaphore(%run_scoped3A : memref<!tpu.dma_semaphore, #tpu.memory_space<semaphore_mem>>) {add = true}
          %dma_wait3A_92 = arith.constant 0 : i32
          %dma_wait3A_93 = tpu.memref_slice %arg7[%mul3A_56, %dma_wait3A_92] : memref<16x128xi32, #tpu.memory_space<vmem>> -> memref<1x128xi32, #tpu.memory_space<vmem>>
          %dma_wait3A_94 = tpu.memref_squeeze %dma_wait3A_93 : memref<1x128xi32, #tpu.memory_space<vmem>> -> memref<128xi32, #tpu.memory_space<vmem>>
          %dma_wait3A_95 = arith.constant 0 : i32
          %dma_wait3A_96 = arith.constant 0 : i32
          %dma_wait3A_97 = tpu.memref_slice %arg10[%dma_wait3A_95, %dma_wait3A_96] : memref<10240x128xf32, #tpu.memory_space<vmem_shared>> -> memref<10240x128xf32, #tpu.memory_space<vmem_shared>>
          tpu.wait_indirect_dma semaphore(%run_scoped3A : memref<!tpu.dma_semaphore, #tpu.memory_space<semaphore_mem>>) src(%arg8 : memref<128x128xf32, #tpu.memory_space<vmem>>) dst(%dma_wait3A_97 : memref<10240x128xf32, #tpu.memory_space<vmem_shared>>)
          tpu.yield
        }) : () -> ()
        %add3A_70 = arith.constant 1 : i32
        %add3A_71 = arith.addi %scan3A_54, %add3A_70 : i32
        %lt3A = arith.constant 8 : i32
        %lt3A_72 = arith.cmpi slt, %add3A_71, %lt3A : i32
        %convert_element_type3A_73 = arith.extui %lt3A_72 : i1 to i32
        %cond3A_74 = arith.constant 0 : i32
        %cond3A_75 = arith.cmpi ne, %convert_element_type3A_73, %cond3A_74 : i32
        scf.if %cond3A_75 {
          %add3A_86 = arith.constant 2 : i32
          %add3A_87 = arith.addi %mul3A_56, %add3A_86 : i32
          %dma_start3A_88 = arith.constant 0 : i32
          %dma_start3A_89 = tpu.memref_slice %arg6[%add3A_87, %dma_start3A_88] : memref<16x128xi32, #tpu.memory_space<vmem>> -> memref<1x128xi32, #tpu.memory_space<vmem>>
          %dma_start3A_90 = tpu.memref_squeeze %dma_start3A_89 : memref<1x128xi32, #tpu.memory_space<vmem>> -> memref<128xi32, #tpu.memory_space<vmem>>
          %dma_start3A_91 = arith.constant 0 : i32
          %dma_start3A_92 = arith.constant 0 : i32
          %dma_start3A_93 = tpu.memref_slice %arg2[%dma_start3A_91, %dma_start3A_92] : memref<10240x128xf32, #tpu.memory_space<hbm>> -> memref<10240x128xf32, #tpu.memory_space<hbm>>
          tpu.enqueue_indirect_dma source(%dma_start3A_93 : memref<10240x128xf32, #tpu.memory_space<hbm>>) target(%arg8 : memref<128x128xf32, #tpu.memory_space<vmem>>) offsets(%dma_start3A_90 : memref<128xi32, #tpu.memory_space<vmem>>) semaphore(%arg11 : memref<!tpu.dma_semaphore, #tpu.memory_space<semaphore_mem>>)
        } else {
        }
        %add3A_76 = arith.constant 1 : i32
        %add3A_77 = arith.addi %mul3A_56, %add3A_76 : i32
        %dma_wait3A_78 = arith.constant 0 : i32
        %dma_wait3A_79 = tpu.memref_slice %arg6[%add3A_77, %dma_wait3A_78] : memref<16x128xi32, #tpu.memory_space<vmem>> -> memref<1x128xi32, #tpu.memory_space<vmem>>
        %dma_wait3A_80 = tpu.memref_squeeze %dma_wait3A_79 : memref<1x128xi32, #tpu.memory_space<vmem>> -> memref<128xi32, #tpu.memory_space<vmem>>
        %dma_wait3A_81 = arith.constant 0 : i32
        %dma_wait3A_82 = arith.constant 0 : i32
        %dma_wait3A_83 = tpu.memref_slice %arg2[%dma_wait3A_81, %dma_wait3A_82] : memref<10240x128xf32, #tpu.memory_space<hbm>> -> memref<10240x128xf32, #tpu.memory_space<hbm>>
        tpu.wait_indirect_dma semaphore(%arg12 : memref<!tpu.dma_semaphore, #tpu.memory_space<semaphore_mem>>) src(%dma_wait3A_83 : memref<10240x128xf32, #tpu.memory_space<hbm>>) dst(%arg9 : memref<128x128xf32, #tpu.memory_space<vmem>>)
        %add3A_84 = arith.constant 1 : i32
        %add3A_85 = arith.addi %mul3A_56, %add3A_84 : i32
        "tpu.region"() ({
          %run_scoped3A = tpu.sem_alloc : memref<!tpu.dma_semaphore, #tpu.memory_space<semaphore_mem>>
          %dma_start3A_86 = arith.constant 0 : i32
          %dma_start3A_87 = tpu.memref_slice %arg7[%add3A_85, %dma_start3A_86] : memref<16x128xi32, #tpu.memory_space<vmem>> -> memref<1x128xi32, #tpu.memory_space<vmem>>
          %dma_start3A_88 = tpu.memref_squeeze %dma_start3A_87 : memref<1x128xi32, #tpu.memory_space<vmem>> -> memref<128xi32, #tpu.memory_space<vmem>>
          %dma_start3A_89 = arith.constant 0 : i32
          %dma_start3A_90 = arith.constant 0 : i32
          %dma_start3A_91 = tpu.memref_slice %arg10[%dma_start3A_89, %dma_start3A_90] : memref<10240x128xf32, #tpu.memory_space<vmem_shared>> -> memref<10240x128xf32, #tpu.memory_space<vmem_shared>>
          tpu.enqueue_indirect_dma source(%arg9 : memref<128x128xf32, #tpu.memory_space<vmem>>) target(%dma_start3A_91 : memref<10240x128xf32, #tpu.memory_space<vmem_shared>>) offsets(%dma_start3A_88 : memref<128xi32, #tpu.memory_space<vmem>>) semaphore(%run_scoped3A : memref<!tpu.dma_semaphore, #tpu.memory_space<semaphore_mem>>) {add = true}
          %dma_wait3A_92 = arith.constant 0 : i32
          %dma_wait3A_93 = tpu.memref_slice %arg7[%add3A_85, %dma_wait3A_92] : memref<16x128xi32, #tpu.memory_space<vmem>> -> memref<1x128xi32, #tpu.memory_space<vmem>>
          %dma_wait3A_94 = tpu.memref_squeeze %dma_wait3A_93 : memref<1x128xi32, #tpu.memory_space<vmem>> -> memref<128xi32, #tpu.memory_space<vmem>>
          %dma_wait3A_95 = arith.constant 0 : i32
          %dma_wait3A_96 = arith.constant 0 : i32
          %dma_wait3A_97 = tpu.memref_slice %arg10[%dma_wait3A_95, %dma_wait3A_96] : memref<10240x128xf32, #tpu.memory_space<vmem_shared>> -> memref<10240x128xf32, #tpu.memory_space<vmem_shared>>
          tpu.wait_indirect_dma semaphore(%run_scoped3A : memref<!tpu.dma_semaphore, #tpu.memory_space<semaphore_mem>>) src(%arg9 : memref<128x128xf32, #tpu.memory_space<vmem>>) dst(%dma_wait3A_97 : memref<10240x128xf32, #tpu.memory_space<vmem_shared>>)
          tpu.yield
        }) : () -> ()
      }
      %scan3A_53 = arith.constant 8 : i32
    }
    %barrier3A_34 = arith.constant 0 : index
    tpu.barrier barrier_id(%barrier3A_34)
    %eq3A_35 = arith.constant 0 : i32
    %eq3A_36 = arith.cmpi eq, %arg0, %eq3A_35 : i32
    %convert_element_type3A_37 = arith.extui %eq3A_36 : i1 to i32
    %cond3A_38 = arith.constant 0 : i32
    %cond3A_39 = arith.cmpi ne, %convert_element_type3A_37, %cond3A_38 : i32
    scf.if %cond3A_39 {
      %mul3A_40 = arith.constant 640 : i32
      %mul3A_41 = arith.muli %arg1, %mul3A_40 : i32
      %mul3A_42 = arith.constant 640 : i32
      %mul3A_43 = arith.muli %arg1, %mul3A_42 : i32
      "tpu.region"() ({
        %run_scoped3A = tpu.sem_alloc : memref<!tpu.dma_semaphore, #tpu.memory_space<semaphore_mem>>
        %dma_start3A = arith.constant 0 : i32
        %dma_start3A_44 = tpu.memref_slice %arg5[%mul3A_43, %dma_start3A] : memref<10240x128xf32, #tpu.memory_space<hbm>> -> memref<640x128xf32, #tpu.memory_space<hbm>>
        %dma_start3A_45 = arith.constant 0 : i32
        %dma_start3A_46 = tpu.memref_slice %arg10[%mul3A_41, %dma_start3A_45] : memref<10240x128xf32, #tpu.memory_space<vmem_shared>> -> memref<640x128xf32, #tpu.memory_space<vmem_shared>>
        tpu.enqueue_dma source(%dma_start3A_46 : memref<640x128xf32, #tpu.memory_space<vmem_shared>>) target(%dma_start3A_44 : memref<640x128xf32, #tpu.memory_space<hbm>>) target_semaphore(%run_scoped3A : memref<!tpu.dma_semaphore, #tpu.memory_space<semaphore_mem>>)
        %dma_wait3A = arith.constant 0 : i32
        %dma_wait3A_47 = tpu.memref_slice %arg5[%mul3A_43, %dma_wait3A] : memref<10240x128xf32, #tpu.memory_space<hbm>> -> memref<640x128xf32, #tpu.memory_space<hbm>>
        %dma_wait3A_48 = arith.constant 0 : i32
        %dma_wait3A_49 = tpu.memref_slice %arg10[%mul3A_41, %dma_wait3A_48] : memref<10240x128xf32, #tpu.memory_space<vmem_shared>> -> memref<640x128xf32, #tpu.memory_space<vmem_shared>>
        tpu.wait_dma2 semaphore(%run_scoped3A : memref<!tpu.dma_semaphore, #tpu.memory_space<semaphore_mem>>) src(%dma_wait3A_49 : memref<640x128xf32, #tpu.memory_space<vmem_shared>>) dst(%dma_wait3A_47 : memref<640x128xf32, #tpu.memory_space<hbm>>)
        tpu.yield
      }) : () -> ()
    } else {
    }
    return
  }
}

#map = affine_map<(d0, d1) -> (0, 0)>
module attributes {stable_mosaic.version = 14 : i64} {
  func.func @_sc_scatter_body(%arg0: i32, %arg1: i32, %arg2: memref<10240x128xf32, #tpu.memory_space<hbm>>, %arg3: memref<2560x128xi32, #tpu.memory_space<hbm>>, %arg4: memref<2560x128xi32, #tpu.memory_space<hbm>>, %arg5: memref<10240x128xf32, #tpu.memory_space<hbm>>, %arg6: memref<16x128xi32, #tpu.memory_space<vmem>>, %arg7: memref<16x128xi32, #tpu.memory_space<vmem>>, %arg8: memref<128x128xf32, #tpu.memory_space<vmem>>, %arg9: memref<128x128xf32, #tpu.memory_space<vmem>>, %arg10: memref<10240x128xf32, #tpu.memory_space<vmem_shared>>, %arg11: memref<!tpu.dma_semaphore, #tpu.memory_space<semaphore_mem>>, %arg12: memref<!tpu.dma_semaphore, #tpu.memory_space<semaphore_mem>>) attributes {dimension_semantics = [#tpu.dimension_semantics<core_parallel>, #tpu.dimension_semantics<subcore_parallel>], iteration_bounds = array<i64: 2, 16>, scalar_prefetch = 0 : i64, scratch_operands = 7 : i64, tpu.core_type = #tpu.core_type<sc_vector_subcore>, window_params = [{transform_indices = #map}, {transform_indices = #map}, {transform_indices = #map}, {transform_indices = #map}]} {
    %broadcast_in_dim3A = arith.constant 0.000000e+00 : f32
    %broadcast_in_dim3A_0 = vector.broadcast %broadcast_in_dim3A : f32 to vector<16xf32>
    %eq3A = arith.constant 0 : i32
    %eq3A_1 = arith.cmpi eq, %arg0, %eq3A : i32
    %convert_element_type3A = arith.extui %eq3A_1 : i1 to i32
    %cond3A = arith.constant 0 : i32
    %cond3A_2 = arith.cmpi ne, %convert_element_type3A, %cond3A : i32
    scf.if %cond3A_2 {
      %scan3A = arith.constant 0 : i32
      %scan3A_40 = arith.constant 0 : i32
      %scan3A_41 = arith.constant 128 : i32
      %scan3A_42 = arith.addi %scan3A_40, %scan3A_41 : i32
      %scan3A_43 = arith.constant 1 : i32
      scf.for %scan3A_64 = %scan3A_40 to %scan3A_42 step %scan3A_43  : i32 {
        %swap3A = arith.index_cast %scan3A_64 : i32 to index
        %swap3A_65 = arith.constant 0 : index
        %swap3A_66 = tpu.vector_load %arg8[%swap3A, %swap3A_65] {strides = array<i32>} : memref<128x128xf32, #tpu.memory_space<vmem>>, vector<1x16xf32>,
        %swap3A_67 = vector.shape_cast %swap3A_66 : vector<1x16xf32> to vector<16xf32>
        %swap3A_68 = vector.shape_cast %broadcast_in_dim3A_0 : vector<16xf32> to vector<1x16xf32>
        tpu.vector_store %arg8[%swap3A, %swap3A_65], %swap3A_68 {strides = array<i32>} : memref<128x128xf32, #tpu.memory_space<vmem>>, vector<1x16xf32>,
        %swap3A_69 = arith.index_cast %scan3A_64 : i32 to index
        %swap3A_70 = arith.constant 16 : index
        %swap3A_71 = tpu.vector_load %arg8[%swap3A_69, %swap3A_70] {strides = array<i32>} : memref<128x128xf32, #tpu.memory_space<vmem>>, vector<1x16xf32>,
        %swap3A_72 = vector.shape_cast %swap3A_71 : vector<1x16xf32> to vector<16xf32>
        %swap3A_73 = vector.shape_cast %broadcast_in_dim3A_0 : vector<16xf32> to vector<1x16xf32>
        tpu.vector_store %arg8[%swap3A_69, %swap3A_70], %swap3A_73 {strides = array<i32>} : memref<128x128xf32, #tpu.memory_space<vmem>>, vector<1x16xf32>,
        %swap3A_74 = arith.index_cast %scan3A_64 : i32 to index
        %swap3A_75 = arith.constant 32 : index
        %swap3A_76 = tpu.vector_load %arg8[%swap3A_74, %swap3A_75] {strides = array<i32>} : memref<128x128xf32, #tpu.memory_space<vmem>>, vector<1x16xf32>,
        %swap3A_77 = vector.shape_cast %swap3A_76 : vector<1x16xf32> to vector<16xf32>
        %swap3A_78 = vector.shape_cast %broadcast_in_dim3A_0 : vector<16xf32> to vector<1x16xf32>
        tpu.vector_store %arg8[%swap3A_74, %swap3A_75], %swap3A_78 {strides = array<i32>} : memref<128x128xf32, #tpu.memory_space<vmem>>, vector<1x16xf32>,
        %swap3A_79 = arith.index_cast %scan3A_64 : i32 to index
        %swap3A_80 = arith.constant 48 : index
        %swap3A_81 = tpu.vector_load %arg8[%swap3A_79, %swap3A_80] {strides = array<i32>} : memref<128x128xf32, #tpu.memory_space<vmem>>, vector<1x16xf32>,
        %swap3A_82 = vector.shape_cast %swap3A_81 : vector<1x16xf32> to vector<16xf32>
        %swap3A_83 = vector.shape_cast %broadcast_in_dim3A_0 : vector<16xf32> to vector<1x16xf32>
        tpu.vector_store %arg8[%swap3A_79, %swap3A_80], %swap3A_83 {strides = array<i32>} : memref<128x128xf32, #tpu.memory_space<vmem>>, vector<1x16xf32>,
        %swap3A_84 = arith.index_cast %scan3A_64 : i32 to index
        %swap3A_85 = arith.constant 64 : index
        %swap3A_86 = tpu.vector_load %arg8[%swap3A_84, %swap3A_85] {strides = array<i32>} : memref<128x128xf32, #tpu.memory_space<vmem>>, vector<1x16xf32>,
        %swap3A_87 = vector.shape_cast %swap3A_86 : vector<1x16xf32> to vector<16xf32>
        %swap3A_88 = vector.shape_cast %broadcast_in_dim3A_0 : vector<16xf32> to vector<1x16xf32>
        tpu.vector_store %arg8[%swap3A_84, %swap3A_85], %swap3A_88 {strides = array<i32>} : memref<128x128xf32, #tpu.memory_space<vmem>>, vector<1x16xf32>,
        %swap3A_89 = arith.index_cast %scan3A_64 : i32 to index
        %swap3A_90 = arith.constant 80 : index
        %swap3A_91 = tpu.vector_load %arg8[%swap3A_89, %swap3A_90] {strides = array<i32>} : memref<128x128xf32, #tpu.memory_space<vmem>>, vector<1x16xf32>,
        %swap3A_92 = vector.shape_cast %swap3A_91 : vector<1x16xf32> to vector<16xf32>
        %swap3A_93 = vector.shape_cast %broadcast_in_dim3A_0 : vector<16xf32> to vector<1x16xf32>
        tpu.vector_store %arg8[%swap3A_89, %swap3A_90], %swap3A_93 {strides = array<i32>} : memref<128x128xf32, #tpu.memory_space<vmem>>, vector<1x16xf32>,
        %swap3A_94 = arith.index_cast %scan3A_64 : i32 to index
        %swap3A_95 = arith.constant 96 : index
        %swap3A_96 = tpu.vector_load %arg8[%swap3A_94, %swap3A_95] {strides = array<i32>} : memref<128x128xf32, #tpu.memory_space<vmem>>, vector<1x16xf32>,
        %swap3A_97 = vector.shape_cast %swap3A_96 : vector<1x16xf32> to vector<16xf32>
        %swap3A_98 = vector.shape_cast %broadcast_in_dim3A_0 : vector<16xf32> to vector<1x16xf32>
        tpu.vector_store %arg8[%swap3A_94, %swap3A_95], %swap3A_98 {strides = array<i32>} : memref<128x128xf32, #tpu.memory_space<vmem>>, vector<1x16xf32>,
        %swap3A_99 = arith.index_cast %scan3A_64 : i32 to index
        %swap3A_100 = arith.constant 112 : index
        %swap3A_101 = tpu.vector_load %arg8[%swap3A_99, %swap3A_100] {strides = array<i32>} : memref<128x128xf32, #tpu.memory_space<vmem>>, vector<1x16xf32>,
        %swap3A_102 = vector.shape_cast %swap3A_101 : vector<1x16xf32> to vector<16xf32>
        %swap3A_103 = vector.shape_cast %broadcast_in_dim3A_0 : vector<16xf32> to vector<1x16xf32>
        tpu.vector_store %arg8[%swap3A_99, %swap3A_100], %swap3A_103 {strides = array<i32>} : memref<128x128xf32, #tpu.memory_space<vmem>>, vector<1x16xf32>,
      }
      %scan3A_44 = arith.constant 128 : i32
      %mul3A_45 = arith.constant 640 : i32
      %mul3A_46 = arith.muli %arg1, %mul3A_45 : i32
      %add3A = arith.constant 0 : i32
      %add3A_47 = arith.addi %mul3A_46, %add3A : i32
      "tpu.region"() ({
        %run_scoped3A = tpu.sem_alloc : memref<!tpu.dma_semaphore, #tpu.memory_space<semaphore_mem>>
        %dma_start3A = arith.constant 0 : i32
        %dma_start3A_64 = tpu.memref_slice %arg10[%add3A_47, %dma_start3A] : memref<10240x128xf32, #tpu.memory_space<vmem_shared>> -> memref<128x128xf32, #tpu.memory_space<vmem_shared>>
        %dma_start3A_65 = arith.constant 0 : i32
        %dma_start3A_66 = tpu.memref_slice %arg10[%add3A_47, %dma_start3A_65] : memref<10240x128xf32, #tpu.memory_space<vmem_shared>> -> memref<128x128xf32, #tpu.memory_space<vmem_shared>>
        tpu.enqueue_dma source(%arg8 : memref<128x128xf32, #tpu.memory_space<vmem>>) target(%dma_start3A_66 : memref<128x128xf32, #tpu.memory_space<vmem_shared>>) target_semaphore(%run_scoped3A : memref<!tpu.dma_semaphore, #tpu.memory_space<semaphore_mem>>)
        %dma_wait3A = arith.constant 0 : i32
        %dma_wait3A_67 = tpu.memref_slice %arg10[%add3A_47, %dma_wait3A] : memref<10240x128xf32, #tpu.memory_space<vmem_shared>> -> memref<128x128xf32, #tpu.memory_space<vmem_shared>>
        %dma_wait3A_68 = arith.constant 0 : i32
        %dma_wait3A_69 = tpu.memref_slice %arg10[%add3A_47, %dma_wait3A_68] : memref<10240x128xf32, #tpu.memory_space<vmem_shared>> -> memref<128x128xf32, #tpu.memory_space<vmem_shared>>
        tpu.wait_dma2 semaphore(%run_scoped3A : memref<!tpu.dma_semaphore, #tpu.memory_space<semaphore_mem>>) src(%arg8 : memref<128x128xf32, #tpu.memory_space<vmem>>) dst(%dma_wait3A_69 : memref<128x128xf32, #tpu.memory_space<vmem_shared>>)
        tpu.yield
      }) : () -> ()
      %mul3A_48 = arith.constant 640 : i32
      %mul3A_49 = arith.muli %arg1, %mul3A_48 : i32
      %add3A_50 = arith.constant 128 : i32
      %add3A_51 = arith.addi %mul3A_49, %add3A_50 : i32
      "tpu.region"() ({
        %run_scoped3A = tpu.sem_alloc : memref<!tpu.dma_semaphore, #tpu.memory_space<semaphore_mem>>
        %dma_start3A = arith.constant 0 : i32
        %dma_start3A_64 = tpu.memref_slice %arg10[%add3A_51, %dma_start3A] : memref<10240x128xf32, #tpu.memory_space<vmem_shared>> -> memref<128x128xf32, #tpu.memory_space<vmem_shared>>
        %dma_start3A_65 = arith.constant 0 : i32
        %dma_start3A_66 = tpu.memref_slice %arg10[%add3A_51, %dma_start3A_65] : memref<10240x128xf32, #tpu.memory_space<vmem_shared>> -> memref<128x128xf32, #tpu.memory_space<vmem_shared>>
        tpu.enqueue_dma source(%arg8 : memref<128x128xf32, #tpu.memory_space<vmem>>) target(%dma_start3A_66 : memref<128x128xf32, #tpu.memory_space<vmem_shared>>) target_semaphore(%run_scoped3A : memref<!tpu.dma_semaphore, #tpu.memory_space<semaphore_mem>>)
        %dma_wait3A = arith.constant 0 : i32
        %dma_wait3A_67 = tpu.memref_slice %arg10[%add3A_51, %dma_wait3A] : memref<10240x128xf32, #tpu.memory_space<vmem_shared>> -> memref<128x128xf32, #tpu.memory_space<vmem_shared>>
        %dma_wait3A_68 = arith.constant 0 : i32
        %dma_wait3A_69 = tpu.memref_slice %arg10[%add3A_51, %dma_wait3A_68] : memref<10240x128xf32, #tpu.memory_space<vmem_shared>> -> memref<128x128xf32, #tpu.memory_space<vmem_shared>>
        tpu.wait_dma2 semaphore(%run_scoped3A : memref<!tpu.dma_semaphore, #tpu.memory_space<semaphore_mem>>) src(%arg8 : memref<128x128xf32, #tpu.memory_space<vmem>>) dst(%dma_wait3A_69 : memref<128x128xf32, #tpu.memory_space<vmem_shared>>)
        tpu.yield
      }) : () -> ()
      %mul3A_52 = arith.constant 640 : i32
      %mul3A_53 = arith.muli %arg1, %mul3A_52 : i32
      %add3A_54 = arith.constant 256 : i32
      %add3A_55 = arith.addi %mul3A_53, %add3A_54 : i32
      "tpu.region"() ({
        %run_scoped3A = tpu.sem_alloc : memref<!tpu.dma_semaphore, #tpu.memory_space<semaphore_mem>>
        %dma_start3A = arith.constant 0 : i32
        %dma_start3A_64 = tpu.memref_slice %arg10[%add3A_55, %dma_start3A] : memref<10240x128xf32, #tpu.memory_space<vmem_shared>> -> memref<128x128xf32, #tpu.memory_space<vmem_shared>>
        %dma_start3A_65 = arith.constant 0 : i32
        %dma_start3A_66 = tpu.memref_slice %arg10[%add3A_55, %dma_start3A_65] : memref<10240x128xf32, #tpu.memory_space<vmem_shared>> -> memref<128x128xf32, #tpu.memory_space<vmem_shared>>
        tpu.enqueue_dma source(%arg8 : memref<128x128xf32, #tpu.memory_space<vmem>>) target(%dma_start3A_66 : memref<128x128xf32, #tpu.memory_space<vmem_shared>>) target_semaphore(%run_scoped3A : memref<!tpu.dma_semaphore, #tpu.memory_space<semaphore_mem>>)
        %dma_wait3A = arith.constant 0 : i32
        %dma_wait3A_67 = tpu.memref_slice %arg10[%add3A_55, %dma_wait3A] : memref<10240x128xf32, #tpu.memory_space<vmem_shared>> -> memref<128x128xf32, #tpu.memory_space<vmem_shared>>
        %dma_wait3A_68 = arith.constant 0 : i32
        %dma_wait3A_69 = tpu.memref_slice %arg10[%add3A_55, %dma_wait3A_68] : memref<10240x128xf32, #tpu.memory_space<vmem_shared>> -> memref<128x128xf32, #tpu.memory_space<vmem_shared>>
        tpu.wait_dma2 semaphore(%run_scoped3A : memref<!tpu.dma_semaphore, #tpu.memory_space<semaphore_mem>>) src(%arg8 : memref<128x128xf32, #tpu.memory_space<vmem>>) dst(%dma_wait3A_69 : memref<128x128xf32, #tpu.memory_space<vmem_shared>>)
        tpu.yield
      }) : () -> ()
      %mul3A_56 = arith.constant 640 : i32
      %mul3A_57 = arith.muli %arg1, %mul3A_56 : i32
      %add3A_58 = arith.constant 384 : i32
      %add3A_59 = arith.addi %mul3A_57, %add3A_58 : i32
      "tpu.region"() ({
        %run_scoped3A = tpu.sem_alloc : memref<!tpu.dma_semaphore, #tpu.memory_space<semaphore_mem>>
        %dma_start3A = arith.constant 0 : i32
        %dma_start3A_64 = tpu.memref_slice %arg10[%add3A_59, %dma_start3A] : memref<10240x128xf32, #tpu.memory_space<vmem_shared>> -> memref<128x128xf32, #tpu.memory_space<vmem_shared>>
        %dma_start3A_65 = arith.constant 0 : i32
        %dma_start3A_66 = tpu.memref_slice %arg10[%add3A_59, %dma_start3A_65] : memref<10240x128xf32, #tpu.memory_space<vmem_shared>> -> memref<128x128xf32, #tpu.memory_space<vmem_shared>>
        tpu.enqueue_dma source(%arg8 : memref<128x128xf32, #tpu.memory_space<vmem>>) target(%dma_start3A_66 : memref<128x128xf32, #tpu.memory_space<vmem_shared>>) target_semaphore(%run_scoped3A : memref<!tpu.dma_semaphore, #tpu.memory_space<semaphore_mem>>)
        %dma_wait3A = arith.constant 0 : i32
        %dma_wait3A_67 = tpu.memref_slice %arg10[%add3A_59, %dma_wait3A] : memref<10240x128xf32, #tpu.memory_space<vmem_shared>> -> memref<128x128xf32, #tpu.memory_space<vmem_shared>>
        %dma_wait3A_68 = arith.constant 0 : i32
        %dma_wait3A_69 = tpu.memref_slice %arg10[%add3A_59, %dma_wait3A_68] : memref<10240x128xf32, #tpu.memory_space<vmem_shared>> -> memref<128x128xf32, #tpu.memory_space<vmem_shared>>
        tpu.wait_dma2 semaphore(%run_scoped3A : memref<!tpu.dma_semaphore, #tpu.memory_space<semaphore_mem>>) src(%arg8 : memref<128x128xf32, #tpu.memory_space<vmem>>) dst(%dma_wait3A_69 : memref<128x128xf32, #tpu.memory_space<vmem_shared>>)
        tpu.yield
      }) : () -> ()
      %mul3A_60 = arith.constant 640 : i32
      %mul3A_61 = arith.muli %arg1, %mul3A_60 : i32
      %add3A_62 = arith.constant 512 : i32
      %add3A_63 = arith.addi %mul3A_61, %add3A_62 : i32
      "tpu.region"() ({
        %run_scoped3A = tpu.sem_alloc : memref<!tpu.dma_semaphore, #tpu.memory_space<semaphore_mem>>
        %dma_start3A = arith.constant 0 : i32
        %dma_start3A_64 = tpu.memref_slice %arg10[%add3A_63, %dma_start3A] : memref<10240x128xf32, #tpu.memory_space<vmem_shared>> -> memref<128x128xf32, #tpu.memory_space<vmem_shared>>
        %dma_start3A_65 = arith.constant 0 : i32
        %dma_start3A_66 = tpu.memref_slice %arg10[%add3A_63, %dma_start3A_65] : memref<10240x128xf32, #tpu.memory_space<vmem_shared>> -> memref<128x128xf32, #tpu.memory_space<vmem_shared>>
        tpu.enqueue_dma source(%arg8 : memref<128x128xf32, #tpu.memory_space<vmem>>) target(%dma_start3A_66 : memref<128x128xf32, #tpu.memory_space<vmem_shared>>) target_semaphore(%run_scoped3A : memref<!tpu.dma_semaphore, #tpu.memory_space<semaphore_mem>>)
        %dma_wait3A = arith.constant 0 : i32
        %dma_wait3A_67 = tpu.memref_slice %arg10[%add3A_63, %dma_wait3A] : memref<10240x128xf32, #tpu.memory_space<vmem_shared>> -> memref<128x128xf32, #tpu.memory_space<vmem_shared>>
        %dma_wait3A_68 = arith.constant 0 : i32
        %dma_wait3A_69 = tpu.memref_slice %arg10[%add3A_63, %dma_wait3A_68] : memref<10240x128xf32, #tpu.memory_space<vmem_shared>> -> memref<128x128xf32, #tpu.memory_space<vmem_shared>>
        tpu.wait_dma2 semaphore(%run_scoped3A : memref<!tpu.dma_semaphore, #tpu.memory_space<semaphore_mem>>) src(%arg8 : memref<128x128xf32, #tpu.memory_space<vmem>>) dst(%dma_wait3A_69 : memref<128x128xf32, #tpu.memory_space<vmem_shared>>)
        tpu.yield
      }) : () -> ()
    } else {
    }
    %barrier3A = arith.constant 0 : index
    tpu.barrier barrier_id(%barrier3A)
    %eq3A_3 = arith.constant 0 : i32
    %eq3A_4 = arith.cmpi eq, %arg0, %eq3A_3 : i32
    %jit3A = arith.constant 160 : i32
    %jit3A_5 = arith.constant 0 : i32
    %select_n3A = arith.select %eq3A_4, %jit3A, %jit3A_5 : i32
    %mul3A = arith.constant 160 : i32
    %mul3A_6 = arith.muli %arg1, %mul3A : i32
    %jit3A_7 = arith.constant 16 : i32
    %div3A = arith.divsi %select_n3A, %jit3A_7 : i32
    %sign3A = arith.constant 0 : i32
    %sign3A_8 = arith.cmpi sgt, %select_n3A, %sign3A : i32
    %sign3A_9 = arith.extui %sign3A_8 : i1 to i32
    %sign3A_10 = arith.constant 0 : i32
    %sign3A_11 = arith.cmpi slt, %select_n3A, %sign3A_10 : i32
    %sign3A_12 = arith.extui %sign3A_11 : i1 to i32
    %sign3A_13 = arith.subi %sign3A_9, %sign3A_12 : i32
    %sign3A_14 = arith.constant 0 : i32
    %sign3A_15 = arith.cmpi sgt, %jit3A_7, %sign3A_14 : i32
    %sign3A_16 = arith.extui %sign3A_15 : i1 to i32
    %sign3A_17 = arith.constant 0 : i32
    %sign3A_18 = arith.cmpi slt, %jit3A_7, %sign3A_17 : i32
    %sign3A_19 = arith.extui %sign3A_18 : i1 to i32
    %sign3A_20 = arith.subi %sign3A_16, %sign3A_19 : i32
    %ne3A = arith.cmpi ne, %sign3A_13, %sign3A_20 : i32
    %rem3A = arith.remsi %select_n3A, %jit3A_7 : i32
    %ne3A_21 = arith.constant 0 : i32
    %ne3A_22 = arith.cmpi ne, %rem3A, %ne3A_21 : i32
    %and3A = arith.andi %ne3A, %ne3A_22 : i1
    %sub3A = arith.constant 1 : i32
    %sub3A_23 = arith.subi %div3A, %sub3A : i32
    %select_n3A_24 = arith.select %and3A, %sub3A_23, %div3A : i32
    %while3A = arith.constant 0 : i32
    %while3A_25 = arith.constant 0 : i32
    %while3A_26 = arith.subi %select_n3A_24, %while3A_25 : i32
    %while3A_27 = arith.addi %while3A_25, %while3A_26 : i32
    %while3A_28 = arith.constant 1 : i32
    %while3A_29 = arith.divsi %while3A_26, %while3A_28 : i32
    %while3A_30 = arith.muli %while3A_29, %while3A_28 : i32
    %while3A_31 = arith.addi %while3A_25, %while3A_30 : i32
    %while3A_32 = arith.constant 1 : i32
    scf.for %while3A_40 = %while3A_25 to %while3A_31 step %while3A_32  : i32 {
      %mul3A_41 = arith.constant 16 : i32
      %mul3A_42 = arith.muli %while3A_40, %mul3A_41 : i32
      %add3A = arith.addi %mul3A_6, %mul3A_42 : i32
      "tpu.region"() ({
        %run_scoped3A = tpu.sem_alloc : memref<!tpu.dma_semaphore, #tpu.memory_space<semaphore_mem>>
        %dma_start3A_54 = arith.constant 0 : i32
        %dma_start3A_55 = tpu.memref_slice %arg3[%add3A, %dma_start3A_54] : memref<2560x128xi32, #tpu.memory_space<hbm>> -> memref<16x128xi32, #tpu.memory_space<hbm>>
        %dma_start3A_56 = arith.constant 0 : i32
        %dma_start3A_57 = tpu.memref_slice %arg3[%add3A, %dma_start3A_56] : memref<2560x128xi32, #tpu.memory_space<hbm>> -> memref<16x128xi32, #tpu.memory_space<hbm>>
        tpu.enqueue_dma source(%dma_start3A_57 : memref<16x128xi32, #tpu.memory_space<hbm>>) target(%arg6 : memref<16x128xi32, #tpu.memory_space<vmem>>) target_semaphore(%run_scoped3A : memref<!tpu.dma_semaphore, #tpu.memory_space<semaphore_mem>>)
        %dma_wait3A = arith.constant 0 : i32
        %dma_wait3A_58 = tpu.memref_slice %arg3[%add3A, %dma_wait3A] : memref<2560x128xi32, #tpu.memory_space<hbm>> -> memref<16x128xi32, #tpu.memory_space<hbm>>
        %dma_wait3A_59 = arith.constant 0 : i32
        %dma_wait3A_60 = tpu.memref_slice %arg3[%add3A, %dma_wait3A_59] : memref<2560x128xi32, #tpu.memory_space<hbm>> -> memref<16x128xi32, #tpu.memory_space<hbm>>
        tpu.wait_dma2 semaphore(%run_scoped3A : memref<!tpu.dma_semaphore, #tpu.memory_space<semaphore_mem>>) src(%dma_wait3A_60 : memref<16x128xi32, #tpu.memory_space<hbm>>) dst(%arg6 : memref<16x128xi32, #tpu.memory_space<vmem>>)
        tpu.yield
      }) : () -> ()
      "tpu.region"() ({
        %run_scoped3A = tpu.sem_alloc : memref<!tpu.dma_semaphore, #tpu.memory_space<semaphore_mem>>
        %dma_start3A_54 = arith.constant 0 : i32
        %dma_start3A_55 = tpu.memref_slice %arg4[%add3A, %dma_start3A_54] : memref<2560x128xi32, #tpu.memory_space<hbm>> -> memref<16x128xi32, #tpu.memory_space<hbm>>
        %dma_start3A_56 = arith.constant 0 : i32
        %dma_start3A_57 = tpu.memref_slice %arg4[%add3A, %dma_start3A_56] : memref<2560x128xi32, #tpu.memory_space<hbm>> -> memref<16x128xi32, #tpu.memory_space<hbm>>
        tpu.enqueue_dma source(%dma_start3A_57 : memref<16x128xi32, #tpu.memory_space<hbm>>) target(%arg7 : memref<16x128xi32, #tpu.memory_space<vmem>>) target_semaphore(%run_scoped3A : memref<!tpu.dma_semaphore, #tpu.memory_space<semaphore_mem>>)
        %dma_wait3A = arith.constant 0 : i32
        %dma_wait3A_58 = tpu.memref_slice %arg4[%add3A, %dma_wait3A] : memref<2560x128xi32, #tpu.memory_space<hbm>> -> memref<16x128xi32, #tpu.memory_space<hbm>>
        %dma_wait3A_59 = arith.constant 0 : i32
        %dma_wait3A_60 = tpu.memref_slice %arg4[%add3A, %dma_wait3A_59] : memref<2560x128xi32, #tpu.memory_space<hbm>> -> memref<16x128xi32, #tpu.memory_space<hbm>>
        tpu.wait_dma2 semaphore(%run_scoped3A : memref<!tpu.dma_semaphore, #tpu.memory_space<semaphore_mem>>) src(%dma_wait3A_60 : memref<16x128xi32, #tpu.memory_space<hbm>>) dst(%arg7 : memref<16x128xi32, #tpu.memory_space<vmem>>)
        tpu.yield
      }) : () -> ()
      %dma_start3A = arith.constant 0 : i32
      %dma_start3A_43 = arith.constant 0 : i32
      %dma_start3A_44 = tpu.memref_slice %arg6[%dma_start3A, %dma_start3A_43] : memref<16x128xi32, #tpu.memory_space<vmem>> -> memref<1x128xi32, #tpu.memory_space<vmem>>
      %dma_start3A_45 = tpu.memref_squeeze %dma_start3A_44 : memref<1x128xi32, #tpu.memory_space<vmem>> -> memref<128xi32, #tpu.memory_space<vmem>>
      %dma_start3A_46 = arith.constant 0 : i32
      %dma_start3A_47 = arith.constant 0 : i32
      %dma_start3A_48 = tpu.memref_slice %arg2[%dma_start3A_46, %dma_start3A_47] : memref<10240x128xf32, #tpu.memory_space<hbm>> -> memref<10240x128xf32, #tpu.memory_space<hbm>>
      tpu.enqueue_indirect_dma source(%dma_start3A_48 : memref<10240x128xf32, #tpu.memory_space<hbm>>) target(%arg8 : memref<128x128xf32, #tpu.memory_space<vmem>>) offsets(%dma_start3A_45 : memref<128xi32, #tpu.memory_space<vmem>>) semaphore(%arg11 : memref<!tpu.dma_semaphore, #tpu.memory_space<semaphore_mem>>)
      %scan3A = arith.constant 0 : i32
      %scan3A_49 = arith.constant 0 : i32
      %scan3A_50 = arith.constant 8 : i32
      %scan3A_51 = arith.addi %scan3A_49, %scan3A_50 : i32
      %scan3A_52 = arith.constant 1 : i32
      scf.for %scan3A_54 = %scan3A_49 to %scan3A_51 step %scan3A_52  : i32 {
        %mul3A_55 = arith.constant 2 : i32
        %mul3A_56 = arith.muli %mul3A_55, %scan3A_54 : i32
        %add3A_57 = arith.constant 1 : i32
        %add3A_58 = arith.addi %mul3A_56, %add3A_57 : i32
        %dma_start3A_59 = arith.constant 0 : i32
        %dma_start3A_60 = tpu.memref_slice %arg6[%add3A_58, %dma_start3A_59] : memref<16x128xi32, #tpu.memory_space<vmem>> -> memref<1x128xi32, #tpu.memory_space<vmem>>
        %dma_start3A_61 = tpu.memref_squeeze %dma_start3A_60 : memref<1x128xi32, #tpu.memory_space<vmem>> -> memref<128xi32, #tpu.memory_space<vmem>>
        %dma_start3A_62 = arith.constant 0 : i32
        %dma_start3A_63 = arith.constant 0 : i32
        %dma_start3A_64 = tpu.memref_slice %arg2[%dma_start3A_62, %dma_start3A_63] : memref<10240x128xf32, #tpu.memory_space<hbm>> -> memref<10240x128xf32, #tpu.memory_space<hbm>>
        tpu.enqueue_indirect_dma source(%dma_start3A_64 : memref<10240x128xf32, #tpu.memory_space<hbm>>) target(%arg9 : memref<128x128xf32, #tpu.memory_space<vmem>>) offsets(%dma_start3A_61 : memref<128xi32, #tpu.memory_space<vmem>>) semaphore(%arg12 : memref<!tpu.dma_semaphore, #tpu.memory_space<semaphore_mem>>)
        %dma_wait3A = arith.constant 0 : i32
        %dma_wait3A_65 = tpu.memref_slice %arg6[%mul3A_56, %dma_wait3A] : memref<16x128xi32, #tpu.memory_space<vmem>> -> memref<1x128xi32, #tpu.memory_space<vmem>>
        %dma_wait3A_66 = tpu.memref_squeeze %dma_wait3A_65 : memref<1x128xi32, #tpu.memory_space<vmem>> -> memref<128xi32, #tpu.memory_space<vmem>>
        %dma_wait3A_67 = arith.constant 0 : i32
        %dma_wait3A_68 = arith.constant 0 : i32
        %dma_wait3A_69 = tpu.memref_slice %arg2[%dma_wait3A_67, %dma_wait3A_68] : memref<10240x128xf32, #tpu.memory_space<hbm>> -> memref<10240x128xf32, #tpu.memory_space<hbm>>
        tpu.wait_indirect_dma semaphore(%arg11 : memref<!tpu.dma_semaphore, #tpu.memory_space<semaphore_mem>>) src(%dma_wait3A_69 : memref<10240x128xf32, #tpu.memory_space<hbm>>) dst(%arg8 : memref<128x128xf32, #tpu.memory_space<vmem>>)
        "tpu.region"() ({
          %run_scoped3A = tpu.sem_alloc : memref<!tpu.dma_semaphore, #tpu.memory_space<semaphore_mem>>
          %dma_start3A_86 = arith.constant 0 : i32
          %dma_start3A_87 = tpu.memref_slice %arg7[%mul3A_56, %dma_start3A_86] : memref<16x128xi32, #tpu.memory_space<vmem>> -> memref<1x128xi32, #tpu.memory_space<vmem>>
          %dma_start3A_88 = tpu.memref_squeeze %dma_start3A_87 : memref<1x128xi32, #tpu.memory_space<vmem>> -> memref<128xi32, #tpu.memory_space<vmem>>
          %dma_start3A_89 = arith.constant 0 : i32
          %dma_start3A_90 = arith.constant 0 : i32
          %dma_start3A_91 = tpu.memref_slice %arg10[%dma_start3A_89, %dma_start3A_90] : memref<10240x128xf32, #tpu.memory_space<vmem_shared>> -> memref<10240x128xf32, #tpu.memory_space<vmem_shared>>
          tpu.enqueue_indirect_dma source(%arg8 : memref<128x128xf32, #tpu.memory_space<vmem>>) target(%dma_start3A_91 : memref<10240x128xf32, #tpu.memory_space<vmem_shared>>) offsets(%dma_start3A_88 : memref<128xi32, #tpu.memory_space<vmem>>) semaphore(%run_scoped3A : memref<!tpu.dma_semaphore, #tpu.memory_space<semaphore_mem>>) {add = true}
          %dma_wait3A_92 = arith.constant 0 : i32
          %dma_wait3A_93 = tpu.memref_slice %arg7[%mul3A_56, %dma_wait3A_92] : memref<16x128xi32, #tpu.memory_space<vmem>> -> memref<1x128xi32, #tpu.memory_space<vmem>>
          %dma_wait3A_94 = tpu.memref_squeeze %dma_wait3A_93 : memref<1x128xi32, #tpu.memory_space<vmem>> -> memref<128xi32, #tpu.memory_space<vmem>>
          %dma_wait3A_95 = arith.constant 0 : i32
          %dma_wait3A_96 = arith.constant 0 : i32
          %dma_wait3A_97 = tpu.memref_slice %arg10[%dma_wait3A_95, %dma_wait3A_96] : memref<10240x128xf32, #tpu.memory_space<vmem_shared>> -> memref<10240x128xf32, #tpu.memory_space<vmem_shared>>
          tpu.wait_indirect_dma semaphore(%run_scoped3A : memref<!tpu.dma_semaphore, #tpu.memory_space<semaphore_mem>>) src(%arg8 : memref<128x128xf32, #tpu.memory_space<vmem>>) dst(%dma_wait3A_97 : memref<10240x128xf32, #tpu.memory_space<vmem_shared>>)
          tpu.yield
        }) : () -> ()
        %add3A_70 = arith.constant 1 : i32
        %add3A_71 = arith.addi %scan3A_54, %add3A_70 : i32
        %lt3A = arith.constant 8 : i32
        %lt3A_72 = arith.cmpi slt, %add3A_71, %lt3A : i32
        %convert_element_type3A_73 = arith.extui %lt3A_72 : i1 to i32
        %cond3A_74 = arith.constant 0 : i32
        %cond3A_75 = arith.cmpi ne, %convert_element_type3A_73, %cond3A_74 : i32
        scf.if %cond3A_75 {
          %add3A_86 = arith.constant 2 : i32
          %add3A_87 = arith.addi %mul3A_56, %add3A_86 : i32
          %dma_start3A_88 = arith.constant 0 : i32
          %dma_start3A_89 = tpu.memref_slice %arg6[%add3A_87, %dma_start3A_88] : memref<16x128xi32, #tpu.memory_space<vmem>> -> memref<1x128xi32, #tpu.memory_space<vmem>>
          %dma_start3A_90 = tpu.memref_squeeze %dma_start3A_89 : memref<1x128xi32, #tpu.memory_space<vmem>> -> memref<128xi32, #tpu.memory_space<vmem>>
          %dma_start3A_91 = arith.constant 0 : i32
          %dma_start3A_92 = arith.constant 0 : i32
          %dma_start3A_93 = tpu.memref_slice %arg2[%dma_start3A_91, %dma_start3A_92] : memref<10240x128xf32, #tpu.memory_space<hbm>> -> memref<10240x128xf32, #tpu.memory_space<hbm>>
          tpu.enqueue_indirect_dma source(%dma_start3A_93 : memref<10240x128xf32, #tpu.memory_space<hbm>>) target(%arg8 : memref<128x128xf32, #tpu.memory_space<vmem>>) offsets(%dma_start3A_90 : memref<128xi32, #tpu.memory_space<vmem>>) semaphore(%arg11 : memref<!tpu.dma_semaphore, #tpu.memory_space<semaphore_mem>>)
        } else {
        }
        %add3A_76 = arith.constant 1 : i32
        %add3A_77 = arith.addi %mul3A_56, %add3A_76 : i32
        %dma_wait3A_78 = arith.constant 0 : i32
        %dma_wait3A_79 = tpu.memref_slice %arg6[%add3A_77, %dma_wait3A_78] : memref<16x128xi32, #tpu.memory_space<vmem>> -> memref<1x128xi32, #tpu.memory_space<vmem>>
        %dma_wait3A_80 = tpu.memref_squeeze %dma_wait3A_79 : memref<1x128xi32, #tpu.memory_space<vmem>> -> memref<128xi32, #tpu.memory_space<vmem>>
        %dma_wait3A_81 = arith.constant 0 : i32
        %dma_wait3A_82 = arith.constant 0 : i32
        %dma_wait3A_83 = tpu.memref_slice %arg2[%dma_wait3A_81, %dma_wait3A_82] : memref<10240x128xf32, #tpu.memory_space<hbm>> -> memref<10240x128xf32, #tpu.memory_space<hbm>>
        tpu.wait_indirect_dma semaphore(%arg12 : memref<!tpu.dma_semaphore, #tpu.memory_space<semaphore_mem>>) src(%dma_wait3A_83 : memref<10240x128xf32, #tpu.memory_space<hbm>>) dst(%arg9 : memref<128x128xf32, #tpu.memory_space<vmem>>)
        %add3A_84 = arith.constant 1 : i32
        %add3A_85 = arith.addi %mul3A_56, %add3A_84 : i32
        "tpu.region"() ({
          %run_scoped3A = tpu.sem_alloc : memref<!tpu.dma_semaphore, #tpu.memory_space<semaphore_mem>>
          %dma_start3A_86 = arith.constant 0 : i32
          %dma_start3A_87 = tpu.memref_slice %arg7[%add3A_85, %dma_start3A_86] : memref<16x128xi32, #tpu.memory_space<vmem>> -> memref<1x128xi32, #tpu.memory_space<vmem>>
          %dma_start3A_88 = tpu.memref_squeeze %dma_start3A_87 : memref<1x128xi32, #tpu.memory_space<vmem>> -> memref<128xi32, #tpu.memory_space<vmem>>
          %dma_start3A_89 = arith.constant 0 : i32
          %dma_start3A_90 = arith.constant 0 : i32
          %dma_start3A_91 = tpu.memref_slice %arg10[%dma_start3A_89, %dma_start3A_90] : memref<10240x128xf32, #tpu.memory_space<vmem_shared>> -> memref<10240x128xf32, #tpu.memory_space<vmem_shared>>
          tpu.enqueue_indirect_dma source(%arg9 : memref<128x128xf32, #tpu.memory_space<vmem>>) target(%dma_start3A_91 : memref<10240x128xf32, #tpu.memory_space<vmem_shared>>) offsets(%dma_start3A_88 : memref<128xi32, #tpu.memory_space<vmem>>) semaphore(%run_scoped3A : memref<!tpu.dma_semaphore, #tpu.memory_space<semaphore_mem>>) {add = true}
          %dma_wait3A_92 = arith.constant 0 : i32
          %dma_wait3A_93 = tpu.memref_slice %arg7[%add3A_85, %dma_wait3A_92] : memref<16x128xi32, #tpu.memory_space<vmem>> -> memref<1x128xi32, #tpu.memory_space<vmem>>
          %dma_wait3A_94 = tpu.memref_squeeze %dma_wait3A_93 : memref<1x128xi32, #tpu.memory_space<vmem>> -> memref<128xi32, #tpu.memory_space<vmem>>
          %dma_wait3A_95 = arith.constant 0 : i32
          %dma_wait3A_96 = arith.constant 0 : i32
          %dma_wait3A_97 = tpu.memref_slice %arg10[%dma_wait3A_95, %dma_wait3A_96] : memref<10240x128xf32, #tpu.memory_space<vmem_shared>> -> memref<10240x128xf32, #tpu.memory_space<vmem_shared>>
          tpu.wait_indirect_dma semaphore(%run_scoped3A : memref<!tpu.dma_semaphore, #tpu.memory_space<semaphore_mem>>) src(%arg9 : memref<128x128xf32, #tpu.memory_space<vmem>>) dst(%dma_wait3A_97 : memref<10240x128xf32, #tpu.memory_space<vmem_shared>>)
          tpu.yield
        }) : () -> ()
      }
      %scan3A_53 = arith.constant 8 : i32
    }
    %while3A_33 = arith.constant 1 : i32
    scf.for %while3A_40 = %while3A_31 to %while3A_27 step %while3A_33  : i32 {
      %mul3A_41 = arith.constant 16 : i32
      %mul3A_42 = arith.muli %while3A_40, %mul3A_41 : i32
      %add3A = arith.addi %mul3A_6, %mul3A_42 : i32
      "tpu.region"() ({
        %run_scoped3A = tpu.sem_alloc : memref<!tpu.dma_semaphore, #tpu.memory_space<semaphore_mem>>
        %dma_start3A_54 = arith.constant 0 : i32
        %dma_start3A_55 = tpu.memref_slice %arg3[%add3A, %dma_start3A_54] : memref<2560x128xi32, #tpu.memory_space<hbm>> -> memref<16x128xi32, #tpu.memory_space<hbm>>
        %dma_start3A_56 = arith.constant 0 : i32
        %dma_start3A_57 = tpu.memref_slice %arg3[%add3A, %dma_start3A_56] : memref<2560x128xi32, #tpu.memory_space<hbm>> -> memref<16x128xi32, #tpu.memory_space<hbm>>
        tpu.enqueue_dma source(%dma_start3A_57 : memref<16x128xi32, #tpu.memory_space<hbm>>) target(%arg6 : memref<16x128xi32, #tpu.memory_space<vmem>>) target_semaphore(%run_scoped3A : memref<!tpu.dma_semaphore, #tpu.memory_space<semaphore_mem>>)
        %dma_wait3A = arith.constant 0 : i32
        %dma_wait3A_58 = tpu.memref_slice %arg3[%add3A, %dma_wait3A] : memref<2560x128xi32, #tpu.memory_space<hbm>> -> memref<16x128xi32, #tpu.memory_space<hbm>>
        %dma_wait3A_59 = arith.constant 0 : i32
        %dma_wait3A_60 = tpu.memref_slice %arg3[%add3A, %dma_wait3A_59] : memref<2560x128xi32, #tpu.memory_space<hbm>> -> memref<16x128xi32, #tpu.memory_space<hbm>>
        tpu.wait_dma2 semaphore(%run_scoped3A : memref<!tpu.dma_semaphore, #tpu.memory_space<semaphore_mem>>) src(%dma_wait3A_60 : memref<16x128xi32, #tpu.memory_space<hbm>>) dst(%arg6 : memref<16x128xi32, #tpu.memory_space<vmem>>)
        tpu.yield
      }) : () -> ()
      "tpu.region"() ({
        %run_scoped3A = tpu.sem_alloc : memref<!tpu.dma_semaphore, #tpu.memory_space<semaphore_mem>>
        %dma_start3A_54 = arith.constant 0 : i32
        %dma_start3A_55 = tpu.memref_slice %arg4[%add3A, %dma_start3A_54] : memref<2560x128xi32, #tpu.memory_space<hbm>> -> memref<16x128xi32, #tpu.memory_space<hbm>>
        %dma_start3A_56 = arith.constant 0 : i32
        %dma_start3A_57 = tpu.memref_slice %arg4[%add3A, %dma_start3A_56] : memref<2560x128xi32, #tpu.memory_space<hbm>> -> memref<16x128xi32, #tpu.memory_space<hbm>>
        tpu.enqueue_dma source(%dma_start3A_57 : memref<16x128xi32, #tpu.memory_space<hbm>>) target(%arg7 : memref<16x128xi32, #tpu.memory_space<vmem>>) target_semaphore(%run_scoped3A : memref<!tpu.dma_semaphore, #tpu.memory_space<semaphore_mem>>)
        %dma_wait3A = arith.constant 0 : i32
        %dma_wait3A_58 = tpu.memref_slice %arg4[%add3A, %dma_wait3A] : memref<2560x128xi32, #tpu.memory_space<hbm>> -> memref<16x128xi32, #tpu.memory_space<hbm>>
        %dma_wait3A_59 = arith.constant 0 : i32
        %dma_wait3A_60 = tpu.memref_slice %arg4[%add3A, %dma_wait3A_59] : memref<2560x128xi32, #tpu.memory_space<hbm>> -> memref<16x128xi32, #tpu.memory_space<hbm>>
        tpu.wait_dma2 semaphore(%run_scoped3A : memref<!tpu.dma_semaphore, #tpu.memory_space<semaphore_mem>>) src(%dma_wait3A_60 : memref<16x128xi32, #tpu.memory_space<hbm>>) dst(%arg7 : memref<16x128xi32, #tpu.memory_space<vmem>>)
        tpu.yield
      }) : () -> ()
      %dma_start3A = arith.constant 0 : i32
      %dma_start3A_43 = arith.constant 0 : i32
      %dma_start3A_44 = tpu.memref_slice %arg6[%dma_start3A, %dma_start3A_43] : memref<16x128xi32, #tpu.memory_space<vmem>> -> memref<1x128xi32, #tpu.memory_space<vmem>>
      %dma_start3A_45 = tpu.memref_squeeze %dma_start3A_44 : memref<1x128xi32, #tpu.memory_space<vmem>> -> memref<128xi32, #tpu.memory_space<vmem>>
      %dma_start3A_46 = arith.constant 0 : i32
      %dma_start3A_47 = arith.constant 0 : i32
      %dma_start3A_48 = tpu.memref_slice %arg2[%dma_start3A_46, %dma_start3A_47] : memref<10240x128xf32, #tpu.memory_space<hbm>> -> memref<10240x128xf32, #tpu.memory_space<hbm>>
      tpu.enqueue_indirect_dma source(%dma_start3A_48 : memref<10240x128xf32, #tpu.memory_space<hbm>>) target(%arg8 : memref<128x128xf32, #tpu.memory_space<vmem>>) offsets(%dma_start3A_45 : memref<128xi32, #tpu.memory_space<vmem>>) semaphore(%arg11 : memref<!tpu.dma_semaphore, #tpu.memory_space<semaphore_mem>>)
      %scan3A = arith.constant 0 : i32
      %scan3A_49 = arith.constant 0 : i32
      %scan3A_50 = arith.constant 8 : i32
      %scan3A_51 = arith.addi %scan3A_49, %scan3A_50 : i32
      %scan3A_52 = arith.constant 1 : i32
      scf.for %scan3A_54 = %scan3A_49 to %scan3A_51 step %scan3A_52  : i32 {
        %mul3A_55 = arith.constant 2 : i32
        %mul3A_56 = arith.muli %mul3A_55, %scan3A_54 : i32
        %add3A_57 = arith.constant 1 : i32
        %add3A_58 = arith.addi %mul3A_56, %add3A_57 : i32
        %dma_start3A_59 = arith.constant 0 : i32
        %dma_start3A_60 = tpu.memref_slice %arg6[%add3A_58, %dma_start3A_59] : memref<16x128xi32, #tpu.memory_space<vmem>> -> memref<1x128xi32, #tpu.memory_space<vmem>>
        %dma_start3A_61 = tpu.memref_squeeze %dma_start3A_60 : memref<1x128xi32, #tpu.memory_space<vmem>> -> memref<128xi32, #tpu.memory_space<vmem>>
        %dma_start3A_62 = arith.constant 0 : i32
        %dma_start3A_63 = arith.constant 0 : i32
        %dma_start3A_64 = tpu.memref_slice %arg2[%dma_start3A_62, %dma_start3A_63] : memref<10240x128xf32, #tpu.memory_space<hbm>> -> memref<10240x128xf32, #tpu.memory_space<hbm>>
        tpu.enqueue_indirect_dma source(%dma_start3A_64 : memref<10240x128xf32, #tpu.memory_space<hbm>>) target(%arg9 : memref<128x128xf32, #tpu.memory_space<vmem>>) offsets(%dma_start3A_61 : memref<128xi32, #tpu.memory_space<vmem>>) semaphore(%arg12 : memref<!tpu.dma_semaphore, #tpu.memory_space<semaphore_mem>>)
        %dma_wait3A = arith.constant 0 : i32
        %dma_wait3A_65 = tpu.memref_slice %arg6[%mul3A_56, %dma_wait3A] : memref<16x128xi32, #tpu.memory_space<vmem>> -> memref<1x128xi32, #tpu.memory_space<vmem>>
        %dma_wait3A_66 = tpu.memref_squeeze %dma_wait3A_65 : memref<1x128xi32, #tpu.memory_space<vmem>> -> memref<128xi32, #tpu.memory_space<vmem>>
        %dma_wait3A_67 = arith.constant 0 : i32
        %dma_wait3A_68 = arith.constant 0 : i32
        %dma_wait3A_69 = tpu.memref_slice %arg2[%dma_wait3A_67, %dma_wait3A_68] : memref<10240x128xf32, #tpu.memory_space<hbm>> -> memref<10240x128xf32, #tpu.memory_space<hbm>>
        tpu.wait_indirect_dma semaphore(%arg11 : memref<!tpu.dma_semaphore, #tpu.memory_space<semaphore_mem>>) src(%dma_wait3A_69 : memref<10240x128xf32, #tpu.memory_space<hbm>>) dst(%arg8 : memref<128x128xf32, #tpu.memory_space<vmem>>)
        "tpu.region"() ({
          %run_scoped3A = tpu.sem_alloc : memref<!tpu.dma_semaphore, #tpu.memory_space<semaphore_mem>>
          %dma_start3A_86 = arith.constant 0 : i32
          %dma_start3A_87 = tpu.memref_slice %arg7[%mul3A_56, %dma_start3A_86] : memref<16x128xi32, #tpu.memory_space<vmem>> -> memref<1x128xi32, #tpu.memory_space<vmem>>
          %dma_start3A_88 = tpu.memref_squeeze %dma_start3A_87 : memref<1x128xi32, #tpu.memory_space<vmem>> -> memref<128xi32, #tpu.memory_space<vmem>>
          %dma_start3A_89 = arith.constant 0 : i32
          %dma_start3A_90 = arith.constant 0 : i32
          %dma_start3A_91 = tpu.memref_slice %arg10[%dma_start3A_89, %dma_start3A_90] : memref<10240x128xf32, #tpu.memory_space<vmem_shared>> -> memref<10240x128xf32, #tpu.memory_space<vmem_shared>>
          tpu.enqueue_indirect_dma source(%arg8 : memref<128x128xf32, #tpu.memory_space<vmem>>) target(%dma_start3A_91 : memref<10240x128xf32, #tpu.memory_space<vmem_shared>>) offsets(%dma_start3A_88 : memref<128xi32, #tpu.memory_space<vmem>>) semaphore(%run_scoped3A : memref<!tpu.dma_semaphore, #tpu.memory_space<semaphore_mem>>) {add = true}
          %dma_wait3A_92 = arith.constant 0 : i32
          %dma_wait3A_93 = tpu.memref_slice %arg7[%mul3A_56, %dma_wait3A_92] : memref<16x128xi32, #tpu.memory_space<vmem>> -> memref<1x128xi32, #tpu.memory_space<vmem>>
          %dma_wait3A_94 = tpu.memref_squeeze %dma_wait3A_93 : memref<1x128xi32, #tpu.memory_space<vmem>> -> memref<128xi32, #tpu.memory_space<vmem>>
          %dma_wait3A_95 = arith.constant 0 : i32
          %dma_wait3A_96 = arith.constant 0 : i32
          %dma_wait3A_97 = tpu.memref_slice %arg10[%dma_wait3A_95, %dma_wait3A_96] : memref<10240x128xf32, #tpu.memory_space<vmem_shared>> -> memref<10240x128xf32, #tpu.memory_space<vmem_shared>>
          tpu.wait_indirect_dma semaphore(%run_scoped3A : memref<!tpu.dma_semaphore, #tpu.memory_space<semaphore_mem>>) src(%arg8 : memref<128x128xf32, #tpu.memory_space<vmem>>) dst(%dma_wait3A_97 : memref<10240x128xf32, #tpu.memory_space<vmem_shared>>)
          tpu.yield
        }) : () -> ()
        %add3A_70 = arith.constant 1 : i32
        %add3A_71 = arith.addi %scan3A_54, %add3A_70 : i32
        %lt3A = arith.constant 8 : i32
        %lt3A_72 = arith.cmpi slt, %add3A_71, %lt3A : i32
        %convert_element_type3A_73 = arith.extui %lt3A_72 : i1 to i32
        %cond3A_74 = arith.constant 0 : i32
        %cond3A_75 = arith.cmpi ne, %convert_element_type3A_73, %cond3A_74 : i32
        scf.if %cond3A_75 {
          %add3A_86 = arith.constant 2 : i32
          %add3A_87 = arith.addi %mul3A_56, %add3A_86 : i32
          %dma_start3A_88 = arith.constant 0 : i32
          %dma_start3A_89 = tpu.memref_slice %arg6[%add3A_87, %dma_start3A_88] : memref<16x128xi32, #tpu.memory_space<vmem>> -> memref<1x128xi32, #tpu.memory_space<vmem>>
          %dma_start3A_90 = tpu.memref_squeeze %dma_start3A_89 : memref<1x128xi32, #tpu.memory_space<vmem>> -> memref<128xi32, #tpu.memory_space<vmem>>
          %dma_start3A_91 = arith.constant 0 : i32
          %dma_start3A_92 = arith.constant 0 : i32
          %dma_start3A_93 = tpu.memref_slice %arg2[%dma_start3A_91, %dma_start3A_92] : memref<10240x128xf32, #tpu.memory_space<hbm>> -> memref<10240x128xf32, #tpu.memory_space<hbm>>
          tpu.enqueue_indirect_dma source(%dma_start3A_93 : memref<10240x128xf32, #tpu.memory_space<hbm>>) target(%arg8 : memref<128x128xf32, #tpu.memory_space<vmem>>) offsets(%dma_start3A_90 : memref<128xi32, #tpu.memory_space<vmem>>) semaphore(%arg11 : memref<!tpu.dma_semaphore, #tpu.memory_space<semaphore_mem>>)
        } else {
        }
        %add3A_76 = arith.constant 1 : i32
        %add3A_77 = arith.addi %mul3A_56, %add3A_76 : i32
        %dma_wait3A_78 = arith.constant 0 : i32
        %dma_wait3A_79 = tpu.memref_slice %arg6[%add3A_77, %dma_wait3A_78] : memref<16x128xi32, #tpu.memory_space<vmem>> -> memref<1x128xi32, #tpu.memory_space<vmem>>
        %dma_wait3A_80 = tpu.memref_squeeze %dma_wait3A_79 : memref<1x128xi32, #tpu.memory_space<vmem>> -> memref<128xi32, #tpu.memory_space<vmem>>
        %dma_wait3A_81 = arith.constant 0 : i32
        %dma_wait3A_82 = arith.constant 0 : i32
        %dma_wait3A_83 = tpu.memref_slice %arg2[%dma_wait3A_81, %dma_wait3A_82] : memref<10240x128xf32, #tpu.memory_space<hbm>> -> memref<10240x128xf32, #tpu.memory_space<hbm>>
        tpu.wait_indirect_dma semaphore(%arg12 : memref<!tpu.dma_semaphore, #tpu.memory_space<semaphore_mem>>) src(%dma_wait3A_83 : memref<10240x128xf32, #tpu.memory_space<hbm>>) dst(%arg9 : memref<128x128xf32, #tpu.memory_space<vmem>>)
        %add3A_84 = arith.constant 1 : i32
        %add3A_85 = arith.addi %mul3A_56, %add3A_84 : i32
        "tpu.region"() ({
          %run_scoped3A = tpu.sem_alloc : memref<!tpu.dma_semaphore, #tpu.memory_space<semaphore_mem>>
          %dma_start3A_86 = arith.constant 0 : i32
          %dma_start3A_87 = tpu.memref_slice %arg7[%add3A_85, %dma_start3A_86] : memref<16x128xi32, #tpu.memory_space<vmem>> -> memref<1x128xi32, #tpu.memory_space<vmem>>
          %dma_start3A_88 = tpu.memref_squeeze %dma_start3A_87 : memref<1x128xi32, #tpu.memory_space<vmem>> -> memref<128xi32, #tpu.memory_space<vmem>>
          %dma_start3A_89 = arith.constant 0 : i32
          %dma_start3A_90 = arith.constant 0 : i32
          %dma_start3A_91 = tpu.memref_slice %arg10[%dma_start3A_89, %dma_start3A_90] : memref<10240x128xf32, #tpu.memory_space<vmem_shared>> -> memref<10240x128xf32, #tpu.memory_space<vmem_shared>>
          tpu.enqueue_indirect_dma source(%arg9 : memref<128x128xf32, #tpu.memory_space<vmem>>) target(%dma_start3A_91 : memref<10240x128xf32, #tpu.memory_space<vmem_shared>>) offsets(%dma_start3A_88 : memref<128xi32, #tpu.memory_space<vmem>>) semaphore(%run_scoped3A : memref<!tpu.dma_semaphore, #tpu.memory_space<semaphore_mem>>) {add = true}
          %dma_wait3A_92 = arith.constant 0 : i32
          %dma_wait3A_93 = tpu.memref_slice %arg7[%add3A_85, %dma_wait3A_92] : memref<16x128xi32, #tpu.memory_space<vmem>> -> memref<1x128xi32, #tpu.memory_space<vmem>>
          %dma_wait3A_94 = tpu.memref_squeeze %dma_wait3A_93 : memref<1x128xi32, #tpu.memory_space<vmem>> -> memref<128xi32, #tpu.memory_space<vmem>>
          %dma_wait3A_95 = arith.constant 0 : i32
          %dma_wait3A_96 = arith.constant 0 : i32
          %dma_wait3A_97 = tpu.memref_slice %arg10[%dma_wait3A_95, %dma_wait3A_96] : memref<10240x128xf32, #tpu.memory_space<vmem_shared>> -> memref<10240x128xf32, #tpu.memory_space<vmem_shared>>
          tpu.wait_indirect_dma semaphore(%run_scoped3A : memref<!tpu.dma_semaphore, #tpu.memory_space<semaphore_mem>>) src(%arg9 : memref<128x128xf32, #tpu.memory_space<vmem>>) dst(%dma_wait3A_97 : memref<10240x128xf32, #tpu.memory_space<vmem_shared>>)
          tpu.yield
        }) : () -> ()
      }
      %scan3A_53 = arith.constant 8 : i32
    }
    %barrier3A_34 = arith.constant 0 : index
    tpu.barrier barrier_id(%barrier3A_34)
    %eq3A_35 = arith.constant 0 : i32
    %eq3A_36 = arith.cmpi eq, %arg0, %eq3A_35 : i32
    %convert_element_type3A_37 = arith.extui %eq3A_36 : i1 to i32
    %cond3A_38 = arith.constant 0 : i32
    %cond3A_39 = arith.cmpi ne, %convert_element_type3A_37, %cond3A_38 : i32
    scf.if %cond3A_39 {
      %mul3A_40 = arith.constant 640 : i32
      %mul3A_41 = arith.muli %arg1, %mul3A_40 : i32
      %mul3A_42 = arith.constant 640 : i32
      %mul3A_43 = arith.muli %arg1, %mul3A_42 : i32
      "tpu.region"() ({
        %run_scoped3A = tpu.sem_alloc : memref<!tpu.dma_semaphore, #tpu.memory_space<semaphore_mem>>
        %dma_start3A = arith.constant 0 : i32
        %dma_start3A_44 = tpu.memref_slice %arg5[%mul3A_43, %dma_start3A] : memref<10240x128xf32, #tpu.memory_space<hbm>> -> memref<640x128xf32, #tpu.memory_space<hbm>>
        %dma_start3A_45 = arith.constant 0 : i32
        %dma_start3A_46 = tpu.memref_slice %arg10[%mul3A_41, %dma_start3A_45] : memref<10240x128xf32, #tpu.memory_space<vmem_shared>> -> memref<640x128xf32, #tpu.memory_space<vmem_shared>>
        tpu.enqueue_dma source(%dma_start3A_46 : memref<640x128xf32, #tpu.memory_space<vmem_shared>>) target(%dma_start3A_44 : memref<640x128xf32, #tpu.memory_space<hbm>>) target_semaphore(%run_scoped3A : memref<!tpu.dma_semaphore, #tpu.memory_space<semaphore_mem>>)
        %dma_wait3A = arith.constant 0 : i32
        %dma_wait3A_47 = tpu.memref_slice %arg5[%mul3A_43, %dma_wait3A] : memref<10240x128xf32, #tpu.memory_space<hbm>> -> memref<640x128xf32, #tpu.memory_space<hbm>>
        %dma_wait3A_48 = arith.constant 0 : i32
        %dma_wait3A_49 = tpu.memref_slice %arg10[%mul3A_41, %dma_wait3A_48] : memref<10240x128xf32, #tpu.memory_space<vmem_shared>> -> memref<640x128xf32, #tpu.memory_space<vmem_shared>>
        tpu.wait_dma2 semaphore(%run_scoped3A : memref<!tpu.dma_semaphore, #tpu.memory_space<semaphore_mem>>) src(%dma_wait3A_49 : memref<640x128xf32, #tpu.memory_space<vmem_shared>>) dst(%dma_wait3A_47 : memref<640x128xf32, #tpu.memory_space<hbm>>)
        tpu.yield
      }) : () -> ()
    } else {
    }
    return
  }
}

#map = affine_map<(d0, d1) -> (0, 0)>
module attributes {stable_mosaic.version = 14 : i64} {
  func.func @_sc_scatter_body(%arg0: i32, %arg1: i32, %arg2: memref<10240x128xf32, #tpu.memory_space<hbm>>, %arg3: memref<2560x128xi32, #tpu.memory_space<hbm>>, %arg4: memref<2560x128xi32, #tpu.memory_space<hbm>>, %arg5: memref<10240x128xf32, #tpu.memory_space<hbm>>, %arg6: memref<16x128xi32, #tpu.memory_space<vmem>>, %arg7: memref<16x128xi32, #tpu.memory_space<vmem>>, %arg8: memref<128x128xf32, #tpu.memory_space<vmem>>, %arg9: memref<128x128xf32, #tpu.memory_space<vmem>>, %arg10: memref<10240x128xf32, #tpu.memory_space<vmem_shared>>, %arg11: memref<!tpu.dma_semaphore, #tpu.memory_space<semaphore_mem>>, %arg12: memref<!tpu.dma_semaphore, #tpu.memory_space<semaphore_mem>>) attributes {dimension_semantics = [#tpu.dimension_semantics<core_parallel>, #tpu.dimension_semantics<subcore_parallel>], iteration_bounds = array<i64: 2, 16>, scalar_prefetch = 0 : i64, scratch_operands = 7 : i64, tpu.core_type = #tpu.core_type<sc_vector_subcore>, window_params = [{transform_indices = #map}, {transform_indices = #map}, {transform_indices = #map}, {transform_indices = #map}]} {
    %broadcast_in_dim3A = arith.constant 0.000000e+00 : f32
    %broadcast_in_dim3A_0 = vector.broadcast %broadcast_in_dim3A : f32 to vector<16xf32>
    %eq3A = arith.constant 0 : i32
    %eq3A_1 = arith.cmpi eq, %arg0, %eq3A : i32
    %convert_element_type3A = arith.extui %eq3A_1 : i1 to i32
    %cond3A = arith.constant 0 : i32
    %cond3A_2 = arith.cmpi ne, %convert_element_type3A, %cond3A : i32
    scf.if %cond3A_2 {
      %scan3A = arith.constant 0 : i32
      %scan3A_40 = arith.constant 0 : i32
      %scan3A_41 = arith.constant 128 : i32
      %scan3A_42 = arith.addi %scan3A_40, %scan3A_41 : i32
      %scan3A_43 = arith.constant 1 : i32
      scf.for %scan3A_64 = %scan3A_40 to %scan3A_42 step %scan3A_43  : i32 {
        %swap3A = arith.index_cast %scan3A_64 : i32 to index
        %swap3A_65 = arith.constant 0 : index
        %swap3A_66 = tpu.vector_load %arg8[%swap3A, %swap3A_65] {strides = array<i32>} : memref<128x128xf32, #tpu.memory_space<vmem>>, vector<1x16xf32>,
        %swap3A_67 = vector.shape_cast %swap3A_66 : vector<1x16xf32> to vector<16xf32>
        %swap3A_68 = vector.shape_cast %broadcast_in_dim3A_0 : vector<16xf32> to vector<1x16xf32>
        tpu.vector_store %arg8[%swap3A, %swap3A_65], %swap3A_68 {strides = array<i32>} : memref<128x128xf32, #tpu.memory_space<vmem>>, vector<1x16xf32>,
        %swap3A_69 = arith.index_cast %scan3A_64 : i32 to index
        %swap3A_70 = arith.constant 16 : index
        %swap3A_71 = tpu.vector_load %arg8[%swap3A_69, %swap3A_70] {strides = array<i32>} : memref<128x128xf32, #tpu.memory_space<vmem>>, vector<1x16xf32>,
        %swap3A_72 = vector.shape_cast %swap3A_71 : vector<1x16xf32> to vector<16xf32>
        %swap3A_73 = vector.shape_cast %broadcast_in_dim3A_0 : vector<16xf32> to vector<1x16xf32>
        tpu.vector_store %arg8[%swap3A_69, %swap3A_70], %swap3A_73 {strides = array<i32>} : memref<128x128xf32, #tpu.memory_space<vmem>>, vector<1x16xf32>,
        %swap3A_74 = arith.index_cast %scan3A_64 : i32 to index
        %swap3A_75 = arith.constant 32 : index
        %swap3A_76 = tpu.vector_load %arg8[%swap3A_74, %swap3A_75] {strides = array<i32>} : memref<128x128xf32, #tpu.memory_space<vmem>>, vector<1x16xf32>,
        %swap3A_77 = vector.shape_cast %swap3A_76 : vector<1x16xf32> to vector<16xf32>
        %swap3A_78 = vector.shape_cast %broadcast_in_dim3A_0 : vector<16xf32> to vector<1x16xf32>
        tpu.vector_store %arg8[%swap3A_74, %swap3A_75], %swap3A_78 {strides = array<i32>} : memref<128x128xf32, #tpu.memory_space<vmem>>, vector<1x16xf32>,
        %swap3A_79 = arith.index_cast %scan3A_64 : i32 to index
        %swap3A_80 = arith.constant 48 : index
        %swap3A_81 = tpu.vector_load %arg8[%swap3A_79, %swap3A_80] {strides = array<i32>} : memref<128x128xf32, #tpu.memory_space<vmem>>, vector<1x16xf32>,
        %swap3A_82 = vector.shape_cast %swap3A_81 : vector<1x16xf32> to vector<16xf32>
        %swap3A_83 = vector.shape_cast %broadcast_in_dim3A_0 : vector<16xf32> to vector<1x16xf32>
        tpu.vector_store %arg8[%swap3A_79, %swap3A_80], %swap3A_83 {strides = array<i32>} : memref<128x128xf32, #tpu.memory_space<vmem>>, vector<1x16xf32>,
        %swap3A_84 = arith.index_cast %scan3A_64 : i32 to index
        %swap3A_85 = arith.constant 64 : index
        %swap3A_86 = tpu.vector_load %arg8[%swap3A_84, %swap3A_85] {strides = array<i32>} : memref<128x128xf32, #tpu.memory_space<vmem>>, vector<1x16xf32>,
        %swap3A_87 = vector.shape_cast %swap3A_86 : vector<1x16xf32> to vector<16xf32>
        %swap3A_88 = vector.shape_cast %broadcast_in_dim3A_0 : vector<16xf32> to vector<1x16xf32>
        tpu.vector_store %arg8[%swap3A_84, %swap3A_85], %swap3A_88 {strides = array<i32>} : memref<128x128xf32, #tpu.memory_space<vmem>>, vector<1x16xf32>,
        %swap3A_89 = arith.index_cast %scan3A_64 : i32 to index
        %swap3A_90 = arith.constant 80 : index
        %swap3A_91 = tpu.vector_load %arg8[%swap3A_89, %swap3A_90] {strides = array<i32>} : memref<128x128xf32, #tpu.memory_space<vmem>>, vector<1x16xf32>,
        %swap3A_92 = vector.shape_cast %swap3A_91 : vector<1x16xf32> to vector<16xf32>
        %swap3A_93 = vector.shape_cast %broadcast_in_dim3A_0 : vector<16xf32> to vector<1x16xf32>
        tpu.vector_store %arg8[%swap3A_89, %swap3A_90], %swap3A_93 {strides = array<i32>} : memref<128x128xf32, #tpu.memory_space<vmem>>, vector<1x16xf32>,
        %swap3A_94 = arith.index_cast %scan3A_64 : i32 to index
        %swap3A_95 = arith.constant 96 : index
        %swap3A_96 = tpu.vector_load %arg8[%swap3A_94, %swap3A_95] {strides = array<i32>} : memref<128x128xf32, #tpu.memory_space<vmem>>, vector<1x16xf32>,
        %swap3A_97 = vector.shape_cast %swap3A_96 : vector<1x16xf32> to vector<16xf32>
        %swap3A_98 = vector.shape_cast %broadcast_in_dim3A_0 : vector<16xf32> to vector<1x16xf32>
        tpu.vector_store %arg8[%swap3A_94, %swap3A_95], %swap3A_98 {strides = array<i32>} : memref<128x128xf32, #tpu.memory_space<vmem>>, vector<1x16xf32>,
        %swap3A_99 = arith.index_cast %scan3A_64 : i32 to index
        %swap3A_100 = arith.constant 112 : index
        %swap3A_101 = tpu.vector_load %arg8[%swap3A_99, %swap3A_100] {strides = array<i32>} : memref<128x128xf32, #tpu.memory_space<vmem>>, vector<1x16xf32>,
        %swap3A_102 = vector.shape_cast %swap3A_101 : vector<1x16xf32> to vector<16xf32>
        %swap3A_103 = vector.shape_cast %broadcast_in_dim3A_0 : vector<16xf32> to vector<1x16xf32>
        tpu.vector_store %arg8[%swap3A_99, %swap3A_100], %swap3A_103 {strides = array<i32>} : memref<128x128xf32, #tpu.memory_space<vmem>>, vector<1x16xf32>,
      }
      %scan3A_44 = arith.constant 128 : i32
      %mul3A_45 = arith.constant 640 : i32
      %mul3A_46 = arith.muli %arg1, %mul3A_45 : i32
      %add3A = arith.constant 0 : i32
      %add3A_47 = arith.addi %mul3A_46, %add3A : i32
      "tpu.region"() ({
        %run_scoped3A = tpu.sem_alloc : memref<!tpu.dma_semaphore, #tpu.memory_space<semaphore_mem>>
        %dma_start3A = arith.constant 0 : i32
        %dma_start3A_64 = tpu.memref_slice %arg10[%add3A_47, %dma_start3A] : memref<10240x128xf32, #tpu.memory_space<vmem_shared>> -> memref<128x128xf32, #tpu.memory_space<vmem_shared>>
        %dma_start3A_65 = arith.constant 0 : i32
        %dma_start3A_66 = tpu.memref_slice %arg10[%add3A_47, %dma_start3A_65] : memref<10240x128xf32, #tpu.memory_space<vmem_shared>> -> memref<128x128xf32, #tpu.memory_space<vmem_shared>>
        tpu.enqueue_dma source(%arg8 : memref<128x128xf32, #tpu.memory_space<vmem>>) target(%dma_start3A_66 : memref<128x128xf32, #tpu.memory_space<vmem_shared>>) target_semaphore(%run_scoped3A : memref<!tpu.dma_semaphore, #tpu.memory_space<semaphore_mem>>)
        %dma_wait3A = arith.constant 0 : i32
        %dma_wait3A_67 = tpu.memref_slice %arg10[%add3A_47, %dma_wait3A] : memref<10240x128xf32, #tpu.memory_space<vmem_shared>> -> memref<128x128xf32, #tpu.memory_space<vmem_shared>>
        %dma_wait3A_68 = arith.constant 0 : i32
        %dma_wait3A_69 = tpu.memref_slice %arg10[%add3A_47, %dma_wait3A_68] : memref<10240x128xf32, #tpu.memory_space<vmem_shared>> -> memref<128x128xf32, #tpu.memory_space<vmem_shared>>
        tpu.wait_dma2 semaphore(%run_scoped3A : memref<!tpu.dma_semaphore, #tpu.memory_space<semaphore_mem>>) src(%arg8 : memref<128x128xf32, #tpu.memory_space<vmem>>) dst(%dma_wait3A_69 : memref<128x128xf32, #tpu.memory_space<vmem_shared>>)
        tpu.yield
      }) : () -> ()
      %mul3A_48 = arith.constant 640 : i32
      %mul3A_49 = arith.muli %arg1, %mul3A_48 : i32
      %add3A_50 = arith.constant 128 : i32
      %add3A_51 = arith.addi %mul3A_49, %add3A_50 : i32
      "tpu.region"() ({
        %run_scoped3A = tpu.sem_alloc : memref<!tpu.dma_semaphore, #tpu.memory_space<semaphore_mem>>
        %dma_start3A = arith.constant 0 : i32
        %dma_start3A_64 = tpu.memref_slice %arg10[%add3A_51, %dma_start3A] : memref<10240x128xf32, #tpu.memory_space<vmem_shared>> -> memref<128x128xf32, #tpu.memory_space<vmem_shared>>
        %dma_start3A_65 = arith.constant 0 : i32
        %dma_start3A_66 = tpu.memref_slice %arg10[%add3A_51, %dma_start3A_65] : memref<10240x128xf32, #tpu.memory_space<vmem_shared>> -> memref<128x128xf32, #tpu.memory_space<vmem_shared>>
        tpu.enqueue_dma source(%arg8 : memref<128x128xf32, #tpu.memory_space<vmem>>) target(%dma_start3A_66 : memref<128x128xf32, #tpu.memory_space<vmem_shared>>) target_semaphore(%run_scoped3A : memref<!tpu.dma_semaphore, #tpu.memory_space<semaphore_mem>>)
        %dma_wait3A = arith.constant 0 : i32
        %dma_wait3A_67 = tpu.memref_slice %arg10[%add3A_51, %dma_wait3A] : memref<10240x128xf32, #tpu.memory_space<vmem_shared>> -> memref<128x128xf32, #tpu.memory_space<vmem_shared>>
        %dma_wait3A_68 = arith.constant 0 : i32
        %dma_wait3A_69 = tpu.memref_slice %arg10[%add3A_51, %dma_wait3A_68] : memref<10240x128xf32, #tpu.memory_space<vmem_shared>> -> memref<128x128xf32, #tpu.memory_space<vmem_shared>>
        tpu.wait_dma2 semaphore(%run_scoped3A : memref<!tpu.dma_semaphore, #tpu.memory_space<semaphore_mem>>) src(%arg8 : memref<128x128xf32, #tpu.memory_space<vmem>>) dst(%dma_wait3A_69 : memref<128x128xf32, #tpu.memory_space<vmem_shared>>)
        tpu.yield
      }) : () -> ()
      %mul3A_52 = arith.constant 640 : i32
      %mul3A_53 = arith.muli %arg1, %mul3A_52 : i32
      %add3A_54 = arith.constant 256 : i32
      %add3A_55 = arith.addi %mul3A_53, %add3A_54 : i32
      "tpu.region"() ({
        %run_scoped3A = tpu.sem_alloc : memref<!tpu.dma_semaphore, #tpu.memory_space<semaphore_mem>>
        %dma_start3A = arith.constant 0 : i32
        %dma_start3A_64 = tpu.memref_slice %arg10[%add3A_55, %dma_start3A] : memref<10240x128xf32, #tpu.memory_space<vmem_shared>> -> memref<128x128xf32, #tpu.memory_space<vmem_shared>>
        %dma_start3A_65 = arith.constant 0 : i32
        %dma_start3A_66 = tpu.memref_slice %arg10[%add3A_55, %dma_start3A_65] : memref<10240x128xf32, #tpu.memory_space<vmem_shared>> -> memref<128x128xf32, #tpu.memory_space<vmem_shared>>
        tpu.enqueue_dma source(%arg8 : memref<128x128xf32, #tpu.memory_space<vmem>>) target(%dma_start3A_66 : memref<128x128xf32, #tpu.memory_space<vmem_shared>>) target_semaphore(%run_scoped3A : memref<!tpu.dma_semaphore, #tpu.memory_space<semaphore_mem>>)
        %dma_wait3A = arith.constant 0 : i32
        %dma_wait3A_67 = tpu.memref_slice %arg10[%add3A_55, %dma_wait3A] : memref<10240x128xf32, #tpu.memory_space<vmem_shared>> -> memref<128x128xf32, #tpu.memory_space<vmem_shared>>
        %dma_wait3A_68 = arith.constant 0 : i32
        %dma_wait3A_69 = tpu.memref_slice %arg10[%add3A_55, %dma_wait3A_68] : memref<10240x128xf32, #tpu.memory_space<vmem_shared>> -> memref<128x128xf32, #tpu.memory_space<vmem_shared>>
        tpu.wait_dma2 semaphore(%run_scoped3A : memref<!tpu.dma_semaphore, #tpu.memory_space<semaphore_mem>>) src(%arg8 : memref<128x128xf32, #tpu.memory_space<vmem>>) dst(%dma_wait3A_69 : memref<128x128xf32, #tpu.memory_space<vmem_shared>>)
        tpu.yield
      }) : () -> ()
      %mul3A_56 = arith.constant 640 : i32
      %mul3A_57 = arith.muli %arg1, %mul3A_56 : i32
      %add3A_58 = arith.constant 384 : i32
      %add3A_59 = arith.addi %mul3A_57, %add3A_58 : i32
      "tpu.region"() ({
        %run_scoped3A = tpu.sem_alloc : memref<!tpu.dma_semaphore, #tpu.memory_space<semaphore_mem>>
        %dma_start3A = arith.constant 0 : i32
        %dma_start3A_64 = tpu.memref_slice %arg10[%add3A_59, %dma_start3A] : memref<10240x128xf32, #tpu.memory_space<vmem_shared>> -> memref<128x128xf32, #tpu.memory_space<vmem_shared>>
        %dma_start3A_65 = arith.constant 0 : i32
        %dma_start3A_66 = tpu.memref_slice %arg10[%add3A_59, %dma_start3A_65] : memref<10240x128xf32, #tpu.memory_space<vmem_shared>> -> memref<128x128xf32, #tpu.memory_space<vmem_shared>>
        tpu.enqueue_dma source(%arg8 : memref<128x128xf32, #tpu.memory_space<vmem>>) target(%dma_start3A_66 : memref<128x128xf32, #tpu.memory_space<vmem_shared>>) target_semaphore(%run_scoped3A : memref<!tpu.dma_semaphore, #tpu.memory_space<semaphore_mem>>)
        %dma_wait3A = arith.constant 0 : i32
        %dma_wait3A_67 = tpu.memref_slice %arg10[%add3A_59, %dma_wait3A] : memref<10240x128xf32, #tpu.memory_space<vmem_shared>> -> memref<128x128xf32, #tpu.memory_space<vmem_shared>>
        %dma_wait3A_68 = arith.constant 0 : i32
        %dma_wait3A_69 = tpu.memref_slice %arg10[%add3A_59, %dma_wait3A_68] : memref<10240x128xf32, #tpu.memory_space<vmem_shared>> -> memref<128x128xf32, #tpu.memory_space<vmem_shared>>
        tpu.wait_dma2 semaphore(%run_scoped3A : memref<!tpu.dma_semaphore, #tpu.memory_space<semaphore_mem>>) src(%arg8 : memref<128x128xf32, #tpu.memory_space<vmem>>) dst(%dma_wait3A_69 : memref<128x128xf32, #tpu.memory_space<vmem_shared>>)
        tpu.yield
      }) : () -> ()
      %mul3A_60 = arith.constant 640 : i32
      %mul3A_61 = arith.muli %arg1, %mul3A_60 : i32
      %add3A_62 = arith.constant 512 : i32
      %add3A_63 = arith.addi %mul3A_61, %add3A_62 : i32
      "tpu.region"() ({
        %run_scoped3A = tpu.sem_alloc : memref<!tpu.dma_semaphore, #tpu.memory_space<semaphore_mem>>
        %dma_start3A = arith.constant 0 : i32
        %dma_start3A_64 = tpu.memref_slice %arg10[%add3A_63, %dma_start3A] : memref<10240x128xf32, #tpu.memory_space<vmem_shared>> -> memref<128x128xf32, #tpu.memory_space<vmem_shared>>
        %dma_start3A_65 = arith.constant 0 : i32
        %dma_start3A_66 = tpu.memref_slice %arg10[%add3A_63, %dma_start3A_65] : memref<10240x128xf32, #tpu.memory_space<vmem_shared>> -> memref<128x128xf32, #tpu.memory_space<vmem_shared>>
        tpu.enqueue_dma source(%arg8 : memref<128x128xf32, #tpu.memory_space<vmem>>) target(%dma_start3A_66 : memref<128x128xf32, #tpu.memory_space<vmem_shared>>) target_semaphore(%run_scoped3A : memref<!tpu.dma_semaphore, #tpu.memory_space<semaphore_mem>>)
        %dma_wait3A = arith.constant 0 : i32
        %dma_wait3A_67 = tpu.memref_slice %arg10[%add3A_63, %dma_wait3A] : memref<10240x128xf32, #tpu.memory_space<vmem_shared>> -> memref<128x128xf32, #tpu.memory_space<vmem_shared>>
        %dma_wait3A_68 = arith.constant 0 : i32
        %dma_wait3A_69 = tpu.memref_slice %arg10[%add3A_63, %dma_wait3A_68] : memref<10240x128xf32, #tpu.memory_space<vmem_shared>> -> memref<128x128xf32, #tpu.memory_space<vmem_shared>>
        tpu.wait_dma2 semaphore(%run_scoped3A : memref<!tpu.dma_semaphore, #tpu.memory_space<semaphore_mem>>) src(%arg8 : memref<128x128xf32, #tpu.memory_space<vmem>>) dst(%dma_wait3A_69 : memref<128x128xf32, #tpu.memory_space<vmem_shared>>)
        tpu.yield
      }) : () -> ()
    } else {
    }
    %barrier3A = arith.constant 0 : index
    tpu.barrier barrier_id(%barrier3A)
    %eq3A_3 = arith.constant 0 : i32
    %eq3A_4 = arith.cmpi eq, %arg0, %eq3A_3 : i32
    %jit3A = arith.constant 160 : i32
    %jit3A_5 = arith.constant 0 : i32
    %select_n3A = arith.select %eq3A_4, %jit3A, %jit3A_5 : i32
    %mul3A = arith.constant 160 : i32
    %mul3A_6 = arith.muli %arg1, %mul3A : i32
    %jit3A_7 = arith.constant 16 : i32
    %div3A = arith.divsi %select_n3A, %jit3A_7 : i32
    %sign3A = arith.constant 0 : i32
    %sign3A_8 = arith.cmpi sgt, %select_n3A, %sign3A : i32
    %sign3A_9 = arith.extui %sign3A_8 : i1 to i32
    %sign3A_10 = arith.constant 0 : i32
    %sign3A_11 = arith.cmpi slt, %select_n3A, %sign3A_10 : i32
    %sign3A_12 = arith.extui %sign3A_11 : i1 to i32
    %sign3A_13 = arith.subi %sign3A_9, %sign3A_12 : i32
    %sign3A_14 = arith.constant 0 : i32
    %sign3A_15 = arith.cmpi sgt, %jit3A_7, %sign3A_14 : i32
    %sign3A_16 = arith.extui %sign3A_15 : i1 to i32
    %sign3A_17 = arith.constant 0 : i32
    %sign3A_18 = arith.cmpi slt, %jit3A_7, %sign3A_17 : i32
    %sign3A_19 = arith.extui %sign3A_18 : i1 to i32
    %sign3A_20 = arith.subi %sign3A_16, %sign3A_19 : i32
    %ne3A = arith.cmpi ne, %sign3A_13, %sign3A_20 : i32
    %rem3A = arith.remsi %select_n3A, %jit3A_7 : i32
    %ne3A_21 = arith.constant 0 : i32
    %ne3A_22 = arith.cmpi ne, %rem3A, %ne3A_21 : i32
    %and3A = arith.andi %ne3A, %ne3A_22 : i1
    %sub3A = arith.constant 1 : i32
    %sub3A_23 = arith.subi %div3A, %sub3A : i32
    %select_n3A_24 = arith.select %and3A, %sub3A_23, %div3A : i32
    %while3A = arith.constant 0 : i32
    %while3A_25 = arith.constant 0 : i32
    %while3A_26 = arith.subi %select_n3A_24, %while3A_25 : i32
    %while3A_27 = arith.addi %while3A_25, %while3A_26 : i32
    %while3A_28 = arith.constant 1 : i32
    %while3A_29 = arith.divsi %while3A_26, %while3A_28 : i32
    %while3A_30 = arith.muli %while3A_29, %while3A_28 : i32
    %while3A_31 = arith.addi %while3A_25, %while3A_30 : i32
    %while3A_32 = arith.constant 1 : i32
    scf.for %while3A_40 = %while3A_25 to %while3A_31 step %while3A_32  : i32 {
      %mul3A_41 = arith.constant 16 : i32
      %mul3A_42 = arith.muli %while3A_40, %mul3A_41 : i32
      %add3A = arith.addi %mul3A_6, %mul3A_42 : i32
      "tpu.region"() ({
        %run_scoped3A = tpu.sem_alloc : memref<!tpu.dma_semaphore, #tpu.memory_space<semaphore_mem>>
        %dma_start3A_54 = arith.constant 0 : i32
        %dma_start3A_55 = tpu.memref_slice %arg3[%add3A, %dma_start3A_54] : memref<2560x128xi32, #tpu.memory_space<hbm>> -> memref<16x128xi32, #tpu.memory_space<hbm>>
        %dma_start3A_56 = arith.constant 0 : i32
        %dma_start3A_57 = tpu.memref_slice %arg3[%add3A, %dma_start3A_56] : memref<2560x128xi32, #tpu.memory_space<hbm>> -> memref<16x128xi32, #tpu.memory_space<hbm>>
        tpu.enqueue_dma source(%dma_start3A_57 : memref<16x128xi32, #tpu.memory_space<hbm>>) target(%arg6 : memref<16x128xi32, #tpu.memory_space<vmem>>) target_semaphore(%run_scoped3A : memref<!tpu.dma_semaphore, #tpu.memory_space<semaphore_mem>>)
        %dma_wait3A = arith.constant 0 : i32
        %dma_wait3A_58 = tpu.memref_slice %arg3[%add3A, %dma_wait3A] : memref<2560x128xi32, #tpu.memory_space<hbm>> -> memref<16x128xi32, #tpu.memory_space<hbm>>
        %dma_wait3A_59 = arith.constant 0 : i32
        %dma_wait3A_60 = tpu.memref_slice %arg3[%add3A, %dma_wait3A_59] : memref<2560x128xi32, #tpu.memory_space<hbm>> -> memref<16x128xi32, #tpu.memory_space<hbm>>
        tpu.wait_dma2 semaphore(%run_scoped3A : memref<!tpu.dma_semaphore, #tpu.memory_space<semaphore_mem>>) src(%dma_wait3A_60 : memref<16x128xi32, #tpu.memory_space<hbm>>) dst(%arg6 : memref<16x128xi32, #tpu.memory_space<vmem>>)
        tpu.yield
      }) : () -> ()
      "tpu.region"() ({
        %run_scoped3A = tpu.sem_alloc : memref<!tpu.dma_semaphore, #tpu.memory_space<semaphore_mem>>
        %dma_start3A_54 = arith.constant 0 : i32
        %dma_start3A_55 = tpu.memref_slice %arg4[%add3A, %dma_start3A_54] : memref<2560x128xi32, #tpu.memory_space<hbm>> -> memref<16x128xi32, #tpu.memory_space<hbm>>
        %dma_start3A_56 = arith.constant 0 : i32
        %dma_start3A_57 = tpu.memref_slice %arg4[%add3A, %dma_start3A_56] : memref<2560x128xi32, #tpu.memory_space<hbm>> -> memref<16x128xi32, #tpu.memory_space<hbm>>
        tpu.enqueue_dma source(%dma_start3A_57 : memref<16x128xi32, #tpu.memory_space<hbm>>) target(%arg7 : memref<16x128xi32, #tpu.memory_space<vmem>>) target_semaphore(%run_scoped3A : memref<!tpu.dma_semaphore, #tpu.memory_space<semaphore_mem>>)
        %dma_wait3A = arith.constant 0 : i32
        %dma_wait3A_58 = tpu.memref_slice %arg4[%add3A, %dma_wait3A] : memref<2560x128xi32, #tpu.memory_space<hbm>> -> memref<16x128xi32, #tpu.memory_space<hbm>>
        %dma_wait3A_59 = arith.constant 0 : i32
        %dma_wait3A_60 = tpu.memref_slice %arg4[%add3A, %dma_wait3A_59] : memref<2560x128xi32, #tpu.memory_space<hbm>> -> memref<16x128xi32, #tpu.memory_space<hbm>>
        tpu.wait_dma2 semaphore(%run_scoped3A : memref<!tpu.dma_semaphore, #tpu.memory_space<semaphore_mem>>) src(%dma_wait3A_60 : memref<16x128xi32, #tpu.memory_space<hbm>>) dst(%arg7 : memref<16x128xi32, #tpu.memory_space<vmem>>)
        tpu.yield
      }) : () -> ()
      %dma_start3A = arith.constant 0 : i32
      %dma_start3A_43 = arith.constant 0 : i32
      %dma_start3A_44 = tpu.memref_slice %arg6[%dma_start3A, %dma_start3A_43] : memref<16x128xi32, #tpu.memory_space<vmem>> -> memref<1x128xi32, #tpu.memory_space<vmem>>
      %dma_start3A_45 = tpu.memref_squeeze %dma_start3A_44 : memref<1x128xi32, #tpu.memory_space<vmem>> -> memref<128xi32, #tpu.memory_space<vmem>>
      %dma_start3A_46 = arith.constant 0 : i32
      %dma_start3A_47 = arith.constant 0 : i32
      %dma_start3A_48 = tpu.memref_slice %arg2[%dma_start3A_46, %dma_start3A_47] : memref<10240x128xf32, #tpu.memory_space<hbm>> -> memref<10240x128xf32, #tpu.memory_space<hbm>>
      tpu.enqueue_indirect_dma source(%dma_start3A_48 : memref<10240x128xf32, #tpu.memory_space<hbm>>) target(%arg8 : memref<128x128xf32, #tpu.memory_space<vmem>>) offsets(%dma_start3A_45 : memref<128xi32, #tpu.memory_space<vmem>>) semaphore(%arg11 : memref<!tpu.dma_semaphore, #tpu.memory_space<semaphore_mem>>)
      %scan3A = arith.constant 0 : i32
      %scan3A_49 = arith.constant 0 : i32
      %scan3A_50 = arith.constant 8 : i32
      %scan3A_51 = arith.addi %scan3A_49, %scan3A_50 : i32
      %scan3A_52 = arith.constant 1 : i32
      scf.for %scan3A_54 = %scan3A_49 to %scan3A_51 step %scan3A_52  : i32 {
        %mul3A_55 = arith.constant 2 : i32
        %mul3A_56 = arith.muli %mul3A_55, %scan3A_54 : i32
        %add3A_57 = arith.constant 1 : i32
        %add3A_58 = arith.addi %mul3A_56, %add3A_57 : i32
        %dma_start3A_59 = arith.constant 0 : i32
        %dma_start3A_60 = tpu.memref_slice %arg6[%add3A_58, %dma_start3A_59] : memref<16x128xi32, #tpu.memory_space<vmem>> -> memref<1x128xi32, #tpu.memory_space<vmem>>
        %dma_start3A_61 = tpu.memref_squeeze %dma_start3A_60 : memref<1x128xi32, #tpu.memory_space<vmem>> -> memref<128xi32, #tpu.memory_space<vmem>>
        %dma_start3A_62 = arith.constant 0 : i32
        %dma_start3A_63 = arith.constant 0 : i32
        %dma_start3A_64 = tpu.memref_slice %arg2[%dma_start3A_62, %dma_start3A_63] : memref<10240x128xf32, #tpu.memory_space<hbm>> -> memref<10240x128xf32, #tpu.memory_space<hbm>>
        tpu.enqueue_indirect_dma source(%dma_start3A_64 : memref<10240x128xf32, #tpu.memory_space<hbm>>) target(%arg9 : memref<128x128xf32, #tpu.memory_space<vmem>>) offsets(%dma_start3A_61 : memref<128xi32, #tpu.memory_space<vmem>>) semaphore(%arg12 : memref<!tpu.dma_semaphore, #tpu.memory_space<semaphore_mem>>)
        %dma_wait3A = arith.constant 0 : i32
        %dma_wait3A_65 = tpu.memref_slice %arg6[%mul3A_56, %dma_wait3A] : memref<16x128xi32, #tpu.memory_space<vmem>> -> memref<1x128xi32, #tpu.memory_space<vmem>>
        %dma_wait3A_66 = tpu.memref_squeeze %dma_wait3A_65 : memref<1x128xi32, #tpu.memory_space<vmem>> -> memref<128xi32, #tpu.memory_space<vmem>>
        %dma_wait3A_67 = arith.constant 0 : i32
        %dma_wait3A_68 = arith.constant 0 : i32
        %dma_wait3A_69 = tpu.memref_slice %arg2[%dma_wait3A_67, %dma_wait3A_68] : memref<10240x128xf32, #tpu.memory_space<hbm>> -> memref<10240x128xf32, #tpu.memory_space<hbm>>
        tpu.wait_indirect_dma semaphore(%arg11 : memref<!tpu.dma_semaphore, #tpu.memory_space<semaphore_mem>>) src(%dma_wait3A_69 : memref<10240x128xf32, #tpu.memory_space<hbm>>) dst(%arg8 : memref<128x128xf32, #tpu.memory_space<vmem>>)
        "tpu.region"() ({
          %run_scoped3A = tpu.sem_alloc : memref<!tpu.dma_semaphore, #tpu.memory_space<semaphore_mem>>
          %dma_start3A_86 = arith.constant 0 : i32
          %dma_start3A_87 = tpu.memref_slice %arg7[%mul3A_56, %dma_start3A_86] : memref<16x128xi32, #tpu.memory_space<vmem>> -> memref<1x128xi32, #tpu.memory_space<vmem>>
          %dma_start3A_88 = tpu.memref_squeeze %dma_start3A_87 : memref<1x128xi32, #tpu.memory_space<vmem>> -> memref<128xi32, #tpu.memory_space<vmem>>
          %dma_start3A_89 = arith.constant 0 : i32
          %dma_start3A_90 = arith.constant 0 : i32
          %dma_start3A_91 = tpu.memref_slice %arg10[%dma_start3A_89, %dma_start3A_90] : memref<10240x128xf32, #tpu.memory_space<vmem_shared>> -> memref<10240x128xf32, #tpu.memory_space<vmem_shared>>
          tpu.enqueue_indirect_dma source(%arg8 : memref<128x128xf32, #tpu.memory_space<vmem>>) target(%dma_start3A_91 : memref<10240x128xf32, #tpu.memory_space<vmem_shared>>) offsets(%dma_start3A_88 : memref<128xi32, #tpu.memory_space<vmem>>) semaphore(%run_scoped3A : memref<!tpu.dma_semaphore, #tpu.memory_space<semaphore_mem>>) {add = true}
          %dma_wait3A_92 = arith.constant 0 : i32
          %dma_wait3A_93 = tpu.memref_slice %arg7[%mul3A_56, %dma_wait3A_92] : memref<16x128xi32, #tpu.memory_space<vmem>> -> memref<1x128xi32, #tpu.memory_space<vmem>>
          %dma_wait3A_94 = tpu.memref_squeeze %dma_wait3A_93 : memref<1x128xi32, #tpu.memory_space<vmem>> -> memref<128xi32, #tpu.memory_space<vmem>>
          %dma_wait3A_95 = arith.constant 0 : i32
          %dma_wait3A_96 = arith.constant 0 : i32
          %dma_wait3A_97 = tpu.memref_slice %arg10[%dma_wait3A_95, %dma_wait3A_96] : memref<10240x128xf32, #tpu.memory_space<vmem_shared>> -> memref<10240x128xf32, #tpu.memory_space<vmem_shared>>
          tpu.wait_indirect_dma semaphore(%run_scoped3A : memref<!tpu.dma_semaphore, #tpu.memory_space<semaphore_mem>>) src(%arg8 : memref<128x128xf32, #tpu.memory_space<vmem>>) dst(%dma_wait3A_97 : memref<10240x128xf32, #tpu.memory_space<vmem_shared>>)
          tpu.yield
        }) : () -> ()
        %add3A_70 = arith.constant 1 : i32
        %add3A_71 = arith.addi %scan3A_54, %add3A_70 : i32
        %lt3A = arith.constant 8 : i32
        %lt3A_72 = arith.cmpi slt, %add3A_71, %lt3A : i32
        %convert_element_type3A_73 = arith.extui %lt3A_72 : i1 to i32
        %cond3A_74 = arith.constant 0 : i32
        %cond3A_75 = arith.cmpi ne, %convert_element_type3A_73, %cond3A_74 : i32
        scf.if %cond3A_75 {
          %add3A_86 = arith.constant 2 : i32
          %add3A_87 = arith.addi %mul3A_56, %add3A_86 : i32
          %dma_start3A_88 = arith.constant 0 : i32
          %dma_start3A_89 = tpu.memref_slice %arg6[%add3A_87, %dma_start3A_88] : memref<16x128xi32, #tpu.memory_space<vmem>> -> memref<1x128xi32, #tpu.memory_space<vmem>>
          %dma_start3A_90 = tpu.memref_squeeze %dma_start3A_89 : memref<1x128xi32, #tpu.memory_space<vmem>> -> memref<128xi32, #tpu.memory_space<vmem>>
          %dma_start3A_91 = arith.constant 0 : i32
          %dma_start3A_92 = arith.constant 0 : i32
          %dma_start3A_93 = tpu.memref_slice %arg2[%dma_start3A_91, %dma_start3A_92] : memref<10240x128xf32, #tpu.memory_space<hbm>> -> memref<10240x128xf32, #tpu.memory_space<hbm>>
          tpu.enqueue_indirect_dma source(%dma_start3A_93 : memref<10240x128xf32, #tpu.memory_space<hbm>>) target(%arg8 : memref<128x128xf32, #tpu.memory_space<vmem>>) offsets(%dma_start3A_90 : memref<128xi32, #tpu.memory_space<vmem>>) semaphore(%arg11 : memref<!tpu.dma_semaphore, #tpu.memory_space<semaphore_mem>>)
        } else {
        }
        %add3A_76 = arith.constant 1 : i32
        %add3A_77 = arith.addi %mul3A_56, %add3A_76 : i32
        %dma_wait3A_78 = arith.constant 0 : i32
        %dma_wait3A_79 = tpu.memref_slice %arg6[%add3A_77, %dma_wait3A_78] : memref<16x128xi32, #tpu.memory_space<vmem>> -> memref<1x128xi32, #tpu.memory_space<vmem>>
        %dma_wait3A_80 = tpu.memref_squeeze %dma_wait3A_79 : memref<1x128xi32, #tpu.memory_space<vmem>> -> memref<128xi32, #tpu.memory_space<vmem>>
        %dma_wait3A_81 = arith.constant 0 : i32
        %dma_wait3A_82 = arith.constant 0 : i32
        %dma_wait3A_83 = tpu.memref_slice %arg2[%dma_wait3A_81, %dma_wait3A_82] : memref<10240x128xf32, #tpu.memory_space<hbm>> -> memref<10240x128xf32, #tpu.memory_space<hbm>>
        tpu.wait_indirect_dma semaphore(%arg12 : memref<!tpu.dma_semaphore, #tpu.memory_space<semaphore_mem>>) src(%dma_wait3A_83 : memref<10240x128xf32, #tpu.memory_space<hbm>>) dst(%arg9 : memref<128x128xf32, #tpu.memory_space<vmem>>)
        %add3A_84 = arith.constant 1 : i32
        %add3A_85 = arith.addi %mul3A_56, %add3A_84 : i32
        "tpu.region"() ({
          %run_scoped3A = tpu.sem_alloc : memref<!tpu.dma_semaphore, #tpu.memory_space<semaphore_mem>>
          %dma_start3A_86 = arith.constant 0 : i32
          %dma_start3A_87 = tpu.memref_slice %arg7[%add3A_85, %dma_start3A_86] : memref<16x128xi32, #tpu.memory_space<vmem>> -> memref<1x128xi32, #tpu.memory_space<vmem>>
          %dma_start3A_88 = tpu.memref_squeeze %dma_start3A_87 : memref<1x128xi32, #tpu.memory_space<vmem>> -> memref<128xi32, #tpu.memory_space<vmem>>
          %dma_start3A_89 = arith.constant 0 : i32
          %dma_start3A_90 = arith.constant 0 : i32
          %dma_start3A_91 = tpu.memref_slice %arg10[%dma_start3A_89, %dma_start3A_90] : memref<10240x128xf32, #tpu.memory_space<vmem_shared>> -> memref<10240x128xf32, #tpu.memory_space<vmem_shared>>
          tpu.enqueue_indirect_dma source(%arg9 : memref<128x128xf32, #tpu.memory_space<vmem>>) target(%dma_start3A_91 : memref<10240x128xf32, #tpu.memory_space<vmem_shared>>) offsets(%dma_start3A_88 : memref<128xi32, #tpu.memory_space<vmem>>) semaphore(%run_scoped3A : memref<!tpu.dma_semaphore, #tpu.memory_space<semaphore_mem>>) {add = true}
          %dma_wait3A_92 = arith.constant 0 : i32
          %dma_wait3A_93 = tpu.memref_slice %arg7[%add3A_85, %dma_wait3A_92] : memref<16x128xi32, #tpu.memory_space<vmem>> -> memref<1x128xi32, #tpu.memory_space<vmem>>
          %dma_wait3A_94 = tpu.memref_squeeze %dma_wait3A_93 : memref<1x128xi32, #tpu.memory_space<vmem>> -> memref<128xi32, #tpu.memory_space<vmem>>
          %dma_wait3A_95 = arith.constant 0 : i32
          %dma_wait3A_96 = arith.constant 0 : i32
          %dma_wait3A_97 = tpu.memref_slice %arg10[%dma_wait3A_95, %dma_wait3A_96] : memref<10240x128xf32, #tpu.memory_space<vmem_shared>> -> memref<10240x128xf32, #tpu.memory_space<vmem_shared>>
          tpu.wait_indirect_dma semaphore(%run_scoped3A : memref<!tpu.dma_semaphore, #tpu.memory_space<semaphore_mem>>) src(%arg9 : memref<128x128xf32, #tpu.memory_space<vmem>>) dst(%dma_wait3A_97 : memref<10240x128xf32, #tpu.memory_space<vmem_shared>>)
          tpu.yield
        }) : () -> ()
      }
      %scan3A_53 = arith.constant 8 : i32
    }
    %while3A_33 = arith.constant 1 : i32
    scf.for %while3A_40 = %while3A_31 to %while3A_27 step %while3A_33  : i32 {
      %mul3A_41 = arith.constant 16 : i32
      %mul3A_42 = arith.muli %while3A_40, %mul3A_41 : i32
      %add3A = arith.addi %mul3A_6, %mul3A_42 : i32
      "tpu.region"() ({
        %run_scoped3A = tpu.sem_alloc : memref<!tpu.dma_semaphore, #tpu.memory_space<semaphore_mem>>
        %dma_start3A_54 = arith.constant 0 : i32
        %dma_start3A_55 = tpu.memref_slice %arg3[%add3A, %dma_start3A_54] : memref<2560x128xi32, #tpu.memory_space<hbm>> -> memref<16x128xi32, #tpu.memory_space<hbm>>
        %dma_start3A_56 = arith.constant 0 : i32
        %dma_start3A_57 = tpu.memref_slice %arg3[%add3A, %dma_start3A_56] : memref<2560x128xi32, #tpu.memory_space<hbm>> -> memref<16x128xi32, #tpu.memory_space<hbm>>
        tpu.enqueue_dma source(%dma_start3A_57 : memref<16x128xi32, #tpu.memory_space<hbm>>) target(%arg6 : memref<16x128xi32, #tpu.memory_space<vmem>>) target_semaphore(%run_scoped3A : memref<!tpu.dma_semaphore, #tpu.memory_space<semaphore_mem>>)
        %dma_wait3A = arith.constant 0 : i32
        %dma_wait3A_58 = tpu.memref_slice %arg3[%add3A, %dma_wait3A] : memref<2560x128xi32, #tpu.memory_space<hbm>> -> memref<16x128xi32, #tpu.memory_space<hbm>>
        %dma_wait3A_59 = arith.constant 0 : i32
        %dma_wait3A_60 = tpu.memref_slice %arg3[%add3A, %dma_wait3A_59] : memref<2560x128xi32, #tpu.memory_space<hbm>> -> memref<16x128xi32, #tpu.memory_space<hbm>>
        tpu.wait_dma2 semaphore(%run_scoped3A : memref<!tpu.dma_semaphore, #tpu.memory_space<semaphore_mem>>) src(%dma_wait3A_60 : memref<16x128xi32, #tpu.memory_space<hbm>>) dst(%arg6 : memref<16x128xi32, #tpu.memory_space<vmem>>)
        tpu.yield
      }) : () -> ()
      "tpu.region"() ({
        %run_scoped3A = tpu.sem_alloc : memref<!tpu.dma_semaphore, #tpu.memory_space<semaphore_mem>>
        %dma_start3A_54 = arith.constant 0 : i32
        %dma_start3A_55 = tpu.memref_slice %arg4[%add3A, %dma_start3A_54] : memref<2560x128xi32, #tpu.memory_space<hbm>> -> memref<16x128xi32, #tpu.memory_space<hbm>>
        %dma_start3A_56 = arith.constant 0 : i32
        %dma_start3A_57 = tpu.memref_slice %arg4[%add3A, %dma_start3A_56] : memref<2560x128xi32, #tpu.memory_space<hbm>> -> memref<16x128xi32, #tpu.memory_space<hbm>>
        tpu.enqueue_dma source(%dma_start3A_57 : memref<16x128xi32, #tpu.memory_space<hbm>>) target(%arg7 : memref<16x128xi32, #tpu.memory_space<vmem>>) target_semaphore(%run_scoped3A : memref<!tpu.dma_semaphore, #tpu.memory_space<semaphore_mem>>)
        %dma_wait3A = arith.constant 0 : i32
        %dma_wait3A_58 = tpu.memref_slice %arg4[%add3A, %dma_wait3A] : memref<2560x128xi32, #tpu.memory_space<hbm>> -> memref<16x128xi32, #tpu.memory_space<hbm>>
        %dma_wait3A_59 = arith.constant 0 : i32
        %dma_wait3A_60 = tpu.memref_slice %arg4[%add3A, %dma_wait3A_59] : memref<2560x128xi32, #tpu.memory_space<hbm>> -> memref<16x128xi32, #tpu.memory_space<hbm>>
        tpu.wait_dma2 semaphore(%run_scoped3A : memref<!tpu.dma_semaphore, #tpu.memory_space<semaphore_mem>>) src(%dma_wait3A_60 : memref<16x128xi32, #tpu.memory_space<hbm>>) dst(%arg7 : memref<16x128xi32, #tpu.memory_space<vmem>>)
        tpu.yield
      }) : () -> ()
      %dma_start3A = arith.constant 0 : i32
      %dma_start3A_43 = arith.constant 0 : i32
      %dma_start3A_44 = tpu.memref_slice %arg6[%dma_start3A, %dma_start3A_43] : memref<16x128xi32, #tpu.memory_space<vmem>> -> memref<1x128xi32, #tpu.memory_space<vmem>>
      %dma_start3A_45 = tpu.memref_squeeze %dma_start3A_44 : memref<1x128xi32, #tpu.memory_space<vmem>> -> memref<128xi32, #tpu.memory_space<vmem>>
      %dma_start3A_46 = arith.constant 0 : i32
      %dma_start3A_47 = arith.constant 0 : i32
      %dma_start3A_48 = tpu.memref_slice %arg2[%dma_start3A_46, %dma_start3A_47] : memref<10240x128xf32, #tpu.memory_space<hbm>> -> memref<10240x128xf32, #tpu.memory_space<hbm>>
      tpu.enqueue_indirect_dma source(%dma_start3A_48 : memref<10240x128xf32, #tpu.memory_space<hbm>>) target(%arg8 : memref<128x128xf32, #tpu.memory_space<vmem>>) offsets(%dma_start3A_45 : memref<128xi32, #tpu.memory_space<vmem>>) semaphore(%arg11 : memref<!tpu.dma_semaphore, #tpu.memory_space<semaphore_mem>>)
      %scan3A = arith.constant 0 : i32
      %scan3A_49 = arith.constant 0 : i32
      %scan3A_50 = arith.constant 8 : i32
      %scan3A_51 = arith.addi %scan3A_49, %scan3A_50 : i32
      %scan3A_52 = arith.constant 1 : i32
      scf.for %scan3A_54 = %scan3A_49 to %scan3A_51 step %scan3A_52  : i32 {
        %mul3A_55 = arith.constant 2 : i32
        %mul3A_56 = arith.muli %mul3A_55, %scan3A_54 : i32
        %add3A_57 = arith.constant 1 : i32
        %add3A_58 = arith.addi %mul3A_56, %add3A_57 : i32
        %dma_start3A_59 = arith.constant 0 : i32
        %dma_start3A_60 = tpu.memref_slice %arg6[%add3A_58, %dma_start3A_59] : memref<16x128xi32, #tpu.memory_space<vmem>> -> memref<1x128xi32, #tpu.memory_space<vmem>>
        %dma_start3A_61 = tpu.memref_squeeze %dma_start3A_60 : memref<1x128xi32, #tpu.memory_space<vmem>> -> memref<128xi32, #tpu.memory_space<vmem>>
        %dma_start3A_62 = arith.constant 0 : i32
        %dma_start3A_63 = arith.constant 0 : i32
        %dma_start3A_64 = tpu.memref_slice %arg2[%dma_start3A_62, %dma_start3A_63] : memref<10240x128xf32, #tpu.memory_space<hbm>> -> memref<10240x128xf32, #tpu.memory_space<hbm>>
        tpu.enqueue_indirect_dma source(%dma_start3A_64 : memref<10240x128xf32, #tpu.memory_space<hbm>>) target(%arg9 : memref<128x128xf32, #tpu.memory_space<vmem>>) offsets(%dma_start3A_61 : memref<128xi32, #tpu.memory_space<vmem>>) semaphore(%arg12 : memref<!tpu.dma_semaphore, #tpu.memory_space<semaphore_mem>>)
        %dma_wait3A = arith.constant 0 : i32
        %dma_wait3A_65 = tpu.memref_slice %arg6[%mul3A_56, %dma_wait3A] : memref<16x128xi32, #tpu.memory_space<vmem>> -> memref<1x128xi32, #tpu.memory_space<vmem>>
        %dma_wait3A_66 = tpu.memref_squeeze %dma_wait3A_65 : memref<1x128xi32, #tpu.memory_space<vmem>> -> memref<128xi32, #tpu.memory_space<vmem>>
        %dma_wait3A_67 = arith.constant 0 : i32
        %dma_wait3A_68 = arith.constant 0 : i32
        %dma_wait3A_69 = tpu.memref_slice %arg2[%dma_wait3A_67, %dma_wait3A_68] : memref<10240x128xf32, #tpu.memory_space<hbm>> -> memref<10240x128xf32, #tpu.memory_space<hbm>>
        tpu.wait_indirect_dma semaphore(%arg11 : memref<!tpu.dma_semaphore, #tpu.memory_space<semaphore_mem>>) src(%dma_wait3A_69 : memref<10240x128xf32, #tpu.memory_space<hbm>>) dst(%arg8 : memref<128x128xf32, #tpu.memory_space<vmem>>)
        "tpu.region"() ({
          %run_scoped3A = tpu.sem_alloc : memref<!tpu.dma_semaphore, #tpu.memory_space<semaphore_mem>>
          %dma_start3A_86 = arith.constant 0 : i32
          %dma_start3A_87 = tpu.memref_slice %arg7[%mul3A_56, %dma_start3A_86] : memref<16x128xi32, #tpu.memory_space<vmem>> -> memref<1x128xi32, #tpu.memory_space<vmem>>
          %dma_start3A_88 = tpu.memref_squeeze %dma_start3A_87 : memref<1x128xi32, #tpu.memory_space<vmem>> -> memref<128xi32, #tpu.memory_space<vmem>>
          %dma_start3A_89 = arith.constant 0 : i32
          %dma_start3A_90 = arith.constant 0 : i32
          %dma_start3A_91 = tpu.memref_slice %arg10[%dma_start3A_89, %dma_start3A_90] : memref<10240x128xf32, #tpu.memory_space<vmem_shared>> -> memref<10240x128xf32, #tpu.memory_space<vmem_shared>>
          tpu.enqueue_indirect_dma source(%arg8 : memref<128x128xf32, #tpu.memory_space<vmem>>) target(%dma_start3A_91 : memref<10240x128xf32, #tpu.memory_space<vmem_shared>>) offsets(%dma_start3A_88 : memref<128xi32, #tpu.memory_space<vmem>>) semaphore(%run_scoped3A : memref<!tpu.dma_semaphore, #tpu.memory_space<semaphore_mem>>) {add = true}
          %dma_wait3A_92 = arith.constant 0 : i32
          %dma_wait3A_93 = tpu.memref_slice %arg7[%mul3A_56, %dma_wait3A_92] : memref<16x128xi32, #tpu.memory_space<vmem>> -> memref<1x128xi32, #tpu.memory_space<vmem>>
          %dma_wait3A_94 = tpu.memref_squeeze %dma_wait3A_93 : memref<1x128xi32, #tpu.memory_space<vmem>> -> memref<128xi32, #tpu.memory_space<vmem>>
          %dma_wait3A_95 = arith.constant 0 : i32
          %dma_wait3A_96 = arith.constant 0 : i32
          %dma_wait3A_97 = tpu.memref_slice %arg10[%dma_wait3A_95, %dma_wait3A_96] : memref<10240x128xf32, #tpu.memory_space<vmem_shared>> -> memref<10240x128xf32, #tpu.memory_space<vmem_shared>>
          tpu.wait_indirect_dma semaphore(%run_scoped3A : memref<!tpu.dma_semaphore, #tpu.memory_space<semaphore_mem>>) src(%arg8 : memref<128x128xf32, #tpu.memory_space<vmem>>) dst(%dma_wait3A_97 : memref<10240x128xf32, #tpu.memory_space<vmem_shared>>)
          tpu.yield
        }) : () -> ()
        %add3A_70 = arith.constant 1 : i32
        %add3A_71 = arith.addi %scan3A_54, %add3A_70 : i32
        %lt3A = arith.constant 8 : i32
        %lt3A_72 = arith.cmpi slt, %add3A_71, %lt3A : i32
        %convert_element_type3A_73 = arith.extui %lt3A_72 : i1 to i32
        %cond3A_74 = arith.constant 0 : i32
        %cond3A_75 = arith.cmpi ne, %convert_element_type3A_73, %cond3A_74 : i32
        scf.if %cond3A_75 {
          %add3A_86 = arith.constant 2 : i32
          %add3A_87 = arith.addi %mul3A_56, %add3A_86 : i32
          %dma_start3A_88 = arith.constant 0 : i32
          %dma_start3A_89 = tpu.memref_slice %arg6[%add3A_87, %dma_start3A_88] : memref<16x128xi32, #tpu.memory_space<vmem>> -> memref<1x128xi32, #tpu.memory_space<vmem>>
          %dma_start3A_90 = tpu.memref_squeeze %dma_start3A_89 : memref<1x128xi32, #tpu.memory_space<vmem>> -> memref<128xi32, #tpu.memory_space<vmem>>
          %dma_start3A_91 = arith.constant 0 : i32
          %dma_start3A_92 = arith.constant 0 : i32
          %dma_start3A_93 = tpu.memref_slice %arg2[%dma_start3A_91, %dma_start3A_92] : memref<10240x128xf32, #tpu.memory_space<hbm>> -> memref<10240x128xf32, #tpu.memory_space<hbm>>
          tpu.enqueue_indirect_dma source(%dma_start3A_93 : memref<10240x128xf32, #tpu.memory_space<hbm>>) target(%arg8 : memref<128x128xf32, #tpu.memory_space<vmem>>) offsets(%dma_start3A_90 : memref<128xi32, #tpu.memory_space<vmem>>) semaphore(%arg11 : memref<!tpu.dma_semaphore, #tpu.memory_space<semaphore_mem>>)
        } else {
        }
        %add3A_76 = arith.constant 1 : i32
        %add3A_77 = arith.addi %mul3A_56, %add3A_76 : i32
        %dma_wait3A_78 = arith.constant 0 : i32
        %dma_wait3A_79 = tpu.memref_slice %arg6[%add3A_77, %dma_wait3A_78] : memref<16x128xi32, #tpu.memory_space<vmem>> -> memref<1x128xi32, #tpu.memory_space<vmem>>
        %dma_wait3A_80 = tpu.memref_squeeze %dma_wait3A_79 : memref<1x128xi32, #tpu.memory_space<vmem>> -> memref<128xi32, #tpu.memory_space<vmem>>
        %dma_wait3A_81 = arith.constant 0 : i32
        %dma_wait3A_82 = arith.constant 0 : i32
        %dma_wait3A_83 = tpu.memref_slice %arg2[%dma_wait3A_81, %dma_wait3A_82] : memref<10240x128xf32, #tpu.memory_space<hbm>> -> memref<10240x128xf32, #tpu.memory_space<hbm>>
        tpu.wait_indirect_dma semaphore(%arg12 : memref<!tpu.dma_semaphore, #tpu.memory_space<semaphore_mem>>) src(%dma_wait3A_83 : memref<10240x128xf32, #tpu.memory_space<hbm>>) dst(%arg9 : memref<128x128xf32, #tpu.memory_space<vmem>>)
        %add3A_84 = arith.constant 1 : i32
        %add3A_85 = arith.addi %mul3A_56, %add3A_84 : i32
        "tpu.region"() ({
          %run_scoped3A = tpu.sem_alloc : memref<!tpu.dma_semaphore, #tpu.memory_space<semaphore_mem>>
          %dma_start3A_86 = arith.constant 0 : i32
          %dma_start3A_87 = tpu.memref_slice %arg7[%add3A_85, %dma_start3A_86] : memref<16x128xi32, #tpu.memory_space<vmem>> -> memref<1x128xi32, #tpu.memory_space<vmem>>
          %dma_start3A_88 = tpu.memref_squeeze %dma_start3A_87 : memref<1x128xi32, #tpu.memory_space<vmem>> -> memref<128xi32, #tpu.memory_space<vmem>>
          %dma_start3A_89 = arith.constant 0 : i32
          %dma_start3A_90 = arith.constant 0 : i32
          %dma_start3A_91 = tpu.memref_slice %arg10[%dma_start3A_89, %dma_start3A_90] : memref<10240x128xf32, #tpu.memory_space<vmem_shared>> -> memref<10240x128xf32, #tpu.memory_space<vmem_shared>>
          tpu.enqueue_indirect_dma source(%arg9 : memref<128x128xf32, #tpu.memory_space<vmem>>) target(%dma_start3A_91 : memref<10240x128xf32, #tpu.memory_space<vmem_shared>>) offsets(%dma_start3A_88 : memref<128xi32, #tpu.memory_space<vmem>>) semaphore(%run_scoped3A : memref<!tpu.dma_semaphore, #tpu.memory_space<semaphore_mem>>) {add = true}
          %dma_wait3A_92 = arith.constant 0 : i32
          %dma_wait3A_93 = tpu.memref_slice %arg7[%add3A_85, %dma_wait3A_92] : memref<16x128xi32, #tpu.memory_space<vmem>> -> memref<1x128xi32, #tpu.memory_space<vmem>>
          %dma_wait3A_94 = tpu.memref_squeeze %dma_wait3A_93 : memref<1x128xi32, #tpu.memory_space<vmem>> -> memref<128xi32, #tpu.memory_space<vmem>>
          %dma_wait3A_95 = arith.constant 0 : i32
          %dma_wait3A_96 = arith.constant 0 : i32
          %dma_wait3A_97 = tpu.memref_slice %arg10[%dma_wait3A_95, %dma_wait3A_96] : memref<10240x128xf32, #tpu.memory_space<vmem_shared>> -> memref<10240x128xf32, #tpu.memory_space<vmem_shared>>
          tpu.wait_indirect_dma semaphore(%run_scoped3A : memref<!tpu.dma_semaphore, #tpu.memory_space<semaphore_mem>>) src(%arg9 : memref<128x128xf32, #tpu.memory_space<vmem>>) dst(%dma_wait3A_97 : memref<10240x128xf32, #tpu.memory_space<vmem_shared>>)
          tpu.yield
        }) : () -> ()
      }
      %scan3A_53 = arith.constant 8 : i32
    }
    %barrier3A_34 = arith.constant 0 : index
    tpu.barrier barrier_id(%barrier3A_34)
    %eq3A_35 = arith.constant 0 : i32
    %eq3A_36 = arith.cmpi eq, %arg0, %eq3A_35 : i32
    %convert_element_type3A_37 = arith.extui %eq3A_36 : i1 to i32
    %cond3A_38 = arith.constant 0 : i32
    %cond3A_39 = arith.cmpi ne, %convert_element_type3A_37, %cond3A_38 : i32
    scf.if %cond3A_39 {
      %mul3A_40 = arith.constant 640 : i32
      %mul3A_41 = arith.muli %arg1, %mul3A_40 : i32
      %mul3A_42 = arith.constant 640 : i32
      %mul3A_43 = arith.muli %arg1, %mul3A_42 : i32
      "tpu.region"() ({
        %run_scoped3A = tpu.sem_alloc : memref<!tpu.dma_semaphore, #tpu.memory_space<semaphore_mem>>
        %dma_start3A = arith.constant 0 : i32
        %dma_start3A_44 = tpu.memref_slice %arg5[%mul3A_43, %dma_start3A] : memref<10240x128xf32, #tpu.memory_space<hbm>> -> memref<640x128xf32, #tpu.memory_space<hbm>>
        %dma_start3A_45 = arith.constant 0 : i32
        %dma_start3A_46 = tpu.memref_slice %arg10[%mul3A_41, %dma_start3A_45] : memref<10240x128xf32, #tpu.memory_space<vmem_shared>> -> memref<640x128xf32, #tpu.memory_space<vmem_shared>>
        tpu.enqueue_dma source(%dma_start3A_46 : memref<640x128xf32, #tpu.memory_space<vmem_shared>>) target(%dma_start3A_44 : memref<640x128xf32, #tpu.memory_space<hbm>>) target_semaphore(%run_scoped3A : memref<!tpu.dma_semaphore, #tpu.memory_space<semaphore_mem>>)
        %dma_wait3A = arith.constant 0 : i32
        %dma_wait3A_47 = tpu.memref_slice %arg5[%mul3A_43, %dma_wait3A] : memref<10240x128xf32, #tpu.memory_space<hbm>> -> memref<640x128xf32, #tpu.memory_space<hbm>>
        %dma_wait3A_48 = arith.constant 0 : i32
        %dma_wait3A_49 = tpu.memref_slice %arg10[%mul3A_41, %dma_wait3A_48] : memref<10240x128xf32, #tpu.memory_space<vmem_shared>> -> memref<640x128xf32, #tpu.memory_space<vmem_shared>>
        tpu.wait_dma2 semaphore(%run_scoped3A : memref<!tpu.dma_semaphore, #tpu.memory_space<semaphore_mem>>) src(%dma_wait3A_49 : memref<640x128xf32, #tpu.memory_space<vmem_shared>>) dst(%dma_wait3A_47 : memref<640x128xf32, #tpu.memory_space<hbm>>)
        tpu.yield
      }) : () -> ()
    } else {
    }
    return
  }
}

module attributes {stable_mosaic.version = 14 : i64} {
  func.func @_tc_embed_body(%arg0: i32, %arg1: memref<1024x128xf32, #tpu.memory_space<vmem>>, %arg2: memref<128x128xf32, #tpu.memory_space<vmem>>, %arg3: memref<1x128xf32, #tpu.memory_space<vmem>>, %arg4: memref<128x128xf32, #tpu.memory_space<vmem>>, %arg5: memref<2x1024xf32, #tpu.memory_space<vmem>>, %arg6: memref<1024x128xf32, #tpu.memory_space<vmem>>, %arg7: memref<1024x128xf32, #tpu.memory_space<vmem>>) attributes {dimension_semantics = [#tpu.dimension_semantics<arbitrary>], iteration_bounds = array<i64: 10>, scalar_prefetch = 0 : i64, scratch_operands = 0 : i64, tpu.core_type = #tpu.core_type<tc>, window_params = [{transform_indices = @transform_0, window_bounds = array<i64: 1024, 128>}, {pipeline_mode = #tpu.pipeline_mode<synchronous>, transform_indices = @transform_1, window_bounds = array<i64: 128, 128>}, {pipeline_mode = #tpu.pipeline_mode<synchronous>, transform_indices = @transform_2, window_bounds = array<i64: 1, 128>}, {pipeline_mode = #tpu.pipeline_mode<synchronous>, transform_indices = @transform_3, window_bounds = array<i64: 128, 128>}, {transform_indices = @transform_4, window_bounds = array<i64: 2, 1024>}, {transform_indices = @transform_5, window_bounds = array<i64: 1024, 128>}, {transform_indices = @transform_6, window_bounds = array<i64: 1024, 128>}]} {
    %get3A = arith.constant 0 : index
    %get3A_0 = arith.constant 0 : index
    %get3A_1 = vector.load %arg1[%get3A, %get3A_0] : memref<1024x128xf32, #tpu.memory_space<vmem>>, vector<1024x128xf32>
    %get3A_2 = arith.constant 0 : index
    %get3A_3 = arith.constant 0 : index
    %get3A_4 = vector.load %arg2[%get3A_2, %get3A_3] : memref<128x128xf32, #tpu.memory_space<vmem>>, vector<128x128xf32>
    %dot_general3A = arith.constant dense<0.000000e+00> : vector<1024x128xf32>
    %dot_general3A_5 = tpu.matmul %get3A_1, %get3A_4, %dot_general3A {dimension_numbers = #tpu.dot_dimension_numbers<[1], [0], [0], [1], [0, 0, 1, 1], [], []>, transpose_lhs_hint = false} : vector<1024x128xf32>, vector<128x128xf32>, vector<1024x128xf32> -> vector<1024x128xf32>
    %get3A_6 = arith.constant 0 : index
    %get3A_7 = arith.constant 0 : index
    %get3A_8 = vector.load %arg3[%get3A_6, %get3A_7] : memref<1x128xf32, #tpu.memory_space<vmem>>, vector<1x128xf32>
    %add3A = vector.broadcast %get3A_8 : vector<1x128xf32> to vector<1024x128xf32>
    %add3A_9 = arith.addf %dot_general3A_5, %add3A : vector<1024x128xf32>
    %get3A_10 = arith.constant 0 : index
    %get3A_11 = arith.constant 0 : index
    %get3A_12 = vector.load %arg5[%get3A_10, %get3A_11] : memref<2x1024xf32, #tpu.memory_space<vmem>>, vector<2x1024xf32>
    %broadcast_in_dim3A = arith.constant 1.000000e+00 : f32
    %broadcast_in_dim3A_13 = vector.broadcast %broadcast_in_dim3A : f32 to vector<2x128xf32>
    %dot_general3A_14 = arith.constant dense<0.000000e+00> : vector<1024x128xf32>
    %dot_general3A_15 = tpu.matmul %get3A_12, %broadcast_in_dim3A_13, %dot_general3A_14 {dimension_numbers = #tpu.dot_dimension_numbers<[0], [0], [1], [1], [0, 1, 1, 1], [], []>, transpose_lhs_hint = false} : vector<2x1024xf32>, vector<2x128xf32>, vector<1024x128xf32> -> vector<1024x128xf32>
    %add3A_16 = arith.constant 1.000000e+00 : f32
    %add3A_17 = vector.broadcast %add3A_16 : f32 to vector<1024x128xf32>
    %add3A_18 = arith.addf %dot_general3A_15, %add3A_17 : vector<1024x128xf32>
    %rsqrt3A = math.rsqrt %add3A_18 : vector<1024x128xf32>
    %swap3A = arith.constant 0 : index
    %swap3A_19 = arith.constant 0 : index
    %swap3A_20 = vector.load %arg6[%swap3A, %swap3A_19] : memref<1024x128xf32, #tpu.memory_space<vmem>>, vector<1024x128xf32>
    tpu.vector_store %arg6[%swap3A, %swap3A_19], %add3A_9 {strides = array<i32>} : memref<1024x128xf32, #tpu.memory_space<vmem>>, vector<1024x128xf32>,
    %get3A_21 = arith.constant 0 : index
    %get3A_22 = arith.constant 0 : index
    %get3A_23 = vector.load %arg4[%get3A_21, %get3A_22] : memref<128x128xf32, #tpu.memory_space<vmem>>, vector<128x128xf32>
    %dot_general3A_24 = arith.constant dense<0.000000e+00> : vector<1024x128xf32>
    %dot_general3A_25 = tpu.matmul %add3A_9, %get3A_23, %dot_general3A_24 {dimension_numbers = #tpu.dot_dimension_numbers<[1], [0], [0], [1], [0, 0, 1, 1], [], []>, transpose_lhs_hint = false} : vector<1024x128xf32>, vector<128x128xf32>, vector<1024x128xf32> -> vector<1024x128xf32>
    %mul3A = arith.mulf %rsqrt3A, %dot_general3A_25 : vector<1024x128xf32>
    %swap3A_26 = arith.constant 0 : index
    %swap3A_27 = arith.constant 0 : index
    %swap3A_28 = vector.load %arg7[%swap3A_26, %swap3A_27] : memref<1024x128xf32, #tpu.memory_space<vmem>>, vector<1024x128xf32>
    tpu.vector_store %arg7[%swap3A_26, %swap3A_27], %mul3A {strides = array<i32>} : memref<1024x128xf32, #tpu.memory_space<vmem>>, vector<1024x128xf32>,
    return
  }
  func.func @transform_0(%arg0: i32) -> (i32, i32) {
    %c0_i32 = arith.constant 0 : i32
    %c0_i32_0 = arith.constant 0 : i32
    return %arg0, %c0_i32 : i32, i32
  }
  func.func @transform_1(%arg0: i32) -> (i32, i32) {
    %c0_i32 = arith.constant 0 : i32
    %c0_i32_0 = arith.constant 0 : i32
    %c0_i32_1 = arith.constant 0 : i32
    return %c0_i32, %c0_i32_0 : i32, i32
  }
  func.func @transform_2(%arg0: i32) -> (i32, i32) {
    %c0_i32 = arith.constant 0 : i32
    %c0_i32_0 = arith.constant 0 : i32
    %c0_i32_1 = arith.constant 0 : i32
    return %c0_i32, %c0_i32_0 : i32, i32
  }
  func.func @transform_3(%arg0: i32) -> (i32, i32) {
    %c0_i32 = arith.constant 0 : i32
    %c0_i32_0 = arith.constant 0 : i32
    %c0_i32_1 = arith.constant 0 : i32
    return %c0_i32, %c0_i32_0 : i32, i32
  }
  func.func @transform_4(%arg0: i32) -> (i32, i32) {
    %c0_i32 = arith.constant 0 : i32
    %c0_i32_0 = arith.constant 0 : i32
    return %c0_i32, %arg0 : i32, i32
  }
  func.func @transform_5(%arg0: i32) -> (i32, i32) {
    %c0_i32 = arith.constant 0 : i32
    %c0_i32_0 = arith.constant 0 : i32
    return %arg0, %c0_i32 : i32, i32
  }
  func.func @transform_6(%arg0: i32) -> (i32, i32) {
    %c0_i32 = arith.constant 0 : i32
    %c0_i32_0 = arith.constant 0 : i32
    return %arg0, %c0_i32 : i32, i32
  }
}

module attributes {stable_mosaic.version = 14 : i64} {
  func.func @_tc_layer_body(%arg0: i32, %arg1: memref<1024x128xf32, #tpu.memory_space<vmem>>, %arg2: memref<1024x128xf32, #tpu.memory_space<vmem>>, %arg3: memref<1024x128xf32, #tpu.memory_space<vmem>>, %arg4: memref<2x1024xf32, #tpu.memory_space<vmem>>, %arg5: memref<1x128xf32, #tpu.memory_space<vmem>>, %arg6: memref<1x128xf32, #tpu.memory_space<vmem>>, %arg7: memref<1x128xf32, #tpu.memory_space<vmem>>, %arg8: memref<1x128xf32, #tpu.memory_space<vmem>>, %arg9: memref<1x128xf32, #tpu.memory_space<vmem>>, %arg10: memref<128x128xf32, #tpu.memory_space<vmem>>, %arg11: memref<1024x128xf32, #tpu.memory_space<vmem>>, %arg12: memref<1024x128xf32, #tpu.memory_space<vmem>>) attributes {dimension_semantics = [#tpu.dimension_semantics<arbitrary>], iteration_bounds = array<i64: 10>, scalar_prefetch = 0 : i64, scratch_operands = 0 : i64, tpu.core_type = #tpu.core_type<tc>, window_params = [{transform_indices = @transform_0, window_bounds = array<i64: 1024, 128>}, {transform_indices = @transform_1, window_bounds = array<i64: 1024, 128>}, {transform_indices = @transform_2, window_bounds = array<i64: 1024, 128>}, {transform_indices = @transform_3, window_bounds = array<i64: 2, 1024>}, {pipeline_mode = #tpu.pipeline_mode<synchronous>, transform_indices = @transform_4, window_bounds = array<i64: 1, 128>}, {pipeline_mode = #tpu.pipeline_mode<synchronous>, transform_indices = @transform_5, window_bounds = array<i64: 1, 128>}, {pipeline_mode = #tpu.pipeline_mode<synchronous>, transform_indices = @transform_6, window_bounds = array<i64: 1, 128>}, {pipeline_mode = #tpu.pipeline_mode<synchronous>, transform_indices = @transform_7, window_bounds = array<i64: 1, 128>}, {pipeline_mode = #tpu.pipeline_mode<synchronous>, transform_indices = @transform_8, window_bounds = array<i64: 1, 128>}, {pipeline_mode = #tpu.pipeline_mode<synchronous>, transform_indices = @transform_9, window_bounds = array<i64: 128, 128>}, {transform_indices = @transform_10, window_bounds = array<i64: 1024, 128>}, {transform_indices = @transform_11, window_bounds = array<i64: 1024, 128>}]} {
    %get3A = arith.constant 0 : index
    %get3A_0 = arith.constant 0 : index
    %get3A_1 = vector.load %arg4[%get3A, %get3A_0] : memref<2x1024xf32, #tpu.memory_space<vmem>>, vector<2x1024xf32>
    %broadcast_in_dim3A = arith.constant 1.000000e+00 : f32
    %broadcast_in_dim3A_2 = vector.broadcast %broadcast_in_dim3A : f32 to vector<2x128xf32>
    %dot_general3A = arith.constant dense<0.000000e+00> : vector<1024x128xf32>
    %dot_general3A_3 = tpu.matmul %get3A_1, %broadcast_in_dim3A_2, %dot_general3A {dimension_numbers = #tpu.dot_dimension_numbers<[0], [0], [1], [1], [0, 1, 1, 1], [], []>, transpose_lhs_hint = false} : vector<2x1024xf32>, vector<2x128xf32>, vector<1024x128xf32> -> vector<1024x128xf32>
    %add3A = arith.constant 1.000000e+00 : f32
    %add3A_4 = vector.broadcast %add3A : f32 to vector<1024x128xf32>
    %add3A_5 = arith.addf %dot_general3A_3, %add3A_4 : vector<1024x128xf32>
    %rsqrt3A = math.rsqrt %add3A_5 : vector<1024x128xf32>
    %get3A_6 = arith.constant 0 : index
    %get3A_7 = arith.constant 0 : index
    %get3A_8 = vector.load %arg1[%get3A_6, %get3A_7] : memref<1024x128xf32, #tpu.memory_space<vmem>>, vector<1024x128xf32>
    %get3A_9 = arith.constant 0 : index
    %get3A_10 = arith.constant 0 : index
    %get3A_11 = vector.load %arg2[%get3A_9, %get3A_10] : memref<1024x128xf32, #tpu.memory_space<vmem>>, vector<1024x128xf32>
    %add3A_12 = arith.addf %get3A_8, %get3A_11 : vector<1024x128xf32>
    %mul3A = arith.mulf %rsqrt3A, %add3A_12 : vector<1024x128xf32>
    %get3A_13 = arith.constant 0 : index
    %get3A_14 = arith.constant 0 : index
    %get3A_15 = vector.load %arg9[%get3A_13, %get3A_14] : memref<1x128xf32, #tpu.memory_space<vmem>>, vector<1x128xf32>
    %add3A_16 = vector.broadcast %get3A_15 : vector<1x128xf32> to vector<1024x128xf32>
    %add3A_17 = arith.addf %mul3A, %add3A_16 : vector<1024x128xf32>
    %get3A_18 = arith.constant 0 : index
    %get3A_19 = arith.constant 0 : index
    %get3A_20 = vector.load %arg5[%get3A_18, %get3A_19] : memref<1x128xf32, #tpu.memory_space<vmem>>, vector<1x128xf32>
    %get3A_21 = arith.constant 0 : index
    %get3A_22 = arith.constant 0 : index
    %get3A_23 = vector.load %arg8[%get3A_21, %get3A_22] : memref<1x128xf32, #tpu.memory_space<vmem>>, vector<1x128xf32>
    %add3A_24 = arith.constant 9.99999974E-6 : f32
    %add3A_25 = vector.broadcast %add3A_24 : f32 to vector<1x128xf32>
    %add3A_26 = arith.addf %get3A_23, %add3A_25 : vector<1x128xf32>
    %rsqrt3A_27 = math.rsqrt %add3A_26 : vector<1x128xf32>
    %mul3A_28 = arith.mulf %get3A_20, %rsqrt3A_27 : vector<1x128xf32>
    %get3A_29 = arith.constant 0 : index
    %get3A_30 = arith.constant 0 : index
    %get3A_31 = vector.load %arg7[%get3A_29, %get3A_30] : memref<1x128xf32, #tpu.memory_space<vmem>>, vector<1x128xf32>
    %sub3A = vector.broadcast %get3A_31 : vector<1x128xf32> to vector<1024x128xf32>
    %sub3A_32 = arith.subf %add3A_17, %sub3A : vector<1024x128xf32>
    %mul3A_33 = vector.broadcast %mul3A_28 : vector<1x128xf32> to vector<1024x128xf32>
    %mul3A_34 = arith.mulf %sub3A_32, %mul3A_33 : vector<1024x128xf32>
    %get3A_35 = arith.constant 0 : index
    %get3A_36 = arith.constant 0 : index
    %get3A_37 = vector.load %arg6[%get3A_35, %get3A_36] : memref<1x128xf32, #tpu.memory_space<vmem>>, vector<1x128xf32>
    %add3A_38 = vector.broadcast %get3A_37 : vector<1x128xf32> to vector<1024x128xf32>
    %add3A_39 = arith.addf %mul3A_34, %add3A_38 : vector<1024x128xf32>
    %max3A = arith.constant 0.000000e+00 : f32
    %max3A_40 = vector.broadcast %max3A : f32 to vector<1024x128xf32>
    %max3A_41 = arith.maximumf %add3A_39, %max3A_40 : vector<1024x128xf32>
    %get3A_42 = arith.constant 0 : index
    %get3A_43 = arith.constant 0 : index
    %get3A_44 = vector.load %arg3[%get3A_42, %get3A_43] : memref<1024x128xf32, #tpu.memory_space<vmem>>, vector<1024x128xf32>
    %add3A_45 = arith.addf %max3A_41, %get3A_44 : vector<1024x128xf32>
    %swap3A = arith.constant 0 : index
    %swap3A_46 = arith.constant 0 : index
    %swap3A_47 = vector.load %arg11[%swap3A, %swap3A_46] : memref<1024x128xf32, #tpu.memory_space<vmem>>, vector<1024x128xf32>
    tpu.vector_store %arg11[%swap3A, %swap3A_46], %add3A_45 {strides = array<i32>} : memref<1024x128xf32, #tpu.memory_space<vmem>>, vector<1024x128xf32>,
    %get3A_48 = arith.constant 0 : index
    %get3A_49 = arith.constant 0 : index
    %get3A_50 = vector.load %arg10[%get3A_48, %get3A_49] : memref<128x128xf32, #tpu.memory_space<vmem>>, vector<128x128xf32>
    %dot_general3A_51 = arith.constant dense<0.000000e+00> : vector<1024x128xf32>
    %dot_general3A_52 = tpu.matmul %add3A_45, %get3A_50, %dot_general3A_51 {dimension_numbers = #tpu.dot_dimension_numbers<[1], [0], [0], [1], [0, 0, 1, 1], [], []>, transpose_lhs_hint = false} : vector<1024x128xf32>, vector<128x128xf32>, vector<1024x128xf32> -> vector<1024x128xf32>
    %mul3A_53 = arith.mulf %rsqrt3A, %dot_general3A_52 : vector<1024x128xf32>
    %swap3A_54 = arith.constant 0 : index
    %swap3A_55 = arith.constant 0 : index
    %swap3A_56 = vector.load %arg12[%swap3A_54, %swap3A_55] : memref<1024x128xf32, #tpu.memory_space<vmem>>, vector<1024x128xf32>
    tpu.vector_store %arg12[%swap3A_54, %swap3A_55], %mul3A_53 {strides = array<i32>} : memref<1024x128xf32, #tpu.memory_space<vmem>>, vector<1024x128xf32>,
    return
  }
  func.func @transform_0(%arg0: i32) -> (i32, i32) {
    %c0_i32 = arith.constant 0 : i32
    %c0_i32_0 = arith.constant 0 : i32
    return %arg0, %c0_i32 : i32, i32
  }
  func.func @transform_1(%arg0: i32) -> (i32, i32) {
    %c0_i32 = arith.constant 0 : i32
    %c0_i32_0 = arith.constant 0 : i32
    return %arg0, %c0_i32 : i32, i32
  }
  func.func @transform_2(%arg0: i32) -> (i32, i32) {
    %c0_i32 = arith.constant 0 : i32
    %c0_i32_0 = arith.constant 0 : i32
    return %arg0, %c0_i32 : i32, i32
  }
  func.func @transform_3(%arg0: i32) -> (i32, i32) {
    %c0_i32 = arith.constant 0 : i32
    %c0_i32_0 = arith.constant 0 : i32
    return %c0_i32, %arg0 : i32, i32
  }
  func.func @transform_4(%arg0: i32) -> (i32, i32) {
    %c0_i32 = arith.constant 0 : i32
    %c0_i32_0 = arith.constant 0 : i32
    %c0_i32_1 = arith.constant 0 : i32
    return %c0_i32, %c0_i32_0 : i32, i32
  }
  func.func @transform_5(%arg0: i32) -> (i32, i32) {
    %c0_i32 = arith.constant 0 : i32
    %c0_i32_0 = arith.constant 0 : i32
    %c0_i32_1 = arith.constant 0 : i32
    return %c0_i32, %c0_i32_0 : i32, i32
  }
  func.func @transform_6(%arg0: i32) -> (i32, i32) {
    %c0_i32 = arith.constant 0 : i32
    %c0_i32_0 = arith.constant 0 : i32
    %c0_i32_1 = arith.constant 0 : i32
    return %c0_i32, %c0_i32_0 : i32, i32
  }
  func.func @transform_7(%arg0: i32) -> (i32, i32) {
    %c0_i32 = arith.constant 0 : i32
    %c0_i32_0 = arith.constant 0 : i32
    %c0_i32_1 = arith.constant 0 : i32
    return %c0_i32, %c0_i32_0 : i32, i32
  }
  func.func @transform_8(%arg0: i32) -> (i32, i32) {
    %c0_i32 = arith.constant 0 : i32
    %c0_i32_0 = arith.constant 0 : i32
    %c0_i32_1 = arith.constant 0 : i32
    return %c0_i32, %c0_i32_0 : i32, i32
  }
  func.func @transform_9(%arg0: i32) -> (i32, i32) {
    %c0_i32 = arith.constant 0 : i32
    %c0_i32_0 = arith.constant 0 : i32
    %c0_i32_1 = arith.constant 0 : i32
    return %c0_i32, %c0_i32_0 : i32, i32
  }
  func.func @transform_10(%arg0: i32) -> (i32, i32) {
    %c0_i32 = arith.constant 0 : i32
    %c0_i32_0 = arith.constant 0 : i32
    return %arg0, %c0_i32 : i32, i32
  }
  func.func @transform_11(%arg0: i32) -> (i32, i32) {
    %c0_i32 = arith.constant 0 : i32
    %c0_i32_0 = arith.constant 0 : i32
    return %arg0, %c0_i32 : i32, i32
  }
}

module attributes {stable_mosaic.version = 14 : i64} {
  func.func @_tc_final_body(%arg0: i32, %arg1: memref<1024x128xf32, #tpu.memory_space<vmem>>, %arg2: memref<1024x128xf32, #tpu.memory_space<vmem>>, %arg3: memref<1024x128xf32, #tpu.memory_space<vmem>>, %arg4: memref<2x1024xf32, #tpu.memory_space<vmem>>, %arg5: memref<1x128xf32, #tpu.memory_space<vmem>>, %arg6: memref<1x128xf32, #tpu.memory_space<vmem>>, %arg7: memref<1x128xf32, #tpu.memory_space<vmem>>, %arg8: memref<1x128xf32, #tpu.memory_space<vmem>>, %arg9: memref<1x128xf32, #tpu.memory_space<vmem>>, %arg10: memref<128x128xf32, #tpu.memory_space<vmem>>, %arg11: memref<1x128xf32, #tpu.memory_space<vmem>>, %arg12: memref<1024x128xf32, #tpu.memory_space<vmem>>) attributes {dimension_semantics = [#tpu.dimension_semantics<arbitrary>], iteration_bounds = array<i64: 10>, scalar_prefetch = 0 : i64, scratch_operands = 0 : i64, tpu.core_type = #tpu.core_type<tc>, window_params = [{transform_indices = @transform_0, window_bounds = array<i64: 1024, 128>}, {transform_indices = @transform_1, window_bounds = array<i64: 1024, 128>}, {transform_indices = @transform_2, window_bounds = array<i64: 1024, 128>}, {transform_indices = @transform_3, window_bounds = array<i64: 2, 1024>}, {pipeline_mode = #tpu.pipeline_mode<synchronous>, transform_indices = @transform_4, window_bounds = array<i64: 1, 128>}, {pipeline_mode = #tpu.pipeline_mode<synchronous>, transform_indices = @transform_5, window_bounds = array<i64: 1, 128>}, {pipeline_mode = #tpu.pipeline_mode<synchronous>, transform_indices = @transform_6, window_bounds = array<i64: 1, 128>}, {pipeline_mode = #tpu.pipeline_mode<synchronous>, transform_indices = @transform_7, window_bounds = array<i64: 1, 128>}, {pipeline_mode = #tpu.pipeline_mode<synchronous>, transform_indices = @transform_8, window_bounds = array<i64: 1, 128>}, {pipeline_mode = #tpu.pipeline_mode<synchronous>, transform_indices = @transform_9, window_bounds = array<i64: 128, 128>}, {pipeline_mode = #tpu.pipeline_mode<synchronous>, transform_indices = @transform_10, window_bounds = array<i64: 1, 128>}, {transform_indices = @transform_11, window_bounds = array<i64: 1024, 128>}]} {
    %get3A = arith.constant 0 : index
    %get3A_0 = arith.constant 0 : index
    %get3A_1 = vector.load %arg4[%get3A, %get3A_0] : memref<2x1024xf32, #tpu.memory_space<vmem>>, vector<2x1024xf32>
    %broadcast_in_dim3A = arith.constant 1.000000e+00 : f32
    %broadcast_in_dim3A_2 = vector.broadcast %broadcast_in_dim3A : f32 to vector<2x128xf32>
    %dot_general3A = arith.constant dense<0.000000e+00> : vector<1024x128xf32>
    %dot_general3A_3 = tpu.matmul %get3A_1, %broadcast_in_dim3A_2, %dot_general3A {dimension_numbers = #tpu.dot_dimension_numbers<[0], [0], [1], [1], [0, 1, 1, 1], [], []>, transpose_lhs_hint = false} : vector<2x1024xf32>, vector<2x128xf32>, vector<1024x128xf32> -> vector<1024x128xf32>
    %add3A = arith.constant 1.000000e+00 : f32
    %add3A_4 = vector.broadcast %add3A : f32 to vector<1024x128xf32>
    %add3A_5 = arith.addf %dot_general3A_3, %add3A_4 : vector<1024x128xf32>
    %rsqrt3A = math.rsqrt %add3A_5 : vector<1024x128xf32>
    %get3A_6 = arith.constant 0 : index
    %get3A_7 = arith.constant 0 : index
    %get3A_8 = vector.load %arg1[%get3A_6, %get3A_7] : memref<1024x128xf32, #tpu.memory_space<vmem>>, vector<1024x128xf32>
    %get3A_9 = arith.constant 0 : index
    %get3A_10 = arith.constant 0 : index
    %get3A_11 = vector.load %arg2[%get3A_9, %get3A_10] : memref<1024x128xf32, #tpu.memory_space<vmem>>, vector<1024x128xf32>
    %add3A_12 = arith.addf %get3A_8, %get3A_11 : vector<1024x128xf32>
    %mul3A = arith.mulf %rsqrt3A, %add3A_12 : vector<1024x128xf32>
    %get3A_13 = arith.constant 0 : index
    %get3A_14 = arith.constant 0 : index
    %get3A_15 = vector.load %arg9[%get3A_13, %get3A_14] : memref<1x128xf32, #tpu.memory_space<vmem>>, vector<1x128xf32>
    %add3A_16 = vector.broadcast %get3A_15 : vector<1x128xf32> to vector<1024x128xf32>
    %add3A_17 = arith.addf %mul3A, %add3A_16 : vector<1024x128xf32>
    %get3A_18 = arith.constant 0 : index
    %get3A_19 = arith.constant 0 : index
    %get3A_20 = vector.load %arg5[%get3A_18, %get3A_19] : memref<1x128xf32, #tpu.memory_space<vmem>>, vector<1x128xf32>
    %get3A_21 = arith.constant 0 : index
    %get3A_22 = arith.constant 0 : index
    %get3A_23 = vector.load %arg8[%get3A_21, %get3A_22] : memref<1x128xf32, #tpu.memory_space<vmem>>, vector<1x128xf32>
    %add3A_24 = arith.constant 9.99999974E-6 : f32
    %add3A_25 = vector.broadcast %add3A_24 : f32 to vector<1x128xf32>
    %add3A_26 = arith.addf %get3A_23, %add3A_25 : vector<1x128xf32>
    %rsqrt3A_27 = math.rsqrt %add3A_26 : vector<1x128xf32>
    %mul3A_28 = arith.mulf %get3A_20, %rsqrt3A_27 : vector<1x128xf32>
    %get3A_29 = arith.constant 0 : index
    %get3A_30 = arith.constant 0 : index
    %get3A_31 = vector.load %arg7[%get3A_29, %get3A_30] : memref<1x128xf32, #tpu.memory_space<vmem>>, vector<1x128xf32>
    %sub3A = vector.broadcast %get3A_31 : vector<1x128xf32> to vector<1024x128xf32>
    %sub3A_32 = arith.subf %add3A_17, %sub3A : vector<1024x128xf32>
    %mul3A_33 = vector.broadcast %mul3A_28 : vector<1x128xf32> to vector<1024x128xf32>
    %mul3A_34 = arith.mulf %sub3A_32, %mul3A_33 : vector<1024x128xf32>
    %get3A_35 = arith.constant 0 : index
    %get3A_36 = arith.constant 0 : index
    %get3A_37 = vector.load %arg6[%get3A_35, %get3A_36] : memref<1x128xf32, #tpu.memory_space<vmem>>, vector<1x128xf32>
    %add3A_38 = vector.broadcast %get3A_37 : vector<1x128xf32> to vector<1024x128xf32>
    %add3A_39 = arith.addf %mul3A_34, %add3A_38 : vector<1024x128xf32>
    %max3A = arith.constant 0.000000e+00 : f32
    %max3A_40 = vector.broadcast %max3A : f32 to vector<1024x128xf32>
    %max3A_41 = arith.maximumf %add3A_39, %max3A_40 : vector<1024x128xf32>
    %get3A_42 = arith.constant 0 : index
    %get3A_43 = arith.constant 0 : index
    %get3A_44 = vector.load %arg3[%get3A_42, %get3A_43] : memref<1024x128xf32, #tpu.memory_space<vmem>>, vector<1024x128xf32>
    %add3A_45 = arith.addf %max3A_41, %get3A_44 : vector<1024x128xf32>
    %get3A_46 = arith.constant 0 : index
    %get3A_47 = arith.constant 0 : index
    %get3A_48 = vector.load %arg10[%get3A_46, %get3A_47] : memref<128x128xf32, #tpu.memory_space<vmem>>, vector<128x128xf32>
    %dot_general3A_49 = arith.constant dense<0.000000e+00> : vector<1024x128xf32>
    %dot_general3A_50 = tpu.matmul %add3A_45, %get3A_48, %dot_general3A_49 {dimension_numbers = #tpu.dot_dimension_numbers<[1], [0], [0], [1], [0, 0, 1, 1], [], []>, transpose_lhs_hint = false} : vector<1024x128xf32>, vector<128x128xf32>, vector<1024x128xf32> -> vector<1024x128xf32>
    %get3A_51 = arith.constant 0 : index
    %get3A_52 = arith.constant 0 : index
    %get3A_53 = vector.load %arg11[%get3A_51, %get3A_52] : memref<1x128xf32, #tpu.memory_space<vmem>>, vector<1x128xf32>
    %add3A_54 = vector.broadcast %get3A_53 : vector<1x128xf32> to vector<1024x128xf32>
    %add3A_55 = arith.addf %dot_general3A_50, %add3A_54 : vector<1024x128xf32>
    %swap3A = arith.constant 0 : index
    %swap3A_56 = arith.constant 0 : index
    %swap3A_57 = vector.load %arg12[%swap3A, %swap3A_56] : memref<1024x128xf32, #tpu.memory_space<vmem>>, vector<1024x128xf32>
    tpu.vector_store %arg12[%swap3A, %swap3A_56], %add3A_55 {strides = array<i32>} : memref<1024x128xf32, #tpu.memory_space<vmem>>, vector<1024x128xf32>,
    return
  }
  func.func @transform_0(%arg0: i32) -> (i32, i32) {
    %c0_i32 = arith.constant 0 : i32
    %c0_i32_0 = arith.constant 0 : i32
    return %arg0, %c0_i32 : i32, i32
  }
  func.func @transform_1(%arg0: i32) -> (i32, i32) {
    %c0_i32 = arith.constant 0 : i32
    %c0_i32_0 = arith.constant 0 : i32
    return %arg0, %c0_i32 : i32, i32
  }
  func.func @transform_2(%arg0: i32) -> (i32, i32) {
    %c0_i32 = arith.constant 0 : i32
    %c0_i32_0 = arith.constant 0 : i32
    return %arg0, %c0_i32 : i32, i32
  }
  func.func @transform_3(%arg0: i32) -> (i32, i32) {
    %c0_i32 = arith.constant 0 : i32
    %c0_i32_0 = arith.constant 0 : i32
    return %c0_i32, %arg0 : i32, i32
  }
  func.func @transform_4(%arg0: i32) -> (i32, i32) {
    %c0_i32 = arith.constant 0 : i32
    %c0_i32_0 = arith.constant 0 : i32
    %c0_i32_1 = arith.constant 0 : i32
    return %c0_i32, %c0_i32_0 : i32, i32
  }
  func.func @transform_5(%arg0: i32) -> (i32, i32) {
    %c0_i32 = arith.constant 0 : i32
    %c0_i32_0 = arith.constant 0 : i32
    %c0_i32_1 = arith.constant 0 : i32
    return %c0_i32, %c0_i32_0 : i32, i32
  }
  func.func @transform_6(%arg0: i32) -> (i32, i32) {
    %c0_i32 = arith.constant 0 : i32
    %c0_i32_0 = arith.constant 0 : i32
    %c0_i32_1 = arith.constant 0 : i32
    return %c0_i32, %c0_i32_0 : i32, i32
  }
  func.func @transform_7(%arg0: i32) -> (i32, i32) {
    %c0_i32 = arith.constant 0 : i32
    %c0_i32_0 = arith.constant 0 : i32
    %c0_i32_1 = arith.constant 0 : i32
    return %c0_i32, %c0_i32_0 : i32, i32
  }
  func.func @transform_8(%arg0: i32) -> (i32, i32) {
    %c0_i32 = arith.constant 0 : i32
    %c0_i32_0 = arith.constant 0 : i32
    %c0_i32_1 = arith.constant 0 : i32
    return %c0_i32, %c0_i32_0 : i32, i32
  }
  func.func @transform_9(%arg0: i32) -> (i32, i32) {
    %c0_i32 = arith.constant 0 : i32
    %c0_i32_0 = arith.constant 0 : i32
    %c0_i32_1 = arith.constant 0 : i32
    return %c0_i32, %c0_i32_0 : i32, i32
  }
  func.func @transform_10(%arg0: i32) -> (i32, i32) {
    %c0_i32 = arith.constant 0 : i32
    %c0_i32_0 = arith.constant 0 : i32
    %c0_i32_1 = arith.constant 0 : i32
    return %c0_i32, %c0_i32_0 : i32, i32
  }
  func.func @transform_11(%arg0: i32) -> (i32, i32) {
    %c0_i32 = arith.constant 0 : i32
    %c0_i32_0 = arith.constant 0 : i32
    return %arg0, %c0_i32 : i32, i32
  }
}

</mosaic_0001>

<sc_bundles>
// kernel: kernel.10.cloned.1.call-start
scs
__scs_entry_jumppad:
0x0: {  	(pc) =	sbr.rel $0x88, $3  }
0x1: {  	(tag) =	ssettag $0x0;
	lr =	simm.s32 $0x1  }
0x2: {  	[smem:$0x3F95] =	sst lr;
	_ =	strace $0xD0000000  }
0x3: {  	_ = 	snop  }
0x4: {  	_ = 	snop  }
0x5: {  	_ = 	snop  }
0x6: {  	_ = 	snop  }
0x7: {  	_ = 	snop  }
__scs_overlays_trampoline_lowered:
0x8: {  	[smem:$0x3FA4] =	sst s0  }
0x9: {  	[smem:$0x3FA5] =	sst s1  }
0xa: {  	[smem:$0x3FA6] =	sst s2  }
0xb: {  	[smem:$0x3FA7] =	sst s3  }
0xc: {  	[smem:$0x3FA8] =	sst s4  }
0xd: {  	[smem:$0x3FA9] =	sst s5  }
0xe: {  	[smem:$0x3FAA] =	sst s6  }
0xf: {  	[smem:$0x3FAB] =	sst s7  }
0x10: {  	[smem:$0x3FAC] =	sst s8  }
0x11: {  	[smem:$0x3FAD] =	sst s9;
	s0 =	simm.s32 @!p0 $0x0  }
0x12: {  	s1 =	sld [smem:$0x3F93];
	s0 =	simm.s32 @p0 $0x1  }
0x13: {  	[smem:$0x3FAE] =	sst s0;
	s0 =	simm.s32 @!p1 $0x0  }
0x14: {  	s2 =	sld [smem:$0x3F92];
	s0 =	simm.s32 @p1 $0x1  }
0x15: {  	[smem:$0x3FAF] =	sst s0;
	s0 =	simm.s32 @!p2 $0x0  }
0x16: {  	s3 =	sld [smem:$0x3FDB];
	s0 =	simm.s32 @p2 $0x1  }
0x17: {  	s4 =	simm.s32 $0x1BF5;
	[smem:$0x3FB1] =	sst s0  }
0x18: {  	s0 =	sld [smem:$0x3F94];
	_ =	swait.ge [sflag:s4], $0x0  }
0x19: {  	s7 =	sld [smem:$0x3F95]  }
0x1a: {  	s8 =	sadd.s32 $0xFFFFE003, lr  }
0x1b: {  	s9 =	sadd.s32 $0xFFFFFEF7, lr;
	s5 =	simm.s32 $0xFFFFFFFF;
	p2 =	slt.u32 s8, $0xFFFFF086  }
0x1c: {  	p1 =	slt.u32 s9, $0xF7A;
	s5 =	simm.s32 @!p2 $0x0  }
0x1d: {  	s5 =	simm.s32 @p1 $0x1;
	p0 =	seq.s32 s7, s2  }
0x1e: {  	s7 =	smul.u32 @!p0 $0xF7A, s2;
	p2 =	seq.s32 @!p0 s5, $0x0  }
0x1f: {  	s9 =	smul.u32 $0xF7A, s1;
	s8 =	simm.s32 @!p0 $0x1BF5;
	p2 =	por !p2, p0  }
0x20: {  	[sflag:s8] =	ssyncset.s32 @!p0 $0xFFFFF086;
	s6 =	sadd.s32 @!p0 s3, s7;
	s7 =	simm.s32 @!p0 $0x108  }
0x21: {  	s3 =	sadd.s32 s3, s9;
	s6 =	sadd.s32 @!p0 $0x88, s6;
	s7 =	simm.s32 @p2 $0x1082  }
0x22: {  	[simem:s7], [sflag:s8] =	dma.local @!p0 [hbm:s6], $0xF7A  }
0x23: {  	s9 =	sor.u32 $0xD0000000, s2;
	s6 =	simm.s32 $0x108;
	_ =	swait.ge @!p0 [sflag:s8], $0x0  }
0x24: {  	s3 =	sadd.s32 $0x88, s3;
	s6 =	simm.s32 @!p1 $0x1082;
	[sflag:s4] =	ssyncset.s32 $0xFFFFF086  }
0x25: {  	[simem:s6], [sflag:s4] =	dma.local [hbm:s3], $0xF7A  }
0x26: {  	[smem:$0x3F95] =	sst s1;
	(tag) =	ssettag s2;
	_ =	strace s9  }
0x27: {  	s1 =	sld [smem:$0x3FA5]  }
0x28: {  	s2 =	sld [smem:$0x3FA6]  }
0x29: {  	s4 =	sld [smem:$0x3FA8]  }
0x2a: {  	p0 =	seq.s32 s5, $0x0;
	s5 =	sld [smem:$0x3FA9]  }
0x2b: {  	s6 =	sld [smem:$0x3FAA]  }
0x2c: {  	s7 =	sld [smem:$0x3FAB]  }
0x2d: {  	s3 =	simm.s32 $0x108;
	s8 =	sld [smem:$0x3FAC]  }
0x2e: {  	s3 =	simm.s32 @!p0 $0x1082;
	s9 =	sld [smem:$0x3FAD]  }
0x2f: {  	lr =	sadd.s32 s0, s3;
	s0 =	sld [smem:$0x3FA4]  }
0x30: {  	s3 =	sld [smem:$0x3FA7]  }
0x31: {  	[smem:$0x3FB0] =	sst s10  }
0x32: {  	s10 =	sld [smem:$0x3FAE];
	_ =	sdelay $0x3  }
0x33: {  	p0 =	seq.s32 s10, $0x1;
	s10 =	sld [smem:$0x3FB0];
	_ =	sdelay $0x3  }
0x34: {  	[smem:$0x3FB0] =	sst s10  }
0x35: {  	s10 =	sld [smem:$0x3FAF];
	_ =	sdelay $0x3  }
0x36: {  	p1 =	seq.s32 s10, $0x1;
	s10 =	sld [smem:$0x3FB0];
	_ =	sdelay $0x3  }
0x37: {  	[smem:$0x3FB0] =	sst s10  }
0x38: {  	s10 =	sld [smem:$0x3FB1]  }
0x39: {  	_ = 	snop;
	(pc) =	sbr.ind lr, $3  }
0x3a: {  	_ = 	snop  }
0x3b: {  	_ = 	snop  }
0x3c: {  	p2 =	seq.s32 s10, $0x1;
	s10 =	sld [smem:$0x3FB0]  }
0x3d: {  	_ =	shalt  }
0x3e: {  	_ =	shalt  }
0x3f: {  	_ =	shalt  }
0x40: {  	_ =	shalt  }
0x41: {  	_ =	shalt  }
0x42: {  	_ =	shalt  }
0x43: {  	_ =	shalt  }
0x44: {  	_ =	shalt  }
0x45: {  	_ =	shalt  }
0x46: {  	_ =	shalt  }
0x47: {  	_ =	shalt  }
0x48: {  	_ =	shalt  }
0x49: {  	_ =	shalt  }
0x4a: {  	_ =	shalt  }
0x4b: {  	_ =	shalt  }
0x4c: {  	_ =	shalt  }
0x4d: {  	_ =	shalt  }
0x4e: {  	_ =	shalt  }
0x4f: {  	_ =	shalt  }
0x50: {  	_ =	shalt  }
0x51: {  	_ =	shalt  }
0x52: {  	_ =	shalt  }
0x53: {  	_ =	shalt  }
0x54: {  	_ =	shalt  }
0x55: {  	_ =	shalt  }
0x56: {  	_ =	shalt  }
0x57: {  	_ =	shalt  }
0x58: {  	_ =	shalt  }
0x59: {  	_ =	shalt  }
0x5a: {  	_ =	shalt  }
0x5b: {  	_ =	shalt  }
0x5c: {  	_ =	shalt  }
0x5d: {  	_ =	shalt  }
0x5e: {  	_ =	shalt  }
0x5f: {  	_ =	shalt  }
0x60: {  	_ =	shalt  }
0x61: {  	_ =	shalt  }
0x62: {  	_ =	shalt  }
0x63: {  	_ =	shalt  }
0x64: {  	_ =	shalt  }
0x65: {  	_ =	shalt  }
0x66: {  	_ =	shalt  }
0x67: {  	_ =	shalt  }
0x68: {  	_ =	shalt  }
0x69: {  	_ =	shalt  }
0x6a: {  	_ =	shalt  }
0x6b: {  	_ =	shalt  }
0x6c: {  	_ =	shalt  }
0x6d: {  	_ =	shalt  }
0x6e: {  	_ =	shalt  }
0x6f: {  	_ =	shalt  }
0x70: {  	_ =	shalt  }
0x71: {  	_ =	shalt  }
0x72: {  	_ =	shalt  }
0x73: {  	_ =	shalt  }
0x74: {  	_ =	shalt  }
0x75: {  	_ =	shalt  }
0x76: {  	_ =	shalt  }
0x77: {  	_ =	shalt  }
0x78: {  	_ =	shalt  }
0x79: {  	_ =	shalt  }
0x7a: {  	_ =	shalt  }
0x7b: {  	_ =	shalt  }
0x7c: {  	_ =	shalt  }
0x7d: {  	_ =	shalt  }
0x7e: {  	_ =	shalt  }
0x7f: {  	_ =	shalt  }
0x80: {  	_ =	shalt  }
0x81: {  	_ =	shalt  }
0x82: {  	_ =	shalt  }
0x83: {  	_ =	shalt  }
0x84: {  	_ =	shalt  }
0x85: {  	_ =	shalt  }
0x86: {  	_ =	shalt  }
0x87: {  	_ =	shalt  }
.Lfunc_end0:
.L_simem_size_0:
called_computation_lowered:
.L_overlay_start_0:
0x88: {  	s2 =	sld [smem:$0x3FD9]  }
0x89: {  	s3 =	sld [smem:$0x3FFE];
	_ =	sdelay $0x1  }
0x8a: {  	s1 =	srdreg.scid  }
0x8b: {  	s0 =	sand.u32 $0x1, s1  }
0x8c: {  	s16 =	sshll.u32 s0, $0xA;
	s2 =	sadd.s32 s3, s2  }
0x8d: {  	s2 =	sadd.s32 s2, s16  }
0x8e: {  	[smem:$0x3FBC] =	sst s2  }
0x8f: {  	_ = 	snop  }
0x90: {  	(tm) =	ssettm $0x1  }
0x91: {  	s17 =	sld [smem:$0x3FFB];
	_ =	sdelay $0x3  }
0x92: {  	_ =	strace s17  }
0x93: {  	s2 =	sld [smem:$0x3FFC];
	_ =	sdelay $0x3  }
0x94: {  	_ =	strace s2  }
0x95: {  	s2 =	sld [smem:$0x3FFD];
	_ =	sdelay $0x3  }
0x96: {  	_ =	strace s2  }
0x97: {  	_ =	strace $0x8FFFFFFF  }
0x98: {  	s18 =	sld [smem:$0x3FDB];
	_ =	sdelay $0x1  }
0x99: {  	s19 =	simm.s32 $_scs_section_size  }
0x9a: {  	s4 =	simm.s32 $_size__tile_overlayer_lowered;
	s5 =	simm.s32 $_tile_overlayer_lowered  }
0x9b: {  	s22 =	simm.s32 $0x1BFF;
	s21 =	sshll.u32 s5, $0x1;
	s2 =	sadd.s32 s19, s18  }
0x9c: {  	s6 =	simm.s32 $0x0;
	s20 =	sshll.u32 s4, $0x1;
	s4 =	sadd.s32 s21, s2  }
0x9d: {  	[timem:s6], [sflag:s22] =	dma.local [hbm:s4], s20  }
0x9e: {  	_ =	swait.ge [sflag:s22], s20  }
0x9f: {  	s3 =	ssub.s32 $0x0, s20;
	[sflag:s22] =	ssyncset.done $0x0  }
0xa0: {  	[sflag:s22] =	ssyncadd.s32 s3;
	_ =	sdelay $0x1  }
0xa1: {  	s23 =	simm.s32 $0x1B8B  }
0xa2: {  	_ =	swait.ge [sflag:s23], $0x1  }
0xa3: {  	[sflag:s23] =	ssyncset.done $0x0  }
0xa4: {  	s25 =	simm.s32 $0x1B8E;
	s24 =	sld [smem:$0x3FFE];
	[sflag:s23] =	ssyncadd.s32 $0xFFFFFFFF  }
0xa5: {  	s26 =	simm.s32 $execute0_lowered;
	[smem:$0x3FD2] =	sst s25  }
0xa6: {  	s4 =	sshll.u32 s26, $0x1;
	_ =	strace $0x80000046;
	[dreg:$0x1] =	wrdreg $0xFFFFFFFF  }
0xa7: {  	s28 =	simm.s32 $_size_execute0_lowered;
	s2 =	sadd.s32 s2, s4;
	[dreg:$0x0] =	wrdreg $0x0  }
0xa8: {  	s4 =	sshll.u32 s28, $0x1;
	[dreg:$0x2] =	wrdreg s2  }
0xa9: {  	[dreg:$0x3] =	wrdreg s4  }
0xaa: {  	[dreg:$0x4] =	wrdreg $0xC0  }
0xab: {  	_ =	task [dreg:s6], $0x5FFFF  }
0xac: {  	[dreg:$0x1] =	wrdreg $0xFFFFFFFF  }
0xad: {  	[dreg:$0x0] =	wrdreg $0x60  }
0xae: {  	[dreg:$0x2] =	wrdreg s24  }
0xaf: {  	[dreg:$0x3] =	wrdreg $0x3800  }
0xb0: {  	[dreg:$0x4] =	wrdreg $0x9  }
0xb1: {  	_ =	task.clear_ibuf [dreg:s6], $0x5FFFF;
	_ =	strace $0x90000046  }
0xb2: {  	s29 =	simm.s32 $0x9;
	_ =	strace $0x80000048  }
0xb3: {  	_ =	swait.ge [sflag:s29], $0x1  }
0xb4: {  	[sflag:s29] =	ssyncadd.s32 $0xFFFFFFFF  }
0xb5: {  	_ =	strace $0x90000048  }
0xb6: {  	_ =	sfence  }
0xb7: {  	s30 =	sld [smem:$0x0];
	_ =	sdelay $0x2  }
0xb8: {  	s31 =	sshll.u32 s1, $0xD;
	s1 =	sshrl.u32 s1, $0x2  }
0xb9: {  	s3 =	sand.u32 $0x4000, s31;
	s1 =	sadd.s32 s1, s30  }
0xba: {  	s0 =	sor.u32 s3, s0;
	s1 =	sshll.u32 s1, $0x11  }
0xbb: {  	s0 =	sor.u32 s1, s0  }
0xbc: {  	s0 =	sadd.s32 $0x8F2B, s0  }
0xbd: {  	[sflag:s0] =	ssyncadd.remote.s32 $0x1  }
0xbe: {  	_ =	sfence.sel $0xFFFF  }
0xbf: {  	[dreg:$0x0] =	wrdreg $0xFFFFFFFF;
	(pc) =	sbr.abs _section_cstart, $3  }
0xc0: {  	[dreg:$0x1] =	wrdreg $0xFFFFFFFF  }
0xc1: {  	_ =	task.clear_ibuf [dreg:s6], $0x2FFFF;
	_ =	strace $0x9FFFFFFF  }
0xc2: {  	(tm) =	ssettm $0x7FFFFFFF  }
0xc3: {  	_ =	shalt  }
tec
execute0_lowered:
.L_overlay_start_1:
0x0: {  	(tag) =	ssettag $0x1  }
0x1: {  	s5 =	rddreg [dreg:$0x0]  }
0x2: {  	s2 =	rddreg [dreg:$0x1]  }
0x3: {  	s0 =	rddreg [dreg:$0x2];
	s4 =	srdreg.scid  }
0x4: {  	s1 =	stileid.u32;
	s3 =	simm.s32 $0x0;
	s14 =	simm.s32 $0x20  }
0x5: {  	s15 =	simm.s32 $0x10;
	s16 =	simm.s32 $0x0;
	s8 =	smul.u32 $0x500, s1  }
0x6: {  	s6 =	sand.u32 $0x1, s4;
	[smem:$0x7FF] =	sst s3;
	s9 =	smul.u32 $0xA00, s1  }
0x7: {  	s31 =	sshll.u32 s1, $0x6;
	s4 =	sshll.u32 s6, $0x7;
	_ =	strace $0x80000047  }
0x8: {  	s10 =	ssub.s32 $0x2, s6;
	s12 =	smul.u32 $0x5000, s6;
	s7 =	sor.u32 s4, s8  }
0x9: {  	s4 =	sadd.s32 $0x5E00, s5;
	s11 =	sshrl.u32 s10, $0x1;
	s9 =	sshrl.u32 s9, $0x2  }
0xa: {  	s7 =	sshrl.u32 s7, $0x3;
	s30 =	ssub.s32 s10, s11;
	s8 =	sadd.s32 s8, s12  }
0xb: {  	s10 =	simm.s32 $0x1;
	s11 =	simm.s32 $0x80;
	s12 =	sor.u32 $0x1C01, s31  }
0xc: {  	s29 =	sadd.s32 s7, s5;
	s5 =	sadd.s32 s9, s2;
	s7 =	smax.u32 s30, $0x1  }
0xd: {  	v0 =	vimm.f32 $0.0e+00;
	v1 =	vimm.f32 $1.000000000e+00;
	s9 =	simm.s32 $0x100;
	s6 =	sadd.s32 $0xFE00, s29;
	s13 =	sshrl.u32 s5, $0x3  }
.LBB2_1:
0xe: {  	[tilespmem:$0x100] =	vst v0  }
0xf: {  	[tilespmem:$0x110] =	vst v0  }
0x10: {  	[tilespmem:$0x120] =	vst v0  }
0x11: {  	[tilespmem:$0x130] =	vst v0  }
0x12: {  	[tilespmem:$0x140] =	vst v0  }
0x13: {  	[tilespmem:$0x150] =	vst v0  }
0x14: {  	[tilespmem:$0x160] =	vst v0  }
0x15: {  	[tilespmem:$0x170] =	vst v0  }
0x16: {  	[tilespmem:$0x180] =	vst v0  }
0x17: {  	[tilespmem:$0x190] =	vst v0  }
0x18: {  	[tilespmem:$0x1A0] =	vst v0  }
0x19: {  	[tilespmem:$0x1B0] =	vst v0  }
0x1a: {  	[tilespmem:$0x1C0] =	vst v0  }
0x1b: {  	[tilespmem:$0x1D0] =	vst v0  }
0x1c: {  	[tilespmem:$0x1E0] =	vst v0  }
0x1d: {  	[tilespmem:$0x1F0] =	vst v0  }
0x1e: {  	[tilespmem:$0x200] =	vst v0  }
0x1f: {  	[tilespmem:$0x210] =	vst v0  }
0x20: {  	[tilespmem:$0x220] =	vst v0  }
0x21: {  	[tilespmem:$0x230] =	vst v0  }
0x22: {  	[tilespmem:$0x240] =	vst v0  }
0x23: {  	[tilespmem:$0x250] =	vst v0  }
0x24: {  	[tilespmem:$0x260] =	vst v0  }
0x25: {  	[tilespmem:$0x270] =	vst v0  }
0x26: {  	[tilespmem:$0x280] =	vst v0  }
0x27: {  	[tilespmem:$0x290] =	vst v0  }
0x28: {  	[tilespmem:$0x2A0] =	vst v0  }
0x29: {  	[tilespmem:$0x2B0] =	vst v0  }
0x2a: {  	[tilespmem:$0x2C0] =	vst v0  }
0x2b: {  	[tilespmem:$0x2D0] =	vst v0  }
0x2c: {  	[tilespmem:$0x2E0] =	vst v0  }
0x2d: {  	[tilespmem:$0x2F0] =	vst v0  }
0x2e: {  	[tilespmem:$0x300] =	vst v0  }
0x2f: {  	[tilespmem:$0x310] =	vst v0  }
0x30: {  	[tilespmem:$0x320] =	vst v0  }
0x31: {  	[tilespmem:$0x330] =	vst v0  }
0x32: {  	[tilespmem:$0x340] =	vst v0  }
0x33: {  	[tilespmem:$0x350] =	vst v0  }
0x34: {  	[tilespmem:$0x360] =	vst v0  }
0x35: {  	[tilespmem:$0x370] =	vst v0  }
0x36: {  	[tilespmem:$0x80] =	vst v1  }
0x37: {  	[tilespmem:$0x90] =	vst v1  }
0x38: {  	[tilespmem:$0xA0] =	vst v1  }
0x39: {  	[tilespmem:$0xB0] =	vst v1  }
0x3a: {  	[tilespmem:$0xC0] =	vst v1  }
0x3b: {  	[tilespmem:$0xD0] =	vst v1  }
0x3c: {  	[tilespmem:$0xE0] =	vst v1  }
0x3d: {  	[tilespmem:$0xF0] =	vst v1  }
0x3e: {  	[spmem:s5] =	stream.linear.scatter [tilespmem:s9], [sflag:$0x1], $0x280, $0x38;
	[tilespmem:$0x600] =	vst v63  }
0x3f: {  	_ =	swait.ge [sflag:s10], $0x280  }
0x40: {  	s17 =	sadd.s32 $0x0, s8;
	s18 =	sand.u32 $0x70, s3;
	[sflag:s10] =	ssyncset.done $0x0  }
0x41: {  	s17 =	sand.u32 $0xFFFFF80, s17;
	s18 =	sadd.s32 s4, s18;
	[sflag:s10] =	ssyncadd.s32 $0xFFFFFD80  }
0x42: {  	s17 =	sadd.s32 s17, s18;
	[bflag:$0x0] =	sbarrier.arrive $0xFFFF  }
0x43: {  	[tilespmem:s3], [sflag:$0x1] =	stream.linear.gather [hbm4b:s17+s3], $0x80, $0x38;
	[tilespmem:$0x600] =	vst v63  }
0x44: {  	_ =	swait.ge [sflag:s10], $0x80  }
0x45: {  	[sflag:s10] =	ssyncset.done $0x0  }
0x46: {  	s31 =	simm.s32 $0x10;
	s19 =	sadd.s32 $0x10, s8;
	[sflag:s10] =	ssyncadd.s32 $0xFFFFFF80  }
0x47: {  	[spmem:s2] =	stream.indirect.scatter.add.f32 [tilespmem:s11], [sflag:$0x1], $0x1, s3, s11, $0xb8;
	[tilespmem:$0x600] =	vst v63  }
0x48: {  	s20 =	sand.u32 $0x70, s31;
	s18 =	sand.u32 $0xFFFFF80, s19;
	_ =	swait.ge [sflag:s10], $0x80  }
0x49: {  	s19 =	sadd.s32 s4, s20;
	s17 =	simm.s32 $0x20;
	[sflag:s10] =	ssyncset.done $0x0  }
.LBB2_2:
0x4a: {  	s18 =	sadd.s32 s18, s19  }
0x4b: {  	[sflag:s10] =	ssyncadd.s32 $0xFFFFFF80;
	s19 =	smov.u32 s17;
	s20 =	sadd.s32 $0x10, s17  }
0x4c: {  	[tilespmem:s3], [sflag:$0x1] =	stream.linear.gather [hbm4b:s18+s3], $0x80, $0x38;
	[tilespmem:$0x600] =	vst v63  }
0x4d: {  	p0 =	sne.s32 s17, $0x4F0;
	_ =	swait.ge [sflag:s10], $0x80  }
.Ltmp0:
0x4e: {  	[sflag:s10] =	ssyncset.done $0x0;
	(pc) =	sbr.rel @p0 .LBB2_2-.Ltmp0, $4  }
0x4f: {  	s17 =	sadd.s32 s19, s8;
	[sflag:s10] =	ssyncadd.s32 $0xFFFFFF80  }
0x50: {  	[spmem:s2] =	stream.indirect.scatter.add.f32 [tilespmem:s11], [sflag:$0x1], $0x1, s3, s11, $0xb8;
	[tilespmem:$0x600] =	vst v63  }
0x51: {  	s19 =	sand.u32 $0x70, s19;
	s18 =	sand.u32 $0xFFFFF80, s17;
	_ =	swait.ge [sflag:s10], $0x80  }
0x52: {  	s19 =	sadd.s32 s4, s19;
	s17 =	smov.u32 s20;
	[sflag:s10] =	ssyncset.done $0x0  }
0x53: {  	s17 =	sadd.s32 s18, s19;
	[sflag:s10] =	ssyncadd.s32 $0xFFFFFF80  }
0x54: {  	[tilespmem:s3], [sflag:$0x1] =	stream.linear.gather [hbm4b:s17+s3], $0x80, $0x38;
	[tilespmem:$0x600] =	vst v63  }
0x55: {  	_ =	swait.ge [sflag:s10], $0x80  }
0x56: {  	[sflag:s10] =	ssyncset.done $0x0  }
0x57: {  	[sflag:s10] =	ssyncadd.s32 $0xFFFFFF80  }
0x58: {  	[spmem:s2] =	stream.indirect.scatter.add.f32 [tilespmem:s11], [sflag:$0x1], $0x1, s3, s11, $0xb8;
	[tilespmem:$0x600] =	vst v63  }
0x59: {  	_ =	swait.ge [sflag:s10], $0x80  }
0x5a: {  	s16 =	sadd.s32 $0x1, s16;
	[sflag:s10] =	ssyncset.done $0x0  }
0x5b: {  	p0 =	sne.s32 s16, s7;
	[sflag:s10] =	ssyncadd.s32 $0xFFFFFF80  }
.Ltmp1:
0x5c: {  	[bflag:$0x0] =	sbarrier.arrive $0xFFFF;
	(pc) =	sbr.rel @p0 .LBB2_1-.Ltmp1, $4  }
0x5d: {  	[hbm:s6@s14], [sflag:s12] =	dma.strided [spmem:s13@s15], $0x50, s10, $0x10   }
0x5e: {  	_ =	swait.ge [sflag:s10], $0x50  }
0x5f: {  	[sflag:s10] =	ssyncset.done $0x0  }
0x60: {  	[sflag:s10] =	ssyncadd.s32 $0xFFFFFFB0  }
0x61: {  	_ =	sfence.sel $0x180000  }
0x62: {  	[bflag:$0x0] =	sbarrier.arrive $0xFFFF  }
0x63: {  	p0 =	sne.s32 s1, $0x0;
	_ =	strace $0x90000047  }
0x64: {  	s0 =	sadd.s32 @!p0 $0x100000, s0;
	[bflag:$0x2] =	sbarrier.arrive $0xFFFF  }
0x65: {  	[sflag:s0] =	ssyncadd.tile.s32 @!p0 $0x1;
	_ =	shalt  }
.Lfunc_end2:
_tile_overlayer_lowered:
.L_overlay_start_2:
0x66: {  	(tag) =	ssettag $0x2  }
0x67: {  	s0 =	rddreg [dreg:$0x0];
	s2 =	stileid.u32  }
0x68: {  	s1 =	rddreg [dreg:$0x1];
	p0 =	sne.s32 s2, $0x0  }
0x69: {  	s3 =	rddreg [dreg:$0x2];
	[bflag:$0x3] =	sbarrier.arrive $0xFFFF;
	s2 =	simm.s32 @!p0 $0x1C01  }
0x6a: {  	[timem:s3], [sflag:s2] =	dma.local @!p0 [hbm:s0], s1  }
0x6b: {  	s0 =	simm.s32 @!p0 $0x1  }
0x6c: {  	_ =	swait.ge @!p0 [sflag:s0], s1  }
0x6d: {  	s1 =	ssub.s32 @!p0 $0x0, s1;
	[sflag:s0] =	ssyncset.done @!p0 $0x0  }
0x6e: {  	[sflag:s0] =	ssyncadd.s32 @!p0 s1  }
0x6f: {  	[bflag:$0x3] =	sbarrier.arrive $0xFFFF  }
0x70: {  	_ =	shalt  }

// kernel: kernel.13.cloned.1.call-start
scs
__scs_entry_jumppad:
0x0: {  	(pc) =	sbr.rel $0x88, $3  }
0x1: {  	(tag) =	ssettag $0x0;
	lr =	simm.s32 $0x1  }
0x2: {  	[smem:$0x3F95] =	sst lr;
	_ =	strace $0xD0000000  }
0x3: {  	_ = 	snop  }
0x4: {  	_ = 	snop  }
0x5: {  	_ = 	snop  }
0x6: {  	_ = 	snop  }
0x7: {  	_ = 	snop  }
__scs_overlays_trampoline_lowered:
0x8: {  	[smem:$0x3FA4] =	sst s0  }
0x9: {  	[smem:$0x3FA5] =	sst s1  }
0xa: {  	[smem:$0x3FA6] =	sst s2  }
0xb: {  	[smem:$0x3FA7] =	sst s3  }
0xc: {  	[smem:$0x3FA8] =	sst s4  }
0xd: {  	[smem:$0x3FA9] =	sst s5  }
0xe: {  	[smem:$0x3FAA] =	sst s6  }
0xf: {  	[smem:$0x3FAB] =	sst s7  }
0x10: {  	[smem:$0x3FAC] =	sst s8  }
0x11: {  	[smem:$0x3FAD] =	sst s9;
	s0 =	simm.s32 @!p0 $0x0  }
0x12: {  	s1 =	sld [smem:$0x3F93];
	s0 =	simm.s32 @p0 $0x1  }
0x13: {  	[smem:$0x3FAE] =	sst s0;
	s0 =	simm.s32 @!p1 $0x0  }
0x14: {  	s2 =	sld [smem:$0x3F92];
	s0 =	simm.s32 @p1 $0x1  }
0x15: {  	[smem:$0x3FAF] =	sst s0;
	s0 =	simm.s32 @!p2 $0x0  }
0x16: {  	s3 =	sld [smem:$0x3FDB];
	s0 =	simm.s32 @p2 $0x1  }
0x17: {  	s4 =	simm.s32 $0x1BF5;
	[smem:$0x3FB1] =	sst s0  }
0x18: {  	s0 =	sld [smem:$0x3F94];
	_ =	swait.ge [sflag:s4], $0x0  }
0x19: {  	s7 =	sld [smem:$0x3F95]  }
0x1a: {  	s8 =	sadd.s32 $0xFFFFE003, lr  }
0x1b: {  	s9 =	sadd.s32 $0xFFFFFEF7, lr;
	s5 =	simm.s32 $0xFFFFFFFF;
	p2 =	slt.u32 s8, $0xFFFFF086  }
0x1c: {  	p1 =	slt.u32 s9, $0xF7A;
	s5 =	simm.s32 @!p2 $0x0  }
0x1d: {  	s5 =	simm.s32 @p1 $0x1;
	p0 =	seq.s32 s7, s2  }
0x1e: {  	s7 =	smul.u32 @!p0 $0xF7A, s2;
	p2 =	seq.s32 @!p0 s5, $0x0  }
0x1f: {  	s9 =	smul.u32 $0xF7A, s1;
	s8 =	simm.s32 @!p0 $0x1BF5;
	p2 =	por !p2, p0  }
0x20: {  	[sflag:s8] =	ssyncset.s32 @!p0 $0xFFFFF086;
	s6 =	sadd.s32 @!p0 s3, s7;
	s7 =	simm.s32 @!p0 $0x108  }
0x21: {  	s3 =	sadd.s32 s3, s9;
	s6 =	sadd.s32 @!p0 $0x88, s6;
	s7 =	simm.s32 @p2 $0x1082  }
0x22: {  	[simem:s7], [sflag:s8] =	dma.local @!p0 [hbm:s6], $0xF7A  }
0x23: {  	s9 =	sor.u32 $0xD0000000, s2;
	s6 =	simm.s32 $0x108;
	_ =	swait.ge @!p0 [sflag:s8], $0x0  }
0x24: {  	s3 =	sadd.s32 $0x88, s3;
	s6 =	simm.s32 @!p1 $0x1082;
	[sflag:s4] =	ssyncset.s32 $0xFFFFF086  }
0x25: {  	[simem:s6], [sflag:s4] =	dma.local [hbm:s3], $0xF7A  }
0x26: {  	[smem:$0x3F95] =	sst s1;
	(tag) =	ssettag s2;
	_ =	strace s9  }
0x27: {  	s1 =	sld [smem:$0x3FA5]  }
0x28: {  	s2 =	sld [smem:$0x3FA6]  }
0x29: {  	s4 =	sld [smem:$0x3FA8]  }
0x2a: {  	p0 =	seq.s32 s5, $0x0;
	s5 =	sld [smem:$0x3FA9]  }
0x2b: {  	s6 =	sld [smem:$0x3FAA]  }
0x2c: {  	s7 =	sld [smem:$0x3FAB]  }
0x2d: {  	s3 =	simm.s32 $0x108;
	s8 =	sld [smem:$0x3FAC]  }
0x2e: {  	s3 =	simm.s32 @!p0 $0x1082;
	s9 =	sld [smem:$0x3FAD]  }
0x2f: {  	lr =	sadd.s32 s0, s3;
	s0 =	sld [smem:$0x3FA4]  }
0x30: {  	s3 =	sld [smem:$0x3FA7]  }
0x31: {  	[smem:$0x3FB0] =	sst s10  }
0x32: {  	s10 =	sld [smem:$0x3FAE];
	_ =	sdelay $0x3  }
0x33: {  	p0 =	seq.s32 s10, $0x1;
	s10 =	sld [smem:$0x3FB0];
	_ =	sdelay $0x3  }
0x34: {  	[smem:$0x3FB0] =	sst s10  }
0x35: {  	s10 =	sld [smem:$0x3FAF];
	_ =	sdelay $0x3  }
0x36: {  	p1 =	seq.s32 s10, $0x1;
	s10 =	sld [smem:$0x3FB0];
	_ =	sdelay $0x3  }
0x37: {  	[smem:$0x3FB0] =	sst s10  }
0x38: {  	s10 =	sld [smem:$0x3FB1]  }
0x39: {  	_ = 	snop;
	(pc) =	sbr.ind lr, $3  }
0x3a: {  	_ = 	snop  }
0x3b: {  	_ = 	snop  }
0x3c: {  	p2 =	seq.s32 s10, $0x1;
	s10 =	sld [smem:$0x3FB0]  }
0x3d: {  	_ =	shalt  }
0x3e: {  	_ =	shalt  }
0x3f: {  	_ =	shalt  }
0x40: {  	_ =	shalt  }
0x41: {  	_ =	shalt  }
0x42: {  	_ =	shalt  }
0x43: {  	_ =	shalt  }
0x44: {  	_ =	shalt  }
0x45: {  	_ =	shalt  }
0x46: {  	_ =	shalt  }
0x47: {  	_ =	shalt  }
0x48: {  	_ =	shalt  }
0x49: {  	_ =	shalt  }
0x4a: {  	_ =	shalt  }
0x4b: {  	_ =	shalt  }
0x4c: {  	_ =	shalt  }
0x4d: {  	_ =	shalt  }
0x4e: {  	_ =	shalt  }
0x4f: {  	_ =	shalt  }
0x50: {  	_ =	shalt  }
0x51: {  	_ =	shalt  }
0x52: {  	_ =	shalt  }
0x53: {  	_ =	shalt  }
0x54: {  	_ =	shalt  }
0x55: {  	_ =	shalt  }
0x56: {  	_ =	shalt  }
0x57: {  	_ =	shalt  }
0x58: {  	_ =	shalt  }
0x59: {  	_ =	shalt  }
0x5a: {  	_ =	shalt  }
0x5b: {  	_ =	shalt  }
0x5c: {  	_ =	shalt  }
0x5d: {  	_ =	shalt  }
0x5e: {  	_ =	shalt  }
0x5f: {  	_ =	shalt  }
0x60: {  	_ =	shalt  }
0x61: {  	_ =	shalt  }
0x62: {  	_ =	shalt  }
0x63: {  	_ =	shalt  }
0x64: {  	_ =	shalt  }
0x65: {  	_ =	shalt  }
0x66: {  	_ =	shalt  }
0x67: {  	_ =	shalt  }
0x68: {  	_ =	shalt  }
0x69: {  	_ =	shalt  }
0x6a: {  	_ =	shalt  }
0x6b: {  	_ =	shalt  }
0x6c: {  	_ =	shalt  }
0x6d: {  	_ =	shalt  }
0x6e: {  	_ =	shalt  }
0x6f: {  	_ =	shalt  }
0x70: {  	_ =	shalt  }
0x71: {  	_ =	shalt  }
0x72: {  	_ =	shalt  }
0x73: {  	_ =	shalt  }
0x74: {  	_ =	shalt  }
0x75: {  	_ =	shalt  }
0x76: {  	_ =	shalt  }
0x77: {  	_ =	shalt  }
0x78: {  	_ =	shalt  }
0x79: {  	_ =	shalt  }
0x7a: {  	_ =	shalt  }
0x7b: {  	_ =	shalt  }
0x7c: {  	_ =	shalt  }
0x7d: {  	_ =	shalt  }
0x7e: {  	_ =	shalt  }
0x7f: {  	_ =	shalt  }
0x80: {  	_ =	shalt  }
0x81: {  	_ =	shalt  }
0x82: {  	_ =	shalt  }
0x83: {  	_ =	shalt  }
0x84: {  	_ =	shalt  }
0x85: {  	_ =	shalt  }
0x86: {  	_ =	shalt  }
0x87: {  	_ =	shalt  }
.Lfunc_end0:
.L_simem_size_0:
called_computation.1_lowered:
.L_overlay_start_0:
0x88: {  	s2 =	sld [smem:$0x3FD9]  }
0x89: {  	s3 =	sld [smem:$0x3FFE];
	_ =	sdelay $0x1  }
0x8a: {  	s1 =	srdreg.scid  }
0x8b: {  	s0 =	sand.u32 $0x1, s1  }
0x8c: {  	s17 =	sshll.u32 s0, $0xA;
	s2 =	sadd.s32 s3, s2  }
0x8d: {  	s2 =	sadd.s32 s2, s17  }
0x8e: {  	[smem:$0x3FBC] =	sst s2  }
0x8f: {  	_ = 	snop  }
0x90: {  	s2 =	sld [smem:$0x3FD0];
	(tm) =	ssettm $0x1  }
0x91: {  	s18 =	sld [smem:$0x3FFB];
	_ =	sdelay $0x3  }
0x92: {  	_ =	strace s18  }
0x93: {  	s3 =	sld [smem:$0x3FFC];
	_ =	sdelay $0x3  }
0x94: {  	_ =	strace s3  }
0x95: {  	s3 =	sld [smem:$0x3FFD];
	_ =	sdelay $0x3  }
0x96: {  	_ =	strace s3  }
0x97: {  	_ =	strace $0x8FFFFFFF  }
0x98: {  	s19 =	sld [smem:$0x3FDB];
	_ =	sdelay $0x1  }
0x99: {  	s4 =	simm.s32 $_scs_section_size  }
0x9a: {  	s5 =	simm.s32 $_size__tile_overlayer_lowered;
	s6 =	simm.s32 $_tile_overlayer_lowered  }
0x9b: {  	s22 =	simm.s32 $0x1BFF;
	s21 =	sshll.u32 s6, $0x1;
	s3 =	sadd.s32 s4, s19  }
0x9c: {  	s7 =	simm.s32 $0x0;
	s20 =	sshll.u32 s5, $0x1;
	s5 =	sadd.s32 s21, s3  }
0x9d: {  	[timem:s7], [sflag:s22] =	dma.local [hbm:s5], s20  }
0x9e: {  	_ =	swait.ge [sflag:s22], s20  }
0x9f: {  	s4 =	ssub.s32 $0x0, s20;
	[sflag:s22] =	ssyncset.done $0x0  }
0xa0: {  	[sflag:s22] =	ssyncadd.s32 s4;
	_ =	sdelay $0x1  }
0xa1: {  	s23 =	simm.s32 $0x1B8B  }
0xa2: {  	_ =	swait.ge [sflag:s23], $0x1  }
0xa3: {  	[sflag:s23] =	ssyncset.done $0x0  }
0xa4: {  	s25 =	simm.s32 $0x1B8E;
	s24 =	sld [smem:$0x3FFE];
	[sflag:s23] =	ssyncadd.s32 $0xFFFFFFFF  }
0xa5: {  	s26 =	simm.s32 $execute0_lowered;
	[smem:$0x3FD2] =	sst s25  }
0xa6: {  	s5 =	sshll.u32 s26, $0x1;
	_ =	strace $0x80000049;
	[dreg:$0x1] =	wrdreg $0xFFFFFFFF  }
0xa7: {  	s28 =	simm.s32 $_size_execute0_lowered;
	s3 =	sadd.s32 s3, s5;
	[dreg:$0x0] =	wrdreg $0x0  }
0xa8: {  	s5 =	sshll.u32 s28, $0x1;
	[dreg:$0x2] =	wrdreg s3  }
0xa9: {  	[dreg:$0x3] =	wrdreg s5  }
0xaa: {  	[dreg:$0x4] =	wrdreg $0xC0  }
0xab: {  	_ =	task [dreg:s7], $0x5FFFF  }
0xac: {  	[dreg:$0x1] =	wrdreg $0xFFFFFFFF  }
0xad: {  	[dreg:$0x0] =	wrdreg $0x60  }
0xae: {  	[dreg:$0x2] =	wrdreg s24  }
0xaf: {  	[dreg:$0x3] =	wrdreg s2  }
0xb0: {  	[dreg:$0x4] =	wrdreg $0x90000  }
0xb1: {  	[dreg:$0x5] =	wrdreg $0x9  }
0xb2: {  	_ =	task.clear_ibuf [dreg:s7], $0x6FFFF;
	_ =	strace $0x90000049  }
0xb3: {  	s29 =	simm.s32 $0x9;
	_ =	strace $0x8000004B  }
0xb4: {  	_ =	swait.ge [sflag:s29], $0x1  }
0xb5: {  	[sflag:s29] =	ssyncadd.s32 $0xFFFFFFFF  }
0xb6: {  	_ =	strace $0x9000004B  }
0xb7: {  	_ =	sfence  }
0xb8: {  	s30 =	sld [smem:$0x0];
	_ =	sdelay $0x2  }
0xb9: {  	s31 =	sshll.u32 s1, $0xD;
	s1 =	sshrl.u32 s1, $0x2  }
0xba: {  	s3 =	sand.u32 $0x4000, s31;
	s1 =	sadd.s32 s1, s30  }
0xbb: {  	s0 =	sor.u32 s3, s0;
	s1 =	sshll.u32 s1, $0x11  }
0xbc: {  	s0 =	sor.u32 s1, s0  }
0xbd: {  	s0 =	sadd.s32 $0x8F2B, s0  }
0xbe: {  	[sflag:s0] =	ssyncadd.remote.s32 $0x1  }
0xbf: {  	_ =	sfence.sel $0xFFFF  }
0xc0: {  	[dreg:$0x0] =	wrdreg $0xFFFFFFFF;
	(pc) =	sbr.abs _section_cstart, $3  }
0xc1: {  	[dreg:$0x1] =	wrdreg $0xFFFFFFFF  }
0xc2: {  	_ =	task.clear_ibuf [dreg:s7], $0x2FFFF;
	_ =	strace $0x9FFFFFFF  }
0xc3: {  	(tm) =	ssettm $0x7FFFFFFF  }
tec
execute0_lowered:
.L_overlay_start_1:
0x0: {  	(tag) =	ssettag $0x1  }
0x1: {  	s0 =	rddreg [dreg:$0x0]  }
0x2: {  	s1 =	rddreg [dreg:$0x1]  }
0x3: {  	s2 =	rddreg [dreg:$0x2];
	s3 =	simm.s32 $0x0  }
0x4: {  	s9 =	stileid.u32;
	s4 =	srdreg.scid;
	s12 =	simm.s32 $0x100  }
0x5: {  	s14 =	simm.s32 $0x880;
	s16 =	simm.s32 $0x180;
	s18 =	simm.s32 $0x900  }
0x6: {  	s19 =	simm.s32 $0x200;
	s20 =	simm.s32 $0x980;
	[smem:$0x7FF] =	sst s3  }
0x7: {  	s21 =	simm.s32 $0x280;
	_ =	strace $0x8000004A;
	[dreg:$0x6] =	wrdreg s12  }
0x8: {  	s22 =	simm.s32 $0xA00;
	s23 =	simm.s32 $0x300;
	[dreg:$0x7] =	wrdreg s14  }
0x9: {  	s24 =	simm.s32 $0xA80;
	s25 =	simm.s32 $0x380;
	[dreg:$0x8] =	wrdreg s16  }
0xa: {  	s28 =	simm.s32 $0x600;
	s29 =	simm.s32 $0xD80;
	[dreg:$0x9] =	wrdreg s18  }
0xb: {  	s30 =	simm.s32 $0x680;
	s5 =	smul.u32 $0xA00, s9;
	[dreg:$0xa] =	wrdreg s19  }
0xc: {  	s31 =	simm.s32 $0xE00;
	s6 =	smul.u32 $0x2800, s9;
	[dreg:$0xb] =	wrdreg s20  }
0xd: {  	s7 =	sand.u32 $0x1, s4;
	s4 =	sadd.s32 $0xFE00, s0;
	[dreg:$0xc] =	wrdreg s21  }
0xe: {  	s9 =	smul.u32 $0x50000, s9;
	s8 =	ssub.s32 $0x2, s7;
	[dreg:$0xd] =	wrdreg s22  }
0xf: {  	p0 =	sne.s32 s7, $0x0;
	s12 =	simm.s32 $0x1000;
	[dreg:$0xe] =	wrdreg s23  }
0x10: {  	s14 =	simm.s32 $0x800;
	[dreg:$0xf] =	wrdreg s24;
	s16 =	simm.s32 $0x5000  }
0x11: {  	[dreg:$0x10] =	wrdreg s25;
	s18 =	simm.s32 $0x2;
	s19 =	simm.s32 $0x400  }
0x12: {  	s20 =	simm.s32 $0xB80;
	s21 =	simm.s32 $0x480;
	s22 =	simm.s32 $0xC00  }
0x13: {  	s23 =	simm.s32 $0x500;
	s24 =	simm.s32 $0xC80;
	s25 =	simm.s32 $0x580  }
0x14: {  	s7 =	simm.s32 $0xF00;
	s10 =	sadd.s32 s5, s0;
	s0 =	sadd.s32 s6, s0  }
0x15: {  	s26 =	sshrl.u32 s8, $0x1;
	s9 =	sshrl.u32 s9, $0x2;
	s1 =	sadd.s32 s5, s1  }
0x16: {  	s6 =	ssub.s32 s8, s26;
	s10 =	sadd.s32 $0x5E00, s10;
	[dreg:$0x5] =	wrdreg s1  }
0x17: {  	s8 =	sadd.s32 s9, s2;
	s0 =	sadd.s32 $0x5FE00, s0;
	[dreg:$0x4] =	wrdreg s10  }
0x18: {  	s26 =	simm.s32 $0xB00;
	s1 =	simm.s32 $0xE80;
	[dreg:$0x12] =	wrdreg s8  }
0x19: {  	s9 =	simm.s32 $0x0;
	s11 =	sadd.s32 $0x4000, s8;
	[dreg:$0x17] =	wrdreg s0  }
0x1a: {  	s13 =	sadd.s32 $0x8000, s8;
	s15 =	sadd.s32 $0xC000, s8;
	[dreg:$0x11] =	wrdreg s26  }
.Ltmp0:
0x1b: {  	s17 =	sadd.s32 $0x10000, s8;
	[dreg:$0x13] =	wrdreg s11;
	(pc) =	sbr.rel .LBB2_1-.Ltmp0, $4  }
0x1c: {  	s5 =	smax.u32 s6, $0x1;
	s26 =	simm.s32 $0xD00;
	[dreg:$0x14] =	wrdreg s13  }
0x1d: {  	s0 =	simm.s32 $0x700;
	s6 =	simm.s32 $0x780;
	[dreg:$0x15] =	wrdreg s15  }
0x1e: {  	s8 =	simm.s32 $0xF80;
	[dreg:$0x16] =	wrdreg s17;
	s13 =	simm.s32 $0x3  }
0x1f: {  	v0 =	vimm.f32 $0.0e+00;
	s15 =	simm.s32 $0x80;
	s17 =	simm.s32 $0x1;
	[dreg:$0x18] =	wrdreg s5  }
.LBB2_9:
0x20: {  	[bflag:$0x0] =	sbarrier.arrive $0xFFFF  }
0x21: {  	[bflag:$0x0] =	sbarrier.arrive $0xFFFF  }
.LBB2_7:
0x22: {  	s9 =	sadd.s32 $0x1, s9  }
0x23: {  	p1 =	sne.s32 s9, s5  }
.Ltmp1:
0x24: {  	_ = 	snop;
	(pc) =	sbr.rel @!p1 .LBB2_8-.Ltmp1, $1  }
0x25: {  	_ =	sdelay $0x3  }
.LBB2_1:
.Ltmp2:
0x26: {  	(pc) =	sbr.rel @p0 .LBB2_9-.Ltmp2, $1  }
0x27: {  	_ =	sdelay $0x3  }
0x28: {  	[dreg:$0x19] =	wrdreg s9;
	s10 =	sshra.s32 s3, $0x2;
	s11 =	sadd.s32 $0x200, s3  }
.LBB2_3:
0x29: {  	p1 =	sne.s32 s11, $0xFE00;
	[tilespmem:s10+$0x1070] =	vst v0  }
0x2a: {  	[tilespmem:s10+$0x1000] =	vst v0  }
0x2b: {  	[tilespmem:s10+$0x1010] =	vst v0  }
.Ltmp3:
0x2c: {  	[tilespmem:s10+$0x1020] =	vst v0;
	(pc) =	sbr.rel @p1 .LBB2_3-.Ltmp3, $4  }
0x2d: {  	[tilespmem:s10+$0x1030] =	vst v0  }
0x2e: {  	[tilespmem:s10+$0x1040] =	vst v0  }
0x2f: {  	[tilespmem:s10+$0x1050] =	vst v0  }
0x30: {  	[tilespmem:s10+$0x1060] =	vst v0;
	s10 =	sshra.s32 s11, $0x2;
	s11 =	sadd.s32 $0x200, s11  }
0x31: {  	[tilespmem:s10+$0x1070] =	vst v0  }
0x32: {  	[tilespmem:s10+$0x1000] =	vst v0  }
0x33: {  	[tilespmem:s10+$0x1010] =	vst v0  }
0x34: {  	[tilespmem:s10+$0x1020] =	vst v0  }
0x35: {  	[tilespmem:s10+$0x1030] =	vst v0  }
0x36: {  	[tilespmem:s10+$0x1040] =	vst v0  }
0x37: {  	[tilespmem:s10+$0x1050] =	vst v0  }
0x38: {  	[tilespmem:s10+$0x1060] =	vst v0;
	s5 =	rddreg [dreg:$0x12]  }
0x39: {  	[spmem:s5] =	stream.linear.scatter [tilespmem:s12], [sflag:$0x3], $0x4000, $0x38;
	[tilespmem:$0x1D000] =	vst v63  }
0x3a: {  	_ =	swait.ge [sflag:s13], $0x4000  }
0x3b: {  	[sflag:s13] =	ssyncset.done $0x0  }
0x3c: {  	s9 =	rddreg [dreg:$0x13];
	[sflag:s13] =	ssyncadd.s32 $0xFFFFC000  }
0x3d: {  	[spmem:s9] =	stream.linear.scatter [tilespmem:s12], [sflag:$0x3], $0x4000, $0x38;
	[tilespmem:$0x1D000] =	vst v63  }
0x3e: {  	_ =	swait.ge [sflag:s13], $0x4000  }
0x3f: {  	[sflag:s13] =	ssyncset.done $0x0  }
0x40: {  	s10 =	rddreg [dreg:$0x14];
	[sflag:s13] =	ssyncadd.s32 $0xFFFFC000  }
0x41: {  	[spmem:s10] =	stream.linear.scatter [tilespmem:s12], [sflag:$0x3], $0x4000, $0x38;
	[tilespmem:$0x1D000] =	vst v63  }
0x42: {  	_ =	swait.ge [sflag:s13], $0x4000  }
0x43: {  	[sflag:s13] =	ssyncset.done $0x0  }
0x44: {  	s11 =	rddreg [dreg:$0x15];
	[sflag:s13] =	ssyncadd.s32 $0xFFFFC000  }
0x45: {  	[spmem:s11] =	stream.linear.scatter [tilespmem:s12], [sflag:$0x3], $0x4000, $0x38;
	[tilespmem:$0x1D000] =	vst v63  }
0x46: {  	_ =	swait.ge [sflag:s13], $0x4000  }
0x47: {  	[sflag:s13] =	ssyncset.done $0x0  }
0x48: {  	s9 =	rddreg [dreg:$0x16];
	[sflag:s13] =	ssyncadd.s32 $0xFFFFC000  }
0x49: {  	[spmem:s9] =	stream.linear.scatter [tilespmem:s12], [sflag:$0x3], $0x4000, $0x38;
	[tilespmem:$0x1D000] =	vst v63  }
0x4a: {  	_ =	swait.ge [sflag:s13], $0x4000  }
0x4b: {  	[sflag:s13] =	ssyncset.done $0x0  }
0x4c: {  	[sflag:s13] =	ssyncadd.s32 $0xFFFFC000  }
0x4d: {  	[bflag:$0x0] =	sbarrier.arrive $0xFFFF  }
0x4e: {  	s10 =	rddreg [dreg:$0x5]  }
0x4f: {  	s5 =	sadd.s32 $0x0, s10  }
0x50: {  	[tilespmem:s3], [sflag:$0x3] =	stream.linear.gather [hbm4b:s5+s3], $0x800, $0x38;
	[tilespmem:$0x1D000] =	vst v63  }
0x51: {  	_ =	swait.ge [sflag:s13], $0x800  }
0x52: {  	s11 =	rddreg [dreg:$0x4];
	[sflag:s13] =	ssyncset.done $0x0  }
0x53: {  	[sflag:s13] =	ssyncadd.s32 $0xFFFFF800;
	s5 =	sadd.s32 $0x0, s11  }
0x54: {  	[tilespmem:s14], [sflag:$0x3] =	stream.linear.gather [hbm4b:s5+s3], $0x800, $0x38;
	[tilespmem:$0x1D000] =	vst v63  }
0x55: {  	_ =	swait.ge [sflag:s13], $0x800  }
0x56: {  	[sflag:s13] =	ssyncset.done $0x0  }
0x57: {  	[sflag:s13] =	ssyncadd.s32 $0xFFFFF800  }
0x58: {  	[tilespmem:s12], [sflag:$0x1] =	stream.indirect.gather [hbm4b:s4+s15], $0x80, s3, s15, $0xb8;
	[tilespmem:$0x1D000] =	vst v63  }
0x59: {  	_ = 	snop  }
0x5a: {  	[tilespmem:s16], [sflag:$0x2] =	stream.indirect.gather [hbm4b:s4+s15], $0x80, s15, s15, $0xb8;
	[tilespmem:$0x1D000] =	vst v63  }
0x5b: {  	_ =	swait.ge [sflag:s17], $0x4000  }
0x5c: {  	[sflag:s17] =	ssyncset.done $0x0  }
0x5d: {  	[sflag:s17] =	ssyncadd.s32 $0xFFFFC000  }
0x5e: {  	[spmem:s2] =	stream.indirect.scatter.add.f32 [tilespmem:s12], [sflag:$0x3], $0x80, s14, s15, $0xb8;
	[tilespmem:$0x1D000] =	vst v63  }
0x5f: {  	_ =	swait.ge [sflag:s13], $0x4000  }
0x60: {  	[sflag:s13] =	ssyncset.done $0x0  }
0x61: {  	s9 =	rddreg [dreg:$0x6];
	[sflag:s13] =	ssyncadd.s32 $0xFFFFC000  }
0x62: {  	[tilespmem:s12], [sflag:$0x1] =	stream.indirect.gather [hbm4b:s4+s15], $0x80, s9, s15, $0xb8;
	[tilespmem:$0x1D000] =	vst v63  }
0x63: {  	_ =	swait.ge [sflag:s18], $0x4000  }
0x64: {  	[sflag:s18] =	ssyncset.done $0x0  }
0x65: {  	s10 =	rddreg [dreg:$0x7];
	[sflag:s18] =	ssyncadd.s32 $0xFFFFC000  }
0x66: {  	[spmem:s2] =	stream.indirect.scatter.add.f32 [tilespmem:s16], [sflag:$0x3], $0x80, s10, s15, $0xb8;
	[tilespmem:$0x1D000] =	vst v63  }
0x67: {  	_ =	swait.ge [sflag:s13], $0x4000  }
0x68: {  	[sflag:s13] =	ssyncset.done $0x0  }
0x69: {  	s11 =	rddreg [dreg:$0x8];
	[sflag:s13] =	ssyncadd.s32 $0xFFFFC000  }
0x6a: {  	[tilespmem:s16], [sflag:$0x2] =	stream.indirect.gather [hbm4b:s4+s15], $0x80, s11, s15, $0xb8;
	[tilespmem:$0x1D000] =	vst v63  }
0x6b: {  	_ =	swait.ge [sflag:s17], $0x4000  }
0x6c: {  	[sflag:s17] =	ssyncset.done $0x0  }
0x6d: {  	s9 =	rddreg [dreg:$0x9];
	[sflag:s17] =	ssyncadd.s32 $0xFFFFC000  }
0x6e: {  	[spmem:s2] =	stream.indirect.scatter.add.f32 [tilespmem:s12], [sflag:$0x3], $0x80, s9, s15, $0xb8;
	[tilespmem:$0x1D000] =	vst v63  }
0x6f: {  	_ =	swait.ge [sflag:s13], $0x4000  }
0x70: {  	[sflag:s13] =	ssyncset.done $0x0  }
0x71: {  	s10 =	rddreg [dreg:$0xa];
	[sflag:s13] =	ssyncadd.s32 $0xFFFFC000  }
0x72: {  	[tilespmem:s12], [sflag:$0x1] =	stream.indirect.gather [hbm4b:s4+s15], $0x80, s10, s15, $0xb8;
	[tilespmem:$0x1D000] =	vst v63  }
0x73: {  	_ =	swait.ge [sflag:s18], $0x4000  }
0x74: {  	[sflag:s18] =	ssyncset.done $0x0  }
0x75: {  	s11 =	rddreg [dreg:$0xb];
	[sflag:s18] =	ssyncadd.s32 $0xFFFFC000  }
0x76: {  	[spmem:s2] =	stream.indirect.scatter.add.f32 [tilespmem:s16], [sflag:$0x3], $0x80, s11, s15, $0xb8;
	[tilespmem:$0x1D000] =	vst v63  }
0x77: {  	_ =	swait.ge [sflag:s13], $0x4000  }
0x78: {  	[sflag:s13] =	ssyncset.done $0x0  }
0x79: {  	s9 =	rddreg [dreg:$0xc];
	[sflag:s13] =	ssyncadd.s32 $0xFFFFC000  }
0x7a: {  	[tilespmem:s16], [sflag:$0x2] =	stream.indirect.gather [hbm4b:s4+s15], $0x80, s9, s15, $0xb8;
	[tilespmem:$0x1D000] =	vst v63  }
0x7b: {  	_ =	swait.ge [sflag:s17], $0x4000  }
0x7c: {  	[sflag:s17] =	ssyncset.done $0x0  }
0x7d: {  	s10 =	rddreg [dreg:$0xd];
	[sflag:s17] =	ssyncadd.s32 $0xFFFFC000  }
0x7e: {  	[spmem:s2] =	stream.indirect.scatter.add.f32 [tilespmem:s12], [sflag:$0x3], $0x80, s10, s15, $0xb8;
	[tilespmem:$0x1D000] =	vst v63  }
0x7f: {  	_ =	swait.ge [sflag:s13], $0x4000  }
0x80: {  	[sflag:s13] =	ssyncset.done $0x0  }
0x81: {  	s11 =	rddreg [dreg:$0xe];
	[sflag:s13] =	ssyncadd.s32 $0xFFFFC000  }
0x82: {  	[tilespmem:s12], [sflag:$0x1] =	stream.indirect.gather [hbm4b:s4+s15], $0x80, s11, s15, $0xb8;
	[tilespmem:$0x1D000] =	vst v63  }
0x83: {  	_ =	swait.ge [sflag:s18], $0x4000  }
0x84: {  	[sflag:s18] =	ssyncset.done $0x0  }
0x85: {  	s9 =	rddreg [dreg:$0xf];
	[sflag:s18] =	ssyncadd.s32 $0xFFFFC000  }
0x86: {  	[spmem:s2] =	stream.indirect.scatter.add.f32 [tilespmem:s16], [sflag:$0x3], $0x80, s9, s15, $0xb8;
	[tilespmem:$0x1D000] =	vst v63  }
0x87: {  	_ =	swait.ge [sflag:s13], $0x4000  }
0x88: {  	[sflag:s13] =	ssyncset.done $0x0  }
0x89: {  	s10 =	rddreg [dreg:$0x10];
	[sflag:s13] =	ssyncadd.s32 $0xFFFFC000  }
0x8a: {  	[tilespmem:s16], [sflag:$0x2] =	stream.indirect.gather [hbm4b:s4+s15], $0x80, s10, s15, $0xb8;
	[tilespmem:$0x1D000] =	vst v63  }
0x8b: {  	_ =	swait.ge [sflag:s17], $0x4000  }
0x8c: {  	[sflag:s17] =	ssyncset.done $0x0  }
0x8d: {  	s11 =	rddreg [dreg:$0x11];
	[sflag:s17] =	ssyncadd.s32 $0xFFFFC000  }
0x8e: {  	[spmem:s2] =	stream.indirect.scatter.add.f32 [tilespmem:s12], [sflag:$0x3], $0x80, s11, s15, $0xb8;
	[tilespmem:$0x1D000] =	vst v63  }
0x8f: {  	_ =	swait.ge [sflag:s13], $0x4000  }
0x90: {  	[sflag:s13] =	ssyncset.done $0x0  }
0x91: {  	[sflag:s13] =	ssyncadd.s32 $0xFFFFC000  }
0x92: {  	[tilespmem:s12], [sflag:$0x1] =	stream.indirect.gather [hbm4b:s4+s15], $0x80, s19, s15, $0xb8;
	[tilespmem:$0x1D000] =	vst v63  }
0x93: {  	_ =	swait.ge [sflag:s18], $0x4000  }
0x94: {  	[sflag:s18] =	ssyncset.done $0x0  }
0x95: {  	[sflag:s18] =	ssyncadd.s32 $0xFFFFC000  }
0x96: {  	[spmem:s2] =	stream.indirect.scatter.add.f32 [tilespmem:s16], [sflag:$0x3], $0x80, s20, s15, $0xb8;
	[tilespmem:$0x1D000] =	vst v63  }
0x97: {  	_ =	swait.ge [sflag:s13], $0x4000  }
0x98: {  	[sflag:s13] =	ssyncset.done $0x0  }
0x99: {  	[sflag:s13] =	ssyncadd.s32 $0xFFFFC000  }
0x9a: {  	[tilespmem:s16], [sflag:$0x2] =	stream.indirect.gather [hbm4b:s4+s15], $0x80, s21, s15, $0xb8;
	[tilespmem:$0x1D000] =	vst v63  }
0x9b: {  	_ =	swait.ge [sflag:s17], $0x4000  }
0x9c: {  	[sflag:s17] =	ssyncset.done $0x0  }
0x9d: {  	[sflag:s17] =	ssyncadd.s32 $0xFFFFC000  }
0x9e: {  	[spmem:s2] =	stream.indirect.scatter.add.f32 [tilespmem:s12], [sflag:$0x3], $0x80, s22, s15, $0xb8;
	[tilespmem:$0x1D000] =	vst v63  }
0x9f: {  	_ =	swait.ge [sflag:s13], $0x4000  }
0xa0: {  	[sflag:s13] =	ssyncset.done $0x0  }
0xa1: {  	[sflag:s13] =	ssyncadd.s32 $0xFFFFC000  }
0xa2: {  	[tilespmem:s12], [sflag:$0x1] =	stream.indirect.gather [hbm4b:s4+s15], $0x80, s23, s15, $0xb8;
	[tilespmem:$0x1D000] =	vst v63  }
0xa3: {  	_ =	swait.ge [sflag:s18], $0x4000  }
0xa4: {  	[sflag:s18] =	ssyncset.done $0x0  }
0xa5: {  	[sflag:s18] =	ssyncadd.s32 $0xFFFFC000  }
0xa6: {  	[spmem:s2] =	stream.indirect.scatter.add.f32 [tilespmem:s16], [sflag:$0x3], $0x80, s24, s15, $0xb8;
	[tilespmem:$0x1D000] =	vst v63  }
0xa7: {  	_ =	swait.ge [sflag:s13], $0x4000  }
0xa8: {  	[sflag:s13] =	ssyncset.done $0x0  }
0xa9: {  	[sflag:s13] =	ssyncadd.s32 $0xFFFFC000  }
0xaa: {  	[tilespmem:s16], [sflag:$0x2] =	stream.indirect.gather [hbm4b:s4+s15], $0x80, s25, s15, $0xb8;
	[tilespmem:$0x1D000] =	vst v63  }
0xab: {  	_ =	swait.ge [sflag:s17], $0x4000  }
0xac: {  	[sflag:s17] =	ssyncset.done $0x0  }
0xad: {  	[sflag:s17] =	ssyncadd.s32 $0xFFFFC000  }
0xae: {  	[spmem:s2] =	stream.indirect.scatter.add.f32 [tilespmem:s12], [sflag:$0x3], $0x80, s26, s15, $0xb8;
	[tilespmem:$0x1D000] =	vst v63  }
0xaf: {  	_ =	swait.ge [sflag:s13], $0x4000  }
0xb0: {  	[sflag:s13] =	ssyncset.done $0x0  }
0xb1: {  	[sflag:s13] =	ssyncadd.s32 $0xFFFFC000  }
0xb2: {  	[tilespmem:s12], [sflag:$0x1] =	stream.indirect.gather [hbm4b:s4+s15], $0x80, s28, s15, $0xb8;
	[tilespmem:$0x1D000] =	vst v63  }
0xb3: {  	_ =	swait.ge [sflag:s18], $0x4000  }
0xb4: {  	[sflag:s18] =	ssyncset.done $0x0  }
0xb5: {  	[sflag:s18] =	ssyncadd.s32 $0xFFFFC000  }
0xb6: {  	[spmem:s2] =	stream.indirect.scatter.add.f32 [tilespmem:s16], [sflag:$0x3], $0x80, s29, s15, $0xb8;
	[tilespmem:$0x1D000] =	vst v63  }
0xb7: {  	_ =	swait.ge [sflag:s13], $0x4000  }
0xb8: {  	[sflag:s13] =	ssyncset.done $0x0  }
0xb9: {  	[sflag:s13] =	ssyncadd.s32 $0xFFFFC000  }
0xba: {  	[tilespmem:s16], [sflag:$0x2] =	stream.indirect.gather [hbm4b:s4+s15], $0x80, s30, s15, $0xb8;
	[tilespmem:$0x1D000] =	vst v63  }
0xbb: {  	_ =	swait.ge [sflag:s17], $0x4000  }
0xbc: {  	[sflag:s17] =	ssyncset.done $0x0  }
0xbd: {  	[sflag:s17] =	ssyncadd.s32 $0xFFFFC000  }
0xbe: {  	[spmem:s2] =	stream.indirect.scatter.add.f32 [tilespmem:s12], [sflag:$0x3], $0x80, s31, s15, $0xb8;
	[tilespmem:$0x1D000] =	vst v63  }
0xbf: {  	_ =	swait.ge [sflag:s13], $0x4000  }
0xc0: {  	[sflag:s13] =	ssyncset.done $0x0  }
0xc1: {  	[sflag:s13] =	ssyncadd.s32 $0xFFFFC000  }
0xc2: {  	[tilespmem:s12], [sflag:$0x1] =	stream.indirect.gather [hbm4b:s4+s15], $0x80, s0, s15, $0xb8;
	[tilespmem:$0x1D000] =	vst v63  }
0xc3: {  	_ =	swait.ge [sflag:s18], $0x4000  }
0xc4: {  	[sflag:s18] =	ssyncset.done $0x0  }
0xc5: {  	[sflag:s18] =	ssyncadd.s32 $0xFFFFC000  }
0xc6: {  	[spmem:s2] =	stream.indirect.scatter.add.f32 [tilespmem:s16], [sflag:$0x3], $0x80, s1, s15, $0xb8;
	[tilespmem:$0x1D000] =	vst v63  }
0xc7: {  	_ =	swait.ge [sflag:s13], $0x4000  }
0xc8: {  	[sflag:s13] =	ssyncset.done $0x0  }
0xc9: {  	[sflag:s13] =	ssyncadd.s32 $0xFFFFC000  }
0xca: {  	[tilespmem:s16], [sflag:$0x2] =	stream.indirect.gather [hbm4b:s4+s15], $0x80, s6, s15, $0xb8;
	[tilespmem:$0x1D000] =	vst v63  }
0xcb: {  	_ =	swait.ge [sflag:s17], $0x4000  }
0xcc: {  	[sflag:s17] =	ssyncset.done $0x0  }
0xcd: {  	[sflag:s17] =	ssyncadd.s32 $0xFFFFC000  }
0xce: {  	[spmem:s2] =	stream.indirect.scatter.add.f32 [tilespmem:s12], [sflag:$0x3], $0x80, s7, s15, $0xb8;
	[tilespmem:$0x1D000] =	vst v63  }
0xcf: {  	_ =	swait.ge [sflag:s13], $0x4000  }
0xd0: {  	[sflag:s13] =	ssyncset.done $0x0  }
0xd1: {  	[sflag:s13] =	ssyncadd.s32 $0xFFFFC000  }
0xd2: {  	_ =	swait.ge [sflag:s18], $0x4000  }
0xd3: {  	[sflag:s18] =	ssyncset.done $0x0  }
0xd4: {  	[sflag:s18] =	ssyncadd.s32 $0xFFFFC000  }
0xd5: {  	[spmem:s2] =	stream.indirect.scatter.add.f32 [tilespmem:s16], [sflag:$0x3], $0x80, s8, s15, $0xb8;
	[tilespmem:$0x1D000] =	vst v63  }
0xd6: {  	s10 =	simm.s32 $0x100;
	_ =	swait.ge [sflag:s13], $0x4000  }
0xd7: {  	s11 =	simm.s32 $0x200;
	s5 =	rddreg [dreg:$0x5];
	[sflag:s13] =	ssyncset.done $0x0  }
.LBB2_5:
0xd8: {  	[sflag:s13] =	ssyncadd.s32 $0xFFFFC000;
	s5 =	sadd.s32 s10, s5  }
0xd9: {  	[tilespmem:s3], [sflag:$0x3] =	stream.linear.gather [hbm4b:s5+s3], $0x800, $0x38;
	[tilespmem:$0x1D000] =	vst v63  }
0xda: {  	_ =	swait.ge [sflag:s13], $0x800  }
0xdb: {  	s5 =	rddreg [dreg:$0x4];
	[sflag:s13] =	ssyncset.done $0x0  }
0xdc: {  	[sflag:s13] =	ssyncadd.s32 $0xFFFFF800;
	s5 =	sadd.s32 s10, s5  }
0xdd: {  	[tilespmem:s14], [sflag:$0x3] =	stream.linear.gather [hbm4b:s5+s3], $0x800, $0x38;
	[tilespmem:$0x1D000] =	vst v63  }
0xde: {  	_ =	swait.ge [sflag:s13], $0x800  }
0xdf: {  	[sflag:s13] =	ssyncset.done $0x0  }
0xe0: {  	[sflag:s13] =	ssyncadd.s32 $0xFFFFF800  }
0xe1: {  	[tilespmem:s12], [sflag:$0x1] =	stream.indirect.gather [hbm4b:s4+s15], $0x80, s3, s15, $0xb8;
	[tilespmem:$0x1D000] =	vst v63  }
0xe2: {  	_ = 	snop  }
0xe3: {  	[tilespmem:s16], [sflag:$0x2] =	stream.indirect.gather [hbm4b:s4+s15], $0x80, s15, s15, $0xb8;
	[tilespmem:$0x1D000] =	vst v63  }
0xe4: {  	_ =	swait.ge [sflag:s17], $0x4000  }
0xe5: {  	[sflag:s17] =	ssyncset.done $0x0  }
0xe6: {  	[sflag:s17] =	ssyncadd.s32 $0xFFFFC000  }
0xe7: {  	[spmem:s2] =	stream.indirect.scatter.add.f32 [tilespmem:s12], [sflag:$0x3], $0x80, s14, s15, $0xb8;
	[tilespmem:$0x1D000] =	vst v63  }
0xe8: {  	_ =	swait.ge [sflag:s13], $0x4000  }
0xe9: {  	s9 =	smov.u32 s11;
	[sflag:s13] =	ssyncset.done $0x0  }
0xea: {  	s10 =	smov.u32 s9;
	s9 =	rddreg [dreg:$0x6];
	[sflag:s13] =	ssyncadd.s32 $0xFFFFC000  }
0xeb: {  	[tilespmem:s12], [sflag:$0x1] =	stream.indirect.gather [hbm4b:s4+s15], $0x80, s9, s15, $0xb8;
	[tilespmem:$0x1D000] =	vst v63  }
0xec: {  	_ =	swait.ge [sflag:s18], $0x4000  }
0xed: {  	[sflag:s18] =	ssyncset.done $0x0  }
0xee: {  	s9 =	rddreg [dreg:$0x7];
	[sflag:s18] =	ssyncadd.s32 $0xFFFFC000  }
0xef: {  	[spmem:s2] =	stream.indirect.scatter.add.f32 [tilespmem:s16], [sflag:$0x3], $0x80, s9, s15, $0xb8;
	[tilespmem:$0x1D000] =	vst v63  }
0xf0: {  	_ =	swait.ge [sflag:s13], $0x4000  }
0xf1: {  	[sflag:s13] =	ssyncset.done $0x0  }
0xf2: {  	s9 =	rddreg [dreg:$0x8];
	[sflag:s13] =	ssyncadd.s32 $0xFFFFC000  }
0xf3: {  	[tilespmem:s16], [sflag:$0x2] =	stream.indirect.gather [hbm4b:s4+s15], $0x80, s9, s15, $0xb8;
	[tilespmem:$0x1D000] =	vst v63  }
0xf4: {  	_ =	swait.ge [sflag:s17], $0x4000  }
0xf5: {  	[sflag:s17] =	ssyncset.done $0x0  }
0xf6: {  	s9 =	rddreg [dreg:$0x9];
	[sflag:s17] =	ssyncadd.s32 $0xFFFFC000  }
0xf7: {  	[spmem:s2] =	stream.indirect.scatter.add.f32 [tilespmem:s12], [sflag:$0x3], $0x80, s9, s15, $0xb8;
	[tilespmem:$0x1D000] =	vst v63  }
0xf8: {  	_ =	swait.ge [sflag:s13], $0x4000  }
0xf9: {  	[sflag:s13] =	ssyncset.done $0x0  }
0xfa: {  	s9 =	rddreg [dreg:$0xa];
	[sflag:s13] =	ssyncadd.s32 $0xFFFFC000  }
0xfb: {  	[tilespmem:s12], [sflag:$0x1] =	stream.indirect.gather [hbm4b:s4+s15], $0x80, s9, s15, $0xb8;
	[tilespmem:$0x1D000] =	vst v63  }
0xfc: {  	_ =	swait.ge [sflag:s18], $0x4000  }
0xfd: {  	[sflag:s18] =	ssyncset.done $0x0  }
0xfe: {  	s9 =	rddreg [dreg:$0xb];
	[sflag:s18] =	ssyncadd.s32 $0xFFFFC000  }
0xff: {  	[spmem:s2] =	stream.indirect.scatter.add.f32 [tilespmem:s16], [sflag:$0x3], $0x80, s9, s15, $0xb8;
	[tilespmem:$0x1D000] =	vst v63  }
0x100: {  	_ =	swait.ge [sflag:s13], $0x4000  }
0x101: {  	[sflag:s13] =	ssyncset.done $0x0  }
0x102: {  	s9 =	rddreg [dreg:$0xc];
	[sflag:s13] =	ssyncadd.s32 $0xFFFFC000  }
0x103: {  	[tilespmem:s16], [sflag:$0x2] =	stream.indirect.gather [hbm4b:s4+s15], $0x80, s9, s15, $0xb8;
	[tilespmem:$0x1D000] =	vst v63  }
0x104: {  	_ =	swait.ge [sflag:s17], $0x4000  }
0x105: {  	[sflag:s17] =	ssyncset.done $0x0  }
0x106: {  	s9 =	rddreg [dreg:$0xd];
	[sflag:s17] =	ssyncadd.s32 $0xFFFFC000  }
0x107: {  	[spmem:s2] =	stream.indirect.scatter.add.f32 [tilespmem:s12], [sflag:$0x3], $0x80, s9, s15, $0xb8;
	[tilespmem:$0x1D000] =	vst v63  }
0x108: {  	_ =	swait.ge [sflag:s13], $0x4000  }
0x109: {  	[sflag:s13] =	ssyncset.done $0x0  }
0x10a: {  	s9 =	rddreg [dreg:$0xe];
	[sflag:s13] =	ssyncadd.s32 $0xFFFFC000  }
0x10b: {  	[tilespmem:s12], [sflag:$0x1] =	stream.indirect.gather [hbm4b:s4+s15], $0x80, s9, s15, $0xb8;
	[tilespmem:$0x1D000] =	vst v63  }
0x10c: {  	_ =	swait.ge [sflag:s18], $0x4000  }
0x10d: {  	[sflag:s18] =	ssyncset.done $0x0  }
0x10e: {  	s9 =	rddreg [dreg:$0xf];
	[sflag:s18] =	ssyncadd.s32 $0xFFFFC000  }
0x10f: {  	[spmem:s2] =	stream.indirect.scatter.add.f32 [tilespmem:s16], [sflag:$0x3], $0x80, s9, s15, $0xb8;
	[tilespmem:$0x1D000] =	vst v63  }
0x110: {  	_ =	swait.ge [sflag:s13], $0x4000  }
0x111: {  	[sflag:s13] =	ssyncset.done $0x0  }
0x112: {  	s9 =	rddreg [dreg:$0x10];
	[sflag:s13] =	ssyncadd.s32 $0xFFFFC000  }
0x113: {  	[tilespmem:s16], [sflag:$0x2] =	stream.indirect.gather [hbm4b:s4+s15], $0x80, s9, s15, $0xb8;
	[tilespmem:$0x1D000] =	vst v63  }
0x114: {  	_ =	swait.ge [sflag:s17], $0x4000  }
0x115: {  	[sflag:s17] =	ssyncset.done $0x0  }
0x116: {  	s9 =	rddreg [dreg:$0x11];
	[sflag:s17] =	ssyncadd.s32 $0xFFFFC000  }
0x117: {  	[spmem:s2] =	stream.indirect.scatter.add.f32 [tilespmem:s12], [sflag:$0x3], $0x80, s9, s15, $0xb8;
	[tilespmem:$0x1D000] =	vst v63  }
0x118: {  	_ =	swait.ge [sflag:s13], $0x4000  }
0x119: {  	[sflag:s13] =	ssyncset.done $0x0  }
0x11a: {  	[sflag:s13] =	ssyncadd.s32 $0xFFFFC000  }
0x11b: {  	[tilespmem:s12], [sflag:$0x1] =	stream.indirect.gather [hbm4b:s4+s15], $0x80, s19, s15, $0xb8;
	[tilespmem:$0x1D000] =	vst v63  }
0x11c: {  	_ =	swait.ge [sflag:s18], $0x4000  }
0x11d: {  	[sflag:s18] =	ssyncset.done $0x0  }
0x11e: {  	[sflag:s18] =	ssyncadd.s32 $0xFFFFC000  }
0x11f: {  	[spmem:s2] =	stream.indirect.scatter.add.f32 [tilespmem:s16], [sflag:$0x3], $0x80, s20, s15, $0xb8;
	[tilespmem:$0x1D000] =	vst v63  }
0x120: {  	_ =	swait.ge [sflag:s13], $0x4000  }
0x121: {  	[sflag:s13] =	ssyncset.done $0x0  }
0x122: {  	[sflag:s13] =	ssyncadd.s32 $0xFFFFC000  }
0x123: {  	[tilespmem:s16], [sflag:$0x2] =	stream.indirect.gather [hbm4b:s4+s15], $0x80, s21, s15, $0xb8;
	[tilespmem:$0x1D000] =	vst v63  }
0x124: {  	_ =	swait.ge [sflag:s17], $0x4000  }
0x125: {  	[sflag:s17] =	ssyncset.done $0x0  }
0x126: {  	[sflag:s17] =	ssyncadd.s32 $0xFFFFC000  }
0x127: {  	[spmem:s2] =	stream.indirect.scatter.add.f32 [tilespmem:s12], [sflag:$0x3], $0x80, s22, s15, $0xb8;
	[tilespmem:$0x1D000] =	vst v63  }
0x128: {  	_ =	swait.ge [sflag:s13], $0x4000  }
0x129: {  	[sflag:s13] =	ssyncset.done $0x0  }
0x12a: {  	[sflag:s13] =	ssyncadd.s32 $0xFFFFC000  }
0x12b: {  	[tilespmem:s12], [sflag:$0x1] =	stream.indirect.gather [hbm4b:s4+s15], $0x80, s23, s15, $0xb8;
	[tilespmem:$0x1D000] =	vst v63  }
0x12c: {  	_ =	swait.ge [sflag:s18], $0x4000  }
0x12d: {  	[sflag:s18] =	ssyncset.done $0x0  }
0x12e: {  	[sflag:s18] =	ssyncadd.s32 $0xFFFFC000  }
0x12f: {  	[spmem:s2] =	stream.indirect.scatter.add.f32 [tilespmem:s16], [sflag:$0x3], $0x80, s24, s15, $0xb8;
	[tilespmem:$0x1D000] =	vst v63  }
0x130: {  	_ =	swait.ge [sflag:s13], $0x4000  }
0x131: {  	[sflag:s13] =	ssyncset.done $0x0  }
0x132: {  	[sflag:s13] =	ssyncadd.s32 $0xFFFFC000  }
0x133: {  	[tilespmem:s16], [sflag:$0x2] =	stream.indirect.gather [hbm4b:s4+s15], $0x80, s25, s15, $0xb8;
	[tilespmem:$0x1D000] =	vst v63  }
0x134: {  	_ =	swait.ge [sflag:s17], $0x4000  }
0x135: {  	[sflag:s17] =	ssyncset.done $0x0  }
0x136: {  	[sflag:s17] =	ssyncadd.s32 $0xFFFFC000  }
0x137: {  	[spmem:s2] =	stream.indirect.scatter.add.f32 [tilespmem:s12], [sflag:$0x3], $0x80, s26, s15, $0xb8;
	[tilespmem:$0x1D000] =	vst v63  }
0x138: {  	_ =	swait.ge [sflag:s13], $0x4000  }
0x139: {  	[sflag:s13] =	ssyncset.done $0x0  }
0x13a: {  	[sflag:s13] =	ssyncadd.s32 $0xFFFFC000  }
0x13b: {  	[tilespmem:s12], [sflag:$0x1] =	stream.indirect.gather [hbm4b:s4+s15], $0x80, s28, s15, $0xb8;
	[tilespmem:$0x1D000] =	vst v63  }
0x13c: {  	_ =	swait.ge [sflag:s18], $0x4000  }
0x13d: {  	[sflag:s18] =	ssyncset.done $0x0  }
0x13e: {  	[sflag:s18] =	ssyncadd.s32 $0xFFFFC000  }
0x13f: {  	[spmem:s2] =	stream.indirect.scatter.add.f32 [tilespmem:s16], [sflag:$0x3], $0x80, s29, s15, $0xb8;
	[tilespmem:$0x1D000] =	vst v63  }
0x140: {  	_ =	swait.ge [sflag:s13], $0x4000  }
0x141: {  	[sflag:s13] =	ssyncset.done $0x0  }
0x142: {  	[sflag:s13] =	ssyncadd.s32 $0xFFFFC000  }
0x143: {  	[tilespmem:s16], [sflag:$0x2] =	stream.indirect.gather [hbm4b:s4+s15], $0x80, s30, s15, $0xb8;
	[tilespmem:$0x1D000] =	vst v63  }
0x144: {  	_ =	swait.ge [sflag:s17], $0x4000  }
0x145: {  	[sflag:s17] =	ssyncset.done $0x0  }
0x146: {  	[sflag:s17] =	ssyncadd.s32 $0xFFFFC000  }
0x147: {  	[spmem:s2] =	stream.indirect.scatter.add.f32 [tilespmem:s12], [sflag:$0x3], $0x80, s31, s15, $0xb8;
	[tilespmem:$0x1D000] =	vst v63  }
0x148: {  	_ =	swait.ge [sflag:s13], $0x4000  }
0x149: {  	[sflag:s13] =	ssyncset.done $0x0  }
0x14a: {  	[sflag:s13] =	ssyncadd.s32 $0xFFFFC000  }
0x14b: {  	[tilespmem:s12], [sflag:$0x1] =	stream.indirect.gather [hbm4b:s4+s15], $0x80, s0, s15, $0xb8;
	[tilespmem:$0x1D000] =	vst v63  }
0x14c: {  	_ =	swait.ge [sflag:s18], $0x4000  }
0x14d: {  	[sflag:s18] =	ssyncset.done $0x0  }
0x14e: {  	[sflag:s18] =	ssyncadd.s32 $0xFFFFC000  }
0x14f: {  	[spmem:s2] =	stream.indirect.scatter.add.f32 [tilespmem:s16], [sflag:$0x3], $0x80, s1, s15, $0xb8;
	[tilespmem:$0x1D000] =	vst v63  }
0x150: {  	_ =	swait.ge [sflag:s13], $0x4000  }
0x151: {  	[sflag:s13] =	ssyncset.done $0x0  }
0x152: {  	[sflag:s13] =	ssyncadd.s32 $0xFFFFC000  }
0x153: {  	[tilespmem:s16], [sflag:$0x2] =	stream.indirect.gather [hbm4b:s4+s15], $0x80, s6, s15, $0xb8;
	[tilespmem:$0x1D000] =	vst v63  }
0x154: {  	_ =	swait.ge [sflag:s17], $0x4000  }
0x155: {  	[sflag:s17] =	ssyncset.done $0x0  }
0x156: {  	[sflag:s17] =	ssyncadd.s32 $0xFFFFC000  }
0x157: {  	[spmem:s2] =	stream.indirect.scatter.add.f32 [tilespmem:s12], [sflag:$0x3], $0x80, s7, s15, $0xb8;
	[tilespmem:$0x1D000] =	vst v63  }
0x158: {  	_ =	swait.ge [sflag:s13], $0x4000  }
0x159: {  	[sflag:s13] =	ssyncset.done $0x0  }
0x15a: {  	[sflag:s13] =	ssyncadd.s32 $0xFFFFC000  }
0x15b: {  	p1 =	seq.s32 s11, $0x900;
	_ =	swait.ge [sflag:s18], $0x4000  }
.Ltmp4:
0x15c: {  	[sflag:s18] =	ssyncset.done $0x0;
	(pc) =	sbr.rel @!p1 .LBB2_5-.Ltmp4, $4  }
0x15d: {  	[sflag:s18] =	ssyncadd.s32 $0xFFFFC000  }
0x15e: {  	[spmem:s2] =	stream.indirect.scatter.add.f32 [tilespmem:s16], [sflag:$0x3], $0x80, s8, s15, $0xb8;
	[tilespmem:$0x1D000] =	vst v63  }
0x15f: {  	_ =	swait.ge [sflag:s13], $0x4000  }
0x160: {  	s11 =	sadd.s32 $0x100, s11;
	s5 =	rddreg [dreg:$0x5];
	[sflag:s13] =	ssyncset.done $0x0  }
0x161: {  	[sflag:s13] =	ssyncadd.s32 $0xFFFFC000;
	s5 =	sadd.s32 s10, s5  }
0x162: {  	[tilespmem:s3], [sflag:$0x3] =	stream.linear.gather [hbm4b:s5+s3], $0x800, $0x38;
	[tilespmem:$0x1D000] =	vst v63  }
0x163: {  	_ =	swait.ge [sflag:s13], $0x800  }
0x164: {  	s9 =	rddreg [dreg:$0x4];
	[sflag:s13] =	ssyncset.done $0x0  }
0x165: {  	s5 =	sadd.s32 s10, s9;
	[sflag:s13] =	ssyncadd.s32 $0xFFFFF800  }
0x166: {  	[tilespmem:s14], [sflag:$0x3] =	stream.linear.gather [hbm4b:s5+s3], $0x800, $0x38;
	[tilespmem:$0x1D000] =	vst v63  }
0x167: {  	_ =	swait.ge [sflag:s13], $0x800  }
0x168: {  	[sflag:s13] =	ssyncset.done $0x0  }
0x169: {  	[sflag:s13] =	ssyncadd.s32 $0xFFFFF800  }
0x16a: {  	[tilespmem:s12], [sflag:$0x1] =	stream.indirect.gather [hbm4b:s4+s15], $0x80, s3, s15, $0xb8;
	[tilespmem:$0x1D000] =	vst v63  }
0x16b: {  	_ = 	snop  }
0x16c: {  	[tilespmem:s16], [sflag:$0x2] =	stream.indirect.gather [hbm4b:s4+s15], $0x80, s15, s15, $0xb8;
	[tilespmem:$0x1D000] =	vst v63  }
0x16d: {  	_ =	swait.ge [sflag:s17], $0x4000  }
0x16e: {  	[sflag:s17] =	ssyncset.done $0x0  }
0x16f: {  	[sflag:s17] =	ssyncadd.s32 $0xFFFFC000  }
0x170: {  	[spmem:s2] =	stream.indirect.scatter.add.f32 [tilespmem:s12], [sflag:$0x3], $0x80, s14, s15, $0xb8;
	[tilespmem:$0x1D000] =	vst v63  }
0x171: {  	_ =	swait.ge [sflag:s13], $0x4000  }
0x172: {  	[sflag:s13] =	ssyncset.done $0x0  }
0x173: {  	s10 =	rddreg [dreg:$0x6];
	[sflag:s13] =	ssyncadd.s32 $0xFFFFC000  }
0x174: {  	[tilespmem:s12], [sflag:$0x1] =	stream.indirect.gather [hbm4b:s4+s15], $0x80, s10, s15, $0xb8;
	[tilespmem:$0x1D000] =	vst v63  }
0x175: {  	_ =	swait.ge [sflag:s18], $0x4000  }
0x176: {  	[sflag:s18] =	ssyncset.done $0x0  }
0x177: {  	s11 =	rddreg [dreg:$0x7];
	[sflag:s18] =	ssyncadd.s32 $0xFFFFC000  }
0x178: {  	[spmem:s2] =	stream.indirect.scatter.add.f32 [tilespmem:s16], [sflag:$0x3], $0x80, s11, s15, $0xb8;
	[tilespmem:$0x1D000] =	vst v63  }
0x179: {  	_ =	swait.ge [sflag:s13], $0x4000  }
0x17a: {  	[sflag:s13] =	ssyncset.done $0x0  }
0x17b: {  	s9 =	rddreg [dreg:$0x8];
	[sflag:s13] =	ssyncadd.s32 $0xFFFFC000  }
0x17c: {  	[tilespmem:s16], [sflag:$0x2] =	stream.indirect.gather [hbm4b:s4+s15], $0x80, s9, s15, $0xb8;
	[tilespmem:$0x1D000] =	vst v63  }
0x17d: {  	_ =	swait.ge [sflag:s17], $0x4000  }
0x17e: {  	[sflag:s17] =	ssyncset.done $0x0  }
0x17f: {  	s10 =	rddreg [dreg:$0x9];
	[sflag:s17] =	ssyncadd.s32 $0xFFFFC000  }
0x180: {  	[spmem:s2] =	stream.indirect.scatter.add.f32 [tilespmem:s12], [sflag:$0x3], $0x80, s10, s15, $0xb8;
	[tilespmem:$0x1D000] =	vst v63  }
0x181: {  	_ =	swait.ge [sflag:s13], $0x4000  }
0x182: {  	[sflag:s13] =	ssyncset.done $0x0  }
0x183: {  	s11 =	rddreg [dreg:$0xa];
	[sflag:s13] =	ssyncadd.s32 $0xFFFFC000  }
0x184: {  	[tilespmem:s12], [sflag:$0x1] =	stream.indirect.gather [hbm4b:s4+s15], $0x80, s11, s15, $0xb8;
	[tilespmem:$0x1D000] =	vst v63  }
0x185: {  	_ =	swait.ge [sflag:s18], $0x4000  }
0x186: {  	[sflag:s18] =	ssyncset.done $0x0  }
0x187: {  	s9 =	rddreg [dreg:$0xb];
	[sflag:s18] =	ssyncadd.s32 $0xFFFFC000  }
0x188: {  	[spmem:s2] =	stream.indirect.scatter.add.f32 [tilespmem:s16], [sflag:$0x3], $0x80, s9, s15, $0xb8;
	[tilespmem:$0x1D000] =	vst v63  }
0x189: {  	_ =	swait.ge [sflag:s13], $0x4000  }
0x18a: {  	[sflag:s13] =	ssyncset.done $0x0  }
0x18b: {  	s10 =	rddreg [dreg:$0xc];
	[sflag:s13] =	ssyncadd.s32 $0xFFFFC000  }
0x18c: {  	[tilespmem:s16], [sflag:$0x2] =	stream.indirect.gather [hbm4b:s4+s15], $0x80, s10, s15, $0xb8;
	[tilespmem:$0x1D000] =	vst v63  }
0x18d: {  	_ =	swait.ge [sflag:s17], $0x4000  }
0x18e: {  	[sflag:s17] =	ssyncset.done $0x0  }
0x18f: {  	s11 =	rddreg [dreg:$0xd];
	[sflag:s17] =	ssyncadd.s32 $0xFFFFC000  }
0x190: {  	[spmem:s2] =	stream.indirect.scatter.add.f32 [tilespmem:s12], [sflag:$0x3], $0x80, s11, s15, $0xb8;
	[tilespmem:$0x1D000] =	vst v63  }
0x191: {  	_ =	swait.ge [sflag:s13], $0x4000  }
0x192: {  	[sflag:s13] =	ssyncset.done $0x0  }
0x193: {  	s9 =	rddreg [dreg:$0xe];
	[sflag:s13] =	ssyncadd.s32 $0xFFFFC000  }
0x194: {  	[tilespmem:s12], [sflag:$0x1] =	stream.indirect.gather [hbm4b:s4+s15], $0x80, s9, s15, $0xb8;
	[tilespmem:$0x1D000] =	vst v63  }
0x195: {  	_ =	swait.ge [sflag:s18], $0x4000  }
0x196: {  	[sflag:s18] =	ssyncset.done $0x0  }
0x197: {  	s10 =	rddreg [dreg:$0xf];
	[sflag:s18] =	ssyncadd.s32 $0xFFFFC000  }
0x198: {  	[spmem:s2] =	stream.indirect.scatter.add.f32 [tilespmem:s16], [sflag:$0x3], $0x80, s10, s15, $0xb8;
	[tilespmem:$0x1D000] =	vst v63  }
0x199: {  	_ =	swait.ge [sflag:s13], $0x4000  }
0x19a: {  	[sflag:s13] =	ssyncset.done $0x0  }
0x19b: {  	s11 =	rddreg [dreg:$0x10];
	[sflag:s13] =	ssyncadd.s32 $0xFFFFC000  }
0x19c: {  	[tilespmem:s16], [sflag:$0x2] =	stream.indirect.gather [hbm4b:s4+s15], $0x80, s11, s15, $0xb8;
	[tilespmem:$0x1D000] =	vst v63  }
0x19d: {  	_ =	swait.ge [sflag:s17], $0x4000  }
0x19e: {  	[sflag:s17] =	ssyncset.done $0x0  }
0x19f: {  	s9 =	rddreg [dreg:$0x11];
	[sflag:s17] =	ssyncadd.s32 $0xFFFFC000  }
0x1a0: {  	[spmem:s2] =	stream.indirect.scatter.add.f32 [tilespmem:s12], [sflag:$0x3], $0x80, s9, s15, $0xb8;
	[tilespmem:$0x1D000] =	vst v63  }
0x1a1: {  	_ =	swait.ge [sflag:s13], $0x4000  }
0x1a2: {  	[sflag:s13] =	ssyncset.done $0x0  }
0x1a3: {  	[sflag:s13] =	ssyncadd.s32 $0xFFFFC000  }
0x1a4: {  	[tilespmem:s12], [sflag:$0x1] =	stream.indirect.gather [hbm4b:s4+s15], $0x80, s19, s15, $0xb8;
	[tilespmem:$0x1D000] =	vst v63  }
0x1a5: {  	_ =	swait.ge [sflag:s18], $0x4000  }
0x1a6: {  	[sflag:s18] =	ssyncset.done $0x0  }
0x1a7: {  	[sflag:s18] =	ssyncadd.s32 $0xFFFFC000  }
0x1a8: {  	[spmem:s2] =	stream.indirect.scatter.add.f32 [tilespmem:s16], [sflag:$0x3], $0x80, s20, s15, $0xb8;
	[tilespmem:$0x1D000] =	vst v63  }
0x1a9: {  	_ =	swait.ge [sflag:s13], $0x4000  }
0x1aa: {  	[sflag:s13] =	ssyncset.done $0x0  }
0x1ab: {  	[sflag:s13] =	ssyncadd.s32 $0xFFFFC000  }
0x1ac: {  	[tilespmem:s16], [sflag:$0x2] =	stream.indirect.gather [hbm4b:s4+s15], $0x80, s21, s15, $0xb8;
	[tilespmem:$0x1D000] =	vst v63  }
0x1ad: {  	_ =	swait.ge [sflag:s17], $0x4000  }
0x1ae: {  	[sflag:s17] =	ssyncset.done $0x0  }
0x1af: {  	[sflag:s17] =	ssyncadd.s32 $0xFFFFC000  }
0x1b0: {  	[spmem:s2] =	stream.indirect.scatter.add.f32 [tilespmem:s12], [sflag:$0x3], $0x80, s22, s15, $0xb8;
	[tilespmem:$0x1D000] =	vst v63  }
0x1b1: {  	_ =	swait.ge [sflag:s13], $0x4000  }
0x1b2: {  	[sflag:s13] =	ssyncset.done $0x0  }
0x1b3: {  	[sflag:s13] =	ssyncadd.s32 $0xFFFFC000  }
0x1b4: {  	[tilespmem:s12], [sflag:$0x1] =	stream.indirect.gather [hbm4b:s4+s15], $0x80, s23, s15, $0xb8;
	[tilespmem:$0x1D000] =	vst v63  }
0x1b5: {  	_ =	swait.ge [sflag:s18], $0x4000  }
0x1b6: {  	[sflag:s18] =	ssyncset.done $0x0  }
0x1b7: {  	[sflag:s18] =	ssyncadd.s32 $0xFFFFC000  }
0x1b8: {  	[spmem:s2] =	stream.indirect.scatter.add.f32 [tilespmem:s16], [sflag:$0x3], $0x80, s24, s15, $0xb8;
	[tilespmem:$0x1D000] =	vst v63  }
0x1b9: {  	_ =	swait.ge [sflag:s13], $0x4000  }
0x1ba: {  	[sflag:s13] =	ssyncset.done $0x0  }
0x1bb: {  	[sflag:s13] =	ssyncadd.s32 $0xFFFFC000  }
0x1bc: {  	[tilespmem:s16], [sflag:$0x2] =	stream.indirect.gather [hbm4b:s4+s15], $0x80, s25, s15, $0xb8;
	[tilespmem:$0x1D000] =	vst v63  }
0x1bd: {  	_ =	swait.ge [sflag:s17], $0x4000  }
0x1be: {  	[sflag:s17] =	ssyncset.done $0x0  }
0x1bf: {  	[sflag:s17] =	ssyncadd.s32 $0xFFFFC000  }
0x1c0: {  	[spmem:s2] =	stream.indirect.scatter.add.f32 [tilespmem:s12], [sflag:$0x3], $0x80, s26, s15, $0xb8;
	[tilespmem:$0x1D000] =	vst v63  }
0x1c1: {  	_ =	swait.ge [sflag:s13], $0x4000  }
0x1c2: {  	[sflag:s13] =	ssyncset.done $0x0  }
0x1c3: {  	[sflag:s13] =	ssyncadd.s32 $0xFFFFC000  }
0x1c4: {  	[tilespmem:s12], [sflag:$0x1] =	stream.indirect.gather [hbm4b:s4+s15], $0x80, s28, s15, $0xb8;
	[tilespmem:$0x1D000] =	vst v63  }
0x1c5: {  	_ =	swait.ge [sflag:s18], $0x4000  }
0x1c6: {  	[sflag:s18] =	ssyncset.done $0x0  }
0x1c7: {  	[sflag:s18] =	ssyncadd.s32 $0xFFFFC000  }
0x1c8: {  	[spmem:s2] =	stream.indirect.scatter.add.f32 [tilespmem:s16], [sflag:$0x3], $0x80, s29, s15, $0xb8;
	[tilespmem:$0x1D000] =	vst v63  }
0x1c9: {  	_ =	swait.ge [sflag:s13], $0x4000  }
0x1ca: {  	[sflag:s13] =	ssyncset.done $0x0  }
0x1cb: {  	[sflag:s13] =	ssyncadd.s32 $0xFFFFC000  }
0x1cc: {  	[tilespmem:s16], [sflag:$0x2] =	stream.indirect.gather [hbm4b:s4+s15], $0x80, s30, s15, $0xb8;
	[tilespmem:$0x1D000] =	vst v63  }
0x1cd: {  	_ =	swait.ge [sflag:s17], $0x4000  }
0x1ce: {  	[sflag:s17] =	ssyncset.done $0x0  }
0x1cf: {  	[sflag:s17] =	ssyncadd.s32 $0xFFFFC000  }
0x1d0: {  	[spmem:s2] =	stream.indirect.scatter.add.f32 [tilespmem:s12], [sflag:$0x3], $0x80, s31, s15, $0xb8;
	[tilespmem:$0x1D000] =	vst v63  }
0x1d1: {  	_ =	swait.ge [sflag:s13], $0x4000  }
0x1d2: {  	[sflag:s13] =	ssyncset.done $0x0  }
0x1d3: {  	[sflag:s13] =	ssyncadd.s32 $0xFFFFC000  }
0x1d4: {  	[tilespmem:s12], [sflag:$0x1] =	stream.indirect.gather [hbm4b:s4+s15], $0x80, s0, s15, $0xb8;
	[tilespmem:$0x1D000] =	vst v63  }
0x1d5: {  	_ =	swait.ge [sflag:s18], $0x4000  }
0x1d6: {  	[sflag:s18] =	ssyncset.done $0x0  }
0x1d7: {  	[sflag:s18] =	ssyncadd.s32 $0xFFFFC000  }
0x1d8: {  	[spmem:s2] =	stream.indirect.scatter.add.f32 [tilespmem:s16], [sflag:$0x3], $0x80, s1, s15, $0xb8;
	[tilespmem:$0x1D000] =	vst v63  }
0x1d9: {  	_ =	swait.ge [sflag:s13], $0x4000  }
0x1da: {  	[sflag:s13] =	ssyncset.done $0x0  }
0x1db: {  	[sflag:s13] =	ssyncadd.s32 $0xFFFFC000  }
0x1dc: {  	[tilespmem:s16], [sflag:$0x2] =	stream.indirect.gather [hbm4b:s4+s15], $0x80, s6, s15, $0xb8;
	[tilespmem:$0x1D000] =	vst v63  }
0x1dd: {  	_ =	swait.ge [sflag:s17], $0x4000  }
0x1de: {  	[sflag:s17] =	ssyncset.done $0x0  }
0x1df: {  	[sflag:s17] =	ssyncadd.s32 $0xFFFFC000  }
0x1e0: {  	[spmem:s2] =	stream.indirect.scatter.add.f32 [tilespmem:s12], [sflag:$0x3], $0x80, s7, s15, $0xb8;
	[tilespmem:$0x1D000] =	vst v63  }
0x1e1: {  	_ =	swait.ge [sflag:s13], $0x4000  }
0x1e2: {  	[sflag:s13] =	ssyncset.done $0x0  }
0x1e3: {  	[sflag:s13] =	ssyncadd.s32 $0xFFFFC000  }
0x1e4: {  	_ =	swait.ge [sflag:s18], $0x4000  }
0x1e5: {  	[sflag:s18] =	ssyncset.done $0x0  }
0x1e6: {  	[sflag:s18] =	ssyncadd.s32 $0xFFFFC000  }
0x1e7: {  	[spmem:s2] =	stream.indirect.scatter.add.f32 [tilespmem:s16], [sflag:$0x3], $0x80, s8, s15, $0xb8;
	[tilespmem:$0x1D000] =	vst v63  }
0x1e8: {  	_ =	swait.ge [sflag:s13], $0x4000  }
0x1e9: {  	[sflag:s13] =	ssyncset.done $0x0  }
0x1ea: {  	s10 =	stileid.u32;
	[sflag:s13] =	ssyncadd.s32 $0xFFFFC000  }
0x1eb: {  	s5 =	sshll.u32 s10, $0x6;
	[bflag:$0x0] =	sbarrier.arrive $0xFFFF  }
0x1ec: {  	s5 =	sor.u32 $0x1C03, s5;
	s9 =	rddreg [dreg:$0x12]  }
.Ltmp5:
0x1ed: {  	s11 =	rddreg [dreg:$0x17];
	s9 =	sshrl.u32 s9, $0x3;
	(pc) =	sbr.rel .LBB2_7-.Ltmp5, $4  }
0x1ee: {  	[hbm:s11], [sflag:s5] =	dma.local [spmem:s9], $0x2800  }
0x1ef: {  	_ =	swait.ge [sflag:s13], $0x2800  }
0x1f0: {  	[sflag:s13] =	ssyncset.done $0x0;
	s5 =	rddreg [dreg:$0x18]  }
0x1f1: {  	s9 =	rddreg [dreg:$0x19];
	[sflag:s13] =	ssyncadd.s32 $0xFFFFD800  }
.LBB2_8:
0x1f2: {  	_ =	sfence.sel $0x180000  }
0x1f3: {  	[bflag:$0x0] =	sbarrier.arrive $0xFFFF  }
0x1f4: {  	_ =	strace $0x9000004A  }
0x1f5: {  	s0 =	stileid.u32;
	[bflag:$0x2] =	sbarrier.arrive $0xFFFF  }
0x1f6: {  	p0 =	sne.s32 s0, $0x0;
	s0 =	rddreg [dreg:$0x3]  }
0x1f7: {  	s0 =	sadd.s32 @!p0 $0x100000, s0  }
0x1f8: {  	[sflag:s0] =	ssyncadd.tile.s32 @!p0 $0x1;
	_ =	shalt  }
.Lfunc_end2:
_tile_overlayer_lowered:
.L_overlay_start_2:
0x1f9: {  	(tag) =	ssettag $0x2  }
0x1fa: {  	s0 =	rddreg [dreg:$0x0];
	s2 =	stileid.u32  }
0x1fb: {  	s1 =	rddreg [dreg:$0x1];
	p0 =	sne.s32 s2, $0x0  }
0x1fc: {  	s3 =	rddreg [dreg:$0x2];
	[bflag:$0x3] =	sbarrier.arrive $0xFFFF;
	s2 =	simm.s32 @!p0 $0x1C03  }
0x1fd: {  	[timem:s3], [sflag:s2] =	dma.local @!p0 [hbm:s0], s1  }
0x1fe: {  	s0 =	simm.s32 @!p0 $0x3  }
0x1ff: {  	_ =	swait.ge @!p0 [sflag:s0], s1  }
0x200: {  	s1 =	ssub.s32 @!p0 $0x0, s1;
	[sflag:s0] =	ssyncset.done @!p0 $0x0  }
0x201: {  	[sflag:s0] =	ssyncadd.s32 @!p0 s1  }
0x202: {  	[bflag:$0x3] =	sbarrier.arrive $0xFFFF  }
0x203: {  	_ =	shalt  }

// kernel: kernel.16.cloned.1.call-start
scs
__scs_entry_jumppad:
0x0: {  	(pc) =	sbr.rel $0x88, $3  }
0x1: {  	(tag) =	ssettag $0x0;
	lr =	simm.s32 $0x1  }
0x2: {  	[smem:$0x3F95] =	sst lr;
	_ =	strace $0xD0000000  }
0x3: {  	_ = 	snop  }
0x4: {  	_ = 	snop  }
0x5: {  	_ = 	snop  }
0x6: {  	_ = 	snop  }
0x7: {  	_ = 	snop  }
__scs_overlays_trampoline_lowered:
0x8: {  	[smem:$0x3FA4] =	sst s0  }
0x9: {  	[smem:$0x3FA5] =	sst s1  }
0xa: {  	[smem:$0x3FA6] =	sst s2  }
0xb: {  	[smem:$0x3FA7] =	sst s3  }
0xc: {  	[smem:$0x3FA8] =	sst s4  }
0xd: {  	[smem:$0x3FA9] =	sst s5  }
0xe: {  	[smem:$0x3FAA] =	sst s6  }
0xf: {  	[smem:$0x3FAB] =	sst s7  }
0x10: {  	[smem:$0x3FAC] =	sst s8  }
0x11: {  	[smem:$0x3FAD] =	sst s9;
	s0 =	simm.s32 @!p0 $0x0  }
0x12: {  	s1 =	sld [smem:$0x3F93];
	s0 =	simm.s32 @p0 $0x1  }
0x13: {  	[smem:$0x3FAE] =	sst s0;
	s0 =	simm.s32 @!p1 $0x0  }
0x14: {  	s2 =	sld [smem:$0x3F92];
	s0 =	simm.s32 @p1 $0x1  }
0x15: {  	[smem:$0x3FAF] =	sst s0;
	s0 =	simm.s32 @!p2 $0x0  }
0x16: {  	s3 =	sld [smem:$0x3FDB];
	s0 =	simm.s32 @p2 $0x1  }
0x17: {  	s4 =	simm.s32 $0x1BF5;
	[smem:$0x3FB1] =	sst s0  }
0x18: {  	s0 =	sld [smem:$0x3F94];
	_ =	swait.ge [sflag:s4], $0x0  }
0x19: {  	s7 =	sld [smem:$0x3F95]  }
0x1a: {  	s8 =	sadd.s32 $0xFFFFE003, lr  }
0x1b: {  	s9 =	sadd.s32 $0xFFFFFEF7, lr;
	s5 =	simm.s32 $0xFFFFFFFF;
	p2 =	slt.u32 s8, $0xFFFFF086  }
0x1c: {  	p1 =	slt.u32 s9, $0xF7A;
	s5 =	simm.s32 @!p2 $0x0  }
0x1d: {  	s5 =	simm.s32 @p1 $0x1;
	p0 =	seq.s32 s7, s2  }
0x1e: {  	s7 =	smul.u32 @!p0 $0xF7A, s2;
	p2 =	seq.s32 @!p0 s5, $0x0  }
0x1f: {  	s9 =	smul.u32 $0xF7A, s1;
	s8 =	simm.s32 @!p0 $0x1BF5;
	p2 =	por !p2, p0  }
0x20: {  	[sflag:s8] =	ssyncset.s32 @!p0 $0xFFFFF086;
	s6 =	sadd.s32 @!p0 s3, s7;
	s7 =	simm.s32 @!p0 $0x108  }
0x21: {  	s3 =	sadd.s32 s3, s9;
	s6 =	sadd.s32 @!p0 $0x88, s6;
	s7 =	simm.s32 @p2 $0x1082  }
0x22: {  	[simem:s7], [sflag:s8] =	dma.local @!p0 [hbm:s6], $0xF7A  }
0x23: {  	s9 =	sor.u32 $0xD0000000, s2;
	s6 =	simm.s32 $0x108;
	_ =	swait.ge @!p0 [sflag:s8], $0x0  }
0x24: {  	s3 =	sadd.s32 $0x88, s3;
	s6 =	simm.s32 @!p1 $0x1082;
	[sflag:s4] =	ssyncset.s32 $0xFFFFF086  }
0x25: {  	[simem:s6], [sflag:s4] =	dma.local [hbm:s3], $0xF7A  }
0x26: {  	[smem:$0x3F95] =	sst s1;
	(tag) =	ssettag s2;
	_ =	strace s9  }
0x27: {  	s1 =	sld [smem:$0x3FA5]  }
0x28: {  	s2 =	sld [smem:$0x3FA6]  }
0x29: {  	s4 =	sld [smem:$0x3FA8]  }
0x2a: {  	p0 =	seq.s32 s5, $0x0;
	s5 =	sld [smem:$0x3FA9]  }
0x2b: {  	s6 =	sld [smem:$0x3FAA]  }
0x2c: {  	s7 =	sld [smem:$0x3FAB]  }
0x2d: {  	s3 =	simm.s32 $0x108;
	s8 =	sld [smem:$0x3FAC]  }
0x2e: {  	s3 =	simm.s32 @!p0 $0x1082;
	s9 =	sld [smem:$0x3FAD]  }
0x2f: {  	lr =	sadd.s32 s0, s3;
	s0 =	sld [smem:$0x3FA4]  }
0x30: {  	s3 =	sld [smem:$0x3FA7]  }
0x31: {  	[smem:$0x3FB0] =	sst s10  }
0x32: {  	s10 =	sld [smem:$0x3FAE];
	_ =	sdelay $0x3  }
0x33: {  	p0 =	seq.s32 s10, $0x1;
	s10 =	sld [smem:$0x3FB0];
	_ =	sdelay $0x3  }
0x34: {  	[smem:$0x3FB0] =	sst s10  }
0x35: {  	s10 =	sld [smem:$0x3FAF];
	_ =	sdelay $0x3  }
0x36: {  	p1 =	seq.s32 s10, $0x1;
	s10 =	sld [smem:$0x3FB0];
	_ =	sdelay $0x3  }
0x37: {  	[smem:$0x3FB0] =	sst s10  }
0x38: {  	s10 =	sld [smem:$0x3FB1]  }
0x39: {  	_ = 	snop;
	(pc) =	sbr.ind lr, $3  }
0x3a: {  	_ = 	snop  }
0x3b: {  	_ = 	snop  }
0x3c: {  	p2 =	seq.s32 s10, $0x1;
	s10 =	sld [smem:$0x3FB0]  }
0x3d: {  	_ =	shalt  }
0x3e: {  	_ =	shalt  }
0x3f: {  	_ =	shalt  }
0x40: {  	_ =	shalt  }
0x41: {  	_ =	shalt  }
0x42: {  	_ =	shalt  }
0x43: {  	_ =	shalt  }
0x44: {  	_ =	shalt  }
0x45: {  	_ =	shalt  }
0x46: {  	_ =	shalt  }
0x47: {  	_ =	shalt  }
0x48: {  	_ =	shalt  }
0x49: {  	_ =	shalt  }
0x4a: {  	_ =	shalt  }
0x4b: {  	_ =	shalt  }
0x4c: {  	_ =	shalt  }
0x4d: {  	_ =	shalt  }
0x4e: {  	_ =	shalt  }
0x4f: {  	_ =	shalt  }
0x50: {  	_ =	shalt  }
0x51: {  	_ =	shalt  }
0x52: {  	_ =	shalt  }
0x53: {  	_ =	shalt  }
0x54: {  	_ =	shalt  }
0x55: {  	_ =	shalt  }
0x56: {  	_ =	shalt  }
0x57: {  	_ =	shalt  }
0x58: {  	_ =	shalt  }
0x59: {  	_ =	shalt  }
0x5a: {  	_ =	shalt  }
0x5b: {  	_ =	shalt  }
0x5c: {  	_ =	shalt  }
0x5d: {  	_ =	shalt  }
0x5e: {  	_ =	shalt  }
0x5f: {  	_ =	shalt  }
0x60: {  	_ =	shalt  }
0x61: {  	_ =	shalt  }
0x62: {  	_ =	shalt  }
0x63: {  	_ =	shalt  }
0x64: {  	_ =	shalt  }
0x65: {  	_ =	shalt  }
0x66: {  	_ =	shalt  }
0x67: {  	_ =	shalt  }
0x68: {  	_ =	shalt  }
0x69: {  	_ =	shalt  }
0x6a: {  	_ =	shalt  }
0x6b: {  	_ =	shalt  }
0x6c: {  	_ =	shalt  }
0x6d: {  	_ =	shalt  }
0x6e: {  	_ =	shalt  }
0x6f: {  	_ =	shalt  }
0x70: {  	_ =	shalt  }
0x71: {  	_ =	shalt  }
0x72: {  	_ =	shalt  }
0x73: {  	_ =	shalt  }
0x74: {  	_ =	shalt  }
0x75: {  	_ =	shalt  }
0x76: {  	_ =	shalt  }
0x77: {  	_ =	shalt  }
0x78: {  	_ =	shalt  }
0x79: {  	_ =	shalt  }
0x7a: {  	_ =	shalt  }
0x7b: {  	_ =	shalt  }
0x7c: {  	_ =	shalt  }
0x7d: {  	_ =	shalt  }
0x7e: {  	_ =	shalt  }
0x7f: {  	_ =	shalt  }
0x80: {  	_ =	shalt  }
0x81: {  	_ =	shalt  }
0x82: {  	_ =	shalt  }
0x83: {  	_ =	shalt  }
0x84: {  	_ =	shalt  }
0x85: {  	_ =	shalt  }
0x86: {  	_ =	shalt  }
0x87: {  	_ =	shalt  }
.Lfunc_end0:
.L_simem_size_0:
called_computation.2_lowered:
.L_overlay_start_0:
0x88: {  	s2 =	sld [smem:$0x3FD9]  }
0x89: {  	s3 =	sld [smem:$0x3FFE];
	_ =	sdelay $0x1  }
0x8a: {  	s1 =	srdreg.scid  }
0x8b: {  	s0 =	sand.u32 $0x1, s1  }
0x8c: {  	s17 =	sshll.u32 s0, $0xA;
	s2 =	sadd.s32 s3, s2  }
0x8d: {  	s2 =	sadd.s32 s2, s17  }
0x8e: {  	[smem:$0x3FBC] =	sst s2  }
0x8f: {  	_ = 	snop  }
0x90: {  	s2 =	sld [smem:$0x3FD0];
	(tm) =	ssettm $0x1  }
0x91: {  	s18 =	sld [smem:$0x3FFB];
	_ =	sdelay $0x3  }
0x92: {  	_ =	strace s18  }
0x93: {  	s3 =	sld [smem:$0x3FFC];
	_ =	sdelay $0x3  }
0x94: {  	_ =	strace s3  }
0x95: {  	s3 =	sld [smem:$0x3FFD];
	_ =	sdelay $0x3  }
0x96: {  	_ =	strace s3  }
0x97: {  	_ =	strace $0x8FFFFFFF  }
0x98: {  	s19 =	sld [smem:$0x3FDB];
	_ =	sdelay $0x1  }
0x99: {  	s4 =	simm.s32 $_scs_section_size  }
0x9a: {  	s5 =	simm.s32 $_size__tile_overlayer_lowered;
	s6 =	simm.s32 $_tile_overlayer_lowered  }
0x9b: {  	s22 =	simm.s32 $0x1BFF;
	s21 =	sshll.u32 s6, $0x1;
	s3 =	sadd.s32 s4, s19  }
0x9c: {  	s7 =	simm.s32 $0x0;
	s20 =	sshll.u32 s5, $0x1;
	s5 =	sadd.s32 s21, s3  }
0x9d: {  	[timem:s7], [sflag:s22] =	dma.local [hbm:s5], s20  }
0x9e: {  	_ =	swait.ge [sflag:s22], s20  }
0x9f: {  	s4 =	ssub.s32 $0x0, s20;
	[sflag:s22] =	ssyncset.done $0x0  }
0xa0: {  	[sflag:s22] =	ssyncadd.s32 s4;
	_ =	sdelay $0x1  }
0xa1: {  	s23 =	simm.s32 $0x1B8B  }
0xa2: {  	_ =	swait.ge [sflag:s23], $0x1  }
0xa3: {  	[sflag:s23] =	ssyncset.done $0x0  }
0xa4: {  	s25 =	simm.s32 $0x1B8E;
	s24 =	sld [smem:$0x3FFE];
	[sflag:s23] =	ssyncadd.s32 $0xFFFFFFFF  }
0xa5: {  	s26 =	simm.s32 $execute0_lowered;
	[smem:$0x3FD2] =	sst s25  }
0xa6: {  	s5 =	sshll.u32 s26, $0x1;
	_ =	strace $0x8000004C;
	[dreg:$0x1] =	wrdreg $0xFFFFFFFF  }
0xa7: {  	s28 =	simm.s32 $_size_execute0_lowered;
	s3 =	sadd.s32 s3, s5;
	[dreg:$0x0] =	wrdreg $0x0  }
0xa8: {  	s5 =	sshll.u32 s28, $0x1;
	[dreg:$0x2] =	wrdreg s3  }
0xa9: {  	[dreg:$0x3] =	wrdreg s5  }
0xaa: {  	[dreg:$0x4] =	wrdreg $0xC0  }
0xab: {  	_ =	task [dreg:s7], $0x5FFFF  }
0xac: {  	[dreg:$0x1] =	wrdreg $0xFFFFFFFF  }
0xad: {  	[dreg:$0x0] =	wrdreg $0x60  }
0xae: {  	[dreg:$0x2] =	wrdreg s24  }
0xaf: {  	[dreg:$0x3] =	wrdreg s2  }
0xb0: {  	[dreg:$0x4] =	wrdreg $0x90000  }
0xb1: {  	[dreg:$0x5] =	wrdreg $0x9  }
0xb2: {  	_ =	task.clear_ibuf [dreg:s7], $0x6FFFF;
	_ =	strace $0x9000004C  }
0xb3: {  	s29 =	simm.s32 $0x9;
	_ =	strace $0x8000004E  }
0xb4: {  	_ =	swait.ge [sflag:s29], $0x1  }
0xb5: {  	[sflag:s29] =	ssyncadd.s32 $0xFFFFFFFF  }
0xb6: {  	_ =	strace $0x9000004E  }
0xb7: {  	_ =	sfence  }
0xb8: {  	s30 =	sld [smem:$0x0];
	_ =	sdelay $0x2  }
0xb9: {  	s31 =	sshll.u32 s1, $0xD;
	s1 =	sshrl.u32 s1, $0x2  }
0xba: {  	s3 =	sand.u32 $0x4000, s31;
	s1 =	sadd.s32 s1, s30  }
0xbb: {  	s0 =	sor.u32 s3, s0;
	s1 =	sshll.u32 s1, $0x11  }
0xbc: {  	s0 =	sor.u32 s1, s0  }
0xbd: {  	s0 =	sadd.s32 $0x8F2B, s0  }
0xbe: {  	[sflag:s0] =	ssyncadd.remote.s32 $0x1  }
0xbf: {  	_ =	sfence.sel $0xFFFF  }
0xc0: {  	[dreg:$0x0] =	wrdreg $0xFFFFFFFF;
	(pc) =	sbr.abs _section_cstart, $3  }
0xc1: {  	[dreg:$0x1] =	wrdreg $0xFFFFFFFF  }
0xc2: {  	_ =	task.clear_ibuf [dreg:s7], $0x2FFFF;
	_ =	strace $0x9FFFFFFF  }
0xc3: {  	(tm) =	ssettm $0x7FFFFFFF  }
tec
execute0_lowered:
.L_overlay_start_1:
0x0: {  	(tag) =	ssettag $0x1  }
0x1: {  	s0 =	rddreg [dreg:$0x0]  }
0x2: {  	s1 =	rddreg [dreg:$0x1]  }
0x3: {  	s2 =	rddreg [dreg:$0x2];
	s3 =	simm.s32 $0x0  }
0x4: {  	s9 =	stileid.u32;
	s4 =	srdreg.scid;
	s12 =	simm.s32 $0x100  }
0x5: {  	s14 =	simm.s32 $0x880;
	s16 =	simm.s32 $0x180;
	s18 =	simm.s32 $0x900  }
0x6: {  	s19 =	simm.s32 $0x200;
	s20 =	simm.s32 $0x980;
	[smem:$0x7FF] =	sst s3  }
0x7: {  	s21 =	simm.s32 $0x280;
	_ =	strace $0x8000004D;
	[dreg:$0x6] =	wrdreg s12  }
0x8: {  	s22 =	simm.s32 $0xA00;
	s23 =	simm.s32 $0x300;
	[dreg:$0x7] =	wrdreg s14  }
0x9: {  	s24 =	simm.s32 $0xA80;
	s25 =	simm.s32 $0x380;
	[dreg:$0x8] =	wrdreg s16  }
0xa: {  	s28 =	simm.s32 $0x600;
	s29 =	simm.s32 $0xD80;
	[dreg:$0x9] =	wrdreg s18  }
0xb: {  	s30 =	simm.s32 $0x680;
	s5 =	smul.u32 $0xA00, s9;
	[dreg:$0xa] =	wrdreg s19  }
0xc: {  	s31 =	simm.s32 $0xE00;
	s6 =	smul.u32 $0x2800, s9;
	[dreg:$0xb] =	wrdreg s20  }
0xd: {  	s7 =	sand.u32 $0x1, s4;
	s4 =	sadd.s32 $0xFE00, s0;
	[dreg:$0xc] =	wrdreg s21  }
0xe: {  	s9 =	smul.u32 $0x50000, s9;
	s8 =	ssub.s32 $0x2, s7;
	[dreg:$0xd] =	wrdreg s22  }
0xf: {  	p0 =	sne.s32 s7, $0x0;
	s12 =	simm.s32 $0x1000;
	[dreg:$0xe] =	wrdreg s23  }
0x10: {  	s14 =	simm.s32 $0x800;
	[dreg:$0xf] =	wrdreg s24;
	s16 =	simm.s32 $0x5000  }
0x11: {  	[dreg:$0x10] =	wrdreg s25;
	s18 =	simm.s32 $0x2;
	s19 =	simm.s32 $0x400  }
0x12: {  	s20 =	simm.s32 $0xB80;
	s21 =	simm.s32 $0x480;
	s22 =	simm.s32 $0xC00  }
0x13: {  	s23 =	simm.s32 $0x500;
	s24 =	simm.s32 $0xC80;
	s25 =	simm.s32 $0x580  }
0x14: {  	s7 =	simm.s32 $0xF00;
	s10 =	sadd.s32 s5, s0;
	s0 =	sadd.s32 s6, s0  }
0x15: {  	s26 =	sshrl.u32 s8, $0x1;
	s9 =	sshrl.u32 s9, $0x2;
	s1 =	sadd.s32 s5, s1  }
0x16: {  	s6 =	ssub.s32 s8, s26;
	s10 =	sadd.s32 $0x5E00, s10;
	[dreg:$0x5] =	wrdreg s1  }
0x17: {  	s8 =	sadd.s32 s9, s2;
	s0 =	sadd.s32 $0x5FE00, s0;
	[dreg:$0x4] =	wrdreg s10  }
0x18: {  	s26 =	simm.s32 $0xB00;
	s1 =	simm.s32 $0xE80;
	[dreg:$0x12] =	wrdreg s8  }
0x19: {  	s9 =	simm.s32 $0x0;
	s11 =	sadd.s32 $0x4000, s8;
	[dreg:$0x17] =	wrdreg s0  }
0x1a: {  	s13 =	sadd.s32 $0x8000, s8;
	s15 =	sadd.s32 $0xC000, s8;
	[dreg:$0x11] =	wrdreg s26  }
.Ltmp0:
0x1b: {  	s17 =	sadd.s32 $0x10000, s8;
	[dreg:$0x13] =	wrdreg s11;
	(pc) =	sbr.rel .LBB2_1-.Ltmp0, $4  }
0x1c: {  	s5 =	smax.u32 s6, $0x1;
	s26 =	simm.s32 $0xD00;
	[dreg:$0x14] =	wrdreg s13  }
0x1d: {  	s0 =	simm.s32 $0x700;
	s6 =	simm.s32 $0x780;
	[dreg:$0x15] =	wrdreg s15  }
0x1e: {  	s8 =	simm.s32 $0xF80;
	[dreg:$0x16] =	wrdreg s17;
	s13 =	simm.s32 $0x3  }
0x1f: {  	v0 =	vimm.f32 $0.0e+00;
	s15 =	simm.s32 $0x80;
	s17 =	simm.s32 $0x1;
	[dreg:$0x18] =	wrdreg s5  }
.LBB2_9:
0x20: {  	[bflag:$0x0] =	sbarrier.arrive $0xFFFF  }
0x21: {  	[bflag:$0x0] =	sbarrier.arrive $0xFFFF  }
.LBB2_7:
0x22: {  	s9 =	sadd.s32 $0x1, s9  }
0x23: {  	p1 =	sne.s32 s9, s5  }
.Ltmp1:
0x24: {  	_ = 	snop;
	(pc) =	sbr.rel @!p1 .LBB2_8-.Ltmp1, $1  }
0x25: {  	_ =	sdelay $0x3  }
.LBB2_1:
.Ltmp2:
0x26: {  	(pc) =	sbr.rel @p0 .LBB2_9-.Ltmp2, $1  }
0x27: {  	_ =	sdelay $0x3  }
0x28: {  	[dreg:$0x19] =	wrdreg s9;
	s10 =	sshra.s32 s3, $0x2;
	s11 =	sadd.s32 $0x200, s3  }
.LBB2_3:
0x29: {  	p1 =	sne.s32 s11, $0xFE00;
	[tilespmem:s10+$0x1070] =	vst v0  }
0x2a: {  	[tilespmem:s10+$0x1000] =	vst v0  }
0x2b: {  	[tilespmem:s10+$0x1010] =	vst v0  }
.Ltmp3:
0x2c: {  	[tilespmem:s10+$0x1020] =	vst v0;
	(pc) =	sbr.rel @p1 .LBB2_3-.Ltmp3, $4  }
0x2d: {  	[tilespmem:s10+$0x1030] =	vst v0  }
0x2e: {  	[tilespmem:s10+$0x1040] =	vst v0  }
0x2f: {  	[tilespmem:s10+$0x1050] =	vst v0  }
0x30: {  	[tilespmem:s10+$0x1060] =	vst v0;
	s10 =	sshra.s32 s11, $0x2;
	s11 =	sadd.s32 $0x200, s11  }
0x31: {  	[tilespmem:s10+$0x1070] =	vst v0  }
0x32: {  	[tilespmem:s10+$0x1000] =	vst v0  }
0x33: {  	[tilespmem:s10+$0x1010] =	vst v0  }
0x34: {  	[tilespmem:s10+$0x1020] =	vst v0  }
0x35: {  	[tilespmem:s10+$0x1030] =	vst v0  }
0x36: {  	[tilespmem:s10+$0x1040] =	vst v0  }
0x37: {  	[tilespmem:s10+$0x1050] =	vst v0  }
0x38: {  	[tilespmem:s10+$0x1060] =	vst v0;
	s5 =	rddreg [dreg:$0x12]  }
0x39: {  	[spmem:s5] =	stream.linear.scatter [tilespmem:s12], [sflag:$0x3], $0x4000, $0x38;
	[tilespmem:$0x1D000] =	vst v63  }
0x3a: {  	_ =	swait.ge [sflag:s13], $0x4000  }
0x3b: {  	[sflag:s13] =	ssyncset.done $0x0  }
0x3c: {  	s9 =	rddreg [dreg:$0x13];
	[sflag:s13] =	ssyncadd.s32 $0xFFFFC000  }
0x3d: {  	[spmem:s9] =	stream.linear.scatter [tilespmem:s12], [sflag:$0x3], $0x4000, $0x38;
	[tilespmem:$0x1D000] =	vst v63  }
0x3e: {  	_ =	swait.ge [sflag:s13], $0x4000  }
0x3f: {  	[sflag:s13] =	ssyncset.done $0x0  }
0x40: {  	s10 =	rddreg [dreg:$0x14];
	[sflag:s13] =	ssyncadd.s32 $0xFFFFC000  }
0x41: {  	[spmem:s10] =	stream.linear.scatter [tilespmem:s12], [sflag:$0x3], $0x4000, $0x38;
	[tilespmem:$0x1D000] =	vst v63  }
0x42: {  	_ =	swait.ge [sflag:s13], $0x4000  }
0x43: {  	[sflag:s13] =	ssyncset.done $0x0  }
0x44: {  	s11 =	rddreg [dreg:$0x15];
	[sflag:s13] =	ssyncadd.s32 $0xFFFFC000  }
0x45: {  	[spmem:s11] =	stream.linear.scatter [tilespmem:s12], [sflag:$0x3], $0x4000, $0x38;
	[tilespmem:$0x1D000] =	vst v63  }
0x46: {  	_ =	swait.ge [sflag:s13], $0x4000  }
0x47: {  	[sflag:s13] =	ssyncset.done $0x0  }
0x48: {  	s9 =	rddreg [dreg:$0x16];
	[sflag:s13] =	ssyncadd.s32 $0xFFFFC000  }
0x49: {  	[spmem:s9] =	stream.linear.scatter [tilespmem:s12], [sflag:$0x3], $0x4000, $0x38;
	[tilespmem:$0x1D000] =	vst v63  }
0x4a: {  	_ =	swait.ge [sflag:s13], $0x4000  }
0x4b: {  	[sflag:s13] =	ssyncset.done $0x0  }
0x4c: {  	[sflag:s13] =	ssyncadd.s32 $0xFFFFC000  }
0x4d: {  	[bflag:$0x0] =	sbarrier.arrive $0xFFFF  }
0x4e: {  	s10 =	rddreg [dreg:$0x5]  }
0x4f: {  	s5 =	sadd.s32 $0x0, s10  }
0x50: {  	[tilespmem:s3], [sflag:$0x3] =	stream.linear.gather [hbm4b:s5+s3], $0x800, $0x38;
	[tilespmem:$0x1D000] =	vst v63  }
0x51: {  	_ =	swait.ge [sflag:s13], $0x800  }
0x52: {  	s11 =	rddreg [dreg:$0x4];
	[sflag:s13] =	ssyncset.done $0x0  }
0x53: {  	[sflag:s13] =	ssyncadd.s32 $0xFFFFF800;
	s5 =	sadd.s32 $0x0, s11  }
0x54: {  	[tilespmem:s14], [sflag:$0x3] =	stream.linear.gather [hbm4b:s5+s3], $0x800, $0x38;
	[tilespmem:$0x1D000] =	vst v63  }
0x55: {  	_ =	swait.ge [sflag:s13], $0x800  }
0x56: {  	[sflag:s13] =	ssyncset.done $0x0  }
0x57: {  	[sflag:s13] =	ssyncadd.s32 $0xFFFFF800  }
0x58: {  	[tilespmem:s12], [sflag:$0x1] =	stream.indirect.gather [hbm4b:s4+s15], $0x80, s3, s15, $0xb8;
	[tilespmem:$0x1D000] =	vst v63  }
0x59: {  	_ = 	snop  }
0x5a: {  	[tilespmem:s16], [sflag:$0x2] =	stream.indirect.gather [hbm4b:s4+s15], $0x80, s15, s15, $0xb8;
	[tilespmem:$0x1D000] =	vst v63  }
0x5b: {  	_ =	swait.ge [sflag:s17], $0x4000  }
0x5c: {  	[sflag:s17] =	ssyncset.done $0x0  }
0x5d: {  	[sflag:s17] =	ssyncadd.s32 $0xFFFFC000  }
0x5e: {  	[spmem:s2] =	stream.indirect.scatter.add.f32 [tilespmem:s12], [sflag:$0x3], $0x80, s14, s15, $0xb8;
	[tilespmem:$0x1D000] =	vst v63  }
0x5f: {  	_ =	swait.ge [sflag:s13], $0x4000  }
0x60: {  	[sflag:s13] =	ssyncset.done $0x0  }
0x61: {  	s9 =	rddreg [dreg:$0x6];
	[sflag:s13] =	ssyncadd.s32 $0xFFFFC000  }
0x62: {  	[tilespmem:s12], [sflag:$0x1] =	stream.indirect.gather [hbm4b:s4+s15], $0x80, s9, s15, $0xb8;
	[tilespmem:$0x1D000] =	vst v63  }
0x63: {  	_ =	swait.ge [sflag:s18], $0x4000  }
0x64: {  	[sflag:s18] =	ssyncset.done $0x0  }
0x65: {  	s10 =	rddreg [dreg:$0x7];
	[sflag:s18] =	ssyncadd.s32 $0xFFFFC000  }
0x66: {  	[spmem:s2] =	stream.indirect.scatter.add.f32 [tilespmem:s16], [sflag:$0x3], $0x80, s10, s15, $0xb8;
	[tilespmem:$0x1D000] =	vst v63  }
0x67: {  	_ =	swait.ge [sflag:s13], $0x4000  }
0x68: {  	[sflag:s13] =	ssyncset.done $0x0  }
0x69: {  	s11 =	rddreg [dreg:$0x8];
	[sflag:s13] =	ssyncadd.s32 $0xFFFFC000  }
0x6a: {  	[tilespmem:s16], [sflag:$0x2] =	stream.indirect.gather [hbm4b:s4+s15], $0x80, s11, s15, $0xb8;
	[tilespmem:$0x1D000] =	vst v63  }
0x6b: {  	_ =	swait.ge [sflag:s17], $0x4000  }
0x6c: {  	[sflag:s17] =	ssyncset.done $0x0  }
0x6d: {  	s9 =	rddreg [dreg:$0x9];
	[sflag:s17] =	ssyncadd.s32 $0xFFFFC000  }
0x6e: {  	[spmem:s2] =	stream.indirect.scatter.add.f32 [tilespmem:s12], [sflag:$0x3], $0x80, s9, s15, $0xb8;
	[tilespmem:$0x1D000] =	vst v63  }
0x6f: {  	_ =	swait.ge [sflag:s13], $0x4000  }
0x70: {  	[sflag:s13] =	ssyncset.done $0x0  }
0x71: {  	s10 =	rddreg [dreg:$0xa];
	[sflag:s13] =	ssyncadd.s32 $0xFFFFC000  }
0x72: {  	[tilespmem:s12], [sflag:$0x1] =	stream.indirect.gather [hbm4b:s4+s15], $0x80, s10, s15, $0xb8;
	[tilespmem:$0x1D000] =	vst v63  }
0x73: {  	_ =	swait.ge [sflag:s18], $0x4000  }
0x74: {  	[sflag:s18] =	ssyncset.done $0x0  }
0x75: {  	s11 =	rddreg [dreg:$0xb];
	[sflag:s18] =	ssyncadd.s32 $0xFFFFC000  }
0x76: {  	[spmem:s2] =	stream.indirect.scatter.add.f32 [tilespmem:s16], [sflag:$0x3], $0x80, s11, s15, $0xb8;
	[tilespmem:$0x1D000] =	vst v63  }
0x77: {  	_ =	swait.ge [sflag:s13], $0x4000  }
0x78: {  	[sflag:s13] =	ssyncset.done $0x0  }
0x79: {  	s9 =	rddreg [dreg:$0xc];
	[sflag:s13] =	ssyncadd.s32 $0xFFFFC000  }
0x7a: {  	[tilespmem:s16], [sflag:$0x2] =	stream.indirect.gather [hbm4b:s4+s15], $0x80, s9, s15, $0xb8;
	[tilespmem:$0x1D000] =	vst v63  }
0x7b: {  	_ =	swait.ge [sflag:s17], $0x4000  }
0x7c: {  	[sflag:s17] =	ssyncset.done $0x0  }
0x7d: {  	s10 =	rddreg [dreg:$0xd];
	[sflag:s17] =	ssyncadd.s32 $0xFFFFC000  }
0x7e: {  	[spmem:s2] =	stream.indirect.scatter.add.f32 [tilespmem:s12], [sflag:$0x3], $0x80, s10, s15, $0xb8;
	[tilespmem:$0x1D000] =	vst v63  }
0x7f: {  	_ =	swait.ge [sflag:s13], $0x4000  }
0x80: {  	[sflag:s13] =	ssyncset.done $0x0  }
0x81: {  	s11 =	rddreg [dreg:$0xe];
	[sflag:s13] =	ssyncadd.s32 $0xFFFFC000  }
0x82: {  	[tilespmem:s12], [sflag:$0x1] =	stream.indirect.gather [hbm4b:s4+s15], $0x80, s11, s15, $0xb8;
	[tilespmem:$0x1D000] =	vst v63  }
0x83: {  	_ =	swait.ge [sflag:s18], $0x4000  }
0x84: {  	[sflag:s18] =	ssyncset.done $0x0  }
0x85: {  	s9 =	rddreg [dreg:$0xf];
	[sflag:s18] =	ssyncadd.s32 $0xFFFFC000  }
0x86: {  	[spmem:s2] =	stream.indirect.scatter.add.f32 [tilespmem:s16], [sflag:$0x3], $0x80, s9, s15, $0xb8;
	[tilespmem:$0x1D000] =	vst v63  }
0x87: {  	_ =	swait.ge [sflag:s13], $0x4000  }
0x88: {  	[sflag:s13] =	ssyncset.done $0x0  }
0x89: {  	s10 =	rddreg [dreg:$0x10];
	[sflag:s13] =	ssyncadd.s32 $0xFFFFC000  }
0x8a: {  	[tilespmem:s16], [sflag:$0x2] =	stream.indirect.gather [hbm4b:s4+s15], $0x80, s10, s15, $0xb8;
	[tilespmem:$0x1D000] =	vst v63  }
0x8b: {  	_ =	swait.ge [sflag:s17], $0x4000  }
0x8c: {  	[sflag:s17] =	ssyncset.done $0x0  }
0x8d: {  	s11 =	rddreg [dreg:$0x11];
	[sflag:s17] =	ssyncadd.s32 $0xFFFFC000  }
0x8e: {  	[spmem:s2] =	stream.indirect.scatter.add.f32 [tilespmem:s12], [sflag:$0x3], $0x80, s11, s15, $0xb8;
	[tilespmem:$0x1D000] =	vst v63  }
0x8f: {  	_ =	swait.ge [sflag:s13], $0x4000  }
0x90: {  	[sflag:s13] =	ssyncset.done $0x0  }
0x91: {  	[sflag:s13] =	ssyncadd.s32 $0xFFFFC000  }
0x92: {  	[tilespmem:s12], [sflag:$0x1] =	stream.indirect.gather [hbm4b:s4+s15], $0x80, s19, s15, $0xb8;
	[tilespmem:$0x1D000] =	vst v63  }
0x93: {  	_ =	swait.ge [sflag:s18], $0x4000  }
0x94: {  	[sflag:s18] =	ssyncset.done $0x0  }
0x95: {  	[sflag:s18] =	ssyncadd.s32 $0xFFFFC000  }
0x96: {  	[spmem:s2] =	stream.indirect.scatter.add.f32 [tilespmem:s16], [sflag:$0x3], $0x80, s20, s15, $0xb8;
	[tilespmem:$0x1D000] =	vst v63  }
0x97: {  	_ =	swait.ge [sflag:s13], $0x4000  }
0x98: {  	[sflag:s13] =	ssyncset.done $0x0  }
0x99: {  	[sflag:s13] =	ssyncadd.s32 $0xFFFFC000  }
0x9a: {  	[tilespmem:s16], [sflag:$0x2] =	stream.indirect.gather [hbm4b:s4+s15], $0x80, s21, s15, $0xb8;
	[tilespmem:$0x1D000] =	vst v63  }
0x9b: {  	_ =	swait.ge [sflag:s17], $0x4000  }
0x9c: {  	[sflag:s17] =	ssyncset.done $0x0  }
0x9d: {  	[sflag:s17] =	ssyncadd.s32 $0xFFFFC000  }
0x9e: {  	[spmem:s2] =	stream.indirect.scatter.add.f32 [tilespmem:s12], [sflag:$0x3], $0x80, s22, s15, $0xb8;
	[tilespmem:$0x1D000] =	vst v63  }
0x9f: {  	_ =	swait.ge [sflag:s13], $0x4000  }
0xa0: {  	[sflag:s13] =	ssyncset.done $0x0  }
0xa1: {  	[sflag:s13] =	ssyncadd.s32 $0xFFFFC000  }
0xa2: {  	[tilespmem:s12], [sflag:$0x1] =	stream.indirect.gather [hbm4b:s4+s15], $0x80, s23, s15, $0xb8;
	[tilespmem:$0x1D000] =	vst v63  }
0xa3: {  	_ =	swait.ge [sflag:s18], $0x4000  }
0xa4: {  	[sflag:s18] =	ssyncset.done $0x0  }
0xa5: {  	[sflag:s18] =	ssyncadd.s32 $0xFFFFC000  }
0xa6: {  	[spmem:s2] =	stream.indirect.scatter.add.f32 [tilespmem:s16], [sflag:$0x3], $0x80, s24, s15, $0xb8;
	[tilespmem:$0x1D000] =	vst v63  }
0xa7: {  	_ =	swait.ge [sflag:s13], $0x4000  }
0xa8: {  	[sflag:s13] =	ssyncset.done $0x0  }
0xa9: {  	[sflag:s13] =	ssyncadd.s32 $0xFFFFC000  }
0xaa: {  	[tilespmem:s16], [sflag:$0x2] =	stream.indirect.gather [hbm4b:s4+s15], $0x80, s25, s15, $0xb8;
	[tilespmem:$0x1D000] =	vst v63  }
0xab: {  	_ =	swait.ge [sflag:s17], $0x4000  }
0xac: {  	[sflag:s17] =	ssyncset.done $0x0  }
0xad: {  	[sflag:s17] =	ssyncadd.s32 $0xFFFFC000  }
0xae: {  	[spmem:s2] =	stream.indirect.scatter.add.f32 [tilespmem:s12], [sflag:$0x3], $0x80, s26, s15, $0xb8;
	[tilespmem:$0x1D000] =	vst v63  }
0xaf: {  	_ =	swait.ge [sflag:s13], $0x4000  }
0xb0: {  	[sflag:s13] =	ssyncset.done $0x0  }
0xb1: {  	[sflag:s13] =	ssyncadd.s32 $0xFFFFC000  }
0xb2: {  	[tilespmem:s12], [sflag:$0x1] =	stream.indirect.gather [hbm4b:s4+s15], $0x80, s28, s15, $0xb8;
	[tilespmem:$0x1D000] =	vst v63  }
0xb3: {  	_ =	swait.ge [sflag:s18], $0x4000  }
0xb4: {  	[sflag:s18] =	ssyncset.done $0x0  }
0xb5: {  	[sflag:s18] =	ssyncadd.s32 $0xFFFFC000  }
0xb6: {  	[spmem:s2] =	stream.indirect.scatter.add.f32 [tilespmem:s16], [sflag:$0x3], $0x80, s29, s15, $0xb8;
	[tilespmem:$0x1D000] =	vst v63  }
0xb7: {  	_ =	swait.ge [sflag:s13], $0x4000  }
0xb8: {  	[sflag:s13] =	ssyncset.done $0x0  }
0xb9: {  	[sflag:s13] =	ssyncadd.s32 $0xFFFFC000  }
0xba: {  	[tilespmem:s16], [sflag:$0x2] =	stream.indirect.gather [hbm4b:s4+s15], $0x80, s30, s15, $0xb8;
	[tilespmem:$0x1D000] =	vst v63  }
0xbb: {  	_ =	swait.ge [sflag:s17], $0x4000  }
0xbc: {  	[sflag:s17] =	ssyncset.done $0x0  }
0xbd: {  	[sflag:s17] =	ssyncadd.s32 $0xFFFFC000  }
0xbe: {  	[spmem:s2] =	stream.indirect.scatter.add.f32 [tilespmem:s12], [sflag:$0x3], $0x80, s31, s15, $0xb8;
	[tilespmem:$0x1D000] =	vst v63  }
0xbf: {  	_ =	swait.ge [sflag:s13], $0x4000  }
0xc0: {  	[sflag:s13] =	ssyncset.done $0x0  }
0xc1: {  	[sflag:s13] =	ssyncadd.s32 $0xFFFFC000  }
0xc2: {  	[tilespmem:s12], [sflag:$0x1] =	stream.indirect.gather [hbm4b:s4+s15], $0x80, s0, s15, $0xb8;
	[tilespmem:$0x1D000] =	vst v63  }
0xc3: {  	_ =	swait.ge [sflag:s18], $0x4000  }
0xc4: {  	[sflag:s18] =	ssyncset.done $0x0  }
0xc5: {  	[sflag:s18] =	ssyncadd.s32 $0xFFFFC000  }
0xc6: {  	[spmem:s2] =	stream.indirect.scatter.add.f32 [tilespmem:s16], [sflag:$0x3], $0x80, s1, s15, $0xb8;
	[tilespmem:$0x1D000] =	vst v63  }
0xc7: {  	_ =	swait.ge [sflag:s13], $0x4000  }
0xc8: {  	[sflag:s13] =	ssyncset.done $0x0  }
0xc9: {  	[sflag:s13] =	ssyncadd.s32 $0xFFFFC000  }
0xca: {  	[tilespmem:s16], [sflag:$0x2] =	stream.indirect.gather [hbm4b:s4+s15], $0x80, s6, s15, $0xb8;
	[tilespmem:$0x1D000] =	vst v63  }
0xcb: {  	_ =	swait.ge [sflag:s17], $0x4000  }
0xcc: {  	[sflag:s17] =	ssyncset.done $0x0  }
0xcd: {  	[sflag:s17] =	ssyncadd.s32 $0xFFFFC000  }
0xce: {  	[spmem:s2] =	stream.indirect.scatter.add.f32 [tilespmem:s12], [sflag:$0x3], $0x80, s7, s15, $0xb8;
	[tilespmem:$0x1D000] =	vst v63  }
0xcf: {  	_ =	swait.ge [sflag:s13], $0x4000  }
0xd0: {  	[sflag:s13] =	ssyncset.done $0x0  }
0xd1: {  	[sflag:s13] =	ssyncadd.s32 $0xFFFFC000  }
0xd2: {  	_ =	swait.ge [sflag:s18], $0x4000  }
0xd3: {  	[sflag:s18] =	ssyncset.done $0x0  }
0xd4: {  	[sflag:s18] =	ssyncadd.s32 $0xFFFFC000  }
0xd5: {  	[spmem:s2] =	stream.indirect.scatter.add.f32 [tilespmem:s16], [sflag:$0x3], $0x80, s8, s15, $0xb8;
	[tilespmem:$0x1D000] =	vst v63  }
0xd6: {  	s10 =	simm.s32 $0x100;
	_ =	swait.ge [sflag:s13], $0x4000  }
0xd7: {  	s11 =	simm.s32 $0x200;
	s5 =	rddreg [dreg:$0x5];
	[sflag:s13] =	ssyncset.done $0x0  }
.LBB2_5:
0xd8: {  	[sflag:s13] =	ssyncadd.s32 $0xFFFFC000;
	s5 =	sadd.s32 s10, s5  }
0xd9: {  	[tilespmem:s3], [sflag:$0x3] =	stream.linear.gather [hbm4b:s5+s3], $0x800, $0x38;
	[tilespmem:$0x1D000] =	vst v63  }
0xda: {  	_ =	swait.ge [sflag:s13], $0x800  }
0xdb: {  	s5 =	rddreg [dreg:$0x4];
	[sflag:s13] =	ssyncset.done $0x0  }
0xdc: {  	[sflag:s13] =	ssyncadd.s32 $0xFFFFF800;
	s5 =	sadd.s32 s10, s5  }
0xdd: {  	[tilespmem:s14], [sflag:$0x3] =	stream.linear.gather [hbm4b:s5+s3], $0x800, $0x38;
	[tilespmem:$0x1D000] =	vst v63  }
0xde: {  	_ =	swait.ge [sflag:s13], $0x800  }
0xdf: {  	[sflag:s13] =	ssyncset.done $0x0  }
0xe0: {  	[sflag:s13] =	ssyncadd.s32 $0xFFFFF800  }
0xe1: {  	[tilespmem:s12], [sflag:$0x1] =	stream.indirect.gather [hbm4b:s4+s15], $0x80, s3, s15, $0xb8;
	[tilespmem:$0x1D000] =	vst v63  }
0xe2: {  	_ = 	snop  }
0xe3: {  	[tilespmem:s16], [sflag:$0x2] =	stream.indirect.gather [hbm4b:s4+s15], $0x80, s15, s15, $0xb8;
	[tilespmem:$0x1D000] =	vst v63  }
0xe4: {  	_ =	swait.ge [sflag:s17], $0x4000  }
0xe5: {  	[sflag:s17] =	ssyncset.done $0x0  }
0xe6: {  	[sflag:s17] =	ssyncadd.s32 $0xFFFFC000  }
0xe7: {  	[spmem:s2] =	stream.indirect.scatter.add.f32 [tilespmem:s12], [sflag:$0x3], $0x80, s14, s15, $0xb8;
	[tilespmem:$0x1D000] =	vst v63  }
0xe8: {  	_ =	swait.ge [sflag:s13], $0x4000  }
0xe9: {  	s9 =	smov.u32 s11;
	[sflag:s13] =	ssyncset.done $0x0  }
0xea: {  	s10 =	smov.u32 s9;
	s9 =	rddreg [dreg:$0x6];
	[sflag:s13] =	ssyncadd.s32 $0xFFFFC000  }
0xeb: {  	[tilespmem:s12], [sflag:$0x1] =	stream.indirect.gather [hbm4b:s4+s15], $0x80, s9, s15, $0xb8;
	[tilespmem:$0x1D000] =	vst v63  }
0xec: {  	_ =	swait.ge [sflag:s18], $0x4000  }
0xed: {  	[sflag:s18] =	ssyncset.done $0x0  }
0xee: {  	s9 =	rddreg [dreg:$0x7];
	[sflag:s18] =	ssyncadd.s32 $0xFFFFC000  }
0xef: {  	[spmem:s2] =	stream.indirect.scatter.add.f32 [tilespmem:s16], [sflag:$0x3], $0x80, s9, s15, $0xb8;
	[tilespmem:$0x1D000] =	vst v63  }
0xf0: {  	_ =	swait.ge [sflag:s13], $0x4000  }
0xf1: {  	[sflag:s13] =	ssyncset.done $0x0  }
0xf2: {  	s9 =	rddreg [dreg:$0x8];
	[sflag:s13] =	ssyncadd.s32 $0xFFFFC000  }
0xf3: {  	[tilespmem:s16], [sflag:$0x2] =	stream.indirect.gather [hbm4b:s4+s15], $0x80, s9, s15, $0xb8;
	[tilespmem:$0x1D000] =	vst v63  }
0xf4: {  	_ =	swait.ge [sflag:s17], $0x4000  }
0xf5: {  	[sflag:s17] =	ssyncset.done $0x0  }
0xf6: {  	s9 =	rddreg [dreg:$0x9];
	[sflag:s17] =	ssyncadd.s32 $0xFFFFC000  }
0xf7: {  	[spmem:s2] =	stream.indirect.scatter.add.f32 [tilespmem:s12], [sflag:$0x3], $0x80, s9, s15, $0xb8;
	[tilespmem:$0x1D000] =	vst v63  }
0xf8: {  	_ =	swait.ge [sflag:s13], $0x4000  }
0xf9: {  	[sflag:s13] =	ssyncset.done $0x0  }
0xfa: {  	s9 =	rddreg [dreg:$0xa];
	[sflag:s13] =	ssyncadd.s32 $0xFFFFC000  }
0xfb: {  	[tilespmem:s12], [sflag:$0x1] =	stream.indirect.gather [hbm4b:s4+s15], $0x80, s9, s15, $0xb8;
	[tilespmem:$0x1D000] =	vst v63  }
0xfc: {  	_ =	swait.ge [sflag:s18], $0x4000  }
0xfd: {  	[sflag:s18] =	ssyncset.done $0x0  }
0xfe: {  	s9 =	rddreg [dreg:$0xb];
	[sflag:s18] =	ssyncadd.s32 $0xFFFFC000  }
0xff: {  	[spmem:s2] =	stream.indirect.scatter.add.f32 [tilespmem:s16], [sflag:$0x3], $0x80, s9, s15, $0xb8;
	[tilespmem:$0x1D000] =	vst v63  }
0x100: {  	_ =	swait.ge [sflag:s13], $0x4000  }
0x101: {  	[sflag:s13] =	ssyncset.done $0x0  }
0x102: {  	s9 =	rddreg [dreg:$0xc];
	[sflag:s13] =	ssyncadd.s32 $0xFFFFC000  }
0x103: {  	[tilespmem:s16], [sflag:$0x2] =	stream.indirect.gather [hbm4b:s4+s15], $0x80, s9, s15, $0xb8;
	[tilespmem:$0x1D000] =	vst v63  }
0x104: {  	_ =	swait.ge [sflag:s17], $0x4000  }
0x105: {  	[sflag:s17] =	ssyncset.done $0x0  }
0x106: {  	s9 =	rddreg [dreg:$0xd];
	[sflag:s17] =	ssyncadd.s32 $0xFFFFC000  }
0x107: {  	[spmem:s2] =	stream.indirect.scatter.add.f32 [tilespmem:s12], [sflag:$0x3], $0x80, s9, s15, $0xb8;
	[tilespmem:$0x1D000] =	vst v63  }
0x108: {  	_ =	swait.ge [sflag:s13], $0x4000  }
0x109: {  	[sflag:s13] =	ssyncset.done $0x0  }
0x10a: {  	s9 =	rddreg [dreg:$0xe];
	[sflag:s13] =	ssyncadd.s32 $0xFFFFC000  }
0x10b: {  	[tilespmem:s12], [sflag:$0x1] =	stream.indirect.gather [hbm4b:s4+s15], $0x80, s9, s15, $0xb8;
	[tilespmem:$0x1D000] =	vst v63  }
0x10c: {  	_ =	swait.ge [sflag:s18], $0x4000  }
0x10d: {  	[sflag:s18] =	ssyncset.done $0x0  }
0x10e: {  	s9 =	rddreg [dreg:$0xf];
	[sflag:s18] =	ssyncadd.s32 $0xFFFFC000  }
0x10f: {  	[spmem:s2] =	stream.indirect.scatter.add.f32 [tilespmem:s16], [sflag:$0x3], $0x80, s9, s15, $0xb8;
	[tilespmem:$0x1D000] =	vst v63  }
0x110: {  	_ =	swait.ge [sflag:s13], $0x4000  }
0x111: {  	[sflag:s13] =	ssyncset.done $0x0  }
0x112: {  	s9 =	rddreg [dreg:$0x10];
	[sflag:s13] =	ssyncadd.s32 $0xFFFFC000  }
0x113: {  	[tilespmem:s16], [sflag:$0x2] =	stream.indirect.gather [hbm4b:s4+s15], $0x80, s9, s15, $0xb8;
	[tilespmem:$0x1D000] =	vst v63  }
0x114: {  	_ =	swait.ge [sflag:s17], $0x4000  }
0x115: {  	[sflag:s17] =	ssyncset.done $0x0  }
0x116: {  	s9 =	rddreg [dreg:$0x11];
	[sflag:s17] =	ssyncadd.s32 $0xFFFFC000  }
0x117: {  	[spmem:s2] =	stream.indirect.scatter.add.f32 [tilespmem:s12], [sflag:$0x3], $0x80, s9, s15, $0xb8;
	[tilespmem:$0x1D000] =	vst v63  }
0x118: {  	_ =	swait.ge [sflag:s13], $0x4000  }
0x119: {  	[sflag:s13] =	ssyncset.done $0x0  }
0x11a: {  	[sflag:s13] =	ssyncadd.s32 $0xFFFFC000  }
0x11b: {  	[tilespmem:s12], [sflag:$0x1] =	stream.indirect.gather [hbm4b:s4+s15], $0x80, s19, s15, $0xb8;
	[tilespmem:$0x1D000] =	vst v63  }
0x11c: {  	_ =	swait.ge [sflag:s18], $0x4000  }
0x11d: {  	[sflag:s18] =	ssyncset.done $0x0  }
0x11e: {  	[sflag:s18] =	ssyncadd.s32 $0xFFFFC000  }
0x11f: {  	[spmem:s2] =	stream.indirect.scatter.add.f32 [tilespmem:s16], [sflag:$0x3], $0x80, s20, s15, $0xb8;
	[tilespmem:$0x1D000] =	vst v63  }
0x120: {  	_ =	swait.ge [sflag:s13], $0x4000  }
0x121: {  	[sflag:s13] =	ssyncset.done $0x0  }
0x122: {  	[sflag:s13] =	ssyncadd.s32 $0xFFFFC000  }
0x123: {  	[tilespmem:s16], [sflag:$0x2] =	stream.indirect.gather [hbm4b:s4+s15], $0x80, s21, s15, $0xb8;
	[tilespmem:$0x1D000] =	vst v63  }
0x124: {  	_ =	swait.ge [sflag:s17], $0x4000  }
0x125: {  	[sflag:s17] =	ssyncset.done $0x0  }
0x126: {  	[sflag:s17] =	ssyncadd.s32 $0xFFFFC000  }
0x127: {  	[spmem:s2] =	stream.indirect.scatter.add.f32 [tilespmem:s12], [sflag:$0x3], $0x80, s22, s15, $0xb8;
	[tilespmem:$0x1D000] =	vst v63  }
0x128: {  	_ =	swait.ge [sflag:s13], $0x4000  }
0x129: {  	[sflag:s13] =	ssyncset.done $0x0  }
0x12a: {  	[sflag:s13] =	ssyncadd.s32 $0xFFFFC000  }
0x12b: {  	[tilespmem:s12], [sflag:$0x1] =	stream.indirect.gather [hbm4b:s4+s15], $0x80, s23, s15, $0xb8;
	[tilespmem:$0x1D000] =	vst v63  }
0x12c: {  	_ =	swait.ge [sflag:s18], $0x4000  }
0x12d: {  	[sflag:s18] =	ssyncset.done $0x0  }
0x12e: {  	[sflag:s18] =	ssyncadd.s32 $0xFFFFC000  }
0x12f: {  	[spmem:s2] =	stream.indirect.scatter.add.f32 [tilespmem:s16], [sflag:$0x3], $0x80, s24, s15, $0xb8;
	[tilespmem:$0x1D000] =	vst v63  }
0x130: {  	_ =	swait.ge [sflag:s13], $0x4000  }
0x131: {  	[sflag:s13] =	ssyncset.done $0x0  }
0x132: {  	[sflag:s13] =	ssyncadd.s32 $0xFFFFC000  }
0x133: {  	[tilespmem:s16], [sflag:$0x2] =	stream.indirect.gather [hbm4b:s4+s15], $0x80, s25, s15, $0xb8;
	[tilespmem:$0x1D000] =	vst v63  }
0x134: {  	_ =	swait.ge [sflag:s17], $0x4000  }
0x135: {  	[sflag:s17] =	ssyncset.done $0x0  }
0x136: {  	[sflag:s17] =	ssyncadd.s32 $0xFFFFC000  }
0x137: {  	[spmem:s2] =	stream.indirect.scatter.add.f32 [tilespmem:s12], [sflag:$0x3], $0x80, s26, s15, $0xb8;
	[tilespmem:$0x1D000] =	vst v63  }
0x138: {  	_ =	swait.ge [sflag:s13], $0x4000  }
0x139: {  	[sflag:s13] =	ssyncset.done $0x0  }
0x13a: {  	[sflag:s13] =	ssyncadd.s32 $0xFFFFC000  }
0x13b: {  	[tilespmem:s12], [sflag:$0x1] =	stream.indirect.gather [hbm4b:s4+s15], $0x80, s28, s15, $0xb8;
	[tilespmem:$0x1D000] =	vst v63  }
0x13c: {  	_ =	swait.ge [sflag:s18], $0x4000  }
0x13d: {  	[sflag:s18] =	ssyncset.done $0x0  }
0x13e: {  	[sflag:s18] =	ssyncadd.s32 $0xFFFFC000  }
0x13f: {  	[spmem:s2] =	stream.indirect.scatter.add.f32 [tilespmem:s16], [sflag:$0x3], $0x80, s29, s15, $0xb8;
	[tilespmem:$0x1D000] =	vst v63  }
0x140: {  	_ =	swait.ge [sflag:s13], $0x4000  }
0x141: {  	[sflag:s13] =	ssyncset.done $0x0  }
0x142: {  	[sflag:s13] =	ssyncadd.s32 $0xFFFFC000  }
0x143: {  	[tilespmem:s16], [sflag:$0x2] =	stream.indirect.gather [hbm4b:s4+s15], $0x80, s30, s15, $0xb8;
	[tilespmem:$0x1D000] =	vst v63  }
0x144: {  	_ =	swait.ge [sflag:s17], $0x4000  }
0x145: {  	[sflag:s17] =	ssyncset.done $0x0  }
0x146: {  	[sflag:s17] =	ssyncadd.s32 $0xFFFFC000  }
0x147: {  	[spmem:s2] =	stream.indirect.scatter.add.f32 [tilespmem:s12], [sflag:$0x3], $0x80, s31, s15, $0xb8;
	[tilespmem:$0x1D000] =	vst v63  }
0x148: {  	_ =	swait.ge [sflag:s13], $0x4000  }
0x149: {  	[sflag:s13] =	ssyncset.done $0x0  }
0x14a: {  	[sflag:s13] =	ssyncadd.s32 $0xFFFFC000  }
0x14b: {  	[tilespmem:s12], [sflag:$0x1] =	stream.indirect.gather [hbm4b:s4+s15], $0x80, s0, s15, $0xb8;
	[tilespmem:$0x1D000] =	vst v63  }
0x14c: {  	_ =	swait.ge [sflag:s18], $0x4000  }
0x14d: {  	[sflag:s18] =	ssyncset.done $0x0  }
0x14e: {  	[sflag:s18] =	ssyncadd.s32 $0xFFFFC000  }
0x14f: {  	[spmem:s2] =	stream.indirect.scatter.add.f32 [tilespmem:s16], [sflag:$0x3], $0x80, s1, s15, $0xb8;
	[tilespmem:$0x1D000] =	vst v63  }
0x150: {  	_ =	swait.ge [sflag:s13], $0x4000  }
0x151: {  	[sflag:s13] =	ssyncset.done $0x0  }
0x152: {  	[sflag:s13] =	ssyncadd.s32 $0xFFFFC000  }
0x153: {  	[tilespmem:s16], [sflag:$0x2] =	stream.indirect.gather [hbm4b:s4+s15], $0x80, s6, s15, $0xb8;
	[tilespmem:$0x1D000] =	vst v63  }
0x154: {  	_ =	swait.ge [sflag:s17], $0x4000  }
0x155: {  	[sflag:s17] =	ssyncset.done $0x0  }
0x156: {  	[sflag:s17] =	ssyncadd.s32 $0xFFFFC000  }
0x157: {  	[spmem:s2] =	stream.indirect.scatter.add.f32 [tilespmem:s12], [sflag:$0x3], $0x80, s7, s15, $0xb8;
	[tilespmem:$0x1D000] =	vst v63  }
0x158: {  	_ =	swait.ge [sflag:s13], $0x4000  }
0x159: {  	[sflag:s13] =	ssyncset.done $0x0  }
0x15a: {  	[sflag:s13] =	ssyncadd.s32 $0xFFFFC000  }
0x15b: {  	p1 =	seq.s32 s11, $0x900;
	_ =	swait.ge [sflag:s18], $0x4000  }
.Ltmp4:
0x15c: {  	[sflag:s18] =	ssyncset.done $0x0;
	(pc) =	sbr.rel @!p1 .LBB2_5-.Ltmp4, $4  }
0x15d: {  	[sflag:s18] =	ssyncadd.s32 $0xFFFFC000  }
0x15e: {  	[spmem:s2] =	stream.indirect.scatter.add.f32 [tilespmem:s16], [sflag:$0x3], $0x80, s8, s15, $0xb8;
	[tilespmem:$0x1D000] =	vst v63  }
0x15f: {  	_ =	swait.ge [sflag:s13], $0x4000  }
0x160: {  	s11 =	sadd.s32 $0x100, s11;
	s5 =	rddreg [dreg:$0x5];
	[sflag:s13] =	ssyncset.done $0x0  }
0x161: {  	[sflag:s13] =	ssyncadd.s32 $0xFFFFC000;
	s5 =	sadd.s32 s10, s5  }
0x162: {  	[tilespmem:s3], [sflag:$0x3] =	stream.linear.gather [hbm4b:s5+s3], $0x800, $0x38;
	[tilespmem:$0x1D000] =	vst v63  }
0x163: {  	_ =	swait.ge [sflag:s13], $0x800  }
0x164: {  	s9 =	rddreg [dreg:$0x4];
	[sflag:s13] =	ssyncset.done $0x0  }
0x165: {  	s5 =	sadd.s32 s10, s9;
	[sflag:s13] =	ssyncadd.s32 $0xFFFFF800  }
0x166: {  	[tilespmem:s14], [sflag:$0x3] =	stream.linear.gather [hbm4b:s5+s3], $0x800, $0x38;
	[tilespmem:$0x1D000] =	vst v63  }
0x167: {  	_ =	swait.ge [sflag:s13], $0x800  }
0x168: {  	[sflag:s13] =	ssyncset.done $0x0  }
0x169: {  	[sflag:s13] =	ssyncadd.s32 $0xFFFFF800  }
0x16a: {  	[tilespmem:s12], [sflag:$0x1] =	stream.indirect.gather [hbm4b:s4+s15], $0x80, s3, s15, $0xb8;
	[tilespmem:$0x1D000] =	vst v63  }
0x16b: {  	_ = 	snop  }
0x16c: {  	[tilespmem:s16], [sflag:$0x2] =	stream.indirect.gather [hbm4b:s4+s15], $0x80, s15, s15, $0xb8;
	[tilespmem:$0x1D000] =	vst v63  }
0x16d: {  	_ =	swait.ge [sflag:s17], $0x4000  }
0x16e: {  	[sflag:s17] =	ssyncset.done $0x0  }
0x16f: {  	[sflag:s17] =	ssyncadd.s32 $0xFFFFC000  }
0x170: {  	[spmem:s2] =	stream.indirect.scatter.add.f32 [tilespmem:s12], [sflag:$0x3], $0x80, s14, s15, $0xb8;
	[tilespmem:$0x1D000] =	vst v63  }
0x171: {  	_ =	swait.ge [sflag:s13], $0x4000  }
0x172: {  	[sflag:s13] =	ssyncset.done $0x0  }
0x173: {  	s10 =	rddreg [dreg:$0x6];
	[sflag:s13] =	ssyncadd.s32 $0xFFFFC000  }
0x174: {  	[tilespmem:s12], [sflag:$0x1] =	stream.indirect.gather [hbm4b:s4+s15], $0x80, s10, s15, $0xb8;
	[tilespmem:$0x1D000] =	vst v63  }
0x175: {  	_ =	swait.ge [sflag:s18], $0x4000  }
0x176: {  	[sflag:s18] =	ssyncset.done $0x0  }
0x177: {  	s11 =	rddreg [dreg:$0x7];
	[sflag:s18] =	ssyncadd.s32 $0xFFFFC000  }
0x178: {  	[spmem:s2] =	stream.indirect.scatter.add.f32 [tilespmem:s16], [sflag:$0x3], $0x80, s11, s15, $0xb8;
	[tilespmem:$0x1D000] =	vst v63  }
0x179: {  	_ =	swait.ge [sflag:s13], $0x4000  }
0x17a: {  	[sflag:s13] =	ssyncset.done $0x0  }
0x17b: {  	s9 =	rddreg [dreg:$0x8];
	[sflag:s13] =	ssyncadd.s32 $0xFFFFC000  }
0x17c: {  	[tilespmem:s16], [sflag:$0x2] =	stream.indirect.gather [hbm4b:s4+s15], $0x80, s9, s15, $0xb8;
	[tilespmem:$0x1D000] =	vst v63  }
0x17d: {  	_ =	swait.ge [sflag:s17], $0x4000  }
0x17e: {  	[sflag:s17] =	ssyncset.done $0x0  }
0x17f: {  	s10 =	rddreg [dreg:$0x9];
	[sflag:s17] =	ssyncadd.s32 $0xFFFFC000  }
0x180: {  	[spmem:s2] =	stream.indirect.scatter.add.f32 [tilespmem:s12], [sflag:$0x3], $0x80, s10, s15, $0xb8;
	[tilespmem:$0x1D000] =	vst v63  }
0x181: {  	_ =	swait.ge [sflag:s13], $0x4000  }
0x182: {  	[sflag:s13] =	ssyncset.done $0x0  }
0x183: {  	s11 =	rddreg [dreg:$0xa];
	[sflag:s13] =	ssyncadd.s32 $0xFFFFC000  }
0x184: {  	[tilespmem:s12], [sflag:$0x1] =	stream.indirect.gather [hbm4b:s4+s15], $0x80, s11, s15, $0xb8;
	[tilespmem:$0x1D000] =	vst v63  }
0x185: {  	_ =	swait.ge [sflag:s18], $0x4000  }
0x186: {  	[sflag:s18] =	ssyncset.done $0x0  }
0x187: {  	s9 =	rddreg [dreg:$0xb];
	[sflag:s18] =	ssyncadd.s32 $0xFFFFC000  }
0x188: {  	[spmem:s2] =	stream.indirect.scatter.add.f32 [tilespmem:s16], [sflag:$0x3], $0x80, s9, s15, $0xb8;
	[tilespmem:$0x1D000] =	vst v63  }
0x189: {  	_ =	swait.ge [sflag:s13], $0x4000  }
0x18a: {  	[sflag:s13] =	ssyncset.done $0x0  }
0x18b: {  	s10 =	rddreg [dreg:$0xc];
	[sflag:s13] =	ssyncadd.s32 $0xFFFFC000  }
0x18c: {  	[tilespmem:s16], [sflag:$0x2] =	stream.indirect.gather [hbm4b:s4+s15], $0x80, s10, s15, $0xb8;
	[tilespmem:$0x1D000] =	vst v63  }
0x18d: {  	_ =	swait.ge [sflag:s17], $0x4000  }
0x18e: {  	[sflag:s17] =	ssyncset.done $0x0  }
0x18f: {  	s11 =	rddreg [dreg:$0xd];
	[sflag:s17] =	ssyncadd.s32 $0xFFFFC000  }
0x190: {  	[spmem:s2] =	stream.indirect.scatter.add.f32 [tilespmem:s12], [sflag:$0x3], $0x80, s11, s15, $0xb8;
	[tilespmem:$0x1D000] =	vst v63  }
0x191: {  	_ =	swait.ge [sflag:s13], $0x4000  }
0x192: {  	[sflag:s13] =	ssyncset.done $0x0  }
0x193: {  	s9 =	rddreg [dreg:$0xe];
	[sflag:s13] =	ssyncadd.s32 $0xFFFFC000  }
0x194: {  	[tilespmem:s12], [sflag:$0x1] =	stream.indirect.gather [hbm4b:s4+s15], $0x80, s9, s15, $0xb8;
	[tilespmem:$0x1D000] =	vst v63  }
0x195: {  	_ =	swait.ge [sflag:s18], $0x4000  }
0x196: {  	[sflag:s18] =	ssyncset.done $0x0  }
0x197: {  	s10 =	rddreg [dreg:$0xf];
	[sflag:s18] =	ssyncadd.s32 $0xFFFFC000  }
0x198: {  	[spmem:s2] =	stream.indirect.scatter.add.f32 [tilespmem:s16], [sflag:$0x3], $0x80, s10, s15, $0xb8;
	[tilespmem:$0x1D000] =	vst v63  }
0x199: {  	_ =	swait.ge [sflag:s13], $0x4000  }
0x19a: {  	[sflag:s13] =	ssyncset.done $0x0  }
0x19b: {  	s11 =	rddreg [dreg:$0x10];
	[sflag:s13] =	ssyncadd.s32 $0xFFFFC000  }
0x19c: {  	[tilespmem:s16], [sflag:$0x2] =	stream.indirect.gather [hbm4b:s4+s15], $0x80, s11, s15, $0xb8;
	[tilespmem:$0x1D000] =	vst v63  }
0x19d: {  	_ =	swait.ge [sflag:s17], $0x4000  }
0x19e: {  	[sflag:s17] =	ssyncset.done $0x0  }
0x19f: {  	s9 =	rddreg [dreg:$0x11];
	[sflag:s17] =	ssyncadd.s32 $0xFFFFC000  }
0x1a0: {  	[spmem:s2] =	stream.indirect.scatter.add.f32 [tilespmem:s12], [sflag:$0x3], $0x80, s9, s15, $0xb8;
	[tilespmem:$0x1D000] =	vst v63  }
0x1a1: {  	_ =	swait.ge [sflag:s13], $0x4000  }
0x1a2: {  	[sflag:s13] =	ssyncset.done $0x0  }
0x1a3: {  	[sflag:s13] =	ssyncadd.s32 $0xFFFFC000  }
0x1a4: {  	[tilespmem:s12], [sflag:$0x1] =	stream.indirect.gather [hbm4b:s4+s15], $0x80, s19, s15, $0xb8;
	[tilespmem:$0x1D000] =	vst v63  }
0x1a5: {  	_ =	swait.ge [sflag:s18], $0x4000  }
0x1a6: {  	[sflag:s18] =	ssyncset.done $0x0  }
0x1a7: {  	[sflag:s18] =	ssyncadd.s32 $0xFFFFC000  }
0x1a8: {  	[spmem:s2] =	stream.indirect.scatter.add.f32 [tilespmem:s16], [sflag:$0x3], $0x80, s20, s15, $0xb8;
	[tilespmem:$0x1D000] =	vst v63  }
0x1a9: {  	_ =	swait.ge [sflag:s13], $0x4000  }
0x1aa: {  	[sflag:s13] =	ssyncset.done $0x0  }
0x1ab: {  	[sflag:s13] =	ssyncadd.s32 $0xFFFFC000  }
0x1ac: {  	[tilespmem:s16], [sflag:$0x2] =	stream.indirect.gather [hbm4b:s4+s15], $0x80, s21, s15, $0xb8;
	[tilespmem:$0x1D000] =	vst v63  }
0x1ad: {  	_ =	swait.ge [sflag:s17], $0x4000  }
0x1ae: {  	[sflag:s17] =	ssyncset.done $0x0  }
0x1af: {  	[sflag:s17] =	ssyncadd.s32 $0xFFFFC000  }
0x1b0: {  	[spmem:s2] =	stream.indirect.scatter.add.f32 [tilespmem:s12], [sflag:$0x3], $0x80, s22, s15, $0xb8;
	[tilespmem:$0x1D000] =	vst v63  }
0x1b1: {  	_ =	swait.ge [sflag:s13], $0x4000  }
0x1b2: {  	[sflag:s13] =	ssyncset.done $0x0  }
0x1b3: {  	[sflag:s13] =	ssyncadd.s32 $0xFFFFC000  }
0x1b4: {  	[tilespmem:s12], [sflag:$0x1] =	stream.indirect.gather [hbm4b:s4+s15], $0x80, s23, s15, $0xb8;
	[tilespmem:$0x1D000] =	vst v63  }
0x1b5: {  	_ =	swait.ge [sflag:s18], $0x4000  }
0x1b6: {  	[sflag:s18] =	ssyncset.done $0x0  }
0x1b7: {  	[sflag:s18] =	ssyncadd.s32 $0xFFFFC000  }
0x1b8: {  	[spmem:s2] =	stream.indirect.scatter.add.f32 [tilespmem:s16], [sflag:$0x3], $0x80, s24, s15, $0xb8;
	[tilespmem:$0x1D000] =	vst v63  }
0x1b9: {  	_ =	swait.ge [sflag:s13], $0x4000  }
0x1ba: {  	[sflag:s13] =	ssyncset.done $0x0  }
0x1bb: {  	[sflag:s13] =	ssyncadd.s32 $0xFFFFC000  }
0x1bc: {  	[tilespmem:s16], [sflag:$0x2] =	stream.indirect.gather [hbm4b:s4+s15], $0x80, s25, s15, $0xb8;
	[tilespmem:$0x1D000] =	vst v63  }
0x1bd: {  	_ =	swait.ge [sflag:s17], $0x4000  }
0x1be: {  	[sflag:s17] =	ssyncset.done $0x0  }
0x1bf: {  	[sflag:s17] =	ssyncadd.s32 $0xFFFFC000  }
0x1c0: {  	[spmem:s2] =	stream.indirect.scatter.add.f32 [tilespmem:s12], [sflag:$0x3], $0x80, s26, s15, $0xb8;
	[tilespmem:$0x1D000] =	vst v63  }
0x1c1: {  	_ =	swait.ge [sflag:s13], $0x4000  }
0x1c2: {  	[sflag:s13] =	ssyncset.done $0x0  }
0x1c3: {  	[sflag:s13] =	ssyncadd.s32 $0xFFFFC000  }
0x1c4: {  	[tilespmem:s12], [sflag:$0x1] =	stream.indirect.gather [hbm4b:s4+s15], $0x80, s28, s15, $0xb8;
	[tilespmem:$0x1D000] =	vst v63  }
0x1c5: {  	_ =	swait.ge [sflag:s18], $0x4000  }
0x1c6: {  	[sflag:s18] =	ssyncset.done $0x0  }
0x1c7: {  	[sflag:s18] =	ssyncadd.s32 $0xFFFFC000  }
0x1c8: {  	[spmem:s2] =	stream.indirect.scatter.add.f32 [tilespmem:s16], [sflag:$0x3], $0x80, s29, s15, $0xb8;
	[tilespmem:$0x1D000] =	vst v63  }
0x1c9: {  	_ =	swait.ge [sflag:s13], $0x4000  }
0x1ca: {  	[sflag:s13] =	ssyncset.done $0x0  }
0x1cb: {  	[sflag:s13] =	ssyncadd.s32 $0xFFFFC000  }
0x1cc: {  	[tilespmem:s16], [sflag:$0x2] =	stream.indirect.gather [hbm4b:s4+s15], $0x80, s30, s15, $0xb8;
	[tilespmem:$0x1D000] =	vst v63  }
0x1cd: {  	_ =	swait.ge [sflag:s17], $0x4000  }
0x1ce: {  	[sflag:s17] =	ssyncset.done $0x0  }
0x1cf: {  	[sflag:s17] =	ssyncadd.s32 $0xFFFFC000  }
0x1d0: {  	[spmem:s2] =	stream.indirect.scatter.add.f32 [tilespmem:s12], [sflag:$0x3], $0x80, s31, s15, $0xb8;
	[tilespmem:$0x1D000] =	vst v63  }
0x1d1: {  	_ =	swait.ge [sflag:s13], $0x4000  }
0x1d2: {  	[sflag:s13] =	ssyncset.done $0x0  }
0x1d3: {  	[sflag:s13] =	ssyncadd.s32 $0xFFFFC000  }
0x1d4: {  	[tilespmem:s12], [sflag:$0x1] =	stream.indirect.gather [hbm4b:s4+s15], $0x80, s0, s15, $0xb8;
	[tilespmem:$0x1D000] =	vst v63  }
0x1d5: {  	_ =	swait.ge [sflag:s18], $0x4000  }
0x1d6: {  	[sflag:s18] =	ssyncset.done $0x0  }
0x1d7: {  	[sflag:s18] =	ssyncadd.s32 $0xFFFFC000  }
0x1d8: {  	[spmem:s2] =	stream.indirect.scatter.add.f32 [tilespmem:s16], [sflag:$0x3], $0x80, s1, s15, $0xb8;
	[tilespmem:$0x1D000] =	vst v63  }
0x1d9: {  	_ =	swait.ge [sflag:s13], $0x4000  }
0x1da: {  	[sflag:s13] =	ssyncset.done $0x0  }
0x1db: {  	[sflag:s13] =	ssyncadd.s32 $0xFFFFC000  }
0x1dc: {  	[tilespmem:s16], [sflag:$0x2] =	stream.indirect.gather [hbm4b:s4+s15], $0x80, s6, s15, $0xb8;
	[tilespmem:$0x1D000] =	vst v63  }
0x1dd: {  	_ =	swait.ge [sflag:s17], $0x4000  }
0x1de: {  	[sflag:s17] =	ssyncset.done $0x0  }
0x1df: {  	[sflag:s17] =	ssyncadd.s32 $0xFFFFC000  }
0x1e0: {  	[spmem:s2] =	stream.indirect.scatter.add.f32 [tilespmem:s12], [sflag:$0x3], $0x80, s7, s15, $0xb8;
	[tilespmem:$0x1D000] =	vst v63  }
0x1e1: {  	_ =	swait.ge [sflag:s13], $0x4000  }
0x1e2: {  	[sflag:s13] =	ssyncset.done $0x0  }
0x1e3: {  	[sflag:s13] =	ssyncadd.s32 $0xFFFFC000  }
0x1e4: {  	_ =	swait.ge [sflag:s18], $0x4000  }
0x1e5: {  	[sflag:s18] =	ssyncset.done $0x0  }
0x1e6: {  	[sflag:s18] =	ssyncadd.s32 $0xFFFFC000  }
0x1e7: {  	[spmem:s2] =	stream.indirect.scatter.add.f32 [tilespmem:s16], [sflag:$0x3], $0x80, s8, s15, $0xb8;
	[tilespmem:$0x1D000] =	vst v63  }
0x1e8: {  	_ =	swait.ge [sflag:s13], $0x4000  }
0x1e9: {  	[sflag:s13] =	ssyncset.done $0x0  }
0x1ea: {  	s10 =	stileid.u32;
	[sflag:s13] =	ssyncadd.s32 $0xFFFFC000  }
0x1eb: {  	s5 =	sshll.u32 s10, $0x6;
	[bflag:$0x0] =	sbarrier.arrive $0xFFFF  }
0x1ec: {  	s5 =	sor.u32 $0x1C03, s5;
	s9 =	rddreg [dreg:$0x12]  }
.Ltmp5:
0x1ed: {  	s11 =	rddreg [dreg:$0x17];
	s9 =	sshrl.u32 s9, $0x3;
	(pc) =	sbr.rel .LBB2_7-.Ltmp5, $4  }
0x1ee: {  	[hbm:s11], [sflag:s5] =	dma.local [spmem:s9], $0x2800  }
0x1ef: {  	_ =	swait.ge [sflag:s13], $0x2800  }
0x1f0: {  	[sflag:s13] =	ssyncset.done $0x0;
	s5 =	rddreg [dreg:$0x18]  }
0x1f1: {  	s9 =	rddreg [dreg:$0x19];
	[sflag:s13] =	ssyncadd.s32 $0xFFFFD800  }
.LBB2_8:
0x1f2: {  	_ =	sfence.sel $0x180000  }
0x1f3: {  	[bflag:$0x0] =	sbarrier.arrive $0xFFFF  }
0x1f4: {  	_ =	strace $0x9000004D  }
0x1f5: {  	s0 =	stileid.u32;
	[bflag:$0x2] =	sbarrier.arrive $0xFFFF  }
0x1f6: {  	p0 =	sne.s32 s0, $0x0;
	s0 =	rddreg [dreg:$0x3]  }
0x1f7: {  	s0 =	sadd.s32 @!p0 $0x100000, s0  }
0x1f8: {  	[sflag:s0] =	ssyncadd.tile.s32 @!p0 $0x1;
	_ =	shalt  }
.Lfunc_end2:
_tile_overlayer_lowered:
.L_overlay_start_2:
0x1f9: {  	(tag) =	ssettag $0x2  }
0x1fa: {  	s0 =	rddreg [dreg:$0x0];
	s2 =	stileid.u32  }
0x1fb: {  	s1 =	rddreg [dreg:$0x1];
	p0 =	sne.s32 s2, $0x0  }
0x1fc: {  	s3 =	rddreg [dreg:$0x2];
	[bflag:$0x3] =	sbarrier.arrive $0xFFFF;
	s2 =	simm.s32 @!p0 $0x1C03  }
0x1fd: {  	[timem:s3], [sflag:s2] =	dma.local @!p0 [hbm:s0], s1  }
0x1fe: {  	s0 =	simm.s32 @!p0 $0x3  }
0x1ff: {  	_ =	swait.ge @!p0 [sflag:s0], s1  }
0x200: {  	s1 =	ssub.s32 @!p0 $0x0, s1;
	[sflag:s0] =	ssyncset.done @!p0 $0x0  }
0x201: {  	[sflag:s0] =	ssyncadd.s32 @!p0 s1  }
0x202: {  	[bflag:$0x3] =	sbarrier.arrive $0xFFFF  }
0x203: {  	_ =	shalt  }

// kernel: kernel.19.cloned.1.call-start
scs
__scs_entry_jumppad:
0x0: {  	(pc) =	sbr.rel $0x88, $3  }
0x1: {  	(tag) =	ssettag $0x0;
	lr =	simm.s32 $0x1  }
0x2: {  	[smem:$0x3F95] =	sst lr;
	_ =	strace $0xD0000000  }
0x3: {  	_ = 	snop  }
0x4: {  	_ = 	snop  }
0x5: {  	_ = 	snop  }
0x6: {  	_ = 	snop  }
0x7: {  	_ = 	snop  }
__scs_overlays_trampoline_lowered:
0x8: {  	[smem:$0x3FA4] =	sst s0  }
0x9: {  	[smem:$0x3FA5] =	sst s1  }
0xa: {  	[smem:$0x3FA6] =	sst s2  }
0xb: {  	[smem:$0x3FA7] =	sst s3  }
0xc: {  	[smem:$0x3FA8] =	sst s4  }
0xd: {  	[smem:$0x3FA9] =	sst s5  }
0xe: {  	[smem:$0x3FAA] =	sst s6  }
0xf: {  	[smem:$0x3FAB] =	sst s7  }
0x10: {  	[smem:$0x3FAC] =	sst s8  }
0x11: {  	[smem:$0x3FAD] =	sst s9;
	s0 =	simm.s32 @!p0 $0x0  }
0x12: {  	s1 =	sld [smem:$0x3F93];
	s0 =	simm.s32 @p0 $0x1  }
0x13: {  	[smem:$0x3FAE] =	sst s0;
	s0 =	simm.s32 @!p1 $0x0  }
0x14: {  	s2 =	sld [smem:$0x3F92];
	s0 =	simm.s32 @p1 $0x1  }
0x15: {  	[smem:$0x3FAF] =	sst s0;
	s0 =	simm.s32 @!p2 $0x0  }
0x16: {  	s3 =	sld [smem:$0x3FDB];
	s0 =	simm.s32 @p2 $0x1  }
0x17: {  	s4 =	simm.s32 $0x1BF5;
	[smem:$0x3FB1] =	sst s0  }
0x18: {  	s0 =	sld [smem:$0x3F94];
	_ =	swait.ge [sflag:s4], $0x0  }
0x19: {  	s7 =	sld [smem:$0x3F95]  }
0x1a: {  	s8 =	sadd.s32 $0xFFFFE003, lr  }
0x1b: {  	s9 =	sadd.s32 $0xFFFFFEF7, lr;
	s5 =	simm.s32 $0xFFFFFFFF;
	p2 =	slt.u32 s8, $0xFFFFF086  }
0x1c: {  	p1 =	slt.u32 s9, $0xF7A;
	s5 =	simm.s32 @!p2 $0x0  }
0x1d: {  	s5 =	simm.s32 @p1 $0x1;
	p0 =	seq.s32 s7, s2  }
0x1e: {  	s7 =	smul.u32 @!p0 $0xF7A, s2;
	p2 =	seq.s32 @!p0 s5, $0x0  }
0x1f: {  	s9 =	smul.u32 $0xF7A, s1;
	s8 =	simm.s32 @!p0 $0x1BF5;
	p2 =	por !p2, p0  }
0x20: {  	[sflag:s8] =	ssyncset.s32 @!p0 $0xFFFFF086;
	s6 =	sadd.s32 @!p0 s3, s7;
	s7 =	simm.s32 @!p0 $0x108  }
0x21: {  	s3 =	sadd.s32 s3, s9;
	s6 =	sadd.s32 @!p0 $0x88, s6;
	s7 =	simm.s32 @p2 $0x1082  }
0x22: {  	[simem:s7], [sflag:s8] =	dma.local @!p0 [hbm:s6], $0xF7A  }
0x23: {  	s9 =	sor.u32 $0xD0000000, s2;
	s6 =	simm.s32 $0x108;
	_ =	swait.ge @!p0 [sflag:s8], $0x0  }
0x24: {  	s3 =	sadd.s32 $0x88, s3;
	s6 =	simm.s32 @!p1 $0x1082;
	[sflag:s4] =	ssyncset.s32 $0xFFFFF086  }
0x25: {  	[simem:s6], [sflag:s4] =	dma.local [hbm:s3], $0xF7A  }
0x26: {  	[smem:$0x3F95] =	sst s1;
	(tag) =	ssettag s2;
	_ =	strace s9  }
0x27: {  	s1 =	sld [smem:$0x3FA5]  }
0x28: {  	s2 =	sld [smem:$0x3FA6]  }
0x29: {  	s4 =	sld [smem:$0x3FA8]  }
0x2a: {  	p0 =	seq.s32 s5, $0x0;
	s5 =	sld [smem:$0x3FA9]  }
0x2b: {  	s6 =	sld [smem:$0x3FAA]  }
0x2c: {  	s7 =	sld [smem:$0x3FAB]  }
0x2d: {  	s3 =	simm.s32 $0x108;
	s8 =	sld [smem:$0x3FAC]  }
0x2e: {  	s3 =	simm.s32 @!p0 $0x1082;
	s9 =	sld [smem:$0x3FAD]  }
0x2f: {  	lr =	sadd.s32 s0, s3;
	s0 =	sld [smem:$0x3FA4]  }
0x30: {  	s3 =	sld [smem:$0x3FA7]  }
0x31: {  	[smem:$0x3FB0] =	sst s10  }
0x32: {  	s10 =	sld [smem:$0x3FAE];
	_ =	sdelay $0x3  }
0x33: {  	p0 =	seq.s32 s10, $0x1;
	s10 =	sld [smem:$0x3FB0];
	_ =	sdelay $0x3  }
0x34: {  	[smem:$0x3FB0] =	sst s10  }
0x35: {  	s10 =	sld [smem:$0x3FAF];
	_ =	sdelay $0x3  }
0x36: {  	p1 =	seq.s32 s10, $0x1;
	s10 =	sld [smem:$0x3FB0];
	_ =	sdelay $0x3  }
0x37: {  	[smem:$0x3FB0] =	sst s10  }
0x38: {  	s10 =	sld [smem:$0x3FB1]  }
0x39: {  	_ = 	snop;
	(pc) =	sbr.ind lr, $3  }
0x3a: {  	_ = 	snop  }
0x3b: {  	_ = 	snop  }
0x3c: {  	p2 =	seq.s32 s10, $0x1;
	s10 =	sld [smem:$0x3FB0]  }
0x3d: {  	_ =	shalt  }
0x3e: {  	_ =	shalt  }
0x3f: {  	_ =	shalt  }
0x40: {  	_ =	shalt  }
0x41: {  	_ =	shalt  }
0x42: {  	_ =	shalt  }
0x43: {  	_ =	shalt  }
0x44: {  	_ =	shalt  }
0x45: {  	_ =	shalt  }
0x46: {  	_ =	shalt  }
0x47: {  	_ =	shalt  }
0x48: {  	_ =	shalt  }
0x49: {  	_ =	shalt  }
0x4a: {  	_ =	shalt  }
0x4b: {  	_ =	shalt  }
0x4c: {  	_ =	shalt  }
0x4d: {  	_ =	shalt  }
0x4e: {  	_ =	shalt  }
0x4f: {  	_ =	shalt  }
0x50: {  	_ =	shalt  }
0x51: {  	_ =	shalt  }
0x52: {  	_ =	shalt  }
0x53: {  	_ =	shalt  }
0x54: {  	_ =	shalt  }
0x55: {  	_ =	shalt  }
0x56: {  	_ =	shalt  }
0x57: {  	_ =	shalt  }
0x58: {  	_ =	shalt  }
0x59: {  	_ =	shalt  }
0x5a: {  	_ =	shalt  }
0x5b: {  	_ =	shalt  }
0x5c: {  	_ =	shalt  }
0x5d: {  	_ =	shalt  }
0x5e: {  	_ =	shalt  }
0x5f: {  	_ =	shalt  }
0x60: {  	_ =	shalt  }
0x61: {  	_ =	shalt  }
0x62: {  	_ =	shalt  }
0x63: {  	_ =	shalt  }
0x64: {  	_ =	shalt  }
0x65: {  	_ =	shalt  }
0x66: {  	_ =	shalt  }
0x67: {  	_ =	shalt  }
0x68: {  	_ =	shalt  }
0x69: {  	_ =	shalt  }
0x6a: {  	_ =	shalt  }
0x6b: {  	_ =	shalt  }
0x6c: {  	_ =	shalt  }
0x6d: {  	_ =	shalt  }
0x6e: {  	_ =	shalt  }
0x6f: {  	_ =	shalt  }
0x70: {  	_ =	shalt  }
0x71: {  	_ =	shalt  }
0x72: {  	_ =	shalt  }
0x73: {  	_ =	shalt  }
0x74: {  	_ =	shalt  }
0x75: {  	_ =	shalt  }
0x76: {  	_ =	shalt  }
0x77: {  	_ =	shalt  }
0x78: {  	_ =	shalt  }
0x79: {  	_ =	shalt  }
0x7a: {  	_ =	shalt  }
0x7b: {  	_ =	shalt  }
0x7c: {  	_ =	shalt  }
0x7d: {  	_ =	shalt  }
0x7e: {  	_ =	shalt  }
0x7f: {  	_ =	shalt  }
0x80: {  	_ =	shalt  }
0x81: {  	_ =	shalt  }
0x82: {  	_ =	shalt  }
0x83: {  	_ =	shalt  }
0x84: {  	_ =	shalt  }
0x85: {  	_ =	shalt  }
0x86: {  	_ =	shalt  }
0x87: {  	_ =	shalt  }
.Lfunc_end0:
.L_simem_size_0:
called_computation.3_lowered:
.L_overlay_start_0:
0x88: {  	s2 =	sld [smem:$0x3FD9]  }
0x89: {  	s3 =	sld [smem:$0x3FFE];
	_ =	sdelay $0x1  }
0x8a: {  	s1 =	srdreg.scid  }
0x8b: {  	s0 =	sand.u32 $0x1, s1  }
0x8c: {  	s17 =	sshll.u32 s0, $0xA;
	s2 =	sadd.s32 s3, s2  }
0x8d: {  	s2 =	sadd.s32 s2, s17  }
0x8e: {  	[smem:$0x3FBC] =	sst s2  }
0x8f: {  	_ = 	snop  }
0x90: {  	s2 =	sld [smem:$0x3FD0];
	(tm) =	ssettm $0x1  }
0x91: {  	s18 =	sld [smem:$0x3FFB];
	_ =	sdelay $0x3  }
0x92: {  	_ =	strace s18  }
0x93: {  	s3 =	sld [smem:$0x3FFC];
	_ =	sdelay $0x3  }
0x94: {  	_ =	strace s3  }
0x95: {  	s3 =	sld [smem:$0x3FFD];
	_ =	sdelay $0x3  }
0x96: {  	_ =	strace s3  }
0x97: {  	_ =	strace $0x8FFFFFFF  }
0x98: {  	s19 =	sld [smem:$0x3FDB];
	_ =	sdelay $0x1  }
0x99: {  	s4 =	simm.s32 $_scs_section_size  }
0x9a: {  	s5 =	simm.s32 $_size__tile_overlayer_lowered;
	s6 =	simm.s32 $_tile_overlayer_lowered  }
0x9b: {  	s22 =	simm.s32 $0x1BFF;
	s21 =	sshll.u32 s6, $0x1;
	s3 =	sadd.s32 s4, s19  }
0x9c: {  	s7 =	simm.s32 $0x0;
	s20 =	sshll.u32 s5, $0x1;
	s5 =	sadd.s32 s21, s3  }
0x9d: {  	[timem:s7], [sflag:s22] =	dma.local [hbm:s5], s20  }
0x9e: {  	_ =	swait.ge [sflag:s22], s20  }
0x9f: {  	s4 =	ssub.s32 $0x0, s20;
	[sflag:s22] =	ssyncset.done $0x0  }
0xa0: {  	[sflag:s22] =	ssyncadd.s32 s4;
	_ =	sdelay $0x1  }
0xa1: {  	s23 =	simm.s32 $0x1B8B  }
0xa2: {  	_ =	swait.ge [sflag:s23], $0x1  }
0xa3: {  	[sflag:s23] =	ssyncset.done $0x0  }
0xa4: {  	s25 =	simm.s32 $0x1B8E;
	s24 =	sld [smem:$0x3FFE];
	[sflag:s23] =	ssyncadd.s32 $0xFFFFFFFF  }
0xa5: {  	s26 =	simm.s32 $execute0_lowered;
	[smem:$0x3FD2] =	sst s25  }
0xa6: {  	s5 =	sshll.u32 s26, $0x1;
	_ =	strace $0x8000004F;
	[dreg:$0x1] =	wrdreg $0xFFFFFFFF  }
0xa7: {  	s28 =	simm.s32 $_size_execute0_lowered;
	s3 =	sadd.s32 s3, s5;
	[dreg:$0x0] =	wrdreg $0x0  }
0xa8: {  	s5 =	sshll.u32 s28, $0x1;
	[dreg:$0x2] =	wrdreg s3  }
0xa9: {  	[dreg:$0x3] =	wrdreg s5  }
0xaa: {  	[dreg:$0x4] =	wrdreg $0xC0  }
0xab: {  	_ =	task [dreg:s7], $0x5FFFF  }
0xac: {  	[dreg:$0x1] =	wrdreg $0xFFFFFFFF  }
0xad: {  	[dreg:$0x0] =	wrdreg $0x60  }
0xae: {  	[dreg:$0x2] =	wrdreg s24  }
0xaf: {  	[dreg:$0x3] =	wrdreg s2  }
0xb0: {  	[dreg:$0x4] =	wrdreg $0x90000  }
0xb1: {  	[dreg:$0x5] =	wrdreg $0x9  }
0xb2: {  	_ =	task.clear_ibuf [dreg:s7], $0x6FFFF;
	_ =	strace $0x9000004F  }
0xb3: {  	s29 =	simm.s32 $0x9;
	_ =	strace $0x80000051  }
0xb4: {  	_ =	swait.ge [sflag:s29], $0x1  }
0xb5: {  	[sflag:s29] =	ssyncadd.s32 $0xFFFFFFFF  }
0xb6: {  	_ =	strace $0x90000051  }
0xb7: {  	_ =	sfence  }
0xb8: {  	s30 =	sld [smem:$0x0];
	_ =	sdelay $0x2  }
0xb9: {  	s31 =	sshll.u32 s1, $0xD;
	s1 =	sshrl.u32 s1, $0x2  }
0xba: {  	s3 =	sand.u32 $0x4000, s31;
	s1 =	sadd.s32 s1, s30  }
0xbb: {  	s0 =	sor.u32 s3, s0;
	s1 =	sshll.u32 s1, $0x11  }
0xbc: {  	s0 =	sor.u32 s1, s0  }
0xbd: {  	s0 =	sadd.s32 $0x8F2B, s0  }
0xbe: {  	[sflag:s0] =	ssyncadd.remote.s32 $0x1  }
0xbf: {  	_ =	sfence.sel $0xFFFF  }
0xc0: {  	[dreg:$0x0] =	wrdreg $0xFFFFFFFF;
	(pc) =	sbr.abs _section_cstart, $3  }
0xc1: {  	[dreg:$0x1] =	wrdreg $0xFFFFFFFF  }
0xc2: {  	_ =	task.clear_ibuf [dreg:s7], $0x2FFFF;
	_ =	strace $0x9FFFFFFF  }
0xc3: {  	(tm) =	ssettm $0x7FFFFFFF  }
tec
execute0_lowered:
.L_overlay_start_1:
0x0: {  	(tag) =	ssettag $0x1  }
0x1: {  	s0 =	rddreg [dreg:$0x0]  }
0x2: {  	s1 =	rddreg [dreg:$0x1]  }
0x3: {  	s2 =	rddreg [dreg:$0x2];
	s3 =	simm.s32 $0x0  }
0x4: {  	s9 =	stileid.u32;
	s4 =	srdreg.scid;
	s12 =	simm.s32 $0x100  }
0x5: {  	s14 =	simm.s32 $0x880;
	s16 =	simm.s32 $0x180;
	s18 =	simm.s32 $0x900  }
0x6: {  	s19 =	simm.s32 $0x200;
	s20 =	simm.s32 $0x980;
	[smem:$0x7FF] =	sst s3  }
0x7: {  	s21 =	simm.s32 $0x280;
	_ =	strace $0x80000050;
	[dreg:$0x6] =	wrdreg s12  }
0x8: {  	s22 =	simm.s32 $0xA00;
	s23 =	simm.s32 $0x300;
	[dreg:$0x7] =	wrdreg s14  }
0x9: {  	s24 =	simm.s32 $0xA80;
	s25 =	simm.s32 $0x380;
	[dreg:$0x8] =	wrdreg s16  }
0xa: {  	s28 =	simm.s32 $0x600;
	s29 =	simm.s32 $0xD80;
	[dreg:$0x9] =	wrdreg s18  }
0xb: {  	s30 =	simm.s32 $0x680;
	s5 =	smul.u32 $0xA00, s9;
	[dreg:$0xa] =	wrdreg s19  }
0xc: {  	s31 =	simm.s32 $0xE00;
	s6 =	smul.u32 $0x2800, s9;
	[dreg:$0xb] =	wrdreg s20  }
0xd: {  	s7 =	sand.u32 $0x1, s4;
	s4 =	sadd.s32 $0xFE00, s0;
	[dreg:$0xc] =	wrdreg s21  }
0xe: {  	s9 =	smul.u32 $0x50000, s9;
	s8 =	ssub.s32 $0x2, s7;
	[dreg:$0xd] =	wrdreg s22  }
0xf: {  	p0 =	sne.s32 s7, $0x0;
	s12 =	simm.s32 $0x1000;
	[dreg:$0xe] =	wrdreg s23  }
0x10: {  	s14 =	simm.s32 $0x800;
	[dreg:$0xf] =	wrdreg s24;
	s16 =	simm.s32 $0x5000  }
0x11: {  	[dreg:$0x10] =	wrdreg s25;
	s18 =	simm.s32 $0x2;
	s19 =	simm.s32 $0x400  }
0x12: {  	s20 =	simm.s32 $0xB80;
	s21 =	simm.s32 $0x480;
	s22 =	simm.s32 $0xC00  }
0x13: {  	s23 =	simm.s32 $0x500;
	s24 =	simm.s32 $0xC80;
	s25 =	simm.s32 $0x580  }
0x14: {  	s7 =	simm.s32 $0xF00;
	s10 =	sadd.s32 s5, s0;
	s0 =	sadd.s32 s6, s0  }
0x15: {  	s26 =	sshrl.u32 s8, $0x1;
	s9 =	sshrl.u32 s9, $0x2;
	s1 =	sadd.s32 s5, s1  }
0x16: {  	s6 =	ssub.s32 s8, s26;
	s10 =	sadd.s32 $0x5E00, s10;
	[dreg:$0x5] =	wrdreg s1  }
0x17: {  	s8 =	sadd.s32 s9, s2;
	s0 =	sadd.s32 $0x37E00, s0;
	[dreg:$0x4] =	wrdreg s10  }
0x18: {  	s26 =	simm.s32 $0xB00;
	s1 =	simm.s32 $0xE80;
	[dreg:$0x12] =	wrdreg s8  }
0x19: {  	s9 =	simm.s32 $0x0;
	s11 =	sadd.s32 $0x4000, s8;
	[dreg:$0x17] =	wrdreg s0  }
0x1a: {  	s13 =	sadd.s32 $0x8000, s8;
	s15 =	sadd.s32 $0xC000, s8;
	[dreg:$0x11] =	wrdreg s26  }
.Ltmp0:
0x1b: {  	s17 =	sadd.s32 $0x10000, s8;
	[dreg:$0x13] =	wrdreg s11;
	(pc) =	sbr.rel .LBB2_1-.Ltmp0, $4  }
0x1c: {  	s5 =	smax.u32 s6, $0x1;
	s26 =	simm.s32 $0xD00;
	[dreg:$0x14] =	wrdreg s13  }
0x1d: {  	s0 =	simm.s32 $0x700;
	s6 =	simm.s32 $0x780;
	[dreg:$0x15] =	wrdreg s15  }
0x1e: {  	s8 =	simm.s32 $0xF80;
	[dreg:$0x16] =	wrdreg s17;
	s13 =	simm.s32 $0x3  }
0x1f: {  	v0 =	vimm.f32 $0.0e+00;
	s15 =	simm.s32 $0x80;
	s17 =	simm.s32 $0x1;
	[dreg:$0x18] =	wrdreg s5  }
.LBB2_9:
0x20: {  	[bflag:$0x0] =	sbarrier.arrive $0xFFFF  }
0x21: {  	[bflag:$0x0] =	sbarrier.arrive $0xFFFF  }
.LBB2_7:
0x22: {  	s9 =	sadd.s32 $0x1, s9  }
0x23: {  	p1 =	sne.s32 s9, s5  }
.Ltmp1:
0x24: {  	_ = 	snop;
	(pc) =	sbr.rel @!p1 .LBB2_8-.Ltmp1, $1  }
0x25: {  	_ =	sdelay $0x3  }
.LBB2_1:
.Ltmp2:
0x26: {  	(pc) =	sbr.rel @p0 .LBB2_9-.Ltmp2, $1  }
0x27: {  	_ =	sdelay $0x3  }
0x28: {  	[dreg:$0x19] =	wrdreg s9;
	s10 =	sshra.s32 s3, $0x2;
	s11 =	sadd.s32 $0x200, s3  }
.LBB2_3:
0x29: {  	p1 =	sne.s32 s11, $0xFE00;
	[tilespmem:s10+$0x1070] =	vst v0  }
0x2a: {  	[tilespmem:s10+$0x1000] =	vst v0  }
0x2b: {  	[tilespmem:s10+$0x1010] =	vst v0  }
.Ltmp3:
0x2c: {  	[tilespmem:s10+$0x1020] =	vst v0;
	(pc) =	sbr.rel @p1 .LBB2_3-.Ltmp3, $4  }
0x2d: {  	[tilespmem:s10+$0x1030] =	vst v0  }
0x2e: {  	[tilespmem:s10+$0x1040] =	vst v0  }
0x2f: {  	[tilespmem:s10+$0x1050] =	vst v0  }
0x30: {  	[tilespmem:s10+$0x1060] =	vst v0;
	s10 =	sshra.s32 s11, $0x2;
	s11 =	sadd.s32 $0x200, s11  }
0x31: {  	[tilespmem:s10+$0x1070] =	vst v0  }
0x32: {  	[tilespmem:s10+$0x1000] =	vst v0  }
0x33: {  	[tilespmem:s10+$0x1010] =	vst v0  }
0x34: {  	[tilespmem:s10+$0x1020] =	vst v0  }
0x35: {  	[tilespmem:s10+$0x1030] =	vst v0  }
0x36: {  	[tilespmem:s10+$0x1040] =	vst v0  }
0x37: {  	[tilespmem:s10+$0x1050] =	vst v0  }
0x38: {  	[tilespmem:s10+$0x1060] =	vst v0;
	s5 =	rddreg [dreg:$0x12]  }
0x39: {  	[spmem:s5] =	stream.linear.scatter [tilespmem:s12], [sflag:$0x3], $0x4000, $0x38;
	[tilespmem:$0x1D000] =	vst v63  }
0x3a: {  	_ =	swait.ge [sflag:s13], $0x4000  }
0x3b: {  	[sflag:s13] =	ssyncset.done $0x0  }
0x3c: {  	s9 =	rddreg [dreg:$0x13];
	[sflag:s13] =	ssyncadd.s32 $0xFFFFC000  }
0x3d: {  	[spmem:s9] =	stream.linear.scatter [tilespmem:s12], [sflag:$0x3], $0x4000, $0x38;
	[tilespmem:$0x1D000] =	vst v63  }
0x3e: {  	_ =	swait.ge [sflag:s13], $0x4000  }
0x3f: {  	[sflag:s13] =	ssyncset.done $0x0  }
0x40: {  	s10 =	rddreg [dreg:$0x14];
	[sflag:s13] =	ssyncadd.s32 $0xFFFFC000  }
0x41: {  	[spmem:s10] =	stream.linear.scatter [tilespmem:s12], [sflag:$0x3], $0x4000, $0x38;
	[tilespmem:$0x1D000] =	vst v63  }
0x42: {  	_ =	swait.ge [sflag:s13], $0x4000  }
0x43: {  	[sflag:s13] =	ssyncset.done $0x0  }
0x44: {  	s11 =	rddreg [dreg:$0x15];
	[sflag:s13] =	ssyncadd.s32 $0xFFFFC000  }
0x45: {  	[spmem:s11] =	stream.linear.scatter [tilespmem:s12], [sflag:$0x3], $0x4000, $0x38;
	[tilespmem:$0x1D000] =	vst v63  }
0x46: {  	_ =	swait.ge [sflag:s13], $0x4000  }
0x47: {  	[sflag:s13] =	ssyncset.done $0x0  }
0x48: {  	s9 =	rddreg [dreg:$0x16];
	[sflag:s13] =	ssyncadd.s32 $0xFFFFC000  }
0x49: {  	[spmem:s9] =	stream.linear.scatter [tilespmem:s12], [sflag:$0x3], $0x4000, $0x38;
	[tilespmem:$0x1D000] =	vst v63  }
0x4a: {  	_ =	swait.ge [sflag:s13], $0x4000  }
0x4b: {  	[sflag:s13] =	ssyncset.done $0x0  }
0x4c: {  	[sflag:s13] =	ssyncadd.s32 $0xFFFFC000  }
0x4d: {  	[bflag:$0x0] =	sbarrier.arrive $0xFFFF  }
0x4e: {  	s10 =	rddreg [dreg:$0x5]  }
0x4f: {  	s5 =	sadd.s32 $0x0, s10  }
0x50: {  	[tilespmem:s3], [sflag:$0x3] =	stream.linear.gather [hbm4b:s5+s3], $0x800, $0x38;
	[tilespmem:$0x1D000] =	vst v63  }
0x51: {  	_ =	swait.ge [sflag:s13], $0x800  }
0x52: {  	s11 =	rddreg [dreg:$0x4];
	[sflag:s13] =	ssyncset.done $0x0  }
0x53: {  	[sflag:s13] =	ssyncadd.s32 $0xFFFFF800;
	s5 =	sadd.s32 $0x0, s11  }
0x54: {  	[tilespmem:s14], [sflag:$0x3] =	stream.linear.gather [hbm4b:s5+s3], $0x800, $0x38;
	[tilespmem:$0x1D000] =	vst v63  }
0x55: {  	_ =	swait.ge [sflag:s13], $0x800  }
0x56: {  	[sflag:s13] =	ssyncset.done $0x0  }
0x57: {  	[sflag:s13] =	ssyncadd.s32 $0xFFFFF800  }
0x58: {  	[tilespmem:s12], [sflag:$0x1] =	stream.indirect.gather [hbm4b:s4+s15], $0x80, s3, s15, $0xb8;
	[tilespmem:$0x1D000] =	vst v63  }
0x59: {  	_ = 	snop  }
0x5a: {  	[tilespmem:s16], [sflag:$0x2] =	stream.indirect.gather [hbm4b:s4+s15], $0x80, s15, s15, $0xb8;
	[tilespmem:$0x1D000] =	vst v63  }
0x5b: {  	_ =	swait.ge [sflag:s17], $0x4000  }
0x5c: {  	[sflag:s17] =	ssyncset.done $0x0  }
0x5d: {  	[sflag:s17] =	ssyncadd.s32 $0xFFFFC000  }
0x5e: {  	[spmem:s2] =	stream.indirect.scatter.add.f32 [tilespmem:s12], [sflag:$0x3], $0x80, s14, s15, $0xb8;
	[tilespmem:$0x1D000] =	vst v63  }
0x5f: {  	_ =	swait.ge [sflag:s13], $0x4000  }
0x60: {  	[sflag:s13] =	ssyncset.done $0x0  }
0x61: {  	s9 =	rddreg [dreg:$0x6];
	[sflag:s13] =	ssyncadd.s32 $0xFFFFC000  }
0x62: {  	[tilespmem:s12], [sflag:$0x1] =	stream.indirect.gather [hbm4b:s4+s15], $0x80, s9, s15, $0xb8;
	[tilespmem:$0x1D000] =	vst v63  }
0x63: {  	_ =	swait.ge [sflag:s18], $0x4000  }
0x64: {  	[sflag:s18] =	ssyncset.done $0x0  }
0x65: {  	s10 =	rddreg [dreg:$0x7];
	[sflag:s18] =	ssyncadd.s32 $0xFFFFC000  }
0x66: {  	[spmem:s2] =	stream.indirect.scatter.add.f32 [tilespmem:s16], [sflag:$0x3], $0x80, s10, s15, $0xb8;
	[tilespmem:$0x1D000] =	vst v63  }
0x67: {  	_ =	swait.ge [sflag:s13], $0x4000  }
0x68: {  	[sflag:s13] =	ssyncset.done $0x0  }
0x69: {  	s11 =	rddreg [dreg:$0x8];
	[sflag:s13] =	ssyncadd.s32 $0xFFFFC000  }
0x6a: {  	[tilespmem:s16], [sflag:$0x2] =	stream.indirect.gather [hbm4b:s4+s15], $0x80, s11, s15, $0xb8;
	[tilespmem:$0x1D000] =	vst v63  }
0x6b: {  	_ =	swait.ge [sflag:s17], $0x4000  }
0x6c: {  	[sflag:s17] =	ssyncset.done $0x0  }
0x6d: {  	s9 =	rddreg [dreg:$0x9];
	[sflag:s17] =	ssyncadd.s32 $0xFFFFC000  }
0x6e: {  	[spmem:s2] =	stream.indirect.scatter.add.f32 [tilespmem:s12], [sflag:$0x3], $0x80, s9, s15, $0xb8;
	[tilespmem:$0x1D000] =	vst v63  }
0x6f: {  	_ =	swait.ge [sflag:s13], $0x4000  }
0x70: {  	[sflag:s13] =	ssyncset.done $0x0  }
0x71: {  	s10 =	rddreg [dreg:$0xa];
	[sflag:s13] =	ssyncadd.s32 $0xFFFFC000  }
0x72: {  	[tilespmem:s12], [sflag:$0x1] =	stream.indirect.gather [hbm4b:s4+s15], $0x80, s10, s15, $0xb8;
	[tilespmem:$0x1D000] =	vst v63  }
0x73: {  	_ =	swait.ge [sflag:s18], $0x4000  }
0x74: {  	[sflag:s18] =	ssyncset.done $0x0  }
0x75: {  	s11 =	rddreg [dreg:$0xb];
	[sflag:s18] =	ssyncadd.s32 $0xFFFFC000  }
0x76: {  	[spmem:s2] =	stream.indirect.scatter.add.f32 [tilespmem:s16], [sflag:$0x3], $0x80, s11, s15, $0xb8;
	[tilespmem:$0x1D000] =	vst v63  }
0x77: {  	_ =	swait.ge [sflag:s13], $0x4000  }
0x78: {  	[sflag:s13] =	ssyncset.done $0x0  }
0x79: {  	s9 =	rddreg [dreg:$0xc];
	[sflag:s13] =	ssyncadd.s32 $0xFFFFC000  }
0x7a: {  	[tilespmem:s16], [sflag:$0x2] =	stream.indirect.gather [hbm4b:s4+s15], $0x80, s9, s15, $0xb8;
	[tilespmem:$0x1D000] =	vst v63  }
0x7b: {  	_ =	swait.ge [sflag:s17], $0x4000  }
0x7c: {  	[sflag:s17] =	ssyncset.done $0x0  }
0x7d: {  	s10 =	rddreg [dreg:$0xd];
	[sflag:s17] =	ssyncadd.s32 $0xFFFFC000  }
0x7e: {  	[spmem:s2] =	stream.indirect.scatter.add.f32 [tilespmem:s12], [sflag:$0x3], $0x80, s10, s15, $0xb8;
	[tilespmem:$0x1D000] =	vst v63  }
0x7f: {  	_ =	swait.ge [sflag:s13], $0x4000  }
0x80: {  	[sflag:s13] =	ssyncset.done $0x0  }
0x81: {  	s11 =	rddreg [dreg:$0xe];
	[sflag:s13] =	ssyncadd.s32 $0xFFFFC000  }
0x82: {  	[tilespmem:s12], [sflag:$0x1] =	stream.indirect.gather [hbm4b:s4+s15], $0x80, s11, s15, $0xb8;
	[tilespmem:$0x1D000] =	vst v63  }
0x83: {  	_ =	swait.ge [sflag:s18], $0x4000  }
0x84: {  	[sflag:s18] =	ssyncset.done $0x0  }
0x85: {  	s9 =	rddreg [dreg:$0xf];
	[sflag:s18] =	ssyncadd.s32 $0xFFFFC000  }
0x86: {  	[spmem:s2] =	stream.indirect.scatter.add.f32 [tilespmem:s16], [sflag:$0x3], $0x80, s9, s15, $0xb8;
	[tilespmem:$0x1D000] =	vst v63  }
0x87: {  	_ =	swait.ge [sflag:s13], $0x4000  }
0x88: {  	[sflag:s13] =	ssyncset.done $0x0  }
0x89: {  	s10 =	rddreg [dreg:$0x10];
	[sflag:s13] =	ssyncadd.s32 $0xFFFFC000  }
0x8a: {  	[tilespmem:s16], [sflag:$0x2] =	stream.indirect.gather [hbm4b:s4+s15], $0x80, s10, s15, $0xb8;
	[tilespmem:$0x1D000] =	vst v63  }
0x8b: {  	_ =	swait.ge [sflag:s17], $0x4000  }
0x8c: {  	[sflag:s17] =	ssyncset.done $0x0  }
0x8d: {  	s11 =	rddreg [dreg:$0x11];
	[sflag:s17] =	ssyncadd.s32 $0xFFFFC000  }
0x8e: {  	[spmem:s2] =	stream.indirect.scatter.add.f32 [tilespmem:s12], [sflag:$0x3], $0x80, s11, s15, $0xb8;
	[tilespmem:$0x1D000] =	vst v63  }
0x8f: {  	_ =	swait.ge [sflag:s13], $0x4000  }
0x90: {  	[sflag:s13] =	ssyncset.done $0x0  }
0x91: {  	[sflag:s13] =	ssyncadd.s32 $0xFFFFC000  }
0x92: {  	[tilespmem:s12], [sflag:$0x1] =	stream.indirect.gather [hbm4b:s4+s15], $0x80, s19, s15, $0xb8;
	[tilespmem:$0x1D000] =	vst v63  }
0x93: {  	_ =	swait.ge [sflag:s18], $0x4000  }
0x94: {  	[sflag:s18] =	ssyncset.done $0x0  }
0x95: {  	[sflag:s18] =	ssyncadd.s32 $0xFFFFC000  }
0x96: {  	[spmem:s2] =	stream.indirect.scatter.add.f32 [tilespmem:s16], [sflag:$0x3], $0x80, s20, s15, $0xb8;
	[tilespmem:$0x1D000] =	vst v63  }
0x97: {  	_ =	swait.ge [sflag:s13], $0x4000  }
0x98: {  	[sflag:s13] =	ssyncset.done $0x0  }
0x99: {  	[sflag:s13] =	ssyncadd.s32 $0xFFFFC000  }
0x9a: {  	[tilespmem:s16], [sflag:$0x2] =	stream.indirect.gather [hbm4b:s4+s15], $0x80, s21, s15, $0xb8;
	[tilespmem:$0x1D000] =	vst v63  }
0x9b: {  	_ =	swait.ge [sflag:s17], $0x4000  }
0x9c: {  	[sflag:s17] =	ssyncset.done $0x0  }
0x9d: {  	[sflag:s17] =	ssyncadd.s32 $0xFFFFC000  }
0x9e: {  	[spmem:s2] =	stream.indirect.scatter.add.f32 [tilespmem:s12], [sflag:$0x3], $0x80, s22, s15, $0xb8;
	[tilespmem:$0x1D000] =	vst v63  }
0x9f: {  	_ =	swait.ge [sflag:s13], $0x4000  }
0xa0: {  	[sflag:s13] =	ssyncset.done $0x0  }
0xa1: {  	[sflag:s13] =	ssyncadd.s32 $0xFFFFC000  }
0xa2: {  	[tilespmem:s12], [sflag:$0x1] =	stream.indirect.gather [hbm4b:s4+s15], $0x80, s23, s15, $0xb8;
	[tilespmem:$0x1D000] =	vst v63  }
0xa3: {  	_ =	swait.ge [sflag:s18], $0x4000  }
0xa4: {  	[sflag:s18] =	ssyncset.done $0x0  }
0xa5: {  	[sflag:s18] =	ssyncadd.s32 $0xFFFFC000  }
0xa6: {  	[spmem:s2] =	stream.indirect.scatter.add.f32 [tilespmem:s16], [sflag:$0x3], $0x80, s24, s15, $0xb8;
	[tilespmem:$0x1D000] =	vst v63  }
0xa7: {  	_ =	swait.ge [sflag:s13], $0x4000  }
0xa8: {  	[sflag:s13] =	ssyncset.done $0x0  }
0xa9: {  	[sflag:s13] =	ssyncadd.s32 $0xFFFFC000  }
0xaa: {  	[tilespmem:s16], [sflag:$0x2] =	stream.indirect.gather [hbm4b:s4+s15], $0x80, s25, s15, $0xb8;
	[tilespmem:$0x1D000] =	vst v63  }
0xab: {  	_ =	swait.ge [sflag:s17], $0x4000  }
0xac: {  	[sflag:s17] =	ssyncset.done $0x0  }
0xad: {  	[sflag:s17] =	ssyncadd.s32 $0xFFFFC000  }
0xae: {  	[spmem:s2] =	stream.indirect.scatter.add.f32 [tilespmem:s12], [sflag:$0x3], $0x80, s26, s15, $0xb8;
	[tilespmem:$0x1D000] =	vst v63  }
0xaf: {  	_ =	swait.ge [sflag:s13], $0x4000  }
0xb0: {  	[sflag:s13] =	ssyncset.done $0x0  }
0xb1: {  	[sflag:s13] =	ssyncadd.s32 $0xFFFFC000  }
0xb2: {  	[tilespmem:s12], [sflag:$0x1] =	stream.indirect.gather [hbm4b:s4+s15], $0x80, s28, s15, $0xb8;
	[tilespmem:$0x1D000] =	vst v63  }
0xb3: {  	_ =	swait.ge [sflag:s18], $0x4000  }
0xb4: {  	[sflag:s18] =	ssyncset.done $0x0  }
0xb5: {  	[sflag:s18] =	ssyncadd.s32 $0xFFFFC000  }
0xb6: {  	[spmem:s2] =	stream.indirect.scatter.add.f32 [tilespmem:s16], [sflag:$0x3], $0x80, s29, s15, $0xb8;
	[tilespmem:$0x1D000] =	vst v63  }
0xb7: {  	_ =	swait.ge [sflag:s13], $0x4000  }
0xb8: {  	[sflag:s13] =	ssyncset.done $0x0  }
0xb9: {  	[sflag:s13] =	ssyncadd.s32 $0xFFFFC000  }
0xba: {  	[tilespmem:s16], [sflag:$0x2] =	stream.indirect.gather [hbm4b:s4+s15], $0x80, s30, s15, $0xb8;
	[tilespmem:$0x1D000] =	vst v63  }
0xbb: {  	_ =	swait.ge [sflag:s17], $0x4000  }
0xbc: {  	[sflag:s17] =	ssyncset.done $0x0  }
0xbd: {  	[sflag:s17] =	ssyncadd.s32 $0xFFFFC000  }
0xbe: {  	[spmem:s2] =	stream.indirect.scatter.add.f32 [tilespmem:s12], [sflag:$0x3], $0x80, s31, s15, $0xb8;
	[tilespmem:$0x1D000] =	vst v63  }
0xbf: {  	_ =	swait.ge [sflag:s13], $0x4000  }
0xc0: {  	[sflag:s13] =	ssyncset.done $0x0  }
0xc1: {  	[sflag:s13] =	ssyncadd.s32 $0xFFFFC000  }
0xc2: {  	[tilespmem:s12], [sflag:$0x1] =	stream.indirect.gather [hbm4b:s4+s15], $0x80, s0, s15, $0xb8;
	[tilespmem:$0x1D000] =	vst v63  }
0xc3: {  	_ =	swait.ge [sflag:s18], $0x4000  }
0xc4: {  	[sflag:s18] =	ssyncset.done $0x0  }
0xc5: {  	[sflag:s18] =	ssyncadd.s32 $0xFFFFC000  }
0xc6: {  	[spmem:s2] =	stream.indirect.scatter.add.f32 [tilespmem:s16], [sflag:$0x3], $0x80, s1, s15, $0xb8;
	[tilespmem:$0x1D000] =	vst v63  }
0xc7: {  	_ =	swait.ge [sflag:s13], $0x4000  }
0xc8: {  	[sflag:s13] =	ssyncset.done $0x0  }
0xc9: {  	[sflag:s13] =	ssyncadd.s32 $0xFFFFC000  }
0xca: {  	[tilespmem:s16], [sflag:$0x2] =	stream.indirect.gather [hbm4b:s4+s15], $0x80, s6, s15, $0xb8;
	[tilespmem:$0x1D000] =	vst v63  }
0xcb: {  	_ =	swait.ge [sflag:s17], $0x4000  }
0xcc: {  	[sflag:s17] =	ssyncset.done $0x0  }
0xcd: {  	[sflag:s17] =	ssyncadd.s32 $0xFFFFC000  }
0xce: {  	[spmem:s2] =	stream.indirect.scatter.add.f32 [tilespmem:s12], [sflag:$0x3], $0x80, s7, s15, $0xb8;
	[tilespmem:$0x1D000] =	vst v63  }
0xcf: {  	_ =	swait.ge [sflag:s13], $0x4000  }
0xd0: {  	[sflag:s13] =	ssyncset.done $0x0  }
0xd1: {  	[sflag:s13] =	ssyncadd.s32 $0xFFFFC000  }
0xd2: {  	_ =	swait.ge [sflag:s18], $0x4000  }
0xd3: {  	[sflag:s18] =	ssyncset.done $0x0  }
0xd4: {  	[sflag:s18] =	ssyncadd.s32 $0xFFFFC000  }
0xd5: {  	[spmem:s2] =	stream.indirect.scatter.add.f32 [tilespmem:s16], [sflag:$0x3], $0x80, s8, s15, $0xb8;
	[tilespmem:$0x1D000] =	vst v63  }
0xd6: {  	s10 =	simm.s32 $0x100;
	_ =	swait.ge [sflag:s13], $0x4000  }
0xd7: {  	s11 =	simm.s32 $0x200;
	s5 =	rddreg [dreg:$0x5];
	[sflag:s13] =	ssyncset.done $0x0  }
.LBB2_5:
0xd8: {  	[sflag:s13] =	ssyncadd.s32 $0xFFFFC000;
	s5 =	sadd.s32 s10, s5  }
0xd9: {  	[tilespmem:s3], [sflag:$0x3] =	stream.linear.gather [hbm4b:s5+s3], $0x800, $0x38;
	[tilespmem:$0x1D000] =	vst v63  }
0xda: {  	_ =	swait.ge [sflag:s13], $0x800  }
0xdb: {  	s5 =	rddreg [dreg:$0x4];
	[sflag:s13] =	ssyncset.done $0x0  }
0xdc: {  	[sflag:s13] =	ssyncadd.s32 $0xFFFFF800;
	s5 =	sadd.s32 s10, s5  }
0xdd: {  	[tilespmem:s14], [sflag:$0x3] =	stream.linear.gather [hbm4b:s5+s3], $0x800, $0x38;
	[tilespmem:$0x1D000] =	vst v63  }
0xde: {  	_ =	swait.ge [sflag:s13], $0x800  }
0xdf: {  	[sflag:s13] =	ssyncset.done $0x0  }
0xe0: {  	[sflag:s13] =	ssyncadd.s32 $0xFFFFF800  }
0xe1: {  	[tilespmem:s12], [sflag:$0x1] =	stream.indirect.gather [hbm4b:s4+s15], $0x80, s3, s15, $0xb8;
	[tilespmem:$0x1D000] =	vst v63  }
0xe2: {  	_ = 	snop  }
0xe3: {  	[tilespmem:s16], [sflag:$0x2] =	stream.indirect.gather [hbm4b:s4+s15], $0x80, s15, s15, $0xb8;
	[tilespmem:$0x1D000] =	vst v63  }
0xe4: {  	_ =	swait.ge [sflag:s17], $0x4000  }
0xe5: {  	[sflag:s17] =	ssyncset.done $0x0  }
0xe6: {  	[sflag:s17] =	ssyncadd.s32 $0xFFFFC000  }
0xe7: {  	[spmem:s2] =	stream.indirect.scatter.add.f32 [tilespmem:s12], [sflag:$0x3], $0x80, s14, s15, $0xb8;
	[tilespmem:$0x1D000] =	vst v63  }
0xe8: {  	_ =	swait.ge [sflag:s13], $0x4000  }
0xe9: {  	s9 =	smov.u32 s11;
	[sflag:s13] =	ssyncset.done $0x0  }
0xea: {  	s10 =	smov.u32 s9;
	s9 =	rddreg [dreg:$0x6];
	[sflag:s13] =	ssyncadd.s32 $0xFFFFC000  }
0xeb: {  	[tilespmem:s12], [sflag:$0x1] =	stream.indirect.gather [hbm4b:s4+s15], $0x80, s9, s15, $0xb8;
	[tilespmem:$0x1D000] =	vst v63  }
0xec: {  	_ =	swait.ge [sflag:s18], $0x4000  }
0xed: {  	[sflag:s18] =	ssyncset.done $0x0  }
0xee: {  	s9 =	rddreg [dreg:$0x7];
	[sflag:s18] =	ssyncadd.s32 $0xFFFFC000  }
0xef: {  	[spmem:s2] =	stream.indirect.scatter.add.f32 [tilespmem:s16], [sflag:$0x3], $0x80, s9, s15, $0xb8;
	[tilespmem:$0x1D000] =	vst v63  }
0xf0: {  	_ =	swait.ge [sflag:s13], $0x4000  }
0xf1: {  	[sflag:s13] =	ssyncset.done $0x0  }
0xf2: {  	s9 =	rddreg [dreg:$0x8];
	[sflag:s13] =	ssyncadd.s32 $0xFFFFC000  }
0xf3: {  	[tilespmem:s16], [sflag:$0x2] =	stream.indirect.gather [hbm4b:s4+s15], $0x80, s9, s15, $0xb8;
	[tilespmem:$0x1D000] =	vst v63  }
0xf4: {  	_ =	swait.ge [sflag:s17], $0x4000  }
0xf5: {  	[sflag:s17] =	ssyncset.done $0x0  }
0xf6: {  	s9 =	rddreg [dreg:$0x9];
	[sflag:s17] =	ssyncadd.s32 $0xFFFFC000  }
0xf7: {  	[spmem:s2] =	stream.indirect.scatter.add.f32 [tilespmem:s12], [sflag:$0x3], $0x80, s9, s15, $0xb8;
	[tilespmem:$0x1D000] =	vst v63  }
0xf8: {  	_ =	swait.ge [sflag:s13], $0x4000  }
0xf9: {  	[sflag:s13] =	ssyncset.done $0x0  }
0xfa: {  	s9 =	rddreg [dreg:$0xa];
	[sflag:s13] =	ssyncadd.s32 $0xFFFFC000  }
0xfb: {  	[tilespmem:s12], [sflag:$0x1] =	stream.indirect.gather [hbm4b:s4+s15], $0x80, s9, s15, $0xb8;
	[tilespmem:$0x1D000] =	vst v63  }
0xfc: {  	_ =	swait.ge [sflag:s18], $0x4000  }
0xfd: {  	[sflag:s18] =	ssyncset.done $0x0  }
0xfe: {  	s9 =	rddreg [dreg:$0xb];
	[sflag:s18] =	ssyncadd.s32 $0xFFFFC000  }
0xff: {  	[spmem:s2] =	stream.indirect.scatter.add.f32 [tilespmem:s16], [sflag:$0x3], $0x80, s9, s15, $0xb8;
	[tilespmem:$0x1D000] =	vst v63  }
0x100: {  	_ =	swait.ge [sflag:s13], $0x4000  }
0x101: {  	[sflag:s13] =	ssyncset.done $0x0  }
0x102: {  	s9 =	rddreg [dreg:$0xc];
	[sflag:s13] =	ssyncadd.s32 $0xFFFFC000  }
0x103: {  	[tilespmem:s16], [sflag:$0x2] =	stream.indirect.gather [hbm4b:s4+s15], $0x80, s9, s15, $0xb8;
	[tilespmem:$0x1D000] =	vst v63  }
0x104: {  	_ =	swait.ge [sflag:s17], $0x4000  }
0x105: {  	[sflag:s17] =	ssyncset.done $0x0  }
0x106: {  	s9 =	rddreg [dreg:$0xd];
	[sflag:s17] =	ssyncadd.s32 $0xFFFFC000  }
0x107: {  	[spmem:s2] =	stream.indirect.scatter.add.f32 [tilespmem:s12], [sflag:$0x3], $0x80, s9, s15, $0xb8;
	[tilespmem:$0x1D000] =	vst v63  }
0x108: {  	_ =	swait.ge [sflag:s13], $0x4000  }
0x109: {  	[sflag:s13] =	ssyncset.done $0x0  }
0x10a: {  	s9 =	rddreg [dreg:$0xe];
	[sflag:s13] =	ssyncadd.s32 $0xFFFFC000  }
0x10b: {  	[tilespmem:s12], [sflag:$0x1] =	stream.indirect.gather [hbm4b:s4+s15], $0x80, s9, s15, $0xb8;
	[tilespmem:$0x1D000] =	vst v63  }
0x10c: {  	_ =	swait.ge [sflag:s18], $0x4000  }
0x10d: {  	[sflag:s18] =	ssyncset.done $0x0  }
0x10e: {  	s9 =	rddreg [dreg:$0xf];
	[sflag:s18] =	ssyncadd.s32 $0xFFFFC000  }
0x10f: {  	[spmem:s2] =	stream.indirect.scatter.add.f32 [tilespmem:s16], [sflag:$0x3], $0x80, s9, s15, $0xb8;
	[tilespmem:$0x1D000] =	vst v63  }
0x110: {  	_ =	swait.ge [sflag:s13], $0x4000  }
0x111: {  	[sflag:s13] =	ssyncset.done $0x0  }
0x112: {  	s9 =	rddreg [dreg:$0x10];
	[sflag:s13] =	ssyncadd.s32 $0xFFFFC000  }
0x113: {  	[tilespmem:s16], [sflag:$0x2] =	stream.indirect.gather [hbm4b:s4+s15], $0x80, s9, s15, $0xb8;
	[tilespmem:$0x1D000] =	vst v63  }
0x114: {  	_ =	swait.ge [sflag:s17], $0x4000  }
0x115: {  	[sflag:s17] =	ssyncset.done $0x0  }
0x116: {  	s9 =	rddreg [dreg:$0x11];
	[sflag:s17] =	ssyncadd.s32 $0xFFFFC000  }
0x117: {  	[spmem:s2] =	stream.indirect.scatter.add.f32 [tilespmem:s12], [sflag:$0x3], $0x80, s9, s15, $0xb8;
	[tilespmem:$0x1D000] =	vst v63  }
0x118: {  	_ =	swait.ge [sflag:s13], $0x4000  }
0x119: {  	[sflag:s13] =	ssyncset.done $0x0  }
0x11a: {  	[sflag:s13] =	ssyncadd.s32 $0xFFFFC000  }
0x11b: {  	[tilespmem:s12], [sflag:$0x1] =	stream.indirect.gather [hbm4b:s4+s15], $0x80, s19, s15, $0xb8;
	[tilespmem:$0x1D000] =	vst v63  }
0x11c: {  	_ =	swait.ge [sflag:s18], $0x4000  }
0x11d: {  	[sflag:s18] =	ssyncset.done $0x0  }
0x11e: {  	[sflag:s18] =	ssyncadd.s32 $0xFFFFC000  }
0x11f: {  	[spmem:s2] =	stream.indirect.scatter.add.f32 [tilespmem:s16], [sflag:$0x3], $0x80, s20, s15, $0xb8;
	[tilespmem:$0x1D000] =	vst v63  }
0x120: {  	_ =	swait.ge [sflag:s13], $0x4000  }
0x121: {  	[sflag:s13] =	ssyncset.done $0x0  }
0x122: {  	[sflag:s13] =	ssyncadd.s32 $0xFFFFC000  }
0x123: {  	[tilespmem:s16], [sflag:$0x2] =	stream.indirect.gather [hbm4b:s4+s15], $0x80, s21, s15, $0xb8;
	[tilespmem:$0x1D000] =	vst v63  }
0x124: {  	_ =	swait.ge [sflag:s17], $0x4000  }
0x125: {  	[sflag:s17] =	ssyncset.done $0x0  }
0x126: {  	[sflag:s17] =	ssyncadd.s32 $0xFFFFC000  }
0x127: {  	[spmem:s2] =	stream.indirect.scatter.add.f32 [tilespmem:s12], [sflag:$0x3], $0x80, s22, s15, $0xb8;
	[tilespmem:$0x1D000] =	vst v63  }
0x128: {  	_ =	swait.ge [sflag:s13], $0x4000  }
0x129: {  	[sflag:s13] =	ssyncset.done $0x0  }
0x12a: {  	[sflag:s13] =	ssyncadd.s32 $0xFFFFC000  }
0x12b: {  	[tilespmem:s12], [sflag:$0x1] =	stream.indirect.gather [hbm4b:s4+s15], $0x80, s23, s15, $0xb8;
	[tilespmem:$0x1D000] =	vst v63  }
0x12c: {  	_ =	swait.ge [sflag:s18], $0x4000  }
0x12d: {  	[sflag:s18] =	ssyncset.done $0x0  }
0x12e: {  	[sflag:s18] =	ssyncadd.s32 $0xFFFFC000  }
0x12f: {  	[spmem:s2] =	stream.indirect.scatter.add.f32 [tilespmem:s16], [sflag:$0x3], $0x80, s24, s15, $0xb8;
	[tilespmem:$0x1D000] =	vst v63  }
0x130: {  	_ =	swait.ge [sflag:s13], $0x4000  }
0x131: {  	[sflag:s13] =	ssyncset.done $0x0  }
0x132: {  	[sflag:s13] =	ssyncadd.s32 $0xFFFFC000  }
0x133: {  	[tilespmem:s16], [sflag:$0x2] =	stream.indirect.gather [hbm4b:s4+s15], $0x80, s25, s15, $0xb8;
	[tilespmem:$0x1D000] =	vst v63  }
0x134: {  	_ =	swait.ge [sflag:s17], $0x4000  }
0x135: {  	[sflag:s17] =	ssyncset.done $0x0  }
0x136: {  	[sflag:s17] =	ssyncadd.s32 $0xFFFFC000  }
0x137: {  	[spmem:s2] =	stream.indirect.scatter.add.f32 [tilespmem:s12], [sflag:$0x3], $0x80, s26, s15, $0xb8;
	[tilespmem:$0x1D000] =	vst v63  }
0x138: {  	_ =	swait.ge [sflag:s13], $0x4000  }
0x139: {  	[sflag:s13] =	ssyncset.done $0x0  }
0x13a: {  	[sflag:s13] =	ssyncadd.s32 $0xFFFFC000  }
0x13b: {  	[tilespmem:s12], [sflag:$0x1] =	stream.indirect.gather [hbm4b:s4+s15], $0x80, s28, s15, $0xb8;
	[tilespmem:$0x1D000] =	vst v63  }
0x13c: {  	_ =	swait.ge [sflag:s18], $0x4000  }
0x13d: {  	[sflag:s18] =	ssyncset.done $0x0  }
0x13e: {  	[sflag:s18] =	ssyncadd.s32 $0xFFFFC000  }
0x13f: {  	[spmem:s2] =	stream.indirect.scatter.add.f32 [tilespmem:s16], [sflag:$0x3], $0x80, s29, s15, $0xb8;
	[tilespmem:$0x1D000] =	vst v63  }
0x140: {  	_ =	swait.ge [sflag:s13], $0x4000  }
0x141: {  	[sflag:s13] =	ssyncset.done $0x0  }
0x142: {  	[sflag:s13] =	ssyncadd.s32 $0xFFFFC000  }
0x143: {  	[tilespmem:s16], [sflag:$0x2] =	stream.indirect.gather [hbm4b:s4+s15], $0x80, s30, s15, $0xb8;
	[tilespmem:$0x1D000] =	vst v63  }
0x144: {  	_ =	swait.ge [sflag:s17], $0x4000  }
0x145: {  	[sflag:s17] =	ssyncset.done $0x0  }
0x146: {  	[sflag:s17] =	ssyncadd.s32 $0xFFFFC000  }
0x147: {  	[spmem:s2] =	stream.indirect.scatter.add.f32 [tilespmem:s12], [sflag:$0x3], $0x80, s31, s15, $0xb8;
	[tilespmem:$0x1D000] =	vst v63  }
0x148: {  	_ =	swait.ge [sflag:s13], $0x4000  }
0x149: {  	[sflag:s13] =	ssyncset.done $0x0  }
0x14a: {  	[sflag:s13] =	ssyncadd.s32 $0xFFFFC000  }
0x14b: {  	[tilespmem:s12], [sflag:$0x1] =	stream.indirect.gather [hbm4b:s4+s15], $0x80, s0, s15, $0xb8;
	[tilespmem:$0x1D000] =	vst v63  }
0x14c: {  	_ =	swait.ge [sflag:s18], $0x4000  }
0x14d: {  	[sflag:s18] =	ssyncset.done $0x0  }
0x14e: {  	[sflag:s18] =	ssyncadd.s32 $0xFFFFC000  }
0x14f: {  	[spmem:s2] =	stream.indirect.scatter.add.f32 [tilespmem:s16], [sflag:$0x3], $0x80, s1, s15, $0xb8;
	[tilespmem:$0x1D000] =	vst v63  }
0x150: {  	_ =	swait.ge [sflag:s13], $0x4000  }
0x151: {  	[sflag:s13] =	ssyncset.done $0x0  }
0x152: {  	[sflag:s13] =	ssyncadd.s32 $0xFFFFC000  }
0x153: {  	[tilespmem:s16], [sflag:$0x2] =	stream.indirect.gather [hbm4b:s4+s15], $0x80, s6, s15, $0xb8;
	[tilespmem:$0x1D000] =	vst v63  }
0x154: {  	_ =	swait.ge [sflag:s17], $0x4000  }
0x155: {  	[sflag:s17] =	ssyncset.done $0x0  }
0x156: {  	[sflag:s17] =	ssyncadd.s32 $0xFFFFC000  }
0x157: {  	[spmem:s2] =	stream.indirect.scatter.add.f32 [tilespmem:s12], [sflag:$0x3], $0x80, s7, s15, $0xb8;
	[tilespmem:$0x1D000] =	vst v63  }
0x158: {  	_ =	swait.ge [sflag:s13], $0x4000  }
0x159: {  	[sflag:s13] =	ssyncset.done $0x0  }
0x15a: {  	[sflag:s13] =	ssyncadd.s32 $0xFFFFC000  }
0x15b: {  	p1 =	seq.s32 s11, $0x900;
	_ =	swait.ge [sflag:s18], $0x4000  }
.Ltmp4:
0x15c: {  	[sflag:s18] =	ssyncset.done $0x0;
	(pc) =	sbr.rel @!p1 .LBB2_5-.Ltmp4, $4  }
0x15d: {  	[sflag:s18] =	ssyncadd.s32 $0xFFFFC000  }
0x15e: {  	[spmem:s2] =	stream.indirect.scatter.add.f32 [tilespmem:s16], [sflag:$0x3], $0x80, s8, s15, $0xb8;
	[tilespmem:$0x1D000] =	vst v63  }
0x15f: {  	_ =	swait.ge [sflag:s13], $0x4000  }
0x160: {  	s11 =	sadd.s32 $0x100, s11;
	s5 =	rddreg [dreg:$0x5];
	[sflag:s13] =	ssyncset.done $0x0  }
0x161: {  	[sflag:s13] =	ssyncadd.s32 $0xFFFFC000;
	s5 =	sadd.s32 s10, s5  }
0x162: {  	[tilespmem:s3], [sflag:$0x3] =	stream.linear.gather [hbm4b:s5+s3], $0x800, $0x38;
	[tilespmem:$0x1D000] =	vst v63  }
0x163: {  	_ =	swait.ge [sflag:s13], $0x800  }
0x164: {  	s9 =	rddreg [dreg:$0x4];
	[sflag:s13] =	ssyncset.done $0x0  }
0x165: {  	s5 =	sadd.s32 s10, s9;
	[sflag:s13] =	ssyncadd.s32 $0xFFFFF800  }
0x166: {  	[tilespmem:s14], [sflag:$0x3] =	stream.linear.gather [hbm4b:s5+s3], $0x800, $0x38;
	[tilespmem:$0x1D000] =	vst v63  }
0x167: {  	_ =	swait.ge [sflag:s13], $0x800  }
0x168: {  	[sflag:s13] =	ssyncset.done $0x0  }
0x169: {  	[sflag:s13] =	ssyncadd.s32 $0xFFFFF800  }
0x16a: {  	[tilespmem:s12], [sflag:$0x1] =	stream.indirect.gather [hbm4b:s4+s15], $0x80, s3, s15, $0xb8;
	[tilespmem:$0x1D000] =	vst v63  }
0x16b: {  	_ = 	snop  }
0x16c: {  	[tilespmem:s16], [sflag:$0x2] =	stream.indirect.gather [hbm4b:s4+s15], $0x80, s15, s15, $0xb8;
	[tilespmem:$0x1D000] =	vst v63  }
0x16d: {  	_ =	swait.ge [sflag:s17], $0x4000  }
0x16e: {  	[sflag:s17] =	ssyncset.done $0x0  }
0x16f: {  	[sflag:s17] =	ssyncadd.s32 $0xFFFFC000  }
0x170: {  	[spmem:s2] =	stream.indirect.scatter.add.f32 [tilespmem:s12], [sflag:$0x3], $0x80, s14, s15, $0xb8;
	[tilespmem:$0x1D000] =	vst v63  }
0x171: {  	_ =	swait.ge [sflag:s13], $0x4000  }
0x172: {  	[sflag:s13] =	ssyncset.done $0x0  }
0x173: {  	s10 =	rddreg [dreg:$0x6];
	[sflag:s13] =	ssyncadd.s32 $0xFFFFC000  }
0x174: {  	[tilespmem:s12], [sflag:$0x1] =	stream.indirect.gather [hbm4b:s4+s15], $0x80, s10, s15, $0xb8;
	[tilespmem:$0x1D000] =	vst v63  }
0x175: {  	_ =	swait.ge [sflag:s18], $0x4000  }
0x176: {  	[sflag:s18] =	ssyncset.done $0x0  }
0x177: {  	s11 =	rddreg [dreg:$0x7];
	[sflag:s18] =	ssyncadd.s32 $0xFFFFC000  }
0x178: {  	[spmem:s2] =	stream.indirect.scatter.add.f32 [tilespmem:s16], [sflag:$0x3], $0x80, s11, s15, $0xb8;
	[tilespmem:$0x1D000] =	vst v63  }
0x179: {  	_ =	swait.ge [sflag:s13], $0x4000  }
0x17a: {  	[sflag:s13] =	ssyncset.done $0x0  }
0x17b: {  	s9 =	rddreg [dreg:$0x8];
	[sflag:s13] =	ssyncadd.s32 $0xFFFFC000  }
0x17c: {  	[tilespmem:s16], [sflag:$0x2] =	stream.indirect.gather [hbm4b:s4+s15], $0x80, s9, s15, $0xb8;
	[tilespmem:$0x1D000] =	vst v63  }
0x17d: {  	_ =	swait.ge [sflag:s17], $0x4000  }
0x17e: {  	[sflag:s17] =	ssyncset.done $0x0  }
0x17f: {  	s10 =	rddreg [dreg:$0x9];
	[sflag:s17] =	ssyncadd.s32 $0xFFFFC000  }
0x180: {  	[spmem:s2] =	stream.indirect.scatter.add.f32 [tilespmem:s12], [sflag:$0x3], $0x80, s10, s15, $0xb8;
	[tilespmem:$0x1D000] =	vst v63  }
0x181: {  	_ =	swait.ge [sflag:s13], $0x4000  }
0x182: {  	[sflag:s13] =	ssyncset.done $0x0  }
0x183: {  	s11 =	rddreg [dreg:$0xa];
	[sflag:s13] =	ssyncadd.s32 $0xFFFFC000  }
0x184: {  	[tilespmem:s12], [sflag:$0x1] =	stream.indirect.gather [hbm4b:s4+s15], $0x80, s11, s15, $0xb8;
	[tilespmem:$0x1D000] =	vst v63  }
0x185: {  	_ =	swait.ge [sflag:s18], $0x4000  }
0x186: {  	[sflag:s18] =	ssyncset.done $0x0  }
0x187: {  	s9 =	rddreg [dreg:$0xb];
	[sflag:s18] =	ssyncadd.s32 $0xFFFFC000  }
0x188: {  	[spmem:s2] =	stream.indirect.scatter.add.f32 [tilespmem:s16], [sflag:$0x3], $0x80, s9, s15, $0xb8;
	[tilespmem:$0x1D000] =	vst v63  }
0x189: {  	_ =	swait.ge [sflag:s13], $0x4000  }
0x18a: {  	[sflag:s13] =	ssyncset.done $0x0  }
0x18b: {  	s10 =	rddreg [dreg:$0xc];
	[sflag:s13] =	ssyncadd.s32 $0xFFFFC000  }
0x18c: {  	[tilespmem:s16], [sflag:$0x2] =	stream.indirect.gather [hbm4b:s4+s15], $0x80, s10, s15, $0xb8;
	[tilespmem:$0x1D000] =	vst v63  }
0x18d: {  	_ =	swait.ge [sflag:s17], $0x4000  }
0x18e: {  	[sflag:s17] =	ssyncset.done $0x0  }
0x18f: {  	s11 =	rddreg [dreg:$0xd];
	[sflag:s17] =	ssyncadd.s32 $0xFFFFC000  }
0x190: {  	[spmem:s2] =	stream.indirect.scatter.add.f32 [tilespmem:s12], [sflag:$0x3], $0x80, s11, s15, $0xb8;
	[tilespmem:$0x1D000] =	vst v63  }
0x191: {  	_ =	swait.ge [sflag:s13], $0x4000  }
0x192: {  	[sflag:s13] =	ssyncset.done $0x0  }
0x193: {  	s9 =	rddreg [dreg:$0xe];
	[sflag:s13] =	ssyncadd.s32 $0xFFFFC000  }
0x194: {  	[tilespmem:s12], [sflag:$0x1] =	stream.indirect.gather [hbm4b:s4+s15], $0x80, s9, s15, $0xb8;
	[tilespmem:$0x1D000] =	vst v63  }
0x195: {  	_ =	swait.ge [sflag:s18], $0x4000  }
0x196: {  	[sflag:s18] =	ssyncset.done $0x0  }
0x197: {  	s10 =	rddreg [dreg:$0xf];
	[sflag:s18] =	ssyncadd.s32 $0xFFFFC000  }
0x198: {  	[spmem:s2] =	stream.indirect.scatter.add.f32 [tilespmem:s16], [sflag:$0x3], $0x80, s10, s15, $0xb8;
	[tilespmem:$0x1D000] =	vst v63  }
0x199: {  	_ =	swait.ge [sflag:s13], $0x4000  }
0x19a: {  	[sflag:s13] =	ssyncset.done $0x0  }
0x19b: {  	s11 =	rddreg [dreg:$0x10];
	[sflag:s13] =	ssyncadd.s32 $0xFFFFC000  }
0x19c: {  	[tilespmem:s16], [sflag:$0x2] =	stream.indirect.gather [hbm4b:s4+s15], $0x80, s11, s15, $0xb8;
	[tilespmem:$0x1D000] =	vst v63  }
0x19d: {  	_ =	swait.ge [sflag:s17], $0x4000  }
0x19e: {  	[sflag:s17] =	ssyncset.done $0x0  }
0x19f: {  	s9 =	rddreg [dreg:$0x11];
	[sflag:s17] =	ssyncadd.s32 $0xFFFFC000  }
0x1a0: {  	[spmem:s2] =	stream.indirect.scatter.add.f32 [tilespmem:s12], [sflag:$0x3], $0x80, s9, s15, $0xb8;
	[tilespmem:$0x1D000] =	vst v63  }
0x1a1: {  	_ =	swait.ge [sflag:s13], $0x4000  }
0x1a2: {  	[sflag:s13] =	ssyncset.done $0x0  }
0x1a3: {  	[sflag:s13] =	ssyncadd.s32 $0xFFFFC000  }
0x1a4: {  	[tilespmem:s12], [sflag:$0x1] =	stream.indirect.gather [hbm4b:s4+s15], $0x80, s19, s15, $0xb8;
	[tilespmem:$0x1D000] =	vst v63  }
0x1a5: {  	_ =	swait.ge [sflag:s18], $0x4000  }
0x1a6: {  	[sflag:s18] =	ssyncset.done $0x0  }
0x1a7: {  	[sflag:s18] =	ssyncadd.s32 $0xFFFFC000  }
0x1a8: {  	[spmem:s2] =	stream.indirect.scatter.add.f32 [tilespmem:s16], [sflag:$0x3], $0x80, s20, s15, $0xb8;
	[tilespmem:$0x1D000] =	vst v63  }
0x1a9: {  	_ =	swait.ge [sflag:s13], $0x4000  }
0x1aa: {  	[sflag:s13] =	ssyncset.done $0x0  }
0x1ab: {  	[sflag:s13] =	ssyncadd.s32 $0xFFFFC000  }
0x1ac: {  	[tilespmem:s16], [sflag:$0x2] =	stream.indirect.gather [hbm4b:s4+s15], $0x80, s21, s15, $0xb8;
	[tilespmem:$0x1D000] =	vst v63  }
0x1ad: {  	_ =	swait.ge [sflag:s17], $0x4000  }
0x1ae: {  	[sflag:s17] =	ssyncset.done $0x0  }
0x1af: {  	[sflag:s17] =	ssyncadd.s32 $0xFFFFC000  }
0x1b0: {  	[spmem:s2] =	stream.indirect.scatter.add.f32 [tilespmem:s12], [sflag:$0x3], $0x80, s22, s15, $0xb8;
	[tilespmem:$0x1D000] =	vst v63  }
0x1b1: {  	_ =	swait.ge [sflag:s13], $0x4000  }
0x1b2: {  	[sflag:s13] =	ssyncset.done $0x0  }
0x1b3: {  	[sflag:s13] =	ssyncadd.s32 $0xFFFFC000  }
0x1b4: {  	[tilespmem:s12], [sflag:$0x1] =	stream.indirect.gather [hbm4b:s4+s15], $0x80, s23, s15, $0xb8;
	[tilespmem:$0x1D000] =	vst v63  }
0x1b5: {  	_ =	swait.ge [sflag:s18], $0x4000  }
0x1b6: {  	[sflag:s18] =	ssyncset.done $0x0  }
0x1b7: {  	[sflag:s18] =	ssyncadd.s32 $0xFFFFC000  }
0x1b8: {  	[spmem:s2] =	stream.indirect.scatter.add.f32 [tilespmem:s16], [sflag:$0x3], $0x80, s24, s15, $0xb8;
	[tilespmem:$0x1D000] =	vst v63  }
0x1b9: {  	_ =	swait.ge [sflag:s13], $0x4000  }
0x1ba: {  	[sflag:s13] =	ssyncset.done $0x0  }
0x1bb: {  	[sflag:s13] =	ssyncadd.s32 $0xFFFFC000  }
0x1bc: {  	[tilespmem:s16], [sflag:$0x2] =	stream.indirect.gather [hbm4b:s4+s15], $0x80, s25, s15, $0xb8;
	[tilespmem:$0x1D000] =	vst v63  }
0x1bd: {  	_ =	swait.ge [sflag:s17], $0x4000  }
0x1be: {  	[sflag:s17] =	ssyncset.done $0x0  }
0x1bf: {  	[sflag:s17] =	ssyncadd.s32 $0xFFFFC000  }
0x1c0: {  	[spmem:s2] =	stream.indirect.scatter.add.f32 [tilespmem:s12], [sflag:$0x3], $0x80, s26, s15, $0xb8;
	[tilespmem:$0x1D000] =	vst v63  }
0x1c1: {  	_ =	swait.ge [sflag:s13], $0x4000  }
0x1c2: {  	[sflag:s13] =	ssyncset.done $0x0  }
0x1c3: {  	[sflag:s13] =	ssyncadd.s32 $0xFFFFC000  }
0x1c4: {  	[tilespmem:s12], [sflag:$0x1] =	stream.indirect.gather [hbm4b:s4+s15], $0x80, s28, s15, $0xb8;
	[tilespmem:$0x1D000] =	vst v63  }
0x1c5: {  	_ =	swait.ge [sflag:s18], $0x4000  }
0x1c6: {  	[sflag:s18] =	ssyncset.done $0x0  }
0x1c7: {  	[sflag:s18] =	ssyncadd.s32 $0xFFFFC000  }
0x1c8: {  	[spmem:s2] =	stream.indirect.scatter.add.f32 [tilespmem:s16], [sflag:$0x3], $0x80, s29, s15, $0xb8;
	[tilespmem:$0x1D000] =	vst v63  }
0x1c9: {  	_ =	swait.ge [sflag:s13], $0x4000  }
0x1ca: {  	[sflag:s13] =	ssyncset.done $0x0  }
0x1cb: {  	[sflag:s13] =	ssyncadd.s32 $0xFFFFC000  }
0x1cc: {  	[tilespmem:s16], [sflag:$0x2] =	stream.indirect.gather [hbm4b:s4+s15], $0x80, s30, s15, $0xb8;
	[tilespmem:$0x1D000] =	vst v63  }
0x1cd: {  	_ =	swait.ge [sflag:s17], $0x4000  }
0x1ce: {  	[sflag:s17] =	ssyncset.done $0x0  }
0x1cf: {  	[sflag:s17] =	ssyncadd.s32 $0xFFFFC000  }
0x1d0: {  	[spmem:s2] =	stream.indirect.scatter.add.f32 [tilespmem:s12], [sflag:$0x3], $0x80, s31, s15, $0xb8;
	[tilespmem:$0x1D000] =	vst v63  }
0x1d1: {  	_ =	swait.ge [sflag:s13], $0x4000  }
0x1d2: {  	[sflag:s13] =	ssyncset.done $0x0  }
0x1d3: {  	[sflag:s13] =	ssyncadd.s32 $0xFFFFC000  }
0x1d4: {  	[tilespmem:s12], [sflag:$0x1] =	stream.indirect.gather [hbm4b:s4+s15], $0x80, s0, s15, $0xb8;
	[tilespmem:$0x1D000] =	vst v63  }
0x1d5: {  	_ =	swait.ge [sflag:s18], $0x4000  }
0x1d6: {  	[sflag:s18] =	ssyncset.done $0x0  }
0x1d7: {  	[sflag:s18] =	ssyncadd.s32 $0xFFFFC000  }
0x1d8: {  	[spmem:s2] =	stream.indirect.scatter.add.f32 [tilespmem:s16], [sflag:$0x3], $0x80, s1, s15, $0xb8;
	[tilespmem:$0x1D000] =	vst v63  }
0x1d9: {  	_ =	swait.ge [sflag:s13], $0x4000  }
0x1da: {  	[sflag:s13] =	ssyncset.done $0x0  }
0x1db: {  	[sflag:s13] =	ssyncadd.s32 $0xFFFFC000  }
0x1dc: {  	[tilespmem:s16], [sflag:$0x2] =	stream.indirect.gather [hbm4b:s4+s15], $0x80, s6, s15, $0xb8;
	[tilespmem:$0x1D000] =	vst v63  }
0x1dd: {  	_ =	swait.ge [sflag:s17], $0x4000  }
0x1de: {  	[sflag:s17] =	ssyncset.done $0x0  }
0x1df: {  	[sflag:s17] =	ssyncadd.s32 $0xFFFFC000  }
0x1e0: {  	[spmem:s2] =	stream.indirect.scatter.add.f32 [tilespmem:s12], [sflag:$0x3], $0x80, s7, s15, $0xb8;
	[tilespmem:$0x1D000] =	vst v63  }
0x1e1: {  	_ =	swait.ge [sflag:s13], $0x4000  }
0x1e2: {  	[sflag:s13] =	ssyncset.done $0x0  }
0x1e3: {  	[sflag:s13] =	ssyncadd.s32 $0xFFFFC000  }
0x1e4: {  	_ =	swait.ge [sflag:s18], $0x4000  }
0x1e5: {  	[sflag:s18] =	ssyncset.done $0x0  }
0x1e6: {  	[sflag:s18] =	ssyncadd.s32 $0xFFFFC000  }
0x1e7: {  	[spmem:s2] =	stream.indirect.scatter.add.f32 [tilespmem:s16], [sflag:$0x3], $0x80, s8, s15, $0xb8;
	[tilespmem:$0x1D000] =	vst v63  }
0x1e8: {  	_ =	swait.ge [sflag:s13], $0x4000  }
0x1e9: {  	[sflag:s13] =	ssyncset.done $0x0  }
0x1ea: {  	s10 =	stileid.u32;
	[sflag:s13] =	ssyncadd.s32 $0xFFFFC000  }
0x1eb: {  	s5 =	sshll.u32 s10, $0x6;
	[bflag:$0x0] =	sbarrier.arrive $0xFFFF  }
0x1ec: {  	s5 =	sor.u32 $0x1C03, s5;
	s9 =	rddreg [dreg:$0x12]  }
.Ltmp5:
0x1ed: {  	s11 =	rddreg [dreg:$0x17];
	s9 =	sshrl.u32 s9, $0x3;
	(pc) =	sbr.rel .LBB2_7-.Ltmp5, $4  }
0x1ee: {  	[hbm:s11], [sflag:s5] =	dma.local [spmem:s9], $0x2800  }
0x1ef: {  	_ =	swait.ge [sflag:s13], $0x2800  }
0x1f0: {  	[sflag:s13] =	ssyncset.done $0x0;
	s5 =	rddreg [dreg:$0x18]  }
0x1f1: {  	s9 =	rddreg [dreg:$0x19];
	[sflag:s13] =	ssyncadd.s32 $0xFFFFD800  }
.LBB2_8:
0x1f2: {  	_ =	sfence.sel $0x180000  }
0x1f3: {  	[bflag:$0x0] =	sbarrier.arrive $0xFFFF  }
0x1f4: {  	_ =	strace $0x90000050  }
0x1f5: {  	s0 =	stileid.u32;
	[bflag:$0x2] =	sbarrier.arrive $0xFFFF  }
0x1f6: {  	p0 =	sne.s32 s0, $0x0;
	s0 =	rddreg [dreg:$0x3]  }
0x1f7: {  	s0 =	sadd.s32 @!p0 $0x100000, s0  }
0x1f8: {  	[sflag:s0] =	ssyncadd.tile.s32 @!p0 $0x1;
	_ =	shalt  }
.Lfunc_end2:
_tile_overlayer_lowered:
.L_overlay_start_2:
0x1f9: {  	(tag) =	ssettag $0x2  }
0x1fa: {  	s0 =	rddreg [dreg:$0x0];
	s2 =	stileid.u32  }
0x1fb: {  	s1 =	rddreg [dreg:$0x1];
	p0 =	sne.s32 s2, $0x0  }
0x1fc: {  	s3 =	rddreg [dreg:$0x2];
	[bflag:$0x3] =	sbarrier.arrive $0xFFFF;
	s2 =	simm.s32 @!p0 $0x1C03  }
0x1fd: {  	[timem:s3], [sflag:s2] =	dma.local @!p0 [hbm:s0], s1  }
0x1fe: {  	s0 =	simm.s32 @!p0 $0x3  }
0x1ff: {  	_ =	swait.ge @!p0 [sflag:s0], s1  }
0x200: {  	s1 =	ssub.s32 @!p0 $0x0, s1;
	[sflag:s0] =	ssyncset.done @!p0 $0x0  }
0x201: {  	[sflag:s0] =	ssyncadd.s32 @!p0 s1  }
0x202: {  	[bflag:$0x3] =	sbarrier.arrive $0xFFFF  }
0x203: {  	_ =	shalt  }

</sc_bundles>
